<compile_context>
chip_gen: v7x
topology: tpu7x:2x2x1
jax: 0.10.2.dev20260603
libtpu: 0.0.44.dev20260713+nightly
codegen_flags: <defaults>
</compile_context>

<pallas_src>
import functools

import jax
import jax.numpy as jnp
from jax import lax
from jax.experimental import pallas as pl
from jax.experimental.pallas import tpu as pltpu
from jax.experimental.pallas import tpu_sc as plsc

_N = 4096
_L = 200
_C = 256
_G = 8
_NT = _L // _G
_TCB = 14
_SCR = _N - _TCB * _C
_NW = 32
_NSLAB = _SCR // 128


def _sort_key(t):
    s = jax.lax.bitcast_convert_type(t, jnp.int32)
    m = jax.lax.shift_right_arithmetic(s, 31)
    return jax.lax.bitcast_convert_type(s ^ (m | jnp.int32(-2147483648)),
                                        jnp.uint32)


def _body(pt_ref, tt_ref, out_ref, kap_ref, e_ref, tmat_ref):
    i = pl.program_id(0)
    p = pt_ref[...]
    t = tt_ref[...]
    m = jnp.max(p, axis=0, keepdims=True)
    e_ref[: _L, :] = jnp.exp(p - m)
    sum_p = jnp.sum(p, axis=0, keepdims=True)
    kap_ref[: _L, :] = _sort_key(t)

    iota8 = jax.lax.broadcasted_iota(jnp.uint32, (_G, _C), 0)

    def group(g, carry):
        base = g * _G
        kq = kap_ref[pl.ds(base, _G), :]
        eq8 = e_ref[pl.ds(base, _G), :]
        kqb = [jnp.broadcast_to(kq[j:j + 1, :], (_G, _C)) for j in range(_G)]
        accs = [jnp.zeros((_G, _C), jnp.float32) for _ in range(_G)]
        for tile in range(_NT):
            lhs = kap_ref[tile * _G:(tile + 1) * _G, :]
            et = e_ref[tile * _G:(tile + 1) * _G, :]
            for j in range(_G):
                accs[j] = accs[j] + jnp.where(lhs > kqb[j], et, 0.0)
        tks = []
        for j in range(_G):
            corr = jnp.where((kq == kqb[j]) & (iota8 <= j), eq8, 0.0)
            tks.append(jnp.sum(accs[j] + corr, axis=0, keepdims=True))
        tmat_ref[pl.ds(base, _G), :] = jnp.concatenate(tks, axis=0)
        kap_ref[pl.ds(base, _G), :] = kq + jnp.uint32(1)
        return carry

    jax.lax.fori_loop(0, _NT, group, 0)

    acc = jnp.sum(jnp.log(tmat_ref[: _L, :]), axis=0, keepdims=True)
    col_loss = -sum_p + acc + jnp.float32(_L) * m
    partial = jnp.sum(col_loss) * jnp.float32(1.0 / _N)

    @pl.when(i == 0)
    def _():
        out_ref[...] = jnp.zeros_like(out_ref)

    out_ref[...] += jnp.full((1, 1), partial, jnp.float32)


def _sc_sort_key(t):
    s = lax.bitcast_convert_type(t, jnp.int32)
    m = lax.shift_right_arithmetic(s, 31)
    return lax.bitcast_convert_type(s ^ (m | jnp.int32(-2147483648)),
                                    jnp.uint32)


def _sc_log(x):
    i = lax.bitcast_convert_type(x, jnp.int32)
    y = (i.astype(jnp.float32) - jnp.float32(1064866805.0)) \
        * jnp.float32(8.262958405176314e-08)
    for _ in range(3):
        y = y + x * jnp.exp(-y) - jnp.float32(1.0)
    return y


def _sc_body(pt_hbm, tt_hbm, out_hbm, p_v, t_v, kap_v, e_v, acc_v):
    wid = lax.axis_index("s") * 2 + lax.axis_index("c")
    slab = wid // 8
    goff = (wid % 8) * 16

    pltpu.sync_copy(pt_hbm.at[slab], p_v)
    pltpu.sync_copy(tt_hbm.at[slab], t_v)

    def stats(l, c):
        mx, sp = c
        row = p_v[l, pl.ds(goff, 16)]
        return jnp.maximum(mx, row), sp + row

    m, sum_p = lax.fori_loop(
        0, _L, stats,
        (jnp.full((16,), -jnp.inf, jnp.float32),
         jnp.zeros((16,), jnp.float32)))

    def prep(l, c):
        kap_v[l] = _sc_sort_key(t_v[l, pl.ds(goff, 16)])
        e_v[l] = jnp.exp(p_v[l, pl.ds(goff, 16)] - m)
        return c

    lax.fori_loop(0, _L, prep, 0)

    def query(k, logsum):
        kb = kap_v[k] + jnp.uint32(1)
        kap_v[k] = kb
        kap_k = kb - jnp.uint32(1)
        tsum = jnp.zeros((16,), jnp.float32)
        for l in range(_L):
            tsum = tsum + jnp.where(kap_v[l] > kap_k, e_v[l], 0.0)
        return logsum + _sc_log(tsum)

    logsum = lax.fori_loop(0, _L, query, jnp.zeros((16,), jnp.float32))

    acc_v[0] = -sum_p + logsum + jnp.float32(_L) * m
    pltpu.sync_copy(acc_v, out_hbm.at[pl.ds(wid, 1), :])


@jax.jit
def kernel(y_pred, y_true):
    pt = y_pred.T
    tt = y_true.T
    tc_out = pl.pallas_call(
        _body,
        grid=(_TCB,),
        in_specs=[
            pl.BlockSpec((_L, _C), lambda i: (0, i)),
            pl.BlockSpec((_L, _C), lambda i: (0, i)),
        ],
        out_specs=pl.BlockSpec((1, 1), lambda i: (0, 0)),
        out_shape=jax.ShapeDtypeStruct((1, 1), jnp.float32),
        scratch_shapes=[
            pltpu.VMEM((_L, _C), jnp.uint32),
            pltpu.VMEM((_L, _C), jnp.float32),
            pltpu.VMEM((_L, _C), jnp.float32),
        ],
    )(pt, tt)

    tail_p = y_pred[_TCB * _C:].reshape(_NSLAB, 128, _L).transpose(0, 2, 1)
    tail_t = y_true[_TCB * _C:].reshape(_NSLAB, 128, _L).transpose(0, 2, 1)
    mesh = plsc.VectorSubcoreMesh(core_axis_name="c", subcore_axis_name="s")
    sc_partials = pl.kernel(
        _sc_body,
        mesh=mesh,
        out_type=jax.ShapeDtypeStruct((_NW, 16), jnp.float32),
        scratch_types=[
            pltpu.VMEM((_L, 128), jnp.float32),
            pltpu.VMEM((_L, 128), jnp.float32),
            pltpu.VMEM((_L, 16), jnp.uint32),
            pltpu.VMEM((_L, 16), jnp.float32),
            pltpu.VMEM((1, 16), jnp.float32),
        ],
    )(tail_p, tail_t)

    return tc_out[0, 0] + jnp.sum(sc_partials) * jnp.float32(1.0 / _N)

# --- scband reference (transcript-rebuilt; emitter-appended) ---
"""Pipeline reference for scband-listwise-loss-52046413693027 (READ-ONLY COPY).

The authoritative reference and input builder live on the scoring server;
editing this copy changes nothing except your own understanding.
"""

import jax, jax.numpy as jnp
import numpy as np


def _logcumsumexp(x, axis=-1):
    m = jnp.max(x, axis=axis, keepdims=True)
    return jnp.log(jnp.cumsum(jnp.exp(x - m), axis=axis)) + m


def setup_inputs(seed: int = 0) -> dict:
    key = jax.random.key(seed)
    k1, k2 = jax.random.split(key)
    y_pred = jax.random.normal(k1, (4096, 200), dtype=jnp.float32)
    y_true = jax.random.normal(k2, (4096, 200), dtype=jnp.float32)
    return {"y_pred": y_pred, "y_true": y_true}


def reference(y_pred, y_true):
    # sort indices of y_true descending along last dim
    sorted_indices = jnp.argsort(-y_true, axis=-1)
    y_pred_sorted = jnp.take_along_axis(y_pred, sorted_indices, axis=-1)
    loss = -jnp.sum(y_pred_sorted - _logcumsumexp(y_pred_sorted, axis=-1), axis=-1)
    return jnp.mean(loss)

if __name__ == "__main__":
    import jax
    _d = setup_inputs()
    print(jax.jit(kernel)(*tuple(_d.values())))

</pallas_src>

<mosaic_0001>
#map = affine_map<(d0, d1) -> (0, 0, 0)>
#map1 = affine_map<(d0, d1) -> (0, 0)>
module attributes {stable_mosaic.version = 14 : i64} {
  func.func @_sc_body(%arg0: i32, %arg1: i32, %arg2: memref<4x200x128xf32, #tpu.memory_space<hbm>>, %arg3: memref<4x200x128xf32, #tpu.memory_space<hbm>>, %arg4: memref<32x16xf32, #tpu.memory_space<hbm>>, %arg5: memref<200x128xf32, #tpu.memory_space<vmem>>, %arg6: memref<200x128xf32, #tpu.memory_space<vmem>>, %arg7: memref<200x16xi32, #tpu.memory_space<vmem>>, %arg8: memref<200x16xf32, #tpu.memory_space<vmem>>, %arg9: memref<1x16xf32, #tpu.memory_space<vmem>>) attributes {dimension_semantics = [#tpu.dimension_semantics<core_parallel>, #tpu.dimension_semantics<subcore_parallel>], iteration_bounds = array<i64: 2, 16>, scalar_prefetch = 0 : i64, scratch_operands = 5 : i64, tpu.core_type = #tpu.core_type<sc_vector_subcore>, window_params = [{transform_indices = #map}, {transform_indices = #map}, {transform_indices = #map1}]} {
    %mul3A = arith.constant 2 : i32
    %mul3A_0 = arith.muli %arg1, %mul3A : i32
    %add3A = arith.addi %mul3A_0, %arg0 : i32
    %jit3A = arith.constant 8 : i32
    %div3A = arith.divsi %add3A, %jit3A : i32
    %sign3A = arith.constant 0 : i32
    %sign3A_1 = arith.cmpi sgt, %add3A, %sign3A : i32
    %sign3A_2 = arith.extui %sign3A_1 : i1 to i32
    %sign3A_3 = arith.constant 0 : i32
    %sign3A_4 = arith.cmpi slt, %add3A, %sign3A_3 : i32
    %sign3A_5 = arith.extui %sign3A_4 : i1 to i32
    %sign3A_6 = arith.subi %sign3A_2, %sign3A_5 : i32
    %sign3A_7 = arith.constant 0 : i32
    %sign3A_8 = arith.cmpi sgt, %jit3A, %sign3A_7 : i32
    %sign3A_9 = arith.extui %sign3A_8 : i1 to i32
    %sign3A_10 = arith.constant 0 : i32
    %sign3A_11 = arith.cmpi slt, %jit3A, %sign3A_10 : i32
    %sign3A_12 = arith.extui %sign3A_11 : i1 to i32
    %sign3A_13 = arith.subi %sign3A_9, %sign3A_12 : i32
    %ne3A = arith.cmpi ne, %sign3A_6, %sign3A_13 : i32
    %rem3A = arith.remsi %add3A, %jit3A : i32
    %ne3A_14 = arith.constant 0 : i32
    %ne3A_15 = arith.cmpi ne, %rem3A, %ne3A_14 : i32
    %and3A = arith.andi %ne3A, %ne3A_15 : i1
    %sub3A = arith.constant 1 : i32
    %sub3A_16 = arith.subi %div3A, %sub3A : i32
    %select_n3A = arith.select %and3A, %sub3A_16, %div3A : i32
    %jit3A_17 = arith.constant 8 : i32
    %eq3A = arith.constant 0 : i32
    %eq3A_18 = arith.cmpi eq, %jit3A_17, %eq3A : i32
    %jit3A_19 = arith.constant 1 : i32
    %select_n3A_20 = arith.select %eq3A_18, %jit3A_19, %jit3A_17 : i32
    %rem3A_21 = arith.remsi %add3A, %select_n3A_20 : i32
    %ne3A_22 = arith.constant 0 : i32
    %ne3A_23 = arith.cmpi ne, %rem3A_21, %ne3A_22 : i32
    %lt3A = arith.constant 0 : i32
    %lt3A_24 = arith.cmpi slt, %rem3A_21, %lt3A : i32
    %lt3A_25 = arith.constant 0 : i32
    %lt3A_26 = arith.cmpi slt, %select_n3A_20, %lt3A_25 : i32
    %ne3A_27 = arith.xori %lt3A_24, %lt3A_26 : i1
    %and3A_28 = arith.andi %ne3A_27, %ne3A_23 : i1
    %add3A_29 = arith.addi %rem3A_21, %select_n3A_20 : i32
    %select_n3A_30 = arith.select %and3A_28, %add3A_29, %rem3A_21 : i32
    %mul3A_31 = arith.constant 16 : i32
    %mul3A_32 = arith.muli %select_n3A_30, %mul3A_31 : i32
    "tpu.region"() ({
      %run_scoped3A = tpu.sem_alloc : memref<!tpu.dma_semaphore, #tpu.memory_space<semaphore_mem>>
      %dma_start3A = arith.constant 0 : i32
      %dma_start3A_67 = arith.constant 0 : i32
      %dma_start3A_68 = tpu.memref_slice %arg2[%select_n3A, %dma_start3A, %dma_start3A_67] : memref<4x200x128xf32, #tpu.memory_space<hbm>> -> memref<1x200x128xf32, #tpu.memory_space<hbm>>
      %dma_start3A_69 = tpu.memref_squeeze %dma_start3A_68 : memref<1x200x128xf32, #tpu.memory_space<hbm>> -> memref<200x128xf32, #tpu.memory_space<hbm>>
      %dma_start3A_70 = arith.constant 0 : i32
      %dma_start3A_71 = arith.constant 0 : i32
      %dma_start3A_72 = tpu.memref_slice %arg2[%select_n3A, %dma_start3A_70, %dma_start3A_71] : memref<4x200x128xf32, #tpu.memory_space<hbm>> -> memref<1x200x128xf32, #tpu.memory_space<hbm>>
      %dma_start3A_73 = tpu.memref_squeeze %dma_start3A_72 : memref<1x200x128xf32, #tpu.memory_space<hbm>> -> memref<200x128xf32, #tpu.memory_space<hbm>>
      tpu.enqueue_dma source(%dma_start3A_73 : memref<200x128xf32, #tpu.memory_space<hbm>>) target(%arg5 : memref<200x128xf32, #tpu.memory_space<vmem>>) target_semaphore(%run_scoped3A : memref<!tpu.dma_semaphore, #tpu.memory_space<semaphore_mem>>)
      %dma_wait3A = arith.constant 0 : i32
      %dma_wait3A_74 = arith.constant 0 : i32
      %dma_wait3A_75 = tpu.memref_slice %arg2[%select_n3A, %dma_wait3A, %dma_wait3A_74] : memref<4x200x128xf32, #tpu.memory_space<hbm>> -> memref<1x200x128xf32, #tpu.memory_space<hbm>>
      %dma_wait3A_76 = tpu.memref_squeeze %dma_wait3A_75 : memref<1x200x128xf32, #tpu.memory_space<hbm>> -> memref<200x128xf32, #tpu.memory_space<hbm>>
      %dma_wait3A_77 = arith.constant 0 : i32
      %dma_wait3A_78 = arith.constant 0 : i32
      %dma_wait3A_79 = tpu.memref_slice %arg2[%select_n3A, %dma_wait3A_77, %dma_wait3A_78] : memref<4x200x128xf32, #tpu.memory_space<hbm>> -> memref<1x200x128xf32, #tpu.memory_space<hbm>>
      %dma_wait3A_80 = tpu.memref_squeeze %dma_wait3A_79 : memref<1x200x128xf32, #tpu.memory_space<hbm>> -> memref<200x128xf32, #tpu.memory_space<hbm>>
      tpu.wait_dma2 semaphore(%run_scoped3A : memref<!tpu.dma_semaphore, #tpu.memory_space<semaphore_mem>>) src(%dma_wait3A_80 : memref<200x128xf32, #tpu.memory_space<hbm>>) dst(%arg5 : memref<200x128xf32, #tpu.memory_space<vmem>>)
      tpu.yield
    }) : () -> ()
    "tpu.region"() ({
      %run_scoped3A = tpu.sem_alloc : memref<!tpu.dma_semaphore, #tpu.memory_space<semaphore_mem>>
      %dma_start3A = arith.constant 0 : i32
      %dma_start3A_67 = arith.constant 0 : i32
      %dma_start3A_68 = tpu.memref_slice %arg3[%select_n3A, %dma_start3A, %dma_start3A_67] : memref<4x200x128xf32, #tpu.memory_space<hbm>> -> memref<1x200x128xf32, #tpu.memory_space<hbm>>
      %dma_start3A_69 = tpu.memref_squeeze %dma_start3A_68 : memref<1x200x128xf32, #tpu.memory_space<hbm>> -> memref<200x128xf32, #tpu.memory_space<hbm>>
      %dma_start3A_70 = arith.constant 0 : i32
      %dma_start3A_71 = arith.constant 0 : i32
      %dma_start3A_72 = tpu.memref_slice %arg3[%select_n3A, %dma_start3A_70, %dma_start3A_71] : memref<4x200x128xf32, #tpu.memory_space<hbm>> -> memref<1x200x128xf32, #tpu.memory_space<hbm>>
      %dma_start3A_73 = tpu.memref_squeeze %dma_start3A_72 : memref<1x200x128xf32, #tpu.memory_space<hbm>> -> memref<200x128xf32, #tpu.memory_space<hbm>>
      tpu.enqueue_dma source(%dma_start3A_73 : memref<200x128xf32, #tpu.memory_space<hbm>>) target(%arg6 : memref<200x128xf32, #tpu.memory_space<vmem>>) target_semaphore(%run_scoped3A : memref<!tpu.dma_semaphore, #tpu.memory_space<semaphore_mem>>)
      %dma_wait3A = arith.constant 0 : i32
      %dma_wait3A_74 = arith.constant 0 : i32
      %dma_wait3A_75 = tpu.memref_slice %arg3[%select_n3A, %dma_wait3A, %dma_wait3A_74] : memref<4x200x128xf32, #tpu.memory_space<hbm>> -> memref<1x200x128xf32, #tpu.memory_space<hbm>>
      %dma_wait3A_76 = tpu.memref_squeeze %dma_wait3A_75 : memref<1x200x128xf32, #tpu.memory_space<hbm>> -> memref<200x128xf32, #tpu.memory_space<hbm>>
      %dma_wait3A_77 = arith.constant 0 : i32
      %dma_wait3A_78 = arith.constant 0 : i32
      %dma_wait3A_79 = tpu.memref_slice %arg3[%select_n3A, %dma_wait3A_77, %dma_wait3A_78] : memref<4x200x128xf32, #tpu.memory_space<hbm>> -> memref<1x200x128xf32, #tpu.memory_space<hbm>>
      %dma_wait3A_80 = tpu.memref_squeeze %dma_wait3A_79 : memref<1x200x128xf32, #tpu.memory_space<hbm>> -> memref<200x128xf32, #tpu.memory_space<hbm>>
      tpu.wait_dma2 semaphore(%run_scoped3A : memref<!tpu.dma_semaphore, #tpu.memory_space<semaphore_mem>>) src(%dma_wait3A_80 : memref<200x128xf32, #tpu.memory_space<hbm>>) dst(%arg6 : memref<200x128xf32, #tpu.memory_space<vmem>>)
      tpu.yield
    }) : () -> ()
    %broadcast_in_dim3A = arith.constant 0xFF800000 : f32
    %broadcast_in_dim3A_33 = vector.broadcast %broadcast_in_dim3A : f32 to vector<16xf32>
    %broadcast_in_dim3A_34 = arith.constant 0.000000e+00 : f32
    %broadcast_in_dim3A_35 = vector.broadcast %broadcast_in_dim3A_34 : f32 to vector<16xf32>
    %scan3A = arith.constant 0 : i32
    %scan3A_36 = arith.constant 200 : i32
    %scan3A_37 = arith.addi %scan3A, %scan3A_36 : i32
    %scan3A_38 = arith.constant 1 : i32
    %scan3A_39:2 = scf.for %scan3A_67 = %scan3A to %scan3A_37 step %scan3A_38 iter_args(%scan3A_68 = %broadcast_in_dim3A_33, %scan3A_69 = %broadcast_in_dim3A_35) -> (vector<16xf32>, vector<16xf32>)  : i32 {
      %get3A = arith.index_cast %scan3A_67 : i32 to index
      %get3A_70 = arith.index_cast %mul3A_32 : i32 to index
      %get3A_71 = tpu.vector_load %arg5[%get3A, %get3A_70] {strides = array<i32>} : memref<200x128xf32, #tpu.memory_space<vmem>>, vector<1x16xf32>,
      %get3A_72 = vector.shape_cast %get3A_71 : vector<1x16xf32> to vector<16xf32>
      %max3A = arith.maximumf %scan3A_68, %get3A_72 : vector<16xf32>
      %add3A_73 = arith.addf %scan3A_69, %get3A_72 : vector<16xf32>
      scf.yield %max3A, %add3A_73 : vector<16xf32>, vector<16xf32>
    }
    %scan3A_40 = arith.constant 200 : i32
    %scan3A_41 = arith.constant 0 : i32
    %scan3A_42 = arith.constant 0 : i32
    %scan3A_43 = arith.constant 200 : i32
    %scan3A_44 = arith.addi %scan3A_42, %scan3A_43 : i32
    %scan3A_45 = arith.constant 1 : i32
    scf.for %scan3A_67 = %scan3A_42 to %scan3A_44 step %scan3A_45  : i32 {
      %get3A = arith.index_cast %scan3A_67 : i32 to index
      %get3A_68 = arith.index_cast %mul3A_32 : i32 to index
      %get3A_69 = tpu.vector_load %arg6[%get3A, %get3A_68] {strides = array<i32>} : memref<200x128xf32, #tpu.memory_space<vmem>>, vector<1x16xf32>,
      %get3A_70 = vector.shape_cast %get3A_69 : vector<1x16xf32> to vector<16xf32>
      %bitcast_convert_type3A = tpu.bitcast %get3A_70 : vector<16xf32> -> vector<16xi32>
      %shift_right_arithmetic3A = arith.constant 31 : i32
      %shift_right_arithmetic3A_71 = vector.broadcast %shift_right_arithmetic3A : i32 to vector<16xi32>
      %shift_right_arithmetic3A_72 = arith.shrsi %bitcast_convert_type3A, %shift_right_arithmetic3A_71 : vector<16xi32>
      %or3A = arith.constant -2147483648 : i32
      %or3A_73 = vector.broadcast %or3A : i32 to vector<16xi32>
      %or3A_74 = arith.ori %shift_right_arithmetic3A_72, %or3A_73 : vector<16xi32>
      %xor3A = arith.xori %bitcast_convert_type3A, %or3A_74 : vector<16xi32>
      %bitcast_convert_type3A_75 = tpu.bitcast %xor3A : vector<16xi32> -> vector<16xi32>
      %swap3A_76 = arith.index_cast %scan3A_67 : i32 to index
      %swap3A_77 = arith.constant 0 : index
      %swap3A_78 = tpu.vector_load %arg7[%swap3A_76, %swap3A_77] {strides = array<i32>} : memref<200x16xi32, #tpu.memory_space<vmem>>, vector<1x16xi32>,
      %swap3A_79 = vector.shape_cast %swap3A_78 : vector<1x16xi32> to vector<16xi32>
      %swap3A_80 = vector.shape_cast %bitcast_convert_type3A_75 : vector<16xi32> to vector<1x16xi32>
      tpu.vector_store %arg7[%swap3A_76, %swap3A_77], %swap3A_80 {strides = array<i32>} : memref<200x16xi32, #tpu.memory_space<vmem>>, vector<1x16xi32>,
      %get3A_81 = arith.index_cast %scan3A_67 : i32 to index
      %get3A_82 = arith.index_cast %mul3A_32 : i32 to index
      %get3A_83 = tpu.vector_load %arg5[%get3A_81, %get3A_82] {strides = array<i32>} : memref<200x128xf32, #tpu.memory_space<vmem>>, vector<1x16xf32>,
      %get3A_84 = vector.shape_cast %get3A_83 : vector<1x16xf32> to vector<16xf32>
      %sub3A_85 = arith.subf %get3A_84, %scan3A_39#0 : vector<16xf32>
      %exp3A = math.exp %sub3A_85 : vector<16xf32>
      %swap3A_86 = arith.index_cast %scan3A_67 : i32 to index
      %swap3A_87 = arith.constant 0 : index
      %swap3A_88 = tpu.vector_load %arg8[%swap3A_86, %swap3A_87] {strides = array<i32>} : memref<200x16xf32, #tpu.memory_space<vmem>>, vector<1x16xf32>,
      %swap3A_89 = vector.shape_cast %swap3A_88 : vector<1x16xf32> to vector<16xf32>
      %swap3A_90 = vector.shape_cast %exp3A : vector<16xf32> to vector<1x16xf32>
      tpu.vector_store %arg8[%swap3A_86, %swap3A_87], %swap3A_90 {strides = array<i32>} : memref<200x16xf32, #tpu.memory_space<vmem>>, vector<1x16xf32>,
    }
    %scan3A_46 = arith.constant 200 : i32
    %broadcast_in_dim3A_47 = arith.constant 0.000000e+00 : f32
    %broadcast_in_dim3A_48 = vector.broadcast %broadcast_in_dim3A_47 : f32 to vector<16xf32>
    %scan3A_49 = arith.constant 0 : i32
    %scan3A_50 = arith.constant 200 : i32
    %scan3A_51 = arith.addi %scan3A_49, %scan3A_50 : i32
    %scan3A_52 = arith.constant 1 : i32
    %scan3A_53 = scf.for %scan3A_67 = %scan3A_49 to %scan3A_51 step %scan3A_52 iter_args(%scan3A_68 = %broadcast_in_dim3A_48) -> (vector<16xf32>)  : i32 {
      %get3A = arith.index_cast %scan3A_67 : i32 to index
      %get3A_69 = arith.constant 0 : index
      %get3A_70 = tpu.vector_load %arg7[%get3A, %get3A_69] {strides = array<i32>} : memref<200x16xi32, #tpu.memory_space<vmem>>, vector<1x16xi32>,
      %get3A_71 = vector.shape_cast %get3A_70 : vector<1x16xi32> to vector<16xi32>
      %add3A_72 = arith.constant 1 : i32
      %add3A_73 = vector.broadcast %add3A_72 : i32 to vector<16xi32>
      %add3A_74 = arith.addi %get3A_71, %add3A_73 : vector<16xi32>
      %swap3A_75 = arith.index_cast %scan3A_67 : i32 to index
      %swap3A_76 = arith.constant 0 : index
      %swap3A_77 = tpu.vector_load %arg7[%swap3A_75, %swap3A_76] {strides = array<i32>} : memref<200x16xi32, #tpu.memory_space<vmem>>, vector<1x16xi32>,
      %swap3A_78 = vector.shape_cast %swap3A_77 : vector<1x16xi32> to vector<16xi32>
      %swap3A_79 = vector.shape_cast %add3A_74 : vector<16xi32> to vector<1x16xi32>
      tpu.vector_store %arg7[%swap3A_75, %swap3A_76], %swap3A_79 {strides = array<i32>} : memref<200x16xi32, #tpu.memory_space<vmem>>, vector<1x16xi32>,
      %sub3A_80 = arith.constant 1 : i32
      %sub3A_81 = vector.broadcast %sub3A_80 : i32 to vector<16xi32>
      %sub3A_82 = arith.subi %add3A_74, %sub3A_81 : vector<16xi32>
      %broadcast_in_dim3A_83 = arith.constant 0.000000e+00 : f32
      %broadcast_in_dim3A_84 = vector.broadcast %broadcast_in_dim3A_83 : f32 to vector<16xf32>
      %get3A_85 = arith.constant 0 : i32
      %get3A_86 = arith.index_cast %get3A_85 : i32 to index
      %get3A_87 = arith.constant 0 : index
      %get3A_88 = tpu.vector_load %arg7[%get3A_86, %get3A_87] {strides = array<i32>} : memref<200x16xi32, #tpu.memory_space<vmem>>, vector<1x16xi32>,
      %get3A_89 = vector.shape_cast %get3A_88 : vector<1x16xi32> to vector<16xi32>
      %gt3A = arith.cmpi ugt, %get3A_89, %sub3A_82 : vector<16xi32>
      %get3A_90 = arith.constant 0 : i32
      %get3A_91 = arith.index_cast %get3A_90 : i32 to index
      %get3A_92 = arith.constant 0 : index
      %get3A_93 = tpu.vector_load %arg8[%get3A_91, %get3A_92] {strides = array<i32>} : memref<200x16xf32, #tpu.memory_space<vmem>>, vector<1x16xf32>,
      %get3A_94 = vector.shape_cast %get3A_93 : vector<1x16xf32> to vector<16xf32>
      %jit3A_95 = arith.constant 0.000000e+00 : f32
      %broadcast_in_dim3A_96 = vector.broadcast %jit3A_95 : f32 to vector<16xf32>
      %select_n3A_97 = arith.select %gt3A, %get3A_94, %broadcast_in_dim3A_96 : vector<16xi1>, vector<16xf32>
      %add3A_98 = arith.addf %broadcast_in_dim3A_84, %select_n3A_97 : vector<16xf32>
      %get3A_99 = arith.constant 1 : i32
      %get3A_100 = arith.index_cast %get3A_99 : i32 to index
      %get3A_101 = arith.constant 0 : index
      %get3A_102 = tpu.vector_load %arg7[%get3A_100, %get3A_101] {strides = array<i32>} : memref<200x16xi32, #tpu.memory_space<vmem>>, vector<1x16xi32>,
      %get3A_103 = vector.shape_cast %get3A_102 : vector<1x16xi32> to vector<16xi32>
      %gt3A_104 = arith.cmpi ugt, %get3A_103, %sub3A_82 : vector<16xi32>
      %get3A_105 = arith.constant 1 : i32
      %get3A_106 = arith.index_cast %get3A_105 : i32 to index
      %get3A_107 = arith.constant 0 : index
      %get3A_108 = tpu.vector_load %arg8[%get3A_106, %get3A_107] {strides = array<i32>} : memref<200x16xf32, #tpu.memory_space<vmem>>, vector<1x16xf32>,
      %get3A_109 = vector.shape_cast %get3A_108 : vector<1x16xf32> to vector<16xf32>
      %jit3A_110 = arith.constant 0.000000e+00 : f32
      %broadcast_in_dim3A_111 = vector.broadcast %jit3A_110 : f32 to vector<16xf32>
      %select_n3A_112 = arith.select %gt3A_104, %get3A_109, %broadcast_in_dim3A_111 : vector<16xi1>, vector<16xf32>
      %add3A_113 = arith.addf %add3A_98, %select_n3A_112 : vector<16xf32>
      %get3A_114 = arith.constant 2 : i32
      %get3A_115 = arith.index_cast %get3A_114 : i32 to index
      %get3A_116 = arith.constant 0 : index
      %get3A_117 = tpu.vector_load %arg7[%get3A_115, %get3A_116] {strides = array<i32>} : memref<200x16xi32, #tpu.memory_space<vmem>>, vector<1x16xi32>,
      %get3A_118 = vector.shape_cast %get3A_117 : vector<1x16xi32> to vector<16xi32>
      %gt3A_119 = arith.cmpi ugt, %get3A_118, %sub3A_82 : vector<16xi32>
      %get3A_120 = arith.constant 2 : i32
      %get3A_121 = arith.index_cast %get3A_120 : i32 to index
      %get3A_122 = arith.constant 0 : index
      %get3A_123 = tpu.vector_load %arg8[%get3A_121, %get3A_122] {strides = array<i32>} : memref<200x16xf32, #tpu.memory_space<vmem>>, vector<1x16xf32>,
      %get3A_124 = vector.shape_cast %get3A_123 : vector<1x16xf32> to vector<16xf32>
      %jit3A_125 = arith.constant 0.000000e+00 : f32
      %broadcast_in_dim3A_126 = vector.broadcast %jit3A_125 : f32 to vector<16xf32>
      %select_n3A_127 = arith.select %gt3A_119, %get3A_124, %broadcast_in_dim3A_126 : vector<16xi1>, vector<16xf32>
      %add3A_128 = arith.addf %add3A_113, %select_n3A_127 : vector<16xf32>
      %get3A_129 = arith.constant 3 : i32
      %get3A_130 = arith.index_cast %get3A_129 : i32 to index
      %get3A_131 = arith.constant 0 : index
      %get3A_132 = tpu.vector_load %arg7[%get3A_130, %get3A_131] {strides = array<i32>} : memref<200x16xi32, #tpu.memory_space<vmem>>, vector<1x16xi32>,
      %get3A_133 = vector.shape_cast %get3A_132 : vector<1x16xi32> to vector<16xi32>
      %gt3A_134 = arith.cmpi ugt, %get3A_133, %sub3A_82 : vector<16xi32>
      %get3A_135 = arith.constant 3 : i32
      %get3A_136 = arith.index_cast %get3A_135 : i32 to index
      %get3A_137 = arith.constant 0 : index
      %get3A_138 = tpu.vector_load %arg8[%get3A_136, %get3A_137] {strides = array<i32>} : memref<200x16xf32, #tpu.memory_space<vmem>>, vector<1x16xf32>,
      %get3A_139 = vector.shape_cast %get3A_138 : vector<1x16xf32> to vector<16xf32>
      %jit3A_140 = arith.constant 0.000000e+00 : f32
      %broadcast_in_dim3A_141 = vector.broadcast %jit3A_140 : f32 to vector<16xf32>
      %select_n3A_142 = arith.select %gt3A_134, %get3A_139, %broadcast_in_dim3A_141 : vector<16xi1>, vector<16xf32>
      %add3A_143 = arith.addf %add3A_128, %select_n3A_142 : vector<16xf32>
      %get3A_144 = arith.constant 4 : i32
      %get3A_145 = arith.index_cast %get3A_144 : i32 to index
      %get3A_146 = arith.constant 0 : index
      %get3A_147 = tpu.vector_load %arg7[%get3A_145, %get3A_146] {strides = array<i32>} : memref<200x16xi32, #tpu.memory_space<vmem>>, vector<1x16xi32>,
      %get3A_148 = vector.shape_cast %get3A_147 : vector<1x16xi32> to vector<16xi32>
      %gt3A_149 = arith.cmpi ugt, %get3A_148, %sub3A_82 : vector<16xi32>
      %get3A_150 = arith.constant 4 : i32
      %get3A_151 = arith.index_cast %get3A_150 : i32 to index
      %get3A_152 = arith.constant 0 : index
      %get3A_153 = tpu.vector_load %arg8[%get3A_151, %get3A_152] {strides = array<i32>} : memref<200x16xf32, #tpu.memory_space<vmem>>, vector<1x16xf32>,
      %get3A_154 = vector.shape_cast %get3A_153 : vector<1x16xf32> to vector<16xf32>
      %jit3A_155 = arith.constant 0.000000e+00 : f32
      %broadcast_in_dim3A_156 = vector.broadcast %jit3A_155 : f32 to vector<16xf32>
      %select_n3A_157 = arith.select %gt3A_149, %get3A_154, %broadcast_in_dim3A_156 : vector<16xi1>, vector<16xf32>
      %add3A_158 = arith.addf %add3A_143, %select_n3A_157 : vector<16xf32>
      %get3A_159 = arith.constant 5 : i32
      %get3A_160 = arith.index_cast %get3A_159 : i32 to index
      %get3A_161 = arith.constant 0 : index
      %get3A_162 = tpu.vector_load %arg7[%get3A_160, %get3A_161] {strides = array<i32>} : memref<200x16xi32, #tpu.memory_space<vmem>>, vector<1x16xi32>,
      %get3A_163 = vector.shape_cast %get3A_162 : vector<1x16xi32> to vector<16xi32>
      %gt3A_164 = arith.cmpi ugt, %get3A_163, %sub3A_82 : vector<16xi32>
      %get3A_165 = arith.constant 5 : i32
      %get3A_166 = arith.index_cast %get3A_165 : i32 to index
      %get3A_167 = arith.constant 0 : index
      %get3A_168 = tpu.vector_load %arg8[%get3A_166, %get3A_167] {strides = array<i32>} : memref<200x16xf32, #tpu.memory_space<vmem>>, vector<1x16xf32>,
      %get3A_169 = vector.shape_cast %get3A_168 : vector<1x16xf32> to vector<16xf32>
      %jit3A_170 = arith.constant 0.000000e+00 : f32
      %broadcast_in_dim3A_171 = vector.broadcast %jit3A_170 : f32 to vector<16xf32>
      %select_n3A_172 = arith.select %gt3A_164, %get3A_169, %broadcast_in_dim3A_171 : vector<16xi1>, vector<16xf32>
      %add3A_173 = arith.addf %add3A_158, %select_n3A_172 : vector<16xf32>
      %get3A_174 = arith.constant 6 : i32
      %get3A_175 = arith.index_cast %get3A_174 : i32 to index
      %get3A_176 = arith.constant 0 : index
      %get3A_177 = tpu.vector_load %arg7[%get3A_175, %get3A_176] {strides = array<i32>} : memref<200x16xi32, #tpu.memory_space<vmem>>, vector<1x16xi32>,
      %get3A_178 = vector.shape_cast %get3A_177 : vector<1x16xi32> to vector<16xi32>
      %gt3A_179 = arith.cmpi ugt, %get3A_178, %sub3A_82 : vector<16xi32>
      %get3A_180 = arith.constant 6 : i32
      %get3A_181 = arith.index_cast %get3A_180 : i32 to index
      %get3A_182 = arith.constant 0 : index
      %get3A_183 = tpu.vector_load %arg8[%get3A_181, %get3A_182] {strides = array<i32>} : memref<200x16xf32, #tpu.memory_space<vmem>>, vector<1x16xf32>,
      %get3A_184 = vector.shape_cast %get3A_183 : vector<1x16xf32> to vector<16xf32>
      %jit3A_185 = arith.constant 0.000000e+00 : f32
      %broadcast_in_dim3A_186 = vector.broadcast %jit3A_185 : f32 to vector<16xf32>
      %select_n3A_187 = arith.select %gt3A_179, %get3A_184, %broadcast_in_dim3A_186 : vector<16xi1>, vector<16xf32>
      %add3A_188 = arith.addf %add3A_173, %select_n3A_187 : vector<16xf32>
      %get3A_189 = arith.constant 7 : i32
      %get3A_190 = arith.index_cast %get3A_189 : i32 to index
      %get3A_191 = arith.constant 0 : index
      %get3A_192 = tpu.vector_load %arg7[%get3A_190, %get3A_191] {strides = array<i32>} : memref<200x16xi32, #tpu.memory_space<vmem>>, vector<1x16xi32>,
      %get3A_193 = vector.shape_cast %get3A_192 : vector<1x16xi32> to vector<16xi32>
      %gt3A_194 = arith.cmpi ugt, %get3A_193, %sub3A_82 : vector<16xi32>
      %get3A_195 = arith.constant 7 : i32
      %get3A_196 = arith.index_cast %get3A_195 : i32 to index
      %get3A_197 = arith.constant 0 : index
      %get3A_198 = tpu.vector_load %arg8[%get3A_196, %get3A_197] {strides = array<i32>} : memref<200x16xf32, #tpu.memory_space<vmem>>, vector<1x16xf32>,
      %get3A_199 = vector.shape_cast %get3A_198 : vector<1x16xf32> to vector<16xf32>
      %jit3A_200 = arith.constant 0.000000e+00 : f32
      %broadcast_in_dim3A_201 = vector.broadcast %jit3A_200 : f32 to vector<16xf32>
      %select_n3A_202 = arith.select %gt3A_194, %get3A_199, %broadcast_in_dim3A_201 : vector<16xi1>, vector<16xf32>
      %add3A_203 = arith.addf %add3A_188, %select_n3A_202 : vector<16xf32>
      %get3A_204 = arith.constant 8 : i32
      %get3A_205 = arith.index_cast %get3A_204 : i32 to index
      %get3A_206 = arith.constant 0 : index
      %get3A_207 = tpu.vector_load %arg7[%get3A_205, %get3A_206] {strides = array<i32>} : memref<200x16xi32, #tpu.memory_space<vmem>>, vector<1x16xi32>,
      %get3A_208 = vector.shape_cast %get3A_207 : vector<1x16xi32> to vector<16xi32>
      %gt3A_209 = arith.cmpi ugt, %get3A_208, %sub3A_82 : vector<16xi32>
      %get3A_210 = arith.constant 8 : i32
      %get3A_211 = arith.index_cast %get3A_210 : i32 to index
      %get3A_212 = arith.constant 0 : index
      %get3A_213 = tpu.vector_load %arg8[%get3A_211, %get3A_212] {strides = array<i32>} : memref<200x16xf32, #tpu.memory_space<vmem>>, vector<1x16xf32>,
      %get3A_214 = vector.shape_cast %get3A_213 : vector<1x16xf32> to vector<16xf32>
      %jit3A_215 = arith.constant 0.000000e+00 : f32
      %broadcast_in_dim3A_216 = vector.broadcast %jit3A_215 : f32 to vector<16xf32>
      %select_n3A_217 = arith.select %gt3A_209, %get3A_214, %broadcast_in_dim3A_216 : vector<16xi1>, vector<16xf32>
      %add3A_218 = arith.addf %add3A_203, %select_n3A_217 : vector<16xf32>
      %get3A_219 = arith.constant 9 : i32
      %get3A_220 = arith.index_cast %get3A_219 : i32 to index
      %get3A_221 = arith.constant 0 : index
      %get3A_222 = tpu.vector_load %arg7[%get3A_220, %get3A_221] {strides = array<i32>} : memref<200x16xi32, #tpu.memory_space<vmem>>, vector<1x16xi32>,
      %get3A_223 = vector.shape_cast %get3A_222 : vector<1x16xi32> to vector<16xi32>
      %gt3A_224 = arith.cmpi ugt, %get3A_223, %sub3A_82 : vector<16xi32>
      %get3A_225 = arith.constant 9 : i32
      %get3A_226 = arith.index_cast %get3A_225 : i32 to index
      %get3A_227 = arith.constant 0 : index
      %get3A_228 = tpu.vector_load %arg8[%get3A_226, %get3A_227] {strides = array<i32>} : memref<200x16xf32, #tpu.memory_space<vmem>>, vector<1x16xf32>,
      %get3A_229 = vector.shape_cast %get3A_228 : vector<1x16xf32> to vector<16xf32>
      %jit3A_230 = arith.constant 0.000000e+00 : f32
      %broadcast_in_dim3A_231 = vector.broadcast %jit3A_230 : f32 to vector<16xf32>
      %select_n3A_232 = arith.select %gt3A_224, %get3A_229, %broadcast_in_dim3A_231 : vector<16xi1>, vector<16xf32>
      %add3A_233 = arith.addf %add3A_218, %select_n3A_232 : vector<16xf32>
      %get3A_234 = arith.constant 10 : i32
      %get3A_235 = arith.index_cast %get3A_234 : i32 to index
      %get3A_236 = arith.constant 0 : index
      %get3A_237 = tpu.vector_load %arg7[%get3A_235, %get3A_236] {strides = array<i32>} : memref<200x16xi32, #tpu.memory_space<vmem>>, vector<1x16xi32>,
      %get3A_238 = vector.shape_cast %get3A_237 : vector<1x16xi32> to vector<16xi32>
      %gt3A_239 = arith.cmpi ugt, %get3A_238, %sub3A_82 : vector<16xi32>
      %get3A_240 = arith.constant 10 : i32
      %get3A_241 = arith.index_cast %get3A_240 : i32 to index
      %get3A_242 = arith.constant 0 : index
      %get3A_243 = tpu.vector_load %arg8[%get3A_241, %get3A_242] {strides = array<i32>} : memref<200x16xf32, #tpu.memory_space<vmem>>, vector<1x16xf32>,
      %get3A_244 = vector.shape_cast %get3A_243 : vector<1x16xf32> to vector<16xf32>
      %jit3A_245 = arith.constant 0.000000e+00 : f32
      %broadcast_in_dim3A_246 = vector.broadcast %jit3A_245 : f32 to vector<16xf32>
      %select_n3A_247 = arith.select %gt3A_239, %get3A_244, %broadcast_in_dim3A_246 : vector<16xi1>, vector<16xf32>
      %add3A_248 = arith.addf %add3A_233, %select_n3A_247 : vector<16xf32>
      %get3A_249 = arith.constant 11 : i32
      %get3A_250 = arith.index_cast %get3A_249 : i32 to index
      %get3A_251 = arith.constant 0 : index
      %get3A_252 = tpu.vector_load %arg7[%get3A_250, %get3A_251] {strides = array<i32>} : memref<200x16xi32, #tpu.memory_space<vmem>>, vector<1x16xi32>,
      %get3A_253 = vector.shape_cast %get3A_252 : vector<1x16xi32> to vector<16xi32>
      %gt3A_254 = arith.cmpi ugt, %get3A_253, %sub3A_82 : vector<16xi32>
      %get3A_255 = arith.constant 11 : i32
      %get3A_256 = arith.index_cast %get3A_255 : i32 to index
      %get3A_257 = arith.constant 0 : index
      %get3A_258 = tpu.vector_load %arg8[%get3A_256, %get3A_257] {strides = array<i32>} : memref<200x16xf32, #tpu.memory_space<vmem>>, vector<1x16xf32>,
      %get3A_259 = vector.shape_cast %get3A_258 : vector<1x16xf32> to vector<16xf32>
      %jit3A_260 = arith.constant 0.000000e+00 : f32
      %broadcast_in_dim3A_261 = vector.broadcast %jit3A_260 : f32 to vector<16xf32>
      %select_n3A_262 = arith.select %gt3A_254, %get3A_259, %broadcast_in_dim3A_261 : vector<16xi1>, vector<16xf32>
      %add3A_263 = arith.addf %add3A_248, %select_n3A_262 : vector<16xf32>
      %get3A_264 = arith.constant 12 : i32
      %get3A_265 = arith.index_cast %get3A_264 : i32 to index
      %get3A_266 = arith.constant 0 : index
      %get3A_267 = tpu.vector_load %arg7[%get3A_265, %get3A_266] {strides = array<i32>} : memref<200x16xi32, #tpu.memory_space<vmem>>, vector<1x16xi32>,
      %get3A_268 = vector.shape_cast %get3A_267 : vector<1x16xi32> to vector<16xi32>
      %gt3A_269 = arith.cmpi ugt, %get3A_268, %sub3A_82 : vector<16xi32>
      %get3A_270 = arith.constant 12 : i32
      %get3A_271 = arith.index_cast %get3A_270 : i32 to index
      %get3A_272 = arith.constant 0 : index
      %get3A_273 = tpu.vector_load %arg8[%get3A_271, %get3A_272] {strides = array<i32>} : memref<200x16xf32, #tpu.memory_space<vmem>>, vector<1x16xf32>,
      %get3A_274 = vector.shape_cast %get3A_273 : vector<1x16xf32> to vector<16xf32>
      %jit3A_275 = arith.constant 0.000000e+00 : f32
      %broadcast_in_dim3A_276 = vector.broadcast %jit3A_275 : f32 to vector<16xf32>
      %select_n3A_277 = arith.select %gt3A_269, %get3A_274, %broadcast_in_dim3A_276 : vector<16xi1>, vector<16xf32>
      %add3A_278 = arith.addf %add3A_263, %select_n3A_277 : vector<16xf32>
      %get3A_279 = arith.constant 13 : i32
      %get3A_280 = arith.index_cast %get3A_279 : i32 to index
      %get3A_281 = arith.constant 0 : index
      %get3A_282 = tpu.vector_load %arg7[%get3A_280, %get3A_281] {strides = array<i32>} : memref<200x16xi32, #tpu.memory_space<vmem>>, vector<1x16xi32>,
      %get3A_283 = vector.shape_cast %get3A_282 : vector<1x16xi32> to vector<16xi32>
      %gt3A_284 = arith.cmpi ugt, %get3A_283, %sub3A_82 : vector<16xi32>
      %get3A_285 = arith.constant 13 : i32
      %get3A_286 = arith.index_cast %get3A_285 : i32 to index
      %get3A_287 = arith.constant 0 : index
      %get3A_288 = tpu.vector_load %arg8[%get3A_286, %get3A_287] {strides = array<i32>} : memref<200x16xf32, #tpu.memory_space<vmem>>, vector<1x16xf32>,
      %get3A_289 = vector.shape_cast %get3A_288 : vector<1x16xf32> to vector<16xf32>
      %jit3A_290 = arith.constant 0.000000e+00 : f32
      %broadcast_in_dim3A_291 = vector.broadcast %jit3A_290 : f32 to vector<16xf32>
      %select_n3A_292 = arith.select %gt3A_284, %get3A_289, %broadcast_in_dim3A_291 : vector<16xi1>, vector<16xf32>
      %add3A_293 = arith.addf %add3A_278, %select_n3A_292 : vector<16xf32>
      %get3A_294 = arith.constant 14 : i32
      %get3A_295 = arith.index_cast %get3A_294 : i32 to index
      %get3A_296 = arith.constant 0 : index
      %get3A_297 = tpu.vector_load %arg7[%get3A_295, %get3A_296] {strides = array<i32>} : memref<200x16xi32, #tpu.memory_space<vmem>>, vector<1x16xi32>,
      %get3A_298 = vector.shape_cast %get3A_297 : vector<1x16xi32> to vector<16xi32>
      %gt3A_299 = arith.cmpi ugt, %get3A_298, %sub3A_82 : vector<16xi32>
      %get3A_300 = arith.constant 14 : i32
      %get3A_301 = arith.index_cast %get3A_300 : i32 to index
      %get3A_302 = arith.constant 0 : index
      %get3A_303 = tpu.vector_load %arg8[%get3A_301, %get3A_302] {strides = array<i32>} : memref<200x16xf32, #tpu.memory_space<vmem>>, vector<1x16xf32>,
      %get3A_304 = vector.shape_cast %get3A_303 : vector<1x16xf32> to vector<16xf32>
      %jit3A_305 = arith.constant 0.000000e+00 : f32
      %broadcast_in_dim3A_306 = vector.broadcast %jit3A_305 : f32 to vector<16xf32>
      %select_n3A_307 = arith.select %gt3A_299, %get3A_304, %broadcast_in_dim3A_306 : vector<16xi1>, vector<16xf32>
      %add3A_308 = arith.addf %add3A_293, %select_n3A_307 : vector<16xf32>
      %get3A_309 = arith.constant 15 : i32
      %get3A_310 = arith.index_cast %get3A_309 : i32 to index
      %get3A_311 = arith.constant 0 : index
      %get3A_312 = tpu.vector_load %arg7[%get3A_310, %get3A_311] {strides = array<i32>} : memref<200x16xi32, #tpu.memory_space<vmem>>, vector<1x16xi32>,
      %get3A_313 = vector.shape_cast %get3A_312 : vector<1x16xi32> to vector<16xi32>
      %gt3A_314 = arith.cmpi ugt, %get3A_313, %sub3A_82 : vector<16xi32>
      %get3A_315 = arith.constant 15 : i32
      %get3A_316 = arith.index_cast %get3A_315 : i32 to index
      %get3A_317 = arith.constant 0 : index
      %get3A_318 = tpu.vector_load %arg8[%get3A_316, %get3A_317] {strides = array<i32>} : memref<200x16xf32, #tpu.memory_space<vmem>>, vector<1x16xf32>,
      %get3A_319 = vector.shape_cast %get3A_318 : vector<1x16xf32> to vector<16xf32>
      %jit3A_320 = arith.constant 0.000000e+00 : f32
      %broadcast_in_dim3A_321 = vector.broadcast %jit3A_320 : f32 to vector<16xf32>
      %select_n3A_322 = arith.select %gt3A_314, %get3A_319, %broadcast_in_dim3A_321 : vector<16xi1>, vector<16xf32>
      %add3A_323 = arith.addf %add3A_308, %select_n3A_322 : vector<16xf32>
      %get3A_324 = arith.constant 16 : i32
      %get3A_325 = arith.index_cast %get3A_324 : i32 to index
      %get3A_326 = arith.constant 0 : index
      %get3A_327 = tpu.vector_load %arg7[%get3A_325, %get3A_326] {strides = array<i32>} : memref<200x16xi32, #tpu.memory_space<vmem>>, vector<1x16xi32>,
      %get3A_328 = vector.shape_cast %get3A_327 : vector<1x16xi32> to vector<16xi32>
      %gt3A_329 = arith.cmpi ugt, %get3A_328, %sub3A_82 : vector<16xi32>
      %get3A_330 = arith.constant 16 : i32
      %get3A_331 = arith.index_cast %get3A_330 : i32 to index
      %get3A_332 = arith.constant 0 : index
      %get3A_333 = tpu.vector_load %arg8[%get3A_331, %get3A_332] {strides = array<i32>} : memref<200x16xf32, #tpu.memory_space<vmem>>, vector<1x16xf32>,
      %get3A_334 = vector.shape_cast %get3A_333 : vector<1x16xf32> to vector<16xf32>
      %jit3A_335 = arith.constant 0.000000e+00 : f32
      %broadcast_in_dim3A_336 = vector.broadcast %jit3A_335 : f32 to vector<16xf32>
      %select_n3A_337 = arith.select %gt3A_329, %get3A_334, %broadcast_in_dim3A_336 : vector<16xi1>, vector<16xf32>
      %add3A_338 = arith.addf %add3A_323, %select_n3A_337 : vector<16xf32>
      %get3A_339 = arith.constant 17 : i32
      %get3A_340 = arith.index_cast %get3A_339 : i32 to index
      %get3A_341 = arith.constant 0 : index
      %get3A_342 = tpu.vector_load %arg7[%get3A_340, %get3A_341] {strides = array<i32>} : memref<200x16xi32, #tpu.memory_space<vmem>>, vector<1x16xi32>,
      %get3A_343 = vector.shape_cast %get3A_342 : vector<1x16xi32> to vector<16xi32>
      %gt3A_344 = arith.cmpi ugt, %get3A_343, %sub3A_82 : vector<16xi32>
      %get3A_345 = arith.constant 17 : i32
      %get3A_346 = arith.index_cast %get3A_345 : i32 to index
      %get3A_347 = arith.constant 0 : index
      %get3A_348 = tpu.vector_load %arg8[%get3A_346, %get3A_347] {strides = array<i32>} : memref<200x16xf32, #tpu.memory_space<vmem>>, vector<1x16xf32>,
      %get3A_349 = vector.shape_cast %get3A_348 : vector<1x16xf32> to vector<16xf32>
      %jit3A_350 = arith.constant 0.000000e+00 : f32
      %broadcast_in_dim3A_351 = vector.broadcast %jit3A_350 : f32 to vector<16xf32>
      %select_n3A_352 = arith.select %gt3A_344, %get3A_349, %broadcast_in_dim3A_351 : vector<16xi1>, vector<16xf32>
      %add3A_353 = arith.addf %add3A_338, %select_n3A_352 : vector<16xf32>
      %get3A_354 = arith.constant 18 : i32
      %get3A_355 = arith.index_cast %get3A_354 : i32 to index
      %get3A_356 = arith.constant 0 : index
      %get3A_357 = tpu.vector_load %arg7[%get3A_355, %get3A_356] {strides = array<i32>} : memref<200x16xi32, #tpu.memory_space<vmem>>, vector<1x16xi32>,
      %get3A_358 = vector.shape_cast %get3A_357 : vector<1x16xi32> to vector<16xi32>
      %gt3A_359 = arith.cmpi ugt, %get3A_358, %sub3A_82 : vector<16xi32>
      %get3A_360 = arith.constant 18 : i32
      %get3A_361 = arith.index_cast %get3A_360 : i32 to index
      %get3A_362 = arith.constant 0 : index
      %get3A_363 = tpu.vector_load %arg8[%get3A_361, %get3A_362] {strides = array<i32>} : memref<200x16xf32, #tpu.memory_space<vmem>>, vector<1x16xf32>,
      %get3A_364 = vector.shape_cast %get3A_363 : vector<1x16xf32> to vector<16xf32>
      %jit3A_365 = arith.constant 0.000000e+00 : f32
      %broadcast_in_dim3A_366 = vector.broadcast %jit3A_365 : f32 to vector<16xf32>
      %select_n3A_367 = arith.select %gt3A_359, %get3A_364, %broadcast_in_dim3A_366 : vector<16xi1>, vector<16xf32>
      %add3A_368 = arith.addf %add3A_353, %select_n3A_367 : vector<16xf32>
      %get3A_369 = arith.constant 19 : i32
      %get3A_370 = arith.index_cast %get3A_369 : i32 to index
      %get3A_371 = arith.constant 0 : index
      %get3A_372 = tpu.vector_load %arg7[%get3A_370, %get3A_371] {strides = array<i32>} : memref<200x16xi32, #tpu.memory_space<vmem>>, vector<1x16xi32>,
      %get3A_373 = vector.shape_cast %get3A_372 : vector<1x16xi32> to vector<16xi32>
      %gt3A_374 = arith.cmpi ugt, %get3A_373, %sub3A_82 : vector<16xi32>
      %get3A_375 = arith.constant 19 : i32
      %get3A_376 = arith.index_cast %get3A_375 : i32 to index
      %get3A_377 = arith.constant 0 : index
      %get3A_378 = tpu.vector_load %arg8[%get3A_376, %get3A_377] {strides = array<i32>} : memref<200x16xf32, #tpu.memory_space<vmem>>, vector<1x16xf32>,
      %get3A_379 = vector.shape_cast %get3A_378 : vector<1x16xf32> to vector<16xf32>
      %jit3A_380 = arith.constant 0.000000e+00 : f32
      %broadcast_in_dim3A_381 = vector.broadcast %jit3A_380 : f32 to vector<16xf32>
      %select_n3A_382 = arith.select %gt3A_374, %get3A_379, %broadcast_in_dim3A_381 : vector<16xi1>, vector<16xf32>
      %add3A_383 = arith.addf %add3A_368, %select_n3A_382 : vector<16xf32>
      %get3A_384 = arith.constant 20 : i32
      %get3A_385 = arith.index_cast %get3A_384 : i32 to index
      %get3A_386 = arith.constant 0 : index
      %get3A_387 = tpu.vector_load %arg7[%get3A_385, %get3A_386] {strides = array<i32>} : memref<200x16xi32, #tpu.memory_space<vmem>>, vector<1x16xi32>,
      %get3A_388 = vector.shape_cast %get3A_387 : vector<1x16xi32> to vector<16xi32>
      %gt3A_389 = arith.cmpi ugt, %get3A_388, %sub3A_82 : vector<16xi32>
      %get3A_390 = arith.constant 20 : i32
      %get3A_391 = arith.index_cast %get3A_390 : i32 to index
      %get3A_392 = arith.constant 0 : index
      %get3A_393 = tpu.vector_load %arg8[%get3A_391, %get3A_392] {strides = array<i32>} : memref<200x16xf32, #tpu.memory_space<vmem>>, vector<1x16xf32>,
      %get3A_394 = vector.shape_cast %get3A_393 : vector<1x16xf32> to vector<16xf32>
      %jit3A_395 = arith.constant 0.000000e+00 : f32
      %broadcast_in_dim3A_396 = vector.broadcast %jit3A_395 : f32 to vector<16xf32>
      %select_n3A_397 = arith.select %gt3A_389, %get3A_394, %broadcast_in_dim3A_396 : vector<16xi1>, vector<16xf32>
      %add3A_398 = arith.addf %add3A_383, %select_n3A_397 : vector<16xf32>
      %get3A_399 = arith.constant 21 : i32
      %get3A_400 = arith.index_cast %get3A_399 : i32 to index
      %get3A_401 = arith.constant 0 : index
      %get3A_402 = tpu.vector_load %arg7[%get3A_400, %get3A_401] {strides = array<i32>} : memref<200x16xi32, #tpu.memory_space<vmem>>, vector<1x16xi32>,
      %get3A_403 = vector.shape_cast %get3A_402 : vector<1x16xi32> to vector<16xi32>
      %gt3A_404 = arith.cmpi ugt, %get3A_403, %sub3A_82 : vector<16xi32>
      %get3A_405 = arith.constant 21 : i32
      %get3A_406 = arith.index_cast %get3A_405 : i32 to index
      %get3A_407 = arith.constant 0 : index
      %get3A_408 = tpu.vector_load %arg8[%get3A_406, %get3A_407] {strides = array<i32>} : memref<200x16xf32, #tpu.memory_space<vmem>>, vector<1x16xf32>,
      %get3A_409 = vector.shape_cast %get3A_408 : vector<1x16xf32> to vector<16xf32>
      %jit3A_410 = arith.constant 0.000000e+00 : f32
      %broadcast_in_dim3A_411 = vector.broadcast %jit3A_410 : f32 to vector<16xf32>
      %select_n3A_412 = arith.select %gt3A_404, %get3A_409, %broadcast_in_dim3A_411 : vector<16xi1>, vector<16xf32>
      %add3A_413 = arith.addf %add3A_398, %select_n3A_412 : vector<16xf32>
      %get3A_414 = arith.constant 22 : i32
      %get3A_415 = arith.index_cast %get3A_414 : i32 to index
      %get3A_416 = arith.constant 0 : index
      %get3A_417 = tpu.vector_load %arg7[%get3A_415, %get3A_416] {strides = array<i32>} : memref<200x16xi32, #tpu.memory_space<vmem>>, vector<1x16xi32>,
      %get3A_418 = vector.shape_cast %get3A_417 : vector<1x16xi32> to vector<16xi32>
      %gt3A_419 = arith.cmpi ugt, %get3A_418, %sub3A_82 : vector<16xi32>
      %get3A_420 = arith.constant 22 : i32
      %get3A_421 = arith.index_cast %get3A_420 : i32 to index
      %get3A_422 = arith.constant 0 : index
      %get3A_423 = tpu.vector_load %arg8[%get3A_421, %get3A_422] {strides = array<i32>} : memref<200x16xf32, #tpu.memory_space<vmem>>, vector<1x16xf32>,
      %get3A_424 = vector.shape_cast %get3A_423 : vector<1x16xf32> to vector<16xf32>
      %jit3A_425 = arith.constant 0.000000e+00 : f32
      %broadcast_in_dim3A_426 = vector.broadcast %jit3A_425 : f32 to vector<16xf32>
      %select_n3A_427 = arith.select %gt3A_419, %get3A_424, %broadcast_in_dim3A_426 : vector<16xi1>, vector<16xf32>
      %add3A_428 = arith.addf %add3A_413, %select_n3A_427 : vector<16xf32>
      %get3A_429 = arith.constant 23 : i32
      %get3A_430 = arith.index_cast %get3A_429 : i32 to index
      %get3A_431 = arith.constant 0 : index
      %get3A_432 = tpu.vector_load %arg7[%get3A_430, %get3A_431] {strides = array<i32>} : memref<200x16xi32, #tpu.memory_space<vmem>>, vector<1x16xi32>,
      %get3A_433 = vector.shape_cast %get3A_432 : vector<1x16xi32> to vector<16xi32>
      %gt3A_434 = arith.cmpi ugt, %get3A_433, %sub3A_82 : vector<16xi32>
      %get3A_435 = arith.constant 23 : i32
      %get3A_436 = arith.index_cast %get3A_435 : i32 to index
      %get3A_437 = arith.constant 0 : index
      %get3A_438 = tpu.vector_load %arg8[%get3A_436, %get3A_437] {strides = array<i32>} : memref<200x16xf32, #tpu.memory_space<vmem>>, vector<1x16xf32>,
      %get3A_439 = vector.shape_cast %get3A_438 : vector<1x16xf32> to vector<16xf32>
      %jit3A_440 = arith.constant 0.000000e+00 : f32
      %broadcast_in_dim3A_441 = vector.broadcast %jit3A_440 : f32 to vector<16xf32>
      %select_n3A_442 = arith.select %gt3A_434, %get3A_439, %broadcast_in_dim3A_441 : vector<16xi1>, vector<16xf32>
      %add3A_443 = arith.addf %add3A_428, %select_n3A_442 : vector<16xf32>
      %get3A_444 = arith.constant 24 : i32
      %get3A_445 = arith.index_cast %get3A_444 : i32 to index
      %get3A_446 = arith.constant 0 : index
      %get3A_447 = tpu.vector_load %arg7[%get3A_445, %get3A_446] {strides = array<i32>} : memref<200x16xi32, #tpu.memory_space<vmem>>, vector<1x16xi32>,
      %get3A_448 = vector.shape_cast %get3A_447 : vector<1x16xi32> to vector<16xi32>
      %gt3A_449 = arith.cmpi ugt, %get3A_448, %sub3A_82 : vector<16xi32>
      %get3A_450 = arith.constant 24 : i32
      %get3A_451 = arith.index_cast %get3A_450 : i32 to index
      %get3A_452 = arith.constant 0 : index
      %get3A_453 = tpu.vector_load %arg8[%get3A_451, %get3A_452] {strides = array<i32>} : memref<200x16xf32, #tpu.memory_space<vmem>>, vector<1x16xf32>,
      %get3A_454 = vector.shape_cast %get3A_453 : vector<1x16xf32> to vector<16xf32>
      %jit3A_455 = arith.constant 0.000000e+00 : f32
      %broadcast_in_dim3A_456 = vector.broadcast %jit3A_455 : f32 to vector<16xf32>
      %select_n3A_457 = arith.select %gt3A_449, %get3A_454, %broadcast_in_dim3A_456 : vector<16xi1>, vector<16xf32>
      %add3A_458 = arith.addf %add3A_443, %select_n3A_457 : vector<16xf32>
      %get3A_459 = arith.constant 25 : i32
      %get3A_460 = arith.index_cast %get3A_459 : i32 to index
      %get3A_461 = arith.constant 0 : index
      %get3A_462 = tpu.vector_load %arg7[%get3A_460, %get3A_461] {strides = array<i32>} : memref<200x16xi32, #tpu.memory_space<vmem>>, vector<1x16xi32>,
      %get3A_463 = vector.shape_cast %get3A_462 : vector<1x16xi32> to vector<16xi32>
      %gt3A_464 = arith.cmpi ugt, %get3A_463, %sub3A_82 : vector<16xi32>
      %get3A_465 = arith.constant 25 : i32
      %get3A_466 = arith.index_cast %get3A_465 : i32 to index
      %get3A_467 = arith.constant 0 : index
      %get3A_468 = tpu.vector_load %arg8[%get3A_466, %get3A_467] {strides = array<i32>} : memref<200x16xf32, #tpu.memory_space<vmem>>, vector<1x16xf32>,
      %get3A_469 = vector.shape_cast %get3A_468 : vector<1x16xf32> to vector<16xf32>
      %jit3A_470 = arith.constant 0.000000e+00 : f32
      %broadcast_in_dim3A_471 = vector.broadcast %jit3A_470 : f32 to vector<16xf32>
      %select_n3A_472 = arith.select %gt3A_464, %get3A_469, %broadcast_in_dim3A_471 : vector<16xi1>, vector<16xf32>
      %add3A_473 = arith.addf %add3A_458, %select_n3A_472 : vector<16xf32>
      %get3A_474 = arith.constant 26 : i32
      %get3A_475 = arith.index_cast %get3A_474 : i32 to index
      %get3A_476 = arith.constant 0 : index
      %get3A_477 = tpu.vector_load %arg7[%get3A_475, %get3A_476] {strides = array<i32>} : memref<200x16xi32, #tpu.memory_space<vmem>>, vector<1x16xi32>,
      %get3A_478 = vector.shape_cast %get3A_477 : vector<1x16xi32> to vector<16xi32>
      %gt3A_479 = arith.cmpi ugt, %get3A_478, %sub3A_82 : vector<16xi32>
      %get3A_480 = arith.constant 26 : i32
      %get3A_481 = arith.index_cast %get3A_480 : i32 to index
      %get3A_482 = arith.constant 0 : index
      %get3A_483 = tpu.vector_load %arg8[%get3A_481, %get3A_482] {strides = array<i32>} : memref<200x16xf32, #tpu.memory_space<vmem>>, vector<1x16xf32>,
      %get3A_484 = vector.shape_cast %get3A_483 : vector<1x16xf32> to vector<16xf32>
      %jit3A_485 = arith.constant 0.000000e+00 : f32
      %broadcast_in_dim3A_486 = vector.broadcast %jit3A_485 : f32 to vector<16xf32>
      %select_n3A_487 = arith.select %gt3A_479, %get3A_484, %broadcast_in_dim3A_486 : vector<16xi1>, vector<16xf32>
      %add3A_488 = arith.addf %add3A_473, %select_n3A_487 : vector<16xf32>
      %get3A_489 = arith.constant 27 : i32
      %get3A_490 = arith.index_cast %get3A_489 : i32 to index
      %get3A_491 = arith.constant 0 : index
      %get3A_492 = tpu.vector_load %arg7[%get3A_490, %get3A_491] {strides = array<i32>} : memref<200x16xi32, #tpu.memory_space<vmem>>, vector<1x16xi32>,
      %get3A_493 = vector.shape_cast %get3A_492 : vector<1x16xi32> to vector<16xi32>
      %gt3A_494 = arith.cmpi ugt, %get3A_493, %sub3A_82 : vector<16xi32>
      %get3A_495 = arith.constant 27 : i32
      %get3A_496 = arith.index_cast %get3A_495 : i32 to index
      %get3A_497 = arith.constant 0 : index
      %get3A_498 = tpu.vector_load %arg8[%get3A_496, %get3A_497] {strides = array<i32>} : memref<200x16xf32, #tpu.memory_space<vmem>>, vector<1x16xf32>,
      %get3A_499 = vector.shape_cast %get3A_498 : vector<1x16xf32> to vector<16xf32>
      %jit3A_500 = arith.constant 0.000000e+00 : f32
      %broadcast_in_dim3A_501 = vector.broadcast %jit3A_500 : f32 to vector<16xf32>
      %select_n3A_502 = arith.select %gt3A_494, %get3A_499, %broadcast_in_dim3A_501 : vector<16xi1>, vector<16xf32>
      %add3A_503 = arith.addf %add3A_488, %select_n3A_502 : vector<16xf32>
      %get3A_504 = arith.constant 28 : i32
      %get3A_505 = arith.index_cast %get3A_504 : i32 to index
      %get3A_506 = arith.constant 0 : index
      %get3A_507 = tpu.vector_load %arg7[%get3A_505, %get3A_506] {strides = array<i32>} : memref<200x16xi32, #tpu.memory_space<vmem>>, vector<1x16xi32>,
      %get3A_508 = vector.shape_cast %get3A_507 : vector<1x16xi32> to vector<16xi32>
      %gt3A_509 = arith.cmpi ugt, %get3A_508, %sub3A_82 : vector<16xi32>
      %get3A_510 = arith.constant 28 : i32
      %get3A_511 = arith.index_cast %get3A_510 : i32 to index
      %get3A_512 = arith.constant 0 : index
      %get3A_513 = tpu.vector_load %arg8[%get3A_511, %get3A_512] {strides = array<i32>} : memref<200x16xf32, #tpu.memory_space<vmem>>, vector<1x16xf32>,
      %get3A_514 = vector.shape_cast %get3A_513 : vector<1x16xf32> to vector<16xf32>
      %jit3A_515 = arith.constant 0.000000e+00 : f32
      %broadcast_in_dim3A_516 = vector.broadcast %jit3A_515 : f32 to vector<16xf32>
      %select_n3A_517 = arith.select %gt3A_509, %get3A_514, %broadcast_in_dim3A_516 : vector<16xi1>, vector<16xf32>
      %add3A_518 = arith.addf %add3A_503, %select_n3A_517 : vector<16xf32>
      %get3A_519 = arith.constant 29 : i32
      %get3A_520 = arith.index_cast %get3A_519 : i32 to index
      %get3A_521 = arith.constant 0 : index
      %get3A_522 = tpu.vector_load %arg7[%get3A_520, %get3A_521] {strides = array<i32>} : memref<200x16xi32, #tpu.memory_space<vmem>>, vector<1x16xi32>,
      %get3A_523 = vector.shape_cast %get3A_522 : vector<1x16xi32> to vector<16xi32>
      %gt3A_524 = arith.cmpi ugt, %get3A_523, %sub3A_82 : vector<16xi32>
      %get3A_525 = arith.constant 29 : i32
      %get3A_526 = arith.index_cast %get3A_525 : i32 to index
      %get3A_527 = arith.constant 0 : index
      %get3A_528 = tpu.vector_load %arg8[%get3A_526, %get3A_527] {strides = array<i32>} : memref<200x16xf32, #tpu.memory_space<vmem>>, vector<1x16xf32>,
      %get3A_529 = vector.shape_cast %get3A_528 : vector<1x16xf32> to vector<16xf32>
      %jit3A_530 = arith.constant 0.000000e+00 : f32
      %broadcast_in_dim3A_531 = vector.broadcast %jit3A_530 : f32 to vector<16xf32>
      %select_n3A_532 = arith.select %gt3A_524, %get3A_529, %broadcast_in_dim3A_531 : vector<16xi1>, vector<16xf32>
      %add3A_533 = arith.addf %add3A_518, %select_n3A_532 : vector<16xf32>
      %get3A_534 = arith.constant 30 : i32
      %get3A_535 = arith.index_cast %get3A_534 : i32 to index
      %get3A_536 = arith.constant 0 : index
      %get3A_537 = tpu.vector_load %arg7[%get3A_535, %get3A_536] {strides = array<i32>} : memref<200x16xi32, #tpu.memory_space<vmem>>, vector<1x16xi32>,
      %get3A_538 = vector.shape_cast %get3A_537 : vector<1x16xi32> to vector<16xi32>
      %gt3A_539 = arith.cmpi ugt, %get3A_538, %sub3A_82 : vector<16xi32>
      %get3A_540 = arith.constant 30 : i32
      %get3A_541 = arith.index_cast %get3A_540 : i32 to index
      %get3A_542 = arith.constant 0 : index
      %get3A_543 = tpu.vector_load %arg8[%get3A_541, %get3A_542] {strides = array<i32>} : memref<200x16xf32, #tpu.memory_space<vmem>>, vector<1x16xf32>,
      %get3A_544 = vector.shape_cast %get3A_543 : vector<1x16xf32> to vector<16xf32>
      %jit3A_545 = arith.constant 0.000000e+00 : f32
      %broadcast_in_dim3A_546 = vector.broadcast %jit3A_545 : f32 to vector<16xf32>
      %select_n3A_547 = arith.select %gt3A_539, %get3A_544, %broadcast_in_dim3A_546 : vector<16xi1>, vector<16xf32>
      %add3A_548 = arith.addf %add3A_533, %select_n3A_547 : vector<16xf32>
      %get3A_549 = arith.constant 31 : i32
      %get3A_550 = arith.index_cast %get3A_549 : i32 to index
      %get3A_551 = arith.constant 0 : index
      %get3A_552 = tpu.vector_load %arg7[%get3A_550, %get3A_551] {strides = array<i32>} : memref<200x16xi32, #tpu.memory_space<vmem>>, vector<1x16xi32>,
      %get3A_553 = vector.shape_cast %get3A_552 : vector<1x16xi32> to vector<16xi32>
      %gt3A_554 = arith.cmpi ugt, %get3A_553, %sub3A_82 : vector<16xi32>
      %get3A_555 = arith.constant 31 : i32
      %get3A_556 = arith.index_cast %get3A_555 : i32 to index
      %get3A_557 = arith.constant 0 : index
      %get3A_558 = tpu.vector_load %arg8[%get3A_556, %get3A_557] {strides = array<i32>} : memref<200x16xf32, #tpu.memory_space<vmem>>, vector<1x16xf32>,
      %get3A_559 = vector.shape_cast %get3A_558 : vector<1x16xf32> to vector<16xf32>
      %jit3A_560 = arith.constant 0.000000e+00 : f32
      %broadcast_in_dim3A_561 = vector.broadcast %jit3A_560 : f32 to vector<16xf32>
      %select_n3A_562 = arith.select %gt3A_554, %get3A_559, %broadcast_in_dim3A_561 : vector<16xi1>, vector<16xf32>
      %add3A_563 = arith.addf %add3A_548, %select_n3A_562 : vector<16xf32>
      %get3A_564 = arith.constant 32 : i32
      %get3A_565 = arith.index_cast %get3A_564 : i32 to index
      %get3A_566 = arith.constant 0 : index
      %get3A_567 = tpu.vector_load %arg7[%get3A_565, %get3A_566] {strides = array<i32>} : memref<200x16xi32, #tpu.memory_space<vmem>>, vector<1x16xi32>,
      %get3A_568 = vector.shape_cast %get3A_567 : vector<1x16xi32> to vector<16xi32>
      %gt3A_569 = arith.cmpi ugt, %get3A_568, %sub3A_82 : vector<16xi32>
      %get3A_570 = arith.constant 32 : i32
      %get3A_571 = arith.index_cast %get3A_570 : i32 to index
      %get3A_572 = arith.constant 0 : index
      %get3A_573 = tpu.vector_load %arg8[%get3A_571, %get3A_572] {strides = array<i32>} : memref<200x16xf32, #tpu.memory_space<vmem>>, vector<1x16xf32>,
      %get3A_574 = vector.shape_cast %get3A_573 : vector<1x16xf32> to vector<16xf32>
      %jit3A_575 = arith.constant 0.000000e+00 : f32
      %broadcast_in_dim3A_576 = vector.broadcast %jit3A_575 : f32 to vector<16xf32>
      %select_n3A_577 = arith.select %gt3A_569, %get3A_574, %broadcast_in_dim3A_576 : vector<16xi1>, vector<16xf32>
      %add3A_578 = arith.addf %add3A_563, %select_n3A_577 : vector<16xf32>
      %get3A_579 = arith.constant 33 : i32
      %get3A_580 = arith.index_cast %get3A_579 : i32 to index
      %get3A_581 = arith.constant 0 : index
      %get3A_582 = tpu.vector_load %arg7[%get3A_580, %get3A_581] {strides = array<i32>} : memref<200x16xi32, #tpu.memory_space<vmem>>, vector<1x16xi32>,
      %get3A_583 = vector.shape_cast %get3A_582 : vector<1x16xi32> to vector<16xi32>
      %gt3A_584 = arith.cmpi ugt, %get3A_583, %sub3A_82 : vector<16xi32>
      %get3A_585 = arith.constant 33 : i32
      %get3A_586 = arith.index_cast %get3A_585 : i32 to index
      %get3A_587 = arith.constant 0 : index
      %get3A_588 = tpu.vector_load %arg8[%get3A_586, %get3A_587] {strides = array<i32>} : memref<200x16xf32, #tpu.memory_space<vmem>>, vector<1x16xf32>,
      %get3A_589 = vector.shape_cast %get3A_588 : vector<1x16xf32> to vector<16xf32>
      %jit3A_590 = arith.constant 0.000000e+00 : f32
      %broadcast_in_dim3A_591 = vector.broadcast %jit3A_590 : f32 to vector<16xf32>
      %select_n3A_592 = arith.select %gt3A_584, %get3A_589, %broadcast_in_dim3A_591 : vector<16xi1>, vector<16xf32>
      %add3A_593 = arith.addf %add3A_578, %select_n3A_592 : vector<16xf32>
      %get3A_594 = arith.constant 34 : i32
      %get3A_595 = arith.index_cast %get3A_594 : i32 to index
      %get3A_596 = arith.constant 0 : index
      %get3A_597 = tpu.vector_load %arg7[%get3A_595, %get3A_596] {strides = array<i32>} : memref<200x16xi32, #tpu.memory_space<vmem>>, vector<1x16xi32>,
      %get3A_598 = vector.shape_cast %get3A_597 : vector<1x16xi32> to vector<16xi32>
      %gt3A_599 = arith.cmpi ugt, %get3A_598, %sub3A_82 : vector<16xi32>
      %get3A_600 = arith.constant 34 : i32
      %get3A_601 = arith.index_cast %get3A_600 : i32 to index
      %get3A_602 = arith.constant 0 : index
      %get3A_603 = tpu.vector_load %arg8[%get3A_601, %get3A_602] {strides = array<i32>} : memref<200x16xf32, #tpu.memory_space<vmem>>, vector<1x16xf32>,
      %get3A_604 = vector.shape_cast %get3A_603 : vector<1x16xf32> to vector<16xf32>
      %jit3A_605 = arith.constant 0.000000e+00 : f32
      %broadcast_in_dim3A_606 = vector.broadcast %jit3A_605 : f32 to vector<16xf32>
      %select_n3A_607 = arith.select %gt3A_599, %get3A_604, %broadcast_in_dim3A_606 : vector<16xi1>, vector<16xf32>
      %add3A_608 = arith.addf %add3A_593, %select_n3A_607 : vector<16xf32>
      %get3A_609 = arith.constant 35 : i32
      %get3A_610 = arith.index_cast %get3A_609 : i32 to index
      %get3A_611 = arith.constant 0 : index
      %get3A_612 = tpu.vector_load %arg7[%get3A_610, %get3A_611] {strides = array<i32>} : memref<200x16xi32, #tpu.memory_space<vmem>>, vector<1x16xi32>,
      %get3A_613 = vector.shape_cast %get3A_612 : vector<1x16xi32> to vector<16xi32>
      %gt3A_614 = arith.cmpi ugt, %get3A_613, %sub3A_82 : vector<16xi32>
      %get3A_615 = arith.constant 35 : i32
      %get3A_616 = arith.index_cast %get3A_615 : i32 to index
      %get3A_617 = arith.constant 0 : index
      %get3A_618 = tpu.vector_load %arg8[%get3A_616, %get3A_617] {strides = array<i32>} : memref<200x16xf32, #tpu.memory_space<vmem>>, vector<1x16xf32>,
      %get3A_619 = vector.shape_cast %get3A_618 : vector<1x16xf32> to vector<16xf32>
      %jit3A_620 = arith.constant 0.000000e+00 : f32
      %broadcast_in_dim3A_621 = vector.broadcast %jit3A_620 : f32 to vector<16xf32>
      %select_n3A_622 = arith.select %gt3A_614, %get3A_619, %broadcast_in_dim3A_621 : vector<16xi1>, vector<16xf32>
      %add3A_623 = arith.addf %add3A_608, %select_n3A_622 : vector<16xf32>
      %get3A_624 = arith.constant 36 : i32
      %get3A_625 = arith.index_cast %get3A_624 : i32 to index
      %get3A_626 = arith.constant 0 : index
      %get3A_627 = tpu.vector_load %arg7[%get3A_625, %get3A_626] {strides = array<i32>} : memref<200x16xi32, #tpu.memory_space<vmem>>, vector<1x16xi32>,
      %get3A_628 = vector.shape_cast %get3A_627 : vector<1x16xi32> to vector<16xi32>
      %gt3A_629 = arith.cmpi ugt, %get3A_628, %sub3A_82 : vector<16xi32>
      %get3A_630 = arith.constant 36 : i32
      %get3A_631 = arith.index_cast %get3A_630 : i32 to index
      %get3A_632 = arith.constant 0 : index
      %get3A_633 = tpu.vector_load %arg8[%get3A_631, %get3A_632] {strides = array<i32>} : memref<200x16xf32, #tpu.memory_space<vmem>>, vector<1x16xf32>,
      %get3A_634 = vector.shape_cast %get3A_633 : vector<1x16xf32> to vector<16xf32>
      %jit3A_635 = arith.constant 0.000000e+00 : f32
      %broadcast_in_dim3A_636 = vector.broadcast %jit3A_635 : f32 to vector<16xf32>
      %select_n3A_637 = arith.select %gt3A_629, %get3A_634, %broadcast_in_dim3A_636 : vector<16xi1>, vector<16xf32>
      %add3A_638 = arith.addf %add3A_623, %select_n3A_637 : vector<16xf32>
      %get3A_639 = arith.constant 37 : i32
      %get3A_640 = arith.index_cast %get3A_639 : i32 to index
      %get3A_641 = arith.constant 0 : index
      %get3A_642 = tpu.vector_load %arg7[%get3A_640, %get3A_641] {strides = array<i32>} : memref<200x16xi32, #tpu.memory_space<vmem>>, vector<1x16xi32>,
      %get3A_643 = vector.shape_cast %get3A_642 : vector<1x16xi32> to vector<16xi32>
      %gt3A_644 = arith.cmpi ugt, %get3A_643, %sub3A_82 : vector<16xi32>
      %get3A_645 = arith.constant 37 : i32
      %get3A_646 = arith.index_cast %get3A_645 : i32 to index
      %get3A_647 = arith.constant 0 : index
      %get3A_648 = tpu.vector_load %arg8[%get3A_646, %get3A_647] {strides = array<i32>} : memref<200x16xf32, #tpu.memory_space<vmem>>, vector<1x16xf32>,
      %get3A_649 = vector.shape_cast %get3A_648 : vector<1x16xf32> to vector<16xf32>
      %jit3A_650 = arith.constant 0.000000e+00 : f32
      %broadcast_in_dim3A_651 = vector.broadcast %jit3A_650 : f32 to vector<16xf32>
      %select_n3A_652 = arith.select %gt3A_644, %get3A_649, %broadcast_in_dim3A_651 : vector<16xi1>, vector<16xf32>
      %add3A_653 = arith.addf %add3A_638, %select_n3A_652 : vector<16xf32>
      %get3A_654 = arith.constant 38 : i32
      %get3A_655 = arith.index_cast %get3A_654 : i32 to index
      %get3A_656 = arith.constant 0 : index
      %get3A_657 = tpu.vector_load %arg7[%get3A_655, %get3A_656] {strides = array<i32>} : memref<200x16xi32, #tpu.memory_space<vmem>>, vector<1x16xi32>,
      %get3A_658 = vector.shape_cast %get3A_657 : vector<1x16xi32> to vector<16xi32>
      %gt3A_659 = arith.cmpi ugt, %get3A_658, %sub3A_82 : vector<16xi32>
      %get3A_660 = arith.constant 38 : i32
      %get3A_661 = arith.index_cast %get3A_660 : i32 to index
      %get3A_662 = arith.constant 0 : index
      %get3A_663 = tpu.vector_load %arg8[%get3A_661, %get3A_662] {strides = array<i32>} : memref<200x16xf32, #tpu.memory_space<vmem>>, vector<1x16xf32>,
      %get3A_664 = vector.shape_cast %get3A_663 : vector<1x16xf32> to vector<16xf32>
      %jit3A_665 = arith.constant 0.000000e+00 : f32
      %broadcast_in_dim3A_666 = vector.broadcast %jit3A_665 : f32 to vector<16xf32>
      %select_n3A_667 = arith.select %gt3A_659, %get3A_664, %broadcast_in_dim3A_666 : vector<16xi1>, vector<16xf32>
      %add3A_668 = arith.addf %add3A_653, %select_n3A_667 : vector<16xf32>
      %get3A_669 = arith.constant 39 : i32
      %get3A_670 = arith.index_cast %get3A_669 : i32 to index
      %get3A_671 = arith.constant 0 : index
      %get3A_672 = tpu.vector_load %arg7[%get3A_670, %get3A_671] {strides = array<i32>} : memref<200x16xi32, #tpu.memory_space<vmem>>, vector<1x16xi32>,
      %get3A_673 = vector.shape_cast %get3A_672 : vector<1x16xi32> to vector<16xi32>
      %gt3A_674 = arith.cmpi ugt, %get3A_673, %sub3A_82 : vector<16xi32>
      %get3A_675 = arith.constant 39 : i32
      %get3A_676 = arith.index_cast %get3A_675 : i32 to index
      %get3A_677 = arith.constant 0 : index
      %get3A_678 = tpu.vector_load %arg8[%get3A_676, %get3A_677] {strides = array<i32>} : memref<200x16xf32, #tpu.memory_space<vmem>>, vector<1x16xf32>,
      %get3A_679 = vector.shape_cast %get3A_678 : vector<1x16xf32> to vector<16xf32>
      %jit3A_680 = arith.constant 0.000000e+00 : f32
      %broadcast_in_dim3A_681 = vector.broadcast %jit3A_680 : f32 to vector<16xf32>
      %select_n3A_682 = arith.select %gt3A_674, %get3A_679, %broadcast_in_dim3A_681 : vector<16xi1>, vector<16xf32>
      %add3A_683 = arith.addf %add3A_668, %select_n3A_682 : vector<16xf32>
      %get3A_684 = arith.constant 40 : i32
      %get3A_685 = arith.index_cast %get3A_684 : i32 to index
      %get3A_686 = arith.constant 0 : index
      %get3A_687 = tpu.vector_load %arg7[%get3A_685, %get3A_686] {strides = array<i32>} : memref<200x16xi32, #tpu.memory_space<vmem>>, vector<1x16xi32>,
      %get3A_688 = vector.shape_cast %get3A_687 : vector<1x16xi32> to vector<16xi32>
      %gt3A_689 = arith.cmpi ugt, %get3A_688, %sub3A_82 : vector<16xi32>
      %get3A_690 = arith.constant 40 : i32
      %get3A_691 = arith.index_cast %get3A_690 : i32 to index
      %get3A_692 = arith.constant 0 : index
      %get3A_693 = tpu.vector_load %arg8[%get3A_691, %get3A_692] {strides = array<i32>} : memref<200x16xf32, #tpu.memory_space<vmem>>, vector<1x16xf32>,
      %get3A_694 = vector.shape_cast %get3A_693 : vector<1x16xf32> to vector<16xf32>
      %jit3A_695 = arith.constant 0.000000e+00 : f32
      %broadcast_in_dim3A_696 = vector.broadcast %jit3A_695 : f32 to vector<16xf32>
      %select_n3A_697 = arith.select %gt3A_689, %get3A_694, %broadcast_in_dim3A_696 : vector<16xi1>, vector<16xf32>
      %add3A_698 = arith.addf %add3A_683, %select_n3A_697 : vector<16xf32>
      %get3A_699 = arith.constant 41 : i32
      %get3A_700 = arith.index_cast %get3A_699 : i32 to index
      %get3A_701 = arith.constant 0 : index
      %get3A_702 = tpu.vector_load %arg7[%get3A_700, %get3A_701] {strides = array<i32>} : memref<200x16xi32, #tpu.memory_space<vmem>>, vector<1x16xi32>,
      %get3A_703 = vector.shape_cast %get3A_702 : vector<1x16xi32> to vector<16xi32>
      %gt3A_704 = arith.cmpi ugt, %get3A_703, %sub3A_82 : vector<16xi32>
      %get3A_705 = arith.constant 41 : i32
      %get3A_706 = arith.index_cast %get3A_705 : i32 to index
      %get3A_707 = arith.constant 0 : index
      %get3A_708 = tpu.vector_load %arg8[%get3A_706, %get3A_707] {strides = array<i32>} : memref<200x16xf32, #tpu.memory_space<vmem>>, vector<1x16xf32>,
      %get3A_709 = vector.shape_cast %get3A_708 : vector<1x16xf32> to vector<16xf32>
      %jit3A_710 = arith.constant 0.000000e+00 : f32
      %broadcast_in_dim3A_711 = vector.broadcast %jit3A_710 : f32 to vector<16xf32>
      %select_n3A_712 = arith.select %gt3A_704, %get3A_709, %broadcast_in_dim3A_711 : vector<16xi1>, vector<16xf32>
      %add3A_713 = arith.addf %add3A_698, %select_n3A_712 : vector<16xf32>
      %get3A_714 = arith.constant 42 : i32
      %get3A_715 = arith.index_cast %get3A_714 : i32 to index
      %get3A_716 = arith.constant 0 : index
      %get3A_717 = tpu.vector_load %arg7[%get3A_715, %get3A_716] {strides = array<i32>} : memref<200x16xi32, #tpu.memory_space<vmem>>, vector<1x16xi32>,
      %get3A_718 = vector.shape_cast %get3A_717 : vector<1x16xi32> to vector<16xi32>
      %gt3A_719 = arith.cmpi ugt, %get3A_718, %sub3A_82 : vector<16xi32>
      %get3A_720 = arith.constant 42 : i32
      %get3A_721 = arith.index_cast %get3A_720 : i32 to index
      %get3A_722 = arith.constant 0 : index
      %get3A_723 = tpu.vector_load %arg8[%get3A_721, %get3A_722] {strides = array<i32>} : memref<200x16xf32, #tpu.memory_space<vmem>>, vector<1x16xf32>,
      %get3A_724 = vector.shape_cast %get3A_723 : vector<1x16xf32> to vector<16xf32>
      %jit3A_725 = arith.constant 0.000000e+00 : f32
      %broadcast_in_dim3A_726 = vector.broadcast %jit3A_725 : f32 to vector<16xf32>
      %select_n3A_727 = arith.select %gt3A_719, %get3A_724, %broadcast_in_dim3A_726 : vector<16xi1>, vector<16xf32>
      %add3A_728 = arith.addf %add3A_713, %select_n3A_727 : vector<16xf32>
      %get3A_729 = arith.constant 43 : i32
      %get3A_730 = arith.index_cast %get3A_729 : i32 to index
      %get3A_731 = arith.constant 0 : index
      %get3A_732 = tpu.vector_load %arg7[%get3A_730, %get3A_731] {strides = array<i32>} : memref<200x16xi32, #tpu.memory_space<vmem>>, vector<1x16xi32>,
      %get3A_733 = vector.shape_cast %get3A_732 : vector<1x16xi32> to vector<16xi32>
      %gt3A_734 = arith.cmpi ugt, %get3A_733, %sub3A_82 : vector<16xi32>
      %get3A_735 = arith.constant 43 : i32
      %get3A_736 = arith.index_cast %get3A_735 : i32 to index
      %get3A_737 = arith.constant 0 : index
      %get3A_738 = tpu.vector_load %arg8[%get3A_736, %get3A_737] {strides = array<i32>} : memref<200x16xf32, #tpu.memory_space<vmem>>, vector<1x16xf32>,
      %get3A_739 = vector.shape_cast %get3A_738 : vector<1x16xf32> to vector<16xf32>
      %jit3A_740 = arith.constant 0.000000e+00 : f32
      %broadcast_in_dim3A_741 = vector.broadcast %jit3A_740 : f32 to vector<16xf32>
      %select_n3A_742 = arith.select %gt3A_734, %get3A_739, %broadcast_in_dim3A_741 : vector<16xi1>, vector<16xf32>
      %add3A_743 = arith.addf %add3A_728, %select_n3A_742 : vector<16xf32>
      %get3A_744 = arith.constant 44 : i32
      %get3A_745 = arith.index_cast %get3A_744 : i32 to index
      %get3A_746 = arith.constant 0 : index
      %get3A_747 = tpu.vector_load %arg7[%get3A_745, %get3A_746] {strides = array<i32>} : memref<200x16xi32, #tpu.memory_space<vmem>>, vector<1x16xi32>,
      %get3A_748 = vector.shape_cast %get3A_747 : vector<1x16xi32> to vector<16xi32>
      %gt3A_749 = arith.cmpi ugt, %get3A_748, %sub3A_82 : vector<16xi32>
      %get3A_750 = arith.constant 44 : i32
      %get3A_751 = arith.index_cast %get3A_750 : i32 to index
      %get3A_752 = arith.constant 0 : index
      %get3A_753 = tpu.vector_load %arg8[%get3A_751, %get3A_752] {strides = array<i32>} : memref<200x16xf32, #tpu.memory_space<vmem>>, vector<1x16xf32>,
      %get3A_754 = vector.shape_cast %get3A_753 : vector<1x16xf32> to vector<16xf32>
      %jit3A_755 = arith.constant 0.000000e+00 : f32
      %broadcast_in_dim3A_756 = vector.broadcast %jit3A_755 : f32 to vector<16xf32>
      %select_n3A_757 = arith.select %gt3A_749, %get3A_754, %broadcast_in_dim3A_756 : vector<16xi1>, vector<16xf32>
      %add3A_758 = arith.addf %add3A_743, %select_n3A_757 : vector<16xf32>
      %get3A_759 = arith.constant 45 : i32
      %get3A_760 = arith.index_cast %get3A_759 : i32 to index
      %get3A_761 = arith.constant 0 : index
      %get3A_762 = tpu.vector_load %arg7[%get3A_760, %get3A_761] {strides = array<i32>} : memref<200x16xi32, #tpu.memory_space<vmem>>, vector<1x16xi32>,
      %get3A_763 = vector.shape_cast %get3A_762 : vector<1x16xi32> to vector<16xi32>
      %gt3A_764 = arith.cmpi ugt, %get3A_763, %sub3A_82 : vector<16xi32>
      %get3A_765 = arith.constant 45 : i32
      %get3A_766 = arith.index_cast %get3A_765 : i32 to index
      %get3A_767 = arith.constant 0 : index
      %get3A_768 = tpu.vector_load %arg8[%get3A_766, %get3A_767] {strides = array<i32>} : memref<200x16xf32, #tpu.memory_space<vmem>>, vector<1x16xf32>,
      %get3A_769 = vector.shape_cast %get3A_768 : vector<1x16xf32> to vector<16xf32>
      %jit3A_770 = arith.constant 0.000000e+00 : f32
      %broadcast_in_dim3A_771 = vector.broadcast %jit3A_770 : f32 to vector<16xf32>
      %select_n3A_772 = arith.select %gt3A_764, %get3A_769, %broadcast_in_dim3A_771 : vector<16xi1>, vector<16xf32>
      %add3A_773 = arith.addf %add3A_758, %select_n3A_772 : vector<16xf32>
      %get3A_774 = arith.constant 46 : i32
      %get3A_775 = arith.index_cast %get3A_774 : i32 to index
      %get3A_776 = arith.constant 0 : index
      %get3A_777 = tpu.vector_load %arg7[%get3A_775, %get3A_776] {strides = array<i32>} : memref<200x16xi32, #tpu.memory_space<vmem>>, vector<1x16xi32>,
      %get3A_778 = vector.shape_cast %get3A_777 : vector<1x16xi32> to vector<16xi32>
      %gt3A_779 = arith.cmpi ugt, %get3A_778, %sub3A_82 : vector<16xi32>
      %get3A_780 = arith.constant 46 : i32
      %get3A_781 = arith.index_cast %get3A_780 : i32 to index
      %get3A_782 = arith.constant 0 : index
      %get3A_783 = tpu.vector_load %arg8[%get3A_781, %get3A_782] {strides = array<i32>} : memref<200x16xf32, #tpu.memory_space<vmem>>, vector<1x16xf32>,
      %get3A_784 = vector.shape_cast %get3A_783 : vector<1x16xf32> to vector<16xf32>
      %jit3A_785 = arith.constant 0.000000e+00 : f32
      %broadcast_in_dim3A_786 = vector.broadcast %jit3A_785 : f32 to vector<16xf32>
      %select_n3A_787 = arith.select %gt3A_779, %get3A_784, %broadcast_in_dim3A_786 : vector<16xi1>, vector<16xf32>
      %add3A_788 = arith.addf %add3A_773, %select_n3A_787 : vector<16xf32>
      %get3A_789 = arith.constant 47 : i32
      %get3A_790 = arith.index_cast %get3A_789 : i32 to index
      %get3A_791 = arith.constant 0 : index
      %get3A_792 = tpu.vector_load %arg7[%get3A_790, %get3A_791] {strides = array<i32>} : memref<200x16xi32, #tpu.memory_space<vmem>>, vector<1x16xi32>,
      %get3A_793 = vector.shape_cast %get3A_792 : vector<1x16xi32> to vector<16xi32>
      %gt3A_794 = arith.cmpi ugt, %get3A_793, %sub3A_82 : vector<16xi32>
      %get3A_795 = arith.constant 47 : i32
      %get3A_796 = arith.index_cast %get3A_795 : i32 to index
      %get3A_797 = arith.constant 0 : index
      %get3A_798 = tpu.vector_load %arg8[%get3A_796, %get3A_797] {strides = array<i32>} : memref<200x16xf32, #tpu.memory_space<vmem>>, vector<1x16xf32>,
      %get3A_799 = vector.shape_cast %get3A_798 : vector<1x16xf32> to vector<16xf32>
      %jit3A_800 = arith.constant 0.000000e+00 : f32
      %broadcast_in_dim3A_801 = vector.broadcast %jit3A_800 : f32 to vector<16xf32>
      %select_n3A_802 = arith.select %gt3A_794, %get3A_799, %broadcast_in_dim3A_801 : vector<16xi1>, vector<16xf32>
      %add3A_803 = arith.addf %add3A_788, %select_n3A_802 : vector<16xf32>
      %get3A_804 = arith.constant 48 : i32
      %get3A_805 = arith.index_cast %get3A_804 : i32 to index
      %get3A_806 = arith.constant 0 : index
      %get3A_807 = tpu.vector_load %arg7[%get3A_805, %get3A_806] {strides = array<i32>} : memref<200x16xi32, #tpu.memory_space<vmem>>, vector<1x16xi32>,
      %get3A_808 = vector.shape_cast %get3A_807 : vector<1x16xi32> to vector<16xi32>
      %gt3A_809 = arith.cmpi ugt, %get3A_808, %sub3A_82 : vector<16xi32>
      %get3A_810 = arith.constant 48 : i32
      %get3A_811 = arith.index_cast %get3A_810 : i32 to index
      %get3A_812 = arith.constant 0 : index
      %get3A_813 = tpu.vector_load %arg8[%get3A_811, %get3A_812] {strides = array<i32>} : memref<200x16xf32, #tpu.memory_space<vmem>>, vector<1x16xf32>,
      %get3A_814 = vector.shape_cast %get3A_813 : vector<1x16xf32> to vector<16xf32>
      %jit3A_815 = arith.constant 0.000000e+00 : f32
      %broadcast_in_dim3A_816 = vector.broadcast %jit3A_815 : f32 to vector<16xf32>
      %select_n3A_817 = arith.select %gt3A_809, %get3A_814, %broadcast_in_dim3A_816 : vector<16xi1>, vector<16xf32>
      %add3A_818 = arith.addf %add3A_803, %select_n3A_817 : vector<16xf32>
      %get3A_819 = arith.constant 49 : i32
      %get3A_820 = arith.index_cast %get3A_819 : i32 to index
      %get3A_821 = arith.constant 0 : index
      %get3A_822 = tpu.vector_load %arg7[%get3A_820, %get3A_821] {strides = array<i32>} : memref<200x16xi32, #tpu.memory_space<vmem>>, vector<1x16xi32>,
      %get3A_823 = vector.shape_cast %get3A_822 : vector<1x16xi32> to vector<16xi32>
      %gt3A_824 = arith.cmpi ugt, %get3A_823, %sub3A_82 : vector<16xi32>
      %get3A_825 = arith.constant 49 : i32
      %get3A_826 = arith.index_cast %get3A_825 : i32 to index
      %get3A_827 = arith.constant 0 : index
      %get3A_828 = tpu.vector_load %arg8[%get3A_826, %get3A_827] {strides = array<i32>} : memref<200x16xf32, #tpu.memory_space<vmem>>, vector<1x16xf32>,
      %get3A_829 = vector.shape_cast %get3A_828 : vector<1x16xf32> to vector<16xf32>
      %jit3A_830 = arith.constant 0.000000e+00 : f32
      %broadcast_in_dim3A_831 = vector.broadcast %jit3A_830 : f32 to vector<16xf32>
      %select_n3A_832 = arith.select %gt3A_824, %get3A_829, %broadcast_in_dim3A_831 : vector<16xi1>, vector<16xf32>
      %add3A_833 = arith.addf %add3A_818, %select_n3A_832 : vector<16xf32>
      %get3A_834 = arith.constant 50 : i32
      %get3A_835 = arith.index_cast %get3A_834 : i32 to index
      %get3A_836 = arith.constant 0 : index
      %get3A_837 = tpu.vector_load %arg7[%get3A_835, %get3A_836] {strides = array<i32>} : memref<200x16xi32, #tpu.memory_space<vmem>>, vector<1x16xi32>,
      %get3A_838 = vector.shape_cast %get3A_837 : vector<1x16xi32> to vector<16xi32>
      %gt3A_839 = arith.cmpi ugt, %get3A_838, %sub3A_82 : vector<16xi32>
      %get3A_840 = arith.constant 50 : i32
      %get3A_841 = arith.index_cast %get3A_840 : i32 to index
      %get3A_842 = arith.constant 0 : index
      %get3A_843 = tpu.vector_load %arg8[%get3A_841, %get3A_842] {strides = array<i32>} : memref<200x16xf32, #tpu.memory_space<vmem>>, vector<1x16xf32>,
      %get3A_844 = vector.shape_cast %get3A_843 : vector<1x16xf32> to vector<16xf32>
      %jit3A_845 = arith.constant 0.000000e+00 : f32
      %broadcast_in_dim3A_846 = vector.broadcast %jit3A_845 : f32 to vector<16xf32>
      %select_n3A_847 = arith.select %gt3A_839, %get3A_844, %broadcast_in_dim3A_846 : vector<16xi1>, vector<16xf32>
      %add3A_848 = arith.addf %add3A_833, %select_n3A_847 : vector<16xf32>
      %get3A_849 = arith.constant 51 : i32
      %get3A_850 = arith.index_cast %get3A_849 : i32 to index
      %get3A_851 = arith.constant 0 : index
      %get3A_852 = tpu.vector_load %arg7[%get3A_850, %get3A_851] {strides = array<i32>} : memref<200x16xi32, #tpu.memory_space<vmem>>, vector<1x16xi32>,
      %get3A_853 = vector.shape_cast %get3A_852 : vector<1x16xi32> to vector<16xi32>
      %gt3A_854 = arith.cmpi ugt, %get3A_853, %sub3A_82 : vector<16xi32>
      %get3A_855 = arith.constant 51 : i32
      %get3A_856 = arith.index_cast %get3A_855 : i32 to index
      %get3A_857 = arith.constant 0 : index
      %get3A_858 = tpu.vector_load %arg8[%get3A_856, %get3A_857] {strides = array<i32>} : memref<200x16xf32, #tpu.memory_space<vmem>>, vector<1x16xf32>,
      %get3A_859 = vector.shape_cast %get3A_858 : vector<1x16xf32> to vector<16xf32>
      %jit3A_860 = arith.constant 0.000000e+00 : f32
      %broadcast_in_dim3A_861 = vector.broadcast %jit3A_860 : f32 to vector<16xf32>
      %select_n3A_862 = arith.select %gt3A_854, %get3A_859, %broadcast_in_dim3A_861 : vector<16xi1>, vector<16xf32>
      %add3A_863 = arith.addf %add3A_848, %select_n3A_862 : vector<16xf32>
      %get3A_864 = arith.constant 52 : i32
      %get3A_865 = arith.index_cast %get3A_864 : i32 to index
      %get3A_866 = arith.constant 0 : index
      %get3A_867 = tpu.vector_load %arg7[%get3A_865, %get3A_866] {strides = array<i32>} : memref<200x16xi32, #tpu.memory_space<vmem>>, vector<1x16xi32>,
      %get3A_868 = vector.shape_cast %get3A_867 : vector<1x16xi32> to vector<16xi32>
      %gt3A_869 = arith.cmpi ugt, %get3A_868, %sub3A_82 : vector<16xi32>
      %get3A_870 = arith.constant 52 : i32
      %get3A_871 = arith.index_cast %get3A_870 : i32 to index
      %get3A_872 = arith.constant 0 : index
      %get3A_873 = tpu.vector_load %arg8[%get3A_871, %get3A_872] {strides = array<i32>} : memref<200x16xf32, #tpu.memory_space<vmem>>, vector<1x16xf32>,
      %get3A_874 = vector.shape_cast %get3A_873 : vector<1x16xf32> to vector<16xf32>
      %jit3A_875 = arith.constant 0.000000e+00 : f32
      %broadcast_in_dim3A_876 = vector.broadcast %jit3A_875 : f32 to vector<16xf32>
      %select_n3A_877 = arith.select %gt3A_869, %get3A_874, %broadcast_in_dim3A_876 : vector<16xi1>, vector<16xf32>
      %add3A_878 = arith.addf %add3A_863, %select_n3A_877 : vector<16xf32>
      %get3A_879 = arith.constant 53 : i32
      %get3A_880 = arith.index_cast %get3A_879 : i32 to index
      %get3A_881 = arith.constant 0 : index
      %get3A_882 = tpu.vector_load %arg7[%get3A_880, %get3A_881] {strides = array<i32>} : memref<200x16xi32, #tpu.memory_space<vmem>>, vector<1x16xi32>,
      %get3A_883 = vector.shape_cast %get3A_882 : vector<1x16xi32> to vector<16xi32>
      %gt3A_884 = arith.cmpi ugt, %get3A_883, %sub3A_82 : vector<16xi32>
      %get3A_885 = arith.constant 53 : i32
      %get3A_886 = arith.index_cast %get3A_885 : i32 to index
      %get3A_887 = arith.constant 0 : index
      %get3A_888 = tpu.vector_load %arg8[%get3A_886, %get3A_887] {strides = array<i32>} : memref<200x16xf32, #tpu.memory_space<vmem>>, vector<1x16xf32>,
      %get3A_889 = vector.shape_cast %get3A_888 : vector<1x16xf32> to vector<16xf32>
      %jit3A_890 = arith.constant 0.000000e+00 : f32
      %broadcast_in_dim3A_891 = vector.broadcast %jit3A_890 : f32 to vector<16xf32>
      %select_n3A_892 = arith.select %gt3A_884, %get3A_889, %broadcast_in_dim3A_891 : vector<16xi1>, vector<16xf32>
      %add3A_893 = arith.addf %add3A_878, %select_n3A_892 : vector<16xf32>
      %get3A_894 = arith.constant 54 : i32
      %get3A_895 = arith.index_cast %get3A_894 : i32 to index
      %get3A_896 = arith.constant 0 : index
      %get3A_897 = tpu.vector_load %arg7[%get3A_895, %get3A_896] {strides = array<i32>} : memref<200x16xi32, #tpu.memory_space<vmem>>, vector<1x16xi32>,
      %get3A_898 = vector.shape_cast %get3A_897 : vector<1x16xi32> to vector<16xi32>
      %gt3A_899 = arith.cmpi ugt, %get3A_898, %sub3A_82 : vector<16xi32>
      %get3A_900 = arith.constant 54 : i32
      %get3A_901 = arith.index_cast %get3A_900 : i32 to index
      %get3A_902 = arith.constant 0 : index
      %get3A_903 = tpu.vector_load %arg8[%get3A_901, %get3A_902] {strides = array<i32>} : memref<200x16xf32, #tpu.memory_space<vmem>>, vector<1x16xf32>,
      %get3A_904 = vector.shape_cast %get3A_903 : vector<1x16xf32> to vector<16xf32>
      %jit3A_905 = arith.constant 0.000000e+00 : f32
      %broadcast_in_dim3A_906 = vector.broadcast %jit3A_905 : f32 to vector<16xf32>
      %select_n3A_907 = arith.select %gt3A_899, %get3A_904, %broadcast_in_dim3A_906 : vector<16xi1>, vector<16xf32>
      %add3A_908 = arith.addf %add3A_893, %select_n3A_907 : vector<16xf32>
      %get3A_909 = arith.constant 55 : i32
      %get3A_910 = arith.index_cast %get3A_909 : i32 to index
      %get3A_911 = arith.constant 0 : index
      %get3A_912 = tpu.vector_load %arg7[%get3A_910, %get3A_911] {strides = array<i32>} : memref<200x16xi32, #tpu.memory_space<vmem>>, vector<1x16xi32>,
      %get3A_913 = vector.shape_cast %get3A_912 : vector<1x16xi32> to vector<16xi32>
      %gt3A_914 = arith.cmpi ugt, %get3A_913, %sub3A_82 : vector<16xi32>
      %get3A_915 = arith.constant 55 : i32
      %get3A_916 = arith.index_cast %get3A_915 : i32 to index
      %get3A_917 = arith.constant 0 : index
      %get3A_918 = tpu.vector_load %arg8[%get3A_916, %get3A_917] {strides = array<i32>} : memref<200x16xf32, #tpu.memory_space<vmem>>, vector<1x16xf32>,
      %get3A_919 = vector.shape_cast %get3A_918 : vector<1x16xf32> to vector<16xf32>
      %jit3A_920 = arith.constant 0.000000e+00 : f32
      %broadcast_in_dim3A_921 = vector.broadcast %jit3A_920 : f32 to vector<16xf32>
      %select_n3A_922 = arith.select %gt3A_914, %get3A_919, %broadcast_in_dim3A_921 : vector<16xi1>, vector<16xf32>
      %add3A_923 = arith.addf %add3A_908, %select_n3A_922 : vector<16xf32>
      %get3A_924 = arith.constant 56 : i32
      %get3A_925 = arith.index_cast %get3A_924 : i32 to index
      %get3A_926 = arith.constant 0 : index
      %get3A_927 = tpu.vector_load %arg7[%get3A_925, %get3A_926] {strides = array<i32>} : memref<200x16xi32, #tpu.memory_space<vmem>>, vector<1x16xi32>,
      %get3A_928 = vector.shape_cast %get3A_927 : vector<1x16xi32> to vector<16xi32>
      %gt3A_929 = arith.cmpi ugt, %get3A_928, %sub3A_82 : vector<16xi32>
      %get3A_930 = arith.constant 56 : i32
      %get3A_931 = arith.index_cast %get3A_930 : i32 to index
      %get3A_932 = arith.constant 0 : index
      %get3A_933 = tpu.vector_load %arg8[%get3A_931, %get3A_932] {strides = array<i32>} : memref<200x16xf32, #tpu.memory_space<vmem>>, vector<1x16xf32>,
      %get3A_934 = vector.shape_cast %get3A_933 : vector<1x16xf32> to vector<16xf32>
      %jit3A_935 = arith.constant 0.000000e+00 : f32
      %broadcast_in_dim3A_936 = vector.broadcast %jit3A_935 : f32 to vector<16xf32>
      %select_n3A_937 = arith.select %gt3A_929, %get3A_934, %broadcast_in_dim3A_936 : vector<16xi1>, vector<16xf32>
      %add3A_938 = arith.addf %add3A_923, %select_n3A_937 : vector<16xf32>
      %get3A_939 = arith.constant 57 : i32
      %get3A_940 = arith.index_cast %get3A_939 : i32 to index
      %get3A_941 = arith.constant 0 : index
      %get3A_942 = tpu.vector_load %arg7[%get3A_940, %get3A_941] {strides = array<i32>} : memref<200x16xi32, #tpu.memory_space<vmem>>, vector<1x16xi32>,
      %get3A_943 = vector.shape_cast %get3A_942 : vector<1x16xi32> to vector<16xi32>
      %gt3A_944 = arith.cmpi ugt, %get3A_943, %sub3A_82 : vector<16xi32>
      %get3A_945 = arith.constant 57 : i32
      %get3A_946 = arith.index_cast %get3A_945 : i32 to index
      %get3A_947 = arith.constant 0 : index
      %get3A_948 = tpu.vector_load %arg8[%get3A_946, %get3A_947] {strides = array<i32>} : memref<200x16xf32, #tpu.memory_space<vmem>>, vector<1x16xf32>,
      %get3A_949 = vector.shape_cast %get3A_948 : vector<1x16xf32> to vector<16xf32>
      %jit3A_950 = arith.constant 0.000000e+00 : f32
      %broadcast_in_dim3A_951 = vector.broadcast %jit3A_950 : f32 to vector<16xf32>
      %select_n3A_952 = arith.select %gt3A_944, %get3A_949, %broadcast_in_dim3A_951 : vector<16xi1>, vector<16xf32>
      %add3A_953 = arith.addf %add3A_938, %select_n3A_952 : vector<16xf32>
      %get3A_954 = arith.constant 58 : i32
      %get3A_955 = arith.index_cast %get3A_954 : i32 to index
      %get3A_956 = arith.constant 0 : index
      %get3A_957 = tpu.vector_load %arg7[%get3A_955, %get3A_956] {strides = array<i32>} : memref<200x16xi32, #tpu.memory_space<vmem>>, vector<1x16xi32>,
      %get3A_958 = vector.shape_cast %get3A_957 : vector<1x16xi32> to vector<16xi32>
      %gt3A_959 = arith.cmpi ugt, %get3A_958, %sub3A_82 : vector<16xi32>
      %get3A_960 = arith.constant 58 : i32
      %get3A_961 = arith.index_cast %get3A_960 : i32 to index
      %get3A_962 = arith.constant 0 : index
      %get3A_963 = tpu.vector_load %arg8[%get3A_961, %get3A_962] {strides = array<i32>} : memref<200x16xf32, #tpu.memory_space<vmem>>, vector<1x16xf32>,
      %get3A_964 = vector.shape_cast %get3A_963 : vector<1x16xf32> to vector<16xf32>
      %jit3A_965 = arith.constant 0.000000e+00 : f32
      %broadcast_in_dim3A_966 = vector.broadcast %jit3A_965 : f32 to vector<16xf32>
      %select_n3A_967 = arith.select %gt3A_959, %get3A_964, %broadcast_in_dim3A_966 : vector<16xi1>, vector<16xf32>
      %add3A_968 = arith.addf %add3A_953, %select_n3A_967 : vector<16xf32>
      %get3A_969 = arith.constant 59 : i32
      %get3A_970 = arith.index_cast %get3A_969 : i32 to index
      %get3A_971 = arith.constant 0 : index
      %get3A_972 = tpu.vector_load %arg7[%get3A_970, %get3A_971] {strides = array<i32>} : memref<200x16xi32, #tpu.memory_space<vmem>>, vector<1x16xi32>,
      %get3A_973 = vector.shape_cast %get3A_972 : vector<1x16xi32> to vector<16xi32>
      %gt3A_974 = arith.cmpi ugt, %get3A_973, %sub3A_82 : vector<16xi32>
      %get3A_975 = arith.constant 59 : i32
      %get3A_976 = arith.index_cast %get3A_975 : i32 to index
      %get3A_977 = arith.constant 0 : index
      %get3A_978 = tpu.vector_load %arg8[%get3A_976, %get3A_977] {strides = array<i32>} : memref<200x16xf32, #tpu.memory_space<vmem>>, vector<1x16xf32>,
      %get3A_979 = vector.shape_cast %get3A_978 : vector<1x16xf32> to vector<16xf32>
      %jit3A_980 = arith.constant 0.000000e+00 : f32
      %broadcast_in_dim3A_981 = vector.broadcast %jit3A_980 : f32 to vector<16xf32>
      %select_n3A_982 = arith.select %gt3A_974, %get3A_979, %broadcast_in_dim3A_981 : vector<16xi1>, vector<16xf32>
      %add3A_983 = arith.addf %add3A_968, %select_n3A_982 : vector<16xf32>
      %get3A_984 = arith.constant 60 : i32
      %get3A_985 = arith.index_cast %get3A_984 : i32 to index
      %get3A_986 = arith.constant 0 : index
      %get3A_987 = tpu.vector_load %arg7[%get3A_985, %get3A_986] {strides = array<i32>} : memref<200x16xi32, #tpu.memory_space<vmem>>, vector<1x16xi32>,
      %get3A_988 = vector.shape_cast %get3A_987 : vector<1x16xi32> to vector<16xi32>
      %gt3A_989 = arith.cmpi ugt, %get3A_988, %sub3A_82 : vector<16xi32>
      %get3A_990 = arith.constant 60 : i32
      %get3A_991 = arith.index_cast %get3A_990 : i32 to index
      %get3A_992 = arith.constant 0 : index
      %get3A_993 = tpu.vector_load %arg8[%get3A_991, %get3A_992] {strides = array<i32>} : memref<200x16xf32, #tpu.memory_space<vmem>>, vector<1x16xf32>,
      %get3A_994 = vector.shape_cast %get3A_993 : vector<1x16xf32> to vector<16xf32>
      %jit3A_995 = arith.constant 0.000000e+00 : f32
      %broadcast_in_dim3A_996 = vector.broadcast %jit3A_995 : f32 to vector<16xf32>
      %select_n3A_997 = arith.select %gt3A_989, %get3A_994, %broadcast_in_dim3A_996 : vector<16xi1>, vector<16xf32>
      %add3A_998 = arith.addf %add3A_983, %select_n3A_997 : vector<16xf32>
      %get3A_999 = arith.constant 61 : i32
      %get3A_1000 = arith.index_cast %get3A_999 : i32 to index
      %get3A_1001 = arith.constant 0 : index
      %get3A_1002 = tpu.vector_load %arg7[%get3A_1000, %get3A_1001] {strides = array<i32>} : memref<200x16xi32, #tpu.memory_space<vmem>>, vector<1x16xi32>,
      %get3A_1003 = vector.shape_cast %get3A_1002 : vector<1x16xi32> to vector<16xi32>
      %gt3A_1004 = arith.cmpi ugt, %get3A_1003, %sub3A_82 : vector<16xi32>
      %get3A_1005 = arith.constant 61 : i32
      %get3A_1006 = arith.index_cast %get3A_1005 : i32 to index
      %get3A_1007 = arith.constant 0 : index
      %get3A_1008 = tpu.vector_load %arg8[%get3A_1006, %get3A_1007] {strides = array<i32>} : memref<200x16xf32, #tpu.memory_space<vmem>>, vector<1x16xf32>,
      %get3A_1009 = vector.shape_cast %get3A_1008 : vector<1x16xf32> to vector<16xf32>
      %jit3A_1010 = arith.constant 0.000000e+00 : f32
      %broadcast_in_dim3A_1011 = vector.broadcast %jit3A_1010 : f32 to vector<16xf32>
      %select_n3A_1012 = arith.select %gt3A_1004, %get3A_1009, %broadcast_in_dim3A_1011 : vector<16xi1>, vector<16xf32>
      %add3A_1013 = arith.addf %add3A_998, %select_n3A_1012 : vector<16xf32>
      %get3A_1014 = arith.constant 62 : i32
      %get3A_1015 = arith.index_cast %get3A_1014 : i32 to index
      %get3A_1016 = arith.constant 0 : index
      %get3A_1017 = tpu.vector_load %arg7[%get3A_1015, %get3A_1016] {strides = array<i32>} : memref<200x16xi32, #tpu.memory_space<vmem>>, vector<1x16xi32>,
      %get3A_1018 = vector.shape_cast %get3A_1017 : vector<1x16xi32> to vector<16xi32>
      %gt3A_1019 = arith.cmpi ugt, %get3A_1018, %sub3A_82 : vector<16xi32>
      %get3A_1020 = arith.constant 62 : i32
      %get3A_1021 = arith.index_cast %get3A_1020 : i32 to index
      %get3A_1022 = arith.constant 0 : index
      %get3A_1023 = tpu.vector_load %arg8[%get3A_1021, %get3A_1022] {strides = array<i32>} : memref<200x16xf32, #tpu.memory_space<vmem>>, vector<1x16xf32>,
      %get3A_1024 = vector.shape_cast %get3A_1023 : vector<1x16xf32> to vector<16xf32>
      %jit3A_1025 = arith.constant 0.000000e+00 : f32
      %broadcast_in_dim3A_1026 = vector.broadcast %jit3A_1025 : f32 to vector<16xf32>
      %select_n3A_1027 = arith.select %gt3A_1019, %get3A_1024, %broadcast_in_dim3A_1026 : vector<16xi1>, vector<16xf32>
      %add3A_1028 = arith.addf %add3A_1013, %select_n3A_1027 : vector<16xf32>
      %get3A_1029 = arith.constant 63 : i32
      %get3A_1030 = arith.index_cast %get3A_1029 : i32 to index
      %get3A_1031 = arith.constant 0 : index
      %get3A_1032 = tpu.vector_load %arg7[%get3A_1030, %get3A_1031] {strides = array<i32>} : memref<200x16xi32, #tpu.memory_space<vmem>>, vector<1x16xi32>,
      %get3A_1033 = vector.shape_cast %get3A_1032 : vector<1x16xi32> to vector<16xi32>
      %gt3A_1034 = arith.cmpi ugt, %get3A_1033, %sub3A_82 : vector<16xi32>
      %get3A_1035 = arith.constant 63 : i32
      %get3A_1036 = arith.index_cast %get3A_1035 : i32 to index
      %get3A_1037 = arith.constant 0 : index
      %get3A_1038 = tpu.vector_load %arg8[%get3A_1036, %get3A_1037] {strides = array<i32>} : memref<200x16xf32, #tpu.memory_space<vmem>>, vector<1x16xf32>,
      %get3A_1039 = vector.shape_cast %get3A_1038 : vector<1x16xf32> to vector<16xf32>
      %jit3A_1040 = arith.constant 0.000000e+00 : f32
      %broadcast_in_dim3A_1041 = vector.broadcast %jit3A_1040 : f32 to vector<16xf32>
      %select_n3A_1042 = arith.select %gt3A_1034, %get3A_1039, %broadcast_in_dim3A_1041 : vector<16xi1>, vector<16xf32>
      %add3A_1043 = arith.addf %add3A_1028, %select_n3A_1042 : vector<16xf32>
      %get3A_1044 = arith.constant 64 : i32
      %get3A_1045 = arith.index_cast %get3A_1044 : i32 to index
      %get3A_1046 = arith.constant 0 : index
      %get3A_1047 = tpu.vector_load %arg7[%get3A_1045, %get3A_1046] {strides = array<i32>} : memref<200x16xi32, #tpu.memory_space<vmem>>, vector<1x16xi32>,
      %get3A_1048 = vector.shape_cast %get3A_1047 : vector<1x16xi32> to vector<16xi32>
      %gt3A_1049 = arith.cmpi ugt, %get3A_1048, %sub3A_82 : vector<16xi32>
      %get3A_1050 = arith.constant 64 : i32
      %get3A_1051 = arith.index_cast %get3A_1050 : i32 to index
      %get3A_1052 = arith.constant 0 : index
      %get3A_1053 = tpu.vector_load %arg8[%get3A_1051, %get3A_1052] {strides = array<i32>} : memref<200x16xf32, #tpu.memory_space<vmem>>, vector<1x16xf32>,
      %get3A_1054 = vector.shape_cast %get3A_1053 : vector<1x16xf32> to vector<16xf32>
      %jit3A_1055 = arith.constant 0.000000e+00 : f32
      %broadcast_in_dim3A_1056 = vector.broadcast %jit3A_1055 : f32 to vector<16xf32>
      %select_n3A_1057 = arith.select %gt3A_1049, %get3A_1054, %broadcast_in_dim3A_1056 : vector<16xi1>, vector<16xf32>
      %add3A_1058 = arith.addf %add3A_1043, %select_n3A_1057 : vector<16xf32>
      %get3A_1059 = arith.constant 65 : i32
      %get3A_1060 = arith.index_cast %get3A_1059 : i32 to index
      %get3A_1061 = arith.constant 0 : index
      %get3A_1062 = tpu.vector_load %arg7[%get3A_1060, %get3A_1061] {strides = array<i32>} : memref<200x16xi32, #tpu.memory_space<vmem>>, vector<1x16xi32>,
      %get3A_1063 = vector.shape_cast %get3A_1062 : vector<1x16xi32> to vector<16xi32>
      %gt3A_1064 = arith.cmpi ugt, %get3A_1063, %sub3A_82 : vector<16xi32>
      %get3A_1065 = arith.constant 65 : i32
      %get3A_1066 = arith.index_cast %get3A_1065 : i32 to index
      %get3A_1067 = arith.constant 0 : index
      %get3A_1068 = tpu.vector_load %arg8[%get3A_1066, %get3A_1067] {strides = array<i32>} : memref<200x16xf32, #tpu.memory_space<vmem>>, vector<1x16xf32>,
      %get3A_1069 = vector.shape_cast %get3A_1068 : vector<1x16xf32> to vector<16xf32>
      %jit3A_1070 = arith.constant 0.000000e+00 : f32
      %broadcast_in_dim3A_1071 = vector.broadcast %jit3A_1070 : f32 to vector<16xf32>
      %select_n3A_1072 = arith.select %gt3A_1064, %get3A_1069, %broadcast_in_dim3A_1071 : vector<16xi1>, vector<16xf32>
      %add3A_1073 = arith.addf %add3A_1058, %select_n3A_1072 : vector<16xf32>
      %get3A_1074 = arith.constant 66 : i32
      %get3A_1075 = arith.index_cast %get3A_1074 : i32 to index
      %get3A_1076 = arith.constant 0 : index
      %get3A_1077 = tpu.vector_load %arg7[%get3A_1075, %get3A_1076] {strides = array<i32>} : memref<200x16xi32, #tpu.memory_space<vmem>>, vector<1x16xi32>,
      %get3A_1078 = vector.shape_cast %get3A_1077 : vector<1x16xi32> to vector<16xi32>
      %gt3A_1079 = arith.cmpi ugt, %get3A_1078, %sub3A_82 : vector<16xi32>
      %get3A_1080 = arith.constant 66 : i32
      %get3A_1081 = arith.index_cast %get3A_1080 : i32 to index
      %get3A_1082 = arith.constant 0 : index
      %get3A_1083 = tpu.vector_load %arg8[%get3A_1081, %get3A_1082] {strides = array<i32>} : memref<200x16xf32, #tpu.memory_space<vmem>>, vector<1x16xf32>,
      %get3A_1084 = vector.shape_cast %get3A_1083 : vector<1x16xf32> to vector<16xf32>
      %jit3A_1085 = arith.constant 0.000000e+00 : f32
      %broadcast_in_dim3A_1086 = vector.broadcast %jit3A_1085 : f32 to vector<16xf32>
      %select_n3A_1087 = arith.select %gt3A_1079, %get3A_1084, %broadcast_in_dim3A_1086 : vector<16xi1>, vector<16xf32>
      %add3A_1088 = arith.addf %add3A_1073, %select_n3A_1087 : vector<16xf32>
      %get3A_1089 = arith.constant 67 : i32
      %get3A_1090 = arith.index_cast %get3A_1089 : i32 to index
      %get3A_1091 = arith.constant 0 : index
      %get3A_1092 = tpu.vector_load %arg7[%get3A_1090, %get3A_1091] {strides = array<i32>} : memref<200x16xi32, #tpu.memory_space<vmem>>, vector<1x16xi32>,
      %get3A_1093 = vector.shape_cast %get3A_1092 : vector<1x16xi32> to vector<16xi32>
      %gt3A_1094 = arith.cmpi ugt, %get3A_1093, %sub3A_82 : vector<16xi32>
      %get3A_1095 = arith.constant 67 : i32
      %get3A_1096 = arith.index_cast %get3A_1095 : i32 to index
      %get3A_1097 = arith.constant 0 : index
      %get3A_1098 = tpu.vector_load %arg8[%get3A_1096, %get3A_1097] {strides = array<i32>} : memref<200x16xf32, #tpu.memory_space<vmem>>, vector<1x16xf32>,
      %get3A_1099 = vector.shape_cast %get3A_1098 : vector<1x16xf32> to vector<16xf32>
      %jit3A_1100 = arith.constant 0.000000e+00 : f32
      %broadcast_in_dim3A_1101 = vector.broadcast %jit3A_1100 : f32 to vector<16xf32>
      %select_n3A_1102 = arith.select %gt3A_1094, %get3A_1099, %broadcast_in_dim3A_1101 : vector<16xi1>, vector<16xf32>
      %add3A_1103 = arith.addf %add3A_1088, %select_n3A_1102 : vector<16xf32>
      %get3A_1104 = arith.constant 68 : i32
      %get3A_1105 = arith.index_cast %get3A_1104 : i32 to index
      %get3A_1106 = arith.constant 0 : index
      %get3A_1107 = tpu.vector_load %arg7[%get3A_1105, %get3A_1106] {strides = array<i32>} : memref<200x16xi32, #tpu.memory_space<vmem>>, vector<1x16xi32>,
      %get3A_1108 = vector.shape_cast %get3A_1107 : vector<1x16xi32> to vector<16xi32>
      %gt3A_1109 = arith.cmpi ugt, %get3A_1108, %sub3A_82 : vector<16xi32>
      %get3A_1110 = arith.constant 68 : i32
      %get3A_1111 = arith.index_cast %get3A_1110 : i32 to index
      %get3A_1112 = arith.constant 0 : index
      %get3A_1113 = tpu.vector_load %arg8[%get3A_1111, %get3A_1112] {strides = array<i32>} : memref<200x16xf32, #tpu.memory_space<vmem>>, vector<1x16xf32>,
      %get3A_1114 = vector.shape_cast %get3A_1113 : vector<1x16xf32> to vector<16xf32>
      %jit3A_1115 = arith.constant 0.000000e+00 : f32
      %broadcast_in_dim3A_1116 = vector.broadcast %jit3A_1115 : f32 to vector<16xf32>
      %select_n3A_1117 = arith.select %gt3A_1109, %get3A_1114, %broadcast_in_dim3A_1116 : vector<16xi1>, vector<16xf32>
      %add3A_1118 = arith.addf %add3A_1103, %select_n3A_1117 : vector<16xf32>
      %get3A_1119 = arith.constant 69 : i32
      %get3A_1120 = arith.index_cast %get3A_1119 : i32 to index
      %get3A_1121 = arith.constant 0 : index
      %get3A_1122 = tpu.vector_load %arg7[%get3A_1120, %get3A_1121] {strides = array<i32>} : memref<200x16xi32, #tpu.memory_space<vmem>>, vector<1x16xi32>,
      %get3A_1123 = vector.shape_cast %get3A_1122 : vector<1x16xi32> to vector<16xi32>
      %gt3A_1124 = arith.cmpi ugt, %get3A_1123, %sub3A_82 : vector<16xi32>
      %get3A_1125 = arith.constant 69 : i32
      %get3A_1126 = arith.index_cast %get3A_1125 : i32 to index
      %get3A_1127 = arith.constant 0 : index
      %get3A_1128 = tpu.vector_load %arg8[%get3A_1126, %get3A_1127] {strides = array<i32>} : memref<200x16xf32, #tpu.memory_space<vmem>>, vector<1x16xf32>,
      %get3A_1129 = vector.shape_cast %get3A_1128 : vector<1x16xf32> to vector<16xf32>
      %jit3A_1130 = arith.constant 0.000000e+00 : f32
      %broadcast_in_dim3A_1131 = vector.broadcast %jit3A_1130 : f32 to vector<16xf32>
      %select_n3A_1132 = arith.select %gt3A_1124, %get3A_1129, %broadcast_in_dim3A_1131 : vector<16xi1>, vector<16xf32>
      %add3A_1133 = arith.addf %add3A_1118, %select_n3A_1132 : vector<16xf32>
      %get3A_1134 = arith.constant 70 : i32
      %get3A_1135 = arith.index_cast %get3A_1134 : i32 to index
      %get3A_1136 = arith.constant 0 : index
      %get3A_1137 = tpu.vector_load %arg7[%get3A_1135, %get3A_1136] {strides = array<i32>} : memref<200x16xi32, #tpu.memory_space<vmem>>, vector<1x16xi32>,
      %get3A_1138 = vector.shape_cast %get3A_1137 : vector<1x16xi32> to vector<16xi32>
      %gt3A_1139 = arith.cmpi ugt, %get3A_1138, %sub3A_82 : vector<16xi32>
      %get3A_1140 = arith.constant 70 : i32
      %get3A_1141 = arith.index_cast %get3A_1140 : i32 to index
      %get3A_1142 = arith.constant 0 : index
      %get3A_1143 = tpu.vector_load %arg8[%get3A_1141, %get3A_1142] {strides = array<i32>} : memref<200x16xf32, #tpu.memory_space<vmem>>, vector<1x16xf32>,
      %get3A_1144 = vector.shape_cast %get3A_1143 : vector<1x16xf32> to vector<16xf32>
      %jit3A_1145 = arith.constant 0.000000e+00 : f32
      %broadcast_in_dim3A_1146 = vector.broadcast %jit3A_1145 : f32 to vector<16xf32>
      %select_n3A_1147 = arith.select %gt3A_1139, %get3A_1144, %broadcast_in_dim3A_1146 : vector<16xi1>, vector<16xf32>
      %add3A_1148 = arith.addf %add3A_1133, %select_n3A_1147 : vector<16xf32>
      %get3A_1149 = arith.constant 71 : i32
      %get3A_1150 = arith.index_cast %get3A_1149 : i32 to index
      %get3A_1151 = arith.constant 0 : index
      %get3A_1152 = tpu.vector_load %arg7[%get3A_1150, %get3A_1151] {strides = array<i32>} : memref<200x16xi32, #tpu.memory_space<vmem>>, vector<1x16xi32>,
      %get3A_1153 = vector.shape_cast %get3A_1152 : vector<1x16xi32> to vector<16xi32>
      %gt3A_1154 = arith.cmpi ugt, %get3A_1153, %sub3A_82 : vector<16xi32>
      %get3A_1155 = arith.constant 71 : i32
      %get3A_1156 = arith.index_cast %get3A_1155 : i32 to index
      %get3A_1157 = arith.constant 0 : index
      %get3A_1158 = tpu.vector_load %arg8[%get3A_1156, %get3A_1157] {strides = array<i32>} : memref<200x16xf32, #tpu.memory_space<vmem>>, vector<1x16xf32>,
      %get3A_1159 = vector.shape_cast %get3A_1158 : vector<1x16xf32> to vector<16xf32>
      %jit3A_1160 = arith.constant 0.000000e+00 : f32
      %broadcast_in_dim3A_1161 = vector.broadcast %jit3A_1160 : f32 to vector<16xf32>
      %select_n3A_1162 = arith.select %gt3A_1154, %get3A_1159, %broadcast_in_dim3A_1161 : vector<16xi1>, vector<16xf32>
      %add3A_1163 = arith.addf %add3A_1148, %select_n3A_1162 : vector<16xf32>
      %get3A_1164 = arith.constant 72 : i32
      %get3A_1165 = arith.index_cast %get3A_1164 : i32 to index
      %get3A_1166 = arith.constant 0 : index
      %get3A_1167 = tpu.vector_load %arg7[%get3A_1165, %get3A_1166] {strides = array<i32>} : memref<200x16xi32, #tpu.memory_space<vmem>>, vector<1x16xi32>,
      %get3A_1168 = vector.shape_cast %get3A_1167 : vector<1x16xi32> to vector<16xi32>
      %gt3A_1169 = arith.cmpi ugt, %get3A_1168, %sub3A_82 : vector<16xi32>
      %get3A_1170 = arith.constant 72 : i32
      %get3A_1171 = arith.index_cast %get3A_1170 : i32 to index
      %get3A_1172 = arith.constant 0 : index
      %get3A_1173 = tpu.vector_load %arg8[%get3A_1171, %get3A_1172] {strides = array<i32>} : memref<200x16xf32, #tpu.memory_space<vmem>>, vector<1x16xf32>,
      %get3A_1174 = vector.shape_cast %get3A_1173 : vector<1x16xf32> to vector<16xf32>
      %jit3A_1175 = arith.constant 0.000000e+00 : f32
      %broadcast_in_dim3A_1176 = vector.broadcast %jit3A_1175 : f32 to vector<16xf32>
      %select_n3A_1177 = arith.select %gt3A_1169, %get3A_1174, %broadcast_in_dim3A_1176 : vector<16xi1>, vector<16xf32>
      %add3A_1178 = arith.addf %add3A_1163, %select_n3A_1177 : vector<16xf32>
      %get3A_1179 = arith.constant 73 : i32
      %get3A_1180 = arith.index_cast %get3A_1179 : i32 to index
      %get3A_1181 = arith.constant 0 : index
      %get3A_1182 = tpu.vector_load %arg7[%get3A_1180, %get3A_1181] {strides = array<i32>} : memref<200x16xi32, #tpu.memory_space<vmem>>, vector<1x16xi32>,
      %get3A_1183 = vector.shape_cast %get3A_1182 : vector<1x16xi32> to vector<16xi32>
      %gt3A_1184 = arith.cmpi ugt, %get3A_1183, %sub3A_82 : vector<16xi32>
      %get3A_1185 = arith.constant 73 : i32
      %get3A_1186 = arith.index_cast %get3A_1185 : i32 to index
      %get3A_1187 = arith.constant 0 : index
      %get3A_1188 = tpu.vector_load %arg8[%get3A_1186, %get3A_1187] {strides = array<i32>} : memref<200x16xf32, #tpu.memory_space<vmem>>, vector<1x16xf32>,
      %get3A_1189 = vector.shape_cast %get3A_1188 : vector<1x16xf32> to vector<16xf32>
      %jit3A_1190 = arith.constant 0.000000e+00 : f32
      %broadcast_in_dim3A_1191 = vector.broadcast %jit3A_1190 : f32 to vector<16xf32>
      %select_n3A_1192 = arith.select %gt3A_1184, %get3A_1189, %broadcast_in_dim3A_1191 : vector<16xi1>, vector<16xf32>
      %add3A_1193 = arith.addf %add3A_1178, %select_n3A_1192 : vector<16xf32>
      %get3A_1194 = arith.constant 74 : i32
      %get3A_1195 = arith.index_cast %get3A_1194 : i32 to index
      %get3A_1196 = arith.constant 0 : index
      %get3A_1197 = tpu.vector_load %arg7[%get3A_1195, %get3A_1196] {strides = array<i32>} : memref<200x16xi32, #tpu.memory_space<vmem>>, vector<1x16xi32>,
      %get3A_1198 = vector.shape_cast %get3A_1197 : vector<1x16xi32> to vector<16xi32>
      %gt3A_1199 = arith.cmpi ugt, %get3A_1198, %sub3A_82 : vector<16xi32>
      %get3A_1200 = arith.constant 74 : i32
      %get3A_1201 = arith.index_cast %get3A_1200 : i32 to index
      %get3A_1202 = arith.constant 0 : index
      %get3A_1203 = tpu.vector_load %arg8[%get3A_1201, %get3A_1202] {strides = array<i32>} : memref<200x16xf32, #tpu.memory_space<vmem>>, vector<1x16xf32>,
      %get3A_1204 = vector.shape_cast %get3A_1203 : vector<1x16xf32> to vector<16xf32>
      %jit3A_1205 = arith.constant 0.000000e+00 : f32
      %broadcast_in_dim3A_1206 = vector.broadcast %jit3A_1205 : f32 to vector<16xf32>
      %select_n3A_1207 = arith.select %gt3A_1199, %get3A_1204, %broadcast_in_dim3A_1206 : vector<16xi1>, vector<16xf32>
      %add3A_1208 = arith.addf %add3A_1193, %select_n3A_1207 : vector<16xf32>
      %get3A_1209 = arith.constant 75 : i32
      %get3A_1210 = arith.index_cast %get3A_1209 : i32 to index
      %get3A_1211 = arith.constant 0 : index
      %get3A_1212 = tpu.vector_load %arg7[%get3A_1210, %get3A_1211] {strides = array<i32>} : memref<200x16xi32, #tpu.memory_space<vmem>>, vector<1x16xi32>,
      %get3A_1213 = vector.shape_cast %get3A_1212 : vector<1x16xi32> to vector<16xi32>
      %gt3A_1214 = arith.cmpi ugt, %get3A_1213, %sub3A_82 : vector<16xi32>
      %get3A_1215 = arith.constant 75 : i32
      %get3A_1216 = arith.index_cast %get3A_1215 : i32 to index
      %get3A_1217 = arith.constant 0 : index
      %get3A_1218 = tpu.vector_load %arg8[%get3A_1216, %get3A_1217] {strides = array<i32>} : memref<200x16xf32, #tpu.memory_space<vmem>>, vector<1x16xf32>,
      %get3A_1219 = vector.shape_cast %get3A_1218 : vector<1x16xf32> to vector<16xf32>
      %jit3A_1220 = arith.constant 0.000000e+00 : f32
      %broadcast_in_dim3A_1221 = vector.broadcast %jit3A_1220 : f32 to vector<16xf32>
      %select_n3A_1222 = arith.select %gt3A_1214, %get3A_1219, %broadcast_in_dim3A_1221 : vector<16xi1>, vector<16xf32>
      %add3A_1223 = arith.addf %add3A_1208, %select_n3A_1222 : vector<16xf32>
      %get3A_1224 = arith.constant 76 : i32
      %get3A_1225 = arith.index_cast %get3A_1224 : i32 to index
      %get3A_1226 = arith.constant 0 : index
      %get3A_1227 = tpu.vector_load %arg7[%get3A_1225, %get3A_1226] {strides = array<i32>} : memref<200x16xi32, #tpu.memory_space<vmem>>, vector<1x16xi32>,
      %get3A_1228 = vector.shape_cast %get3A_1227 : vector<1x16xi32> to vector<16xi32>
      %gt3A_1229 = arith.cmpi ugt, %get3A_1228, %sub3A_82 : vector<16xi32>
      %get3A_1230 = arith.constant 76 : i32
      %get3A_1231 = arith.index_cast %get3A_1230 : i32 to index
      %get3A_1232 = arith.constant 0 : index
      %get3A_1233 = tpu.vector_load %arg8[%get3A_1231, %get3A_1232] {strides = array<i32>} : memref<200x16xf32, #tpu.memory_space<vmem>>, vector<1x16xf32>,
      %get3A_1234 = vector.shape_cast %get3A_1233 : vector<1x16xf32> to vector<16xf32>
      %jit3A_1235 = arith.constant 0.000000e+00 : f32
      %broadcast_in_dim3A_1236 = vector.broadcast %jit3A_1235 : f32 to vector<16xf32>
      %select_n3A_1237 = arith.select %gt3A_1229, %get3A_1234, %broadcast_in_dim3A_1236 : vector<16xi1>, vector<16xf32>
      %add3A_1238 = arith.addf %add3A_1223, %select_n3A_1237 : vector<16xf32>
      %get3A_1239 = arith.constant 77 : i32
      %get3A_1240 = arith.index_cast %get3A_1239 : i32 to index
      %get3A_1241 = arith.constant 0 : index
      %get3A_1242 = tpu.vector_load %arg7[%get3A_1240, %get3A_1241] {strides = array<i32>} : memref<200x16xi32, #tpu.memory_space<vmem>>, vector<1x16xi32>,
      %get3A_1243 = vector.shape_cast %get3A_1242 : vector<1x16xi32> to vector<16xi32>
      %gt3A_1244 = arith.cmpi ugt, %get3A_1243, %sub3A_82 : vector<16xi32>
      %get3A_1245 = arith.constant 77 : i32
      %get3A_1246 = arith.index_cast %get3A_1245 : i32 to index
      %get3A_1247 = arith.constant 0 : index
      %get3A_1248 = tpu.vector_load %arg8[%get3A_1246, %get3A_1247] {strides = array<i32>} : memref<200x16xf32, #tpu.memory_space<vmem>>, vector<1x16xf32>,
      %get3A_1249 = vector.shape_cast %get3A_1248 : vector<1x16xf32> to vector<16xf32>
      %jit3A_1250 = arith.constant 0.000000e+00 : f32
      %broadcast_in_dim3A_1251 = vector.broadcast %jit3A_1250 : f32 to vector<16xf32>
      %select_n3A_1252 = arith.select %gt3A_1244, %get3A_1249, %broadcast_in_dim3A_1251 : vector<16xi1>, vector<16xf32>
      %add3A_1253 = arith.addf %add3A_1238, %select_n3A_1252 : vector<16xf32>
      %get3A_1254 = arith.constant 78 : i32
      %get3A_1255 = arith.index_cast %get3A_1254 : i32 to index
      %get3A_1256 = arith.constant 0 : index
      %get3A_1257 = tpu.vector_load %arg7[%get3A_1255, %get3A_1256] {strides = array<i32>} : memref<200x16xi32, #tpu.memory_space<vmem>>, vector<1x16xi32>,
      %get3A_1258 = vector.shape_cast %get3A_1257 : vector<1x16xi32> to vector<16xi32>
      %gt3A_1259 = arith.cmpi ugt, %get3A_1258, %sub3A_82 : vector<16xi32>
      %get3A_1260 = arith.constant 78 : i32
      %get3A_1261 = arith.index_cast %get3A_1260 : i32 to index
      %get3A_1262 = arith.constant 0 : index
      %get3A_1263 = tpu.vector_load %arg8[%get3A_1261, %get3A_1262] {strides = array<i32>} : memref<200x16xf32, #tpu.memory_space<vmem>>, vector<1x16xf32>,
      %get3A_1264 = vector.shape_cast %get3A_1263 : vector<1x16xf32> to vector<16xf32>
      %jit3A_1265 = arith.constant 0.000000e+00 : f32
      %broadcast_in_dim3A_1266 = vector.broadcast %jit3A_1265 : f32 to vector<16xf32>
      %select_n3A_1267 = arith.select %gt3A_1259, %get3A_1264, %broadcast_in_dim3A_1266 : vector<16xi1>, vector<16xf32>
      %add3A_1268 = arith.addf %add3A_1253, %select_n3A_1267 : vector<16xf32>
      %get3A_1269 = arith.constant 79 : i32
      %get3A_1270 = arith.index_cast %get3A_1269 : i32 to index
      %get3A_1271 = arith.constant 0 : index
      %get3A_1272 = tpu.vector_load %arg7[%get3A_1270, %get3A_1271] {strides = array<i32>} : memref<200x16xi32, #tpu.memory_space<vmem>>, vector<1x16xi32>,
      %get3A_1273 = vector.shape_cast %get3A_1272 : vector<1x16xi32> to vector<16xi32>
      %gt3A_1274 = arith.cmpi ugt, %get3A_1273, %sub3A_82 : vector<16xi32>
      %get3A_1275 = arith.constant 79 : i32
      %get3A_1276 = arith.index_cast %get3A_1275 : i32 to index
      %get3A_1277 = arith.constant 0 : index
      %get3A_1278 = tpu.vector_load %arg8[%get3A_1276, %get3A_1277] {strides = array<i32>} : memref<200x16xf32, #tpu.memory_space<vmem>>, vector<1x16xf32>,
      %get3A_1279 = vector.shape_cast %get3A_1278 : vector<1x16xf32> to vector<16xf32>
      %jit3A_1280 = arith.constant 0.000000e+00 : f32
      %broadcast_in_dim3A_1281 = vector.broadcast %jit3A_1280 : f32 to vector<16xf32>
      %select_n3A_1282 = arith.select %gt3A_1274, %get3A_1279, %broadcast_in_dim3A_1281 : vector<16xi1>, vector<16xf32>
      %add3A_1283 = arith.addf %add3A_1268, %select_n3A_1282 : vector<16xf32>
      %get3A_1284 = arith.constant 80 : i32
      %get3A_1285 = arith.index_cast %get3A_1284 : i32 to index
      %get3A_1286 = arith.constant 0 : index
      %get3A_1287 = tpu.vector_load %arg7[%get3A_1285, %get3A_1286] {strides = array<i32>} : memref<200x16xi32, #tpu.memory_space<vmem>>, vector<1x16xi32>,
      %get3A_1288 = vector.shape_cast %get3A_1287 : vector<1x16xi32> to vector<16xi32>
      %gt3A_1289 = arith.cmpi ugt, %get3A_1288, %sub3A_82 : vector<16xi32>
      %get3A_1290 = arith.constant 80 : i32
      %get3A_1291 = arith.index_cast %get3A_1290 : i32 to index
      %get3A_1292 = arith.constant 0 : index
      %get3A_1293 = tpu.vector_load %arg8[%get3A_1291, %get3A_1292] {strides = array<i32>} : memref<200x16xf32, #tpu.memory_space<vmem>>, vector<1x16xf32>,
      %get3A_1294 = vector.shape_cast %get3A_1293 : vector<1x16xf32> to vector<16xf32>
      %jit3A_1295 = arith.constant 0.000000e+00 : f32
      %broadcast_in_dim3A_1296 = vector.broadcast %jit3A_1295 : f32 to vector<16xf32>
      %select_n3A_1297 = arith.select %gt3A_1289, %get3A_1294, %broadcast_in_dim3A_1296 : vector<16xi1>, vector<16xf32>
      %add3A_1298 = arith.addf %add3A_1283, %select_n3A_1297 : vector<16xf32>
      %get3A_1299 = arith.constant 81 : i32
      %get3A_1300 = arith.index_cast %get3A_1299 : i32 to index
      %get3A_1301 = arith.constant 0 : index
      %get3A_1302 = tpu.vector_load %arg7[%get3A_1300, %get3A_1301] {strides = array<i32>} : memref<200x16xi32, #tpu.memory_space<vmem>>, vector<1x16xi32>,
      %get3A_1303 = vector.shape_cast %get3A_1302 : vector<1x16xi32> to vector<16xi32>
      %gt3A_1304 = arith.cmpi ugt, %get3A_1303, %sub3A_82 : vector<16xi32>
      %get3A_1305 = arith.constant 81 : i32
      %get3A_1306 = arith.index_cast %get3A_1305 : i32 to index
      %get3A_1307 = arith.constant 0 : index
      %get3A_1308 = tpu.vector_load %arg8[%get3A_1306, %get3A_1307] {strides = array<i32>} : memref<200x16xf32, #tpu.memory_space<vmem>>, vector<1x16xf32>,
      %get3A_1309 = vector.shape_cast %get3A_1308 : vector<1x16xf32> to vector<16xf32>
      %jit3A_1310 = arith.constant 0.000000e+00 : f32
      %broadcast_in_dim3A_1311 = vector.broadcast %jit3A_1310 : f32 to vector<16xf32>
      %select_n3A_1312 = arith.select %gt3A_1304, %get3A_1309, %broadcast_in_dim3A_1311 : vector<16xi1>, vector<16xf32>
      %add3A_1313 = arith.addf %add3A_1298, %select_n3A_1312 : vector<16xf32>
      %get3A_1314 = arith.constant 82 : i32
      %get3A_1315 = arith.index_cast %get3A_1314 : i32 to index
      %get3A_1316 = arith.constant 0 : index
      %get3A_1317 = tpu.vector_load %arg7[%get3A_1315, %get3A_1316] {strides = array<i32>} : memref<200x16xi32, #tpu.memory_space<vmem>>, vector<1x16xi32>,
      %get3A_1318 = vector.shape_cast %get3A_1317 : vector<1x16xi32> to vector<16xi32>
      %gt3A_1319 = arith.cmpi ugt, %get3A_1318, %sub3A_82 : vector<16xi32>
      %get3A_1320 = arith.constant 82 : i32
      %get3A_1321 = arith.index_cast %get3A_1320 : i32 to index
      %get3A_1322 = arith.constant 0 : index
      %get3A_1323 = tpu.vector_load %arg8[%get3A_1321, %get3A_1322] {strides = array<i32>} : memref<200x16xf32, #tpu.memory_space<vmem>>, vector<1x16xf32>,
      %get3A_1324 = vector.shape_cast %get3A_1323 : vector<1x16xf32> to vector<16xf32>
      %jit3A_1325 = arith.constant 0.000000e+00 : f32
      %broadcast_in_dim3A_1326 = vector.broadcast %jit3A_1325 : f32 to vector<16xf32>
      %select_n3A_1327 = arith.select %gt3A_1319, %get3A_1324, %broadcast_in_dim3A_1326 : vector<16xi1>, vector<16xf32>
      %add3A_1328 = arith.addf %add3A_1313, %select_n3A_1327 : vector<16xf32>
      %get3A_1329 = arith.constant 83 : i32
      %get3A_1330 = arith.index_cast %get3A_1329 : i32 to index
      %get3A_1331 = arith.constant 0 : index
      %get3A_1332 = tpu.vector_load %arg7[%get3A_1330, %get3A_1331] {strides = array<i32>} : memref<200x16xi32, #tpu.memory_space<vmem>>, vector<1x16xi32>,
      %get3A_1333 = vector.shape_cast %get3A_1332 : vector<1x16xi32> to vector<16xi32>
      %gt3A_1334 = arith.cmpi ugt, %get3A_1333, %sub3A_82 : vector<16xi32>
      %get3A_1335 = arith.constant 83 : i32
      %get3A_1336 = arith.index_cast %get3A_1335 : i32 to index
      %get3A_1337 = arith.constant 0 : index
      %get3A_1338 = tpu.vector_load %arg8[%get3A_1336, %get3A_1337] {strides = array<i32>} : memref<200x16xf32, #tpu.memory_space<vmem>>, vector<1x16xf32>,
      %get3A_1339 = vector.shape_cast %get3A_1338 : vector<1x16xf32> to vector<16xf32>
      %jit3A_1340 = arith.constant 0.000000e+00 : f32
      %broadcast_in_dim3A_1341 = vector.broadcast %jit3A_1340 : f32 to vector<16xf32>
      %select_n3A_1342 = arith.select %gt3A_1334, %get3A_1339, %broadcast_in_dim3A_1341 : vector<16xi1>, vector<16xf32>
      %add3A_1343 = arith.addf %add3A_1328, %select_n3A_1342 : vector<16xf32>
      %get3A_1344 = arith.constant 84 : i32
      %get3A_1345 = arith.index_cast %get3A_1344 : i32 to index
      %get3A_1346 = arith.constant 0 : index
      %get3A_1347 = tpu.vector_load %arg7[%get3A_1345, %get3A_1346] {strides = array<i32>} : memref<200x16xi32, #tpu.memory_space<vmem>>, vector<1x16xi32>,
      %get3A_1348 = vector.shape_cast %get3A_1347 : vector<1x16xi32> to vector<16xi32>
      %gt3A_1349 = arith.cmpi ugt, %get3A_1348, %sub3A_82 : vector<16xi32>
      %get3A_1350 = arith.constant 84 : i32
      %get3A_1351 = arith.index_cast %get3A_1350 : i32 to index
      %get3A_1352 = arith.constant 0 : index
      %get3A_1353 = tpu.vector_load %arg8[%get3A_1351, %get3A_1352] {strides = array<i32>} : memref<200x16xf32, #tpu.memory_space<vmem>>, vector<1x16xf32>,
      %get3A_1354 = vector.shape_cast %get3A_1353 : vector<1x16xf32> to vector<16xf32>
      %jit3A_1355 = arith.constant 0.000000e+00 : f32
      %broadcast_in_dim3A_1356 = vector.broadcast %jit3A_1355 : f32 to vector<16xf32>
      %select_n3A_1357 = arith.select %gt3A_1349, %get3A_1354, %broadcast_in_dim3A_1356 : vector<16xi1>, vector<16xf32>
      %add3A_1358 = arith.addf %add3A_1343, %select_n3A_1357 : vector<16xf32>
      %get3A_1359 = arith.constant 85 : i32
      %get3A_1360 = arith.index_cast %get3A_1359 : i32 to index
      %get3A_1361 = arith.constant 0 : index
      %get3A_1362 = tpu.vector_load %arg7[%get3A_1360, %get3A_1361] {strides = array<i32>} : memref<200x16xi32, #tpu.memory_space<vmem>>, vector<1x16xi32>,
      %get3A_1363 = vector.shape_cast %get3A_1362 : vector<1x16xi32> to vector<16xi32>
      %gt3A_1364 = arith.cmpi ugt, %get3A_1363, %sub3A_82 : vector<16xi32>
      %get3A_1365 = arith.constant 85 : i32
      %get3A_1366 = arith.index_cast %get3A_1365 : i32 to index
      %get3A_1367 = arith.constant 0 : index
      %get3A_1368 = tpu.vector_load %arg8[%get3A_1366, %get3A_1367] {strides = array<i32>} : memref<200x16xf32, #tpu.memory_space<vmem>>, vector<1x16xf32>,
      %get3A_1369 = vector.shape_cast %get3A_1368 : vector<1x16xf32> to vector<16xf32>
      %jit3A_1370 = arith.constant 0.000000e+00 : f32
      %broadcast_in_dim3A_1371 = vector.broadcast %jit3A_1370 : f32 to vector<16xf32>
      %select_n3A_1372 = arith.select %gt3A_1364, %get3A_1369, %broadcast_in_dim3A_1371 : vector<16xi1>, vector<16xf32>
      %add3A_1373 = arith.addf %add3A_1358, %select_n3A_1372 : vector<16xf32>
      %get3A_1374 = arith.constant 86 : i32
      %get3A_1375 = arith.index_cast %get3A_1374 : i32 to index
      %get3A_1376 = arith.constant 0 : index
      %get3A_1377 = tpu.vector_load %arg7[%get3A_1375, %get3A_1376] {strides = array<i32>} : memref<200x16xi32, #tpu.memory_space<vmem>>, vector<1x16xi32>,
      %get3A_1378 = vector.shape_cast %get3A_1377 : vector<1x16xi32> to vector<16xi32>
      %gt3A_1379 = arith.cmpi ugt, %get3A_1378, %sub3A_82 : vector<16xi32>
      %get3A_1380 = arith.constant 86 : i32
      %get3A_1381 = arith.index_cast %get3A_1380 : i32 to index
      %get3A_1382 = arith.constant 0 : index
      %get3A_1383 = tpu.vector_load %arg8[%get3A_1381, %get3A_1382] {strides = array<i32>} : memref<200x16xf32, #tpu.memory_space<vmem>>, vector<1x16xf32>,
      %get3A_1384 = vector.shape_cast %get3A_1383 : vector<1x16xf32> to vector<16xf32>
      %jit3A_1385 = arith.constant 0.000000e+00 : f32
      %broadcast_in_dim3A_1386 = vector.broadcast %jit3A_1385 : f32 to vector<16xf32>
      %select_n3A_1387 = arith.select %gt3A_1379, %get3A_1384, %broadcast_in_dim3A_1386 : vector<16xi1>, vector<16xf32>
      %add3A_1388 = arith.addf %add3A_1373, %select_n3A_1387 : vector<16xf32>
      %get3A_1389 = arith.constant 87 : i32
      %get3A_1390 = arith.index_cast %get3A_1389 : i32 to index
      %get3A_1391 = arith.constant 0 : index
      %get3A_1392 = tpu.vector_load %arg7[%get3A_1390, %get3A_1391] {strides = array<i32>} : memref<200x16xi32, #tpu.memory_space<vmem>>, vector<1x16xi32>,
      %get3A_1393 = vector.shape_cast %get3A_1392 : vector<1x16xi32> to vector<16xi32>
      %gt3A_1394 = arith.cmpi ugt, %get3A_1393, %sub3A_82 : vector<16xi32>
      %get3A_1395 = arith.constant 87 : i32
      %get3A_1396 = arith.index_cast %get3A_1395 : i32 to index
      %get3A_1397 = arith.constant 0 : index
      %get3A_1398 = tpu.vector_load %arg8[%get3A_1396, %get3A_1397] {strides = array<i32>} : memref<200x16xf32, #tpu.memory_space<vmem>>, vector<1x16xf32>,
      %get3A_1399 = vector.shape_cast %get3A_1398 : vector<1x16xf32> to vector<16xf32>
      %jit3A_1400 = arith.constant 0.000000e+00 : f32
      %broadcast_in_dim3A_1401 = vector.broadcast %jit3A_1400 : f32 to vector<16xf32>
      %select_n3A_1402 = arith.select %gt3A_1394, %get3A_1399, %broadcast_in_dim3A_1401 : vector<16xi1>, vector<16xf32>
      %add3A_1403 = arith.addf %add3A_1388, %select_n3A_1402 : vector<16xf32>
      %get3A_1404 = arith.constant 88 : i32
      %get3A_1405 = arith.index_cast %get3A_1404 : i32 to index
      %get3A_1406 = arith.constant 0 : index
      %get3A_1407 = tpu.vector_load %arg7[%get3A_1405, %get3A_1406] {strides = array<i32>} : memref<200x16xi32, #tpu.memory_space<vmem>>, vector<1x16xi32>,
      %get3A_1408 = vector.shape_cast %get3A_1407 : vector<1x16xi32> to vector<16xi32>
      %gt3A_1409 = arith.cmpi ugt, %get3A_1408, %sub3A_82 : vector<16xi32>
      %get3A_1410 = arith.constant 88 : i32
      %get3A_1411 = arith.index_cast %get3A_1410 : i32 to index
      %get3A_1412 = arith.constant 0 : index
      %get3A_1413 = tpu.vector_load %arg8[%get3A_1411, %get3A_1412] {strides = array<i32>} : memref<200x16xf32, #tpu.memory_space<vmem>>, vector<1x16xf32>,
      %get3A_1414 = vector.shape_cast %get3A_1413 : vector<1x16xf32> to vector<16xf32>
      %jit3A_1415 = arith.constant 0.000000e+00 : f32
      %broadcast_in_dim3A_1416 = vector.broadcast %jit3A_1415 : f32 to vector<16xf32>
      %select_n3A_1417 = arith.select %gt3A_1409, %get3A_1414, %broadcast_in_dim3A_1416 : vector<16xi1>, vector<16xf32>
      %add3A_1418 = arith.addf %add3A_1403, %select_n3A_1417 : vector<16xf32>
      %get3A_1419 = arith.constant 89 : i32
      %get3A_1420 = arith.index_cast %get3A_1419 : i32 to index
      %get3A_1421 = arith.constant 0 : index
      %get3A_1422 = tpu.vector_load %arg7[%get3A_1420, %get3A_1421] {strides = array<i32>} : memref<200x16xi32, #tpu.memory_space<vmem>>, vector<1x16xi32>,
      %get3A_1423 = vector.shape_cast %get3A_1422 : vector<1x16xi32> to vector<16xi32>
      %gt3A_1424 = arith.cmpi ugt, %get3A_1423, %sub3A_82 : vector<16xi32>
      %get3A_1425 = arith.constant 89 : i32
      %get3A_1426 = arith.index_cast %get3A_1425 : i32 to index
      %get3A_1427 = arith.constant 0 : index
      %get3A_1428 = tpu.vector_load %arg8[%get3A_1426, %get3A_1427] {strides = array<i32>} : memref<200x16xf32, #tpu.memory_space<vmem>>, vector<1x16xf32>,
      %get3A_1429 = vector.shape_cast %get3A_1428 : vector<1x16xf32> to vector<16xf32>
      %jit3A_1430 = arith.constant 0.000000e+00 : f32
      %broadcast_in_dim3A_1431 = vector.broadcast %jit3A_1430 : f32 to vector<16xf32>
      %select_n3A_1432 = arith.select %gt3A_1424, %get3A_1429, %broadcast_in_dim3A_1431 : vector<16xi1>, vector<16xf32>
      %add3A_1433 = arith.addf %add3A_1418, %select_n3A_1432 : vector<16xf32>
      %get3A_1434 = arith.constant 90 : i32
      %get3A_1435 = arith.index_cast %get3A_1434 : i32 to index
      %get3A_1436 = arith.constant 0 : index
      %get3A_1437 = tpu.vector_load %arg7[%get3A_1435, %get3A_1436] {strides = array<i32>} : memref<200x16xi32, #tpu.memory_space<vmem>>, vector<1x16xi32>,
      %get3A_1438 = vector.shape_cast %get3A_1437 : vector<1x16xi32> to vector<16xi32>
      %gt3A_1439 = arith.cmpi ugt, %get3A_1438, %sub3A_82 : vector<16xi32>
      %get3A_1440 = arith.constant 90 : i32
      %get3A_1441 = arith.index_cast %get3A_1440 : i32 to index
      %get3A_1442 = arith.constant 0 : index
      %get3A_1443 = tpu.vector_load %arg8[%get3A_1441, %get3A_1442] {strides = array<i32>} : memref<200x16xf32, #tpu.memory_space<vmem>>, vector<1x16xf32>,
      %get3A_1444 = vector.shape_cast %get3A_1443 : vector<1x16xf32> to vector<16xf32>
      %jit3A_1445 = arith.constant 0.000000e+00 : f32
      %broadcast_in_dim3A_1446 = vector.broadcast %jit3A_1445 : f32 to vector<16xf32>
      %select_n3A_1447 = arith.select %gt3A_1439, %get3A_1444, %broadcast_in_dim3A_1446 : vector<16xi1>, vector<16xf32>
      %add3A_1448 = arith.addf %add3A_1433, %select_n3A_1447 : vector<16xf32>
      %get3A_1449 = arith.constant 91 : i32
      %get3A_1450 = arith.index_cast %get3A_1449 : i32 to index
      %get3A_1451 = arith.constant 0 : index
      %get3A_1452 = tpu.vector_load %arg7[%get3A_1450, %get3A_1451] {strides = array<i32>} : memref<200x16xi32, #tpu.memory_space<vmem>>, vector<1x16xi32>,
      %get3A_1453 = vector.shape_cast %get3A_1452 : vector<1x16xi32> to vector<16xi32>
      %gt3A_1454 = arith.cmpi ugt, %get3A_1453, %sub3A_82 : vector<16xi32>
      %get3A_1455 = arith.constant 91 : i32
      %get3A_1456 = arith.index_cast %get3A_1455 : i32 to index
      %get3A_1457 = arith.constant 0 : index
      %get3A_1458 = tpu.vector_load %arg8[%get3A_1456, %get3A_1457] {strides = array<i32>} : memref<200x16xf32, #tpu.memory_space<vmem>>, vector<1x16xf32>,
      %get3A_1459 = vector.shape_cast %get3A_1458 : vector<1x16xf32> to vector<16xf32>
      %jit3A_1460 = arith.constant 0.000000e+00 : f32
      %broadcast_in_dim3A_1461 = vector.broadcast %jit3A_1460 : f32 to vector<16xf32>
      %select_n3A_1462 = arith.select %gt3A_1454, %get3A_1459, %broadcast_in_dim3A_1461 : vector<16xi1>, vector<16xf32>
      %add3A_1463 = arith.addf %add3A_1448, %select_n3A_1462 : vector<16xf32>
      %get3A_1464 = arith.constant 92 : i32
      %get3A_1465 = arith.index_cast %get3A_1464 : i32 to index
      %get3A_1466 = arith.constant 0 : index
      %get3A_1467 = tpu.vector_load %arg7[%get3A_1465, %get3A_1466] {strides = array<i32>} : memref<200x16xi32, #tpu.memory_space<vmem>>, vector<1x16xi32>,
      %get3A_1468 = vector.shape_cast %get3A_1467 : vector<1x16xi32> to vector<16xi32>
      %gt3A_1469 = arith.cmpi ugt, %get3A_1468, %sub3A_82 : vector<16xi32>
      %get3A_1470 = arith.constant 92 : i32
      %get3A_1471 = arith.index_cast %get3A_1470 : i32 to index
      %get3A_1472 = arith.constant 0 : index
      %get3A_1473 = tpu.vector_load %arg8[%get3A_1471, %get3A_1472] {strides = array<i32>} : memref<200x16xf32, #tpu.memory_space<vmem>>, vector<1x16xf32>,
      %get3A_1474 = vector.shape_cast %get3A_1473 : vector<1x16xf32> to vector<16xf32>
      %jit3A_1475 = arith.constant 0.000000e+00 : f32
      %broadcast_in_dim3A_1476 = vector.broadcast %jit3A_1475 : f32 to vector<16xf32>
      %select_n3A_1477 = arith.select %gt3A_1469, %get3A_1474, %broadcast_in_dim3A_1476 : vector<16xi1>, vector<16xf32>
      %add3A_1478 = arith.addf %add3A_1463, %select_n3A_1477 : vector<16xf32>
      %get3A_1479 = arith.constant 93 : i32
      %get3A_1480 = arith.index_cast %get3A_1479 : i32 to index
      %get3A_1481 = arith.constant 0 : index
      %get3A_1482 = tpu.vector_load %arg7[%get3A_1480, %get3A_1481] {strides = array<i32>} : memref<200x16xi32, #tpu.memory_space<vmem>>, vector<1x16xi32>,
      %get3A_1483 = vector.shape_cast %get3A_1482 : vector<1x16xi32> to vector<16xi32>
      %gt3A_1484 = arith.cmpi ugt, %get3A_1483, %sub3A_82 : vector<16xi32>
      %get3A_1485 = arith.constant 93 : i32
      %get3A_1486 = arith.index_cast %get3A_1485 : i32 to index
      %get3A_1487 = arith.constant 0 : index
      %get3A_1488 = tpu.vector_load %arg8[%get3A_1486, %get3A_1487] {strides = array<i32>} : memref<200x16xf32, #tpu.memory_space<vmem>>, vector<1x16xf32>,
      %get3A_1489 = vector.shape_cast %get3A_1488 : vector<1x16xf32> to vector<16xf32>
      %jit3A_1490 = arith.constant 0.000000e+00 : f32
      %broadcast_in_dim3A_1491 = vector.broadcast %jit3A_1490 : f32 to vector<16xf32>
      %select_n3A_1492 = arith.select %gt3A_1484, %get3A_1489, %broadcast_in_dim3A_1491 : vector<16xi1>, vector<16xf32>
      %add3A_1493 = arith.addf %add3A_1478, %select_n3A_1492 : vector<16xf32>
      %get3A_1494 = arith.constant 94 : i32
      %get3A_1495 = arith.index_cast %get3A_1494 : i32 to index
      %get3A_1496 = arith.constant 0 : index
      %get3A_1497 = tpu.vector_load %arg7[%get3A_1495, %get3A_1496] {strides = array<i32>} : memref<200x16xi32, #tpu.memory_space<vmem>>, vector<1x16xi32>,
      %get3A_1498 = vector.shape_cast %get3A_1497 : vector<1x16xi32> to vector<16xi32>
      %gt3A_1499 = arith.cmpi ugt, %get3A_1498, %sub3A_82 : vector<16xi32>
      %get3A_1500 = arith.constant 94 : i32
      %get3A_1501 = arith.index_cast %get3A_1500 : i32 to index
      %get3A_1502 = arith.constant 0 : index
      %get3A_1503 = tpu.vector_load %arg8[%get3A_1501, %get3A_1502] {strides = array<i32>} : memref<200x16xf32, #tpu.memory_space<vmem>>, vector<1x16xf32>,
      %get3A_1504 = vector.shape_cast %get3A_1503 : vector<1x16xf32> to vector<16xf32>
      %jit3A_1505 = arith.constant 0.000000e+00 : f32
      %broadcast_in_dim3A_1506 = vector.broadcast %jit3A_1505 : f32 to vector<16xf32>
      %select_n3A_1507 = arith.select %gt3A_1499, %get3A_1504, %broadcast_in_dim3A_1506 : vector<16xi1>, vector<16xf32>
      %add3A_1508 = arith.addf %add3A_1493, %select_n3A_1507 : vector<16xf32>
      %get3A_1509 = arith.constant 95 : i32
      %get3A_1510 = arith.index_cast %get3A_1509 : i32 to index
      %get3A_1511 = arith.constant 0 : index
      %get3A_1512 = tpu.vector_load %arg7[%get3A_1510, %get3A_1511] {strides = array<i32>} : memref<200x16xi32, #tpu.memory_space<vmem>>, vector<1x16xi32>,
      %get3A_1513 = vector.shape_cast %get3A_1512 : vector<1x16xi32> to vector<16xi32>
      %gt3A_1514 = arith.cmpi ugt, %get3A_1513, %sub3A_82 : vector<16xi32>
      %get3A_1515 = arith.constant 95 : i32
      %get3A_1516 = arith.index_cast %get3A_1515 : i32 to index
      %get3A_1517 = arith.constant 0 : index
      %get3A_1518 = tpu.vector_load %arg8[%get3A_1516, %get3A_1517] {strides = array<i32>} : memref<200x16xf32, #tpu.memory_space<vmem>>, vector<1x16xf32>,
      %get3A_1519 = vector.shape_cast %get3A_1518 : vector<1x16xf32> to vector<16xf32>
      %jit3A_1520 = arith.constant 0.000000e+00 : f32
      %broadcast_in_dim3A_1521 = vector.broadcast %jit3A_1520 : f32 to vector<16xf32>
      %select_n3A_1522 = arith.select %gt3A_1514, %get3A_1519, %broadcast_in_dim3A_1521 : vector<16xi1>, vector<16xf32>
      %add3A_1523 = arith.addf %add3A_1508, %select_n3A_1522 : vector<16xf32>
      %get3A_1524 = arith.constant 96 : i32
      %get3A_1525 = arith.index_cast %get3A_1524 : i32 to index
      %get3A_1526 = arith.constant 0 : index
      %get3A_1527 = tpu.vector_load %arg7[%get3A_1525, %get3A_1526] {strides = array<i32>} : memref<200x16xi32, #tpu.memory_space<vmem>>, vector<1x16xi32>,
      %get3A_1528 = vector.shape_cast %get3A_1527 : vector<1x16xi32> to vector<16xi32>
      %gt3A_1529 = arith.cmpi ugt, %get3A_1528, %sub3A_82 : vector<16xi32>
      %get3A_1530 = arith.constant 96 : i32
      %get3A_1531 = arith.index_cast %get3A_1530 : i32 to index
      %get3A_1532 = arith.constant 0 : index
      %get3A_1533 = tpu.vector_load %arg8[%get3A_1531, %get3A_1532] {strides = array<i32>} : memref<200x16xf32, #tpu.memory_space<vmem>>, vector<1x16xf32>,
      %get3A_1534 = vector.shape_cast %get3A_1533 : vector<1x16xf32> to vector<16xf32>
      %jit3A_1535 = arith.constant 0.000000e+00 : f32
      %broadcast_in_dim3A_1536 = vector.broadcast %jit3A_1535 : f32 to vector<16xf32>
      %select_n3A_1537 = arith.select %gt3A_1529, %get3A_1534, %broadcast_in_dim3A_1536 : vector<16xi1>, vector<16xf32>
      %add3A_1538 = arith.addf %add3A_1523, %select_n3A_1537 : vector<16xf32>
      %get3A_1539 = arith.constant 97 : i32
      %get3A_1540 = arith.index_cast %get3A_1539 : i32 to index
      %get3A_1541 = arith.constant 0 : index
      %get3A_1542 = tpu.vector_load %arg7[%get3A_1540, %get3A_1541] {strides = array<i32>} : memref<200x16xi32, #tpu.memory_space<vmem>>, vector<1x16xi32>,
      %get3A_1543 = vector.shape_cast %get3A_1542 : vector<1x16xi32> to vector<16xi32>
      %gt3A_1544 = arith.cmpi ugt, %get3A_1543, %sub3A_82 : vector<16xi32>
      %get3A_1545 = arith.constant 97 : i32
      %get3A_1546 = arith.index_cast %get3A_1545 : i32 to index
      %get3A_1547 = arith.constant 0 : index
      %get3A_1548 = tpu.vector_load %arg8[%get3A_1546, %get3A_1547] {strides = array<i32>} : memref<200x16xf32, #tpu.memory_space<vmem>>, vector<1x16xf32>,
      %get3A_1549 = vector.shape_cast %get3A_1548 : vector<1x16xf32> to vector<16xf32>
      %jit3A_1550 = arith.constant 0.000000e+00 : f32
      %broadcast_in_dim3A_1551 = vector.broadcast %jit3A_1550 : f32 to vector<16xf32>
      %select_n3A_1552 = arith.select %gt3A_1544, %get3A_1549, %broadcast_in_dim3A_1551 : vector<16xi1>, vector<16xf32>
      %add3A_1553 = arith.addf %add3A_1538, %select_n3A_1552 : vector<16xf32>
      %get3A_1554 = arith.constant 98 : i32
      %get3A_1555 = arith.index_cast %get3A_1554 : i32 to index
      %get3A_1556 = arith.constant 0 : index
      %get3A_1557 = tpu.vector_load %arg7[%get3A_1555, %get3A_1556] {strides = array<i32>} : memref<200x16xi32, #tpu.memory_space<vmem>>, vector<1x16xi32>,
      %get3A_1558 = vector.shape_cast %get3A_1557 : vector<1x16xi32> to vector<16xi32>
      %gt3A_1559 = arith.cmpi ugt, %get3A_1558, %sub3A_82 : vector<16xi32>
      %get3A_1560 = arith.constant 98 : i32
      %get3A_1561 = arith.index_cast %get3A_1560 : i32 to index
      %get3A_1562 = arith.constant 0 : index
      %get3A_1563 = tpu.vector_load %arg8[%get3A_1561, %get3A_1562] {strides = array<i32>} : memref<200x16xf32, #tpu.memory_space<vmem>>, vector<1x16xf32>,
      %get3A_1564 = vector.shape_cast %get3A_1563 : vector<1x16xf32> to vector<16xf32>
      %jit3A_1565 = arith.constant 0.000000e+00 : f32
      %broadcast_in_dim3A_1566 = vector.broadcast %jit3A_1565 : f32 to vector<16xf32>
      %select_n3A_1567 = arith.select %gt3A_1559, %get3A_1564, %broadcast_in_dim3A_1566 : vector<16xi1>, vector<16xf32>
      %add3A_1568 = arith.addf %add3A_1553, %select_n3A_1567 : vector<16xf32>
      %get3A_1569 = arith.constant 99 : i32
      %get3A_1570 = arith.index_cast %get3A_1569 : i32 to index
      %get3A_1571 = arith.constant 0 : index
      %get3A_1572 = tpu.vector_load %arg7[%get3A_1570, %get3A_1571] {strides = array<i32>} : memref<200x16xi32, #tpu.memory_space<vmem>>, vector<1x16xi32>,
      %get3A_1573 = vector.shape_cast %get3A_1572 : vector<1x16xi32> to vector<16xi32>
      %gt3A_1574 = arith.cmpi ugt, %get3A_1573, %sub3A_82 : vector<16xi32>
      %get3A_1575 = arith.constant 99 : i32
      %get3A_1576 = arith.index_cast %get3A_1575 : i32 to index
      %get3A_1577 = arith.constant 0 : index
      %get3A_1578 = tpu.vector_load %arg8[%get3A_1576, %get3A_1577] {strides = array<i32>} : memref<200x16xf32, #tpu.memory_space<vmem>>, vector<1x16xf32>,
      %get3A_1579 = vector.shape_cast %get3A_1578 : vector<1x16xf32> to vector<16xf32>
      %jit3A_1580 = arith.constant 0.000000e+00 : f32
      %broadcast_in_dim3A_1581 = vector.broadcast %jit3A_1580 : f32 to vector<16xf32>
      %select_n3A_1582 = arith.select %gt3A_1574, %get3A_1579, %broadcast_in_dim3A_1581 : vector<16xi1>, vector<16xf32>
      %add3A_1583 = arith.addf %add3A_1568, %select_n3A_1582 : vector<16xf32>
      %get3A_1584 = arith.constant 100 : i32
      %get3A_1585 = arith.index_cast %get3A_1584 : i32 to index
      %get3A_1586 = arith.constant 0 : index
      %get3A_1587 = tpu.vector_load %arg7[%get3A_1585, %get3A_1586] {strides = array<i32>} : memref<200x16xi32, #tpu.memory_space<vmem>>, vector<1x16xi32>,
      %get3A_1588 = vector.shape_cast %get3A_1587 : vector<1x16xi32> to vector<16xi32>
      %gt3A_1589 = arith.cmpi ugt, %get3A_1588, %sub3A_82 : vector<16xi32>
      %get3A_1590 = arith.constant 100 : i32
      %get3A_1591 = arith.index_cast %get3A_1590 : i32 to index
      %get3A_1592 = arith.constant 0 : index
      %get3A_1593 = tpu.vector_load %arg8[%get3A_1591, %get3A_1592] {strides = array<i32>} : memref<200x16xf32, #tpu.memory_space<vmem>>, vector<1x16xf32>,
      %get3A_1594 = vector.shape_cast %get3A_1593 : vector<1x16xf32> to vector<16xf32>
      %jit3A_1595 = arith.constant 0.000000e+00 : f32
      %broadcast_in_dim3A_1596 = vector.broadcast %jit3A_1595 : f32 to vector<16xf32>
      %select_n3A_1597 = arith.select %gt3A_1589, %get3A_1594, %broadcast_in_dim3A_1596 : vector<16xi1>, vector<16xf32>
      %add3A_1598 = arith.addf %add3A_1583, %select_n3A_1597 : vector<16xf32>
      %get3A_1599 = arith.constant 101 : i32
      %get3A_1600 = arith.index_cast %get3A_1599 : i32 to index
      %get3A_1601 = arith.constant 0 : index
      %get3A_1602 = tpu.vector_load %arg7[%get3A_1600, %get3A_1601] {strides = array<i32>} : memref<200x16xi32, #tpu.memory_space<vmem>>, vector<1x16xi32>,
      %get3A_1603 = vector.shape_cast %get3A_1602 : vector<1x16xi32> to vector<16xi32>
      %gt3A_1604 = arith.cmpi ugt, %get3A_1603, %sub3A_82 : vector<16xi32>
      %get3A_1605 = arith.constant 101 : i32
      %get3A_1606 = arith.index_cast %get3A_1605 : i32 to index
      %get3A_1607 = arith.constant 0 : index
      %get3A_1608 = tpu.vector_load %arg8[%get3A_1606, %get3A_1607] {strides = array<i32>} : memref<200x16xf32, #tpu.memory_space<vmem>>, vector<1x16xf32>,
      %get3A_1609 = vector.shape_cast %get3A_1608 : vector<1x16xf32> to vector<16xf32>
      %jit3A_1610 = arith.constant 0.000000e+00 : f32
      %broadcast_in_dim3A_1611 = vector.broadcast %jit3A_1610 : f32 to vector<16xf32>
      %select_n3A_1612 = arith.select %gt3A_1604, %get3A_1609, %broadcast_in_dim3A_1611 : vector<16xi1>, vector<16xf32>
      %add3A_1613 = arith.addf %add3A_1598, %select_n3A_1612 : vector<16xf32>
      %get3A_1614 = arith.constant 102 : i32
      %get3A_1615 = arith.index_cast %get3A_1614 : i32 to index
      %get3A_1616 = arith.constant 0 : index
      %get3A_1617 = tpu.vector_load %arg7[%get3A_1615, %get3A_1616] {strides = array<i32>} : memref<200x16xi32, #tpu.memory_space<vmem>>, vector<1x16xi32>,
      %get3A_1618 = vector.shape_cast %get3A_1617 : vector<1x16xi32> to vector<16xi32>
      %gt3A_1619 = arith.cmpi ugt, %get3A_1618, %sub3A_82 : vector<16xi32>
      %get3A_1620 = arith.constant 102 : i32
      %get3A_1621 = arith.index_cast %get3A_1620 : i32 to index
      %get3A_1622 = arith.constant 0 : index
      %get3A_1623 = tpu.vector_load %arg8[%get3A_1621, %get3A_1622] {strides = array<i32>} : memref<200x16xf32, #tpu.memory_space<vmem>>, vector<1x16xf32>,
      %get3A_1624 = vector.shape_cast %get3A_1623 : vector<1x16xf32> to vector<16xf32>
      %jit3A_1625 = arith.constant 0.000000e+00 : f32
      %broadcast_in_dim3A_1626 = vector.broadcast %jit3A_1625 : f32 to vector<16xf32>
      %select_n3A_1627 = arith.select %gt3A_1619, %get3A_1624, %broadcast_in_dim3A_1626 : vector<16xi1>, vector<16xf32>
      %add3A_1628 = arith.addf %add3A_1613, %select_n3A_1627 : vector<16xf32>
      %get3A_1629 = arith.constant 103 : i32
      %get3A_1630 = arith.index_cast %get3A_1629 : i32 to index
      %get3A_1631 = arith.constant 0 : index
      %get3A_1632 = tpu.vector_load %arg7[%get3A_1630, %get3A_1631] {strides = array<i32>} : memref<200x16xi32, #tpu.memory_space<vmem>>, vector<1x16xi32>,
      %get3A_1633 = vector.shape_cast %get3A_1632 : vector<1x16xi32> to vector<16xi32>
      %gt3A_1634 = arith.cmpi ugt, %get3A_1633, %sub3A_82 : vector<16xi32>
      %get3A_1635 = arith.constant 103 : i32
      %get3A_1636 = arith.index_cast %get3A_1635 : i32 to index
      %get3A_1637 = arith.constant 0 : index
      %get3A_1638 = tpu.vector_load %arg8[%get3A_1636, %get3A_1637] {strides = array<i32>} : memref<200x16xf32, #tpu.memory_space<vmem>>, vector<1x16xf32>,
      %get3A_1639 = vector.shape_cast %get3A_1638 : vector<1x16xf32> to vector<16xf32>
      %jit3A_1640 = arith.constant 0.000000e+00 : f32
      %broadcast_in_dim3A_1641 = vector.broadcast %jit3A_1640 : f32 to vector<16xf32>
      %select_n3A_1642 = arith.select %gt3A_1634, %get3A_1639, %broadcast_in_dim3A_1641 : vector<16xi1>, vector<16xf32>
      %add3A_1643 = arith.addf %add3A_1628, %select_n3A_1642 : vector<16xf32>
      %get3A_1644 = arith.constant 104 : i32
      %get3A_1645 = arith.index_cast %get3A_1644 : i32 to index
      %get3A_1646 = arith.constant 0 : index
      %get3A_1647 = tpu.vector_load %arg7[%get3A_1645, %get3A_1646] {strides = array<i32>} : memref<200x16xi32, #tpu.memory_space<vmem>>, vector<1x16xi32>,
      %get3A_1648 = vector.shape_cast %get3A_1647 : vector<1x16xi32> to vector<16xi32>
      %gt3A_1649 = arith.cmpi ugt, %get3A_1648, %sub3A_82 : vector<16xi32>
      %get3A_1650 = arith.constant 104 : i32
      %get3A_1651 = arith.index_cast %get3A_1650 : i32 to index
      %get3A_1652 = arith.constant 0 : index
      %get3A_1653 = tpu.vector_load %arg8[%get3A_1651, %get3A_1652] {strides = array<i32>} : memref<200x16xf32, #tpu.memory_space<vmem>>, vector<1x16xf32>,
      %get3A_1654 = vector.shape_cast %get3A_1653 : vector<1x16xf32> to vector<16xf32>
      %jit3A_1655 = arith.constant 0.000000e+00 : f32
      %broadcast_in_dim3A_1656 = vector.broadcast %jit3A_1655 : f32 to vector<16xf32>
      %select_n3A_1657 = arith.select %gt3A_1649, %get3A_1654, %broadcast_in_dim3A_1656 : vector<16xi1>, vector<16xf32>
      %add3A_1658 = arith.addf %add3A_1643, %select_n3A_1657 : vector<16xf32>
      %get3A_1659 = arith.constant 105 : i32
      %get3A_1660 = arith.index_cast %get3A_1659 : i32 to index
      %get3A_1661 = arith.constant 0 : index
      %get3A_1662 = tpu.vector_load %arg7[%get3A_1660, %get3A_1661] {strides = array<i32>} : memref<200x16xi32, #tpu.memory_space<vmem>>, vector<1x16xi32>,
      %get3A_1663 = vector.shape_cast %get3A_1662 : vector<1x16xi32> to vector<16xi32>
      %gt3A_1664 = arith.cmpi ugt, %get3A_1663, %sub3A_82 : vector<16xi32>
      %get3A_1665 = arith.constant 105 : i32
      %get3A_1666 = arith.index_cast %get3A_1665 : i32 to index
      %get3A_1667 = arith.constant 0 : index
      %get3A_1668 = tpu.vector_load %arg8[%get3A_1666, %get3A_1667] {strides = array<i32>} : memref<200x16xf32, #tpu.memory_space<vmem>>, vector<1x16xf32>,
      %get3A_1669 = vector.shape_cast %get3A_1668 : vector<1x16xf32> to vector<16xf32>
      %jit3A_1670 = arith.constant 0.000000e+00 : f32
      %broadcast_in_dim3A_1671 = vector.broadcast %jit3A_1670 : f32 to vector<16xf32>
      %select_n3A_1672 = arith.select %gt3A_1664, %get3A_1669, %broadcast_in_dim3A_1671 : vector<16xi1>, vector<16xf32>
      %add3A_1673 = arith.addf %add3A_1658, %select_n3A_1672 : vector<16xf32>
      %get3A_1674 = arith.constant 106 : i32
      %get3A_1675 = arith.index_cast %get3A_1674 : i32 to index
      %get3A_1676 = arith.constant 0 : index
      %get3A_1677 = tpu.vector_load %arg7[%get3A_1675, %get3A_1676] {strides = array<i32>} : memref<200x16xi32, #tpu.memory_space<vmem>>, vector<1x16xi32>,
      %get3A_1678 = vector.shape_cast %get3A_1677 : vector<1x16xi32> to vector<16xi32>
      %gt3A_1679 = arith.cmpi ugt, %get3A_1678, %sub3A_82 : vector<16xi32>
      %get3A_1680 = arith.constant 106 : i32
      %get3A_1681 = arith.index_cast %get3A_1680 : i32 to index
      %get3A_1682 = arith.constant 0 : index
      %get3A_1683 = tpu.vector_load %arg8[%get3A_1681, %get3A_1682] {strides = array<i32>} : memref<200x16xf32, #tpu.memory_space<vmem>>, vector<1x16xf32>,
      %get3A_1684 = vector.shape_cast %get3A_1683 : vector<1x16xf32> to vector<16xf32>
      %jit3A_1685 = arith.constant 0.000000e+00 : f32
      %broadcast_in_dim3A_1686 = vector.broadcast %jit3A_1685 : f32 to vector<16xf32>
      %select_n3A_1687 = arith.select %gt3A_1679, %get3A_1684, %broadcast_in_dim3A_1686 : vector<16xi1>, vector<16xf32>
      %add3A_1688 = arith.addf %add3A_1673, %select_n3A_1687 : vector<16xf32>
      %get3A_1689 = arith.constant 107 : i32
      %get3A_1690 = arith.index_cast %get3A_1689 : i32 to index
      %get3A_1691 = arith.constant 0 : index
      %get3A_1692 = tpu.vector_load %arg7[%get3A_1690, %get3A_1691] {strides = array<i32>} : memref<200x16xi32, #tpu.memory_space<vmem>>, vector<1x16xi32>,
      %get3A_1693 = vector.shape_cast %get3A_1692 : vector<1x16xi32> to vector<16xi32>
      %gt3A_1694 = arith.cmpi ugt, %get3A_1693, %sub3A_82 : vector<16xi32>
      %get3A_1695 = arith.constant 107 : i32
      %get3A_1696 = arith.index_cast %get3A_1695 : i32 to index
      %get3A_1697 = arith.constant 0 : index
      %get3A_1698 = tpu.vector_load %arg8[%get3A_1696, %get3A_1697] {strides = array<i32>} : memref<200x16xf32, #tpu.memory_space<vmem>>, vector<1x16xf32>,
      %get3A_1699 = vector.shape_cast %get3A_1698 : vector<1x16xf32> to vector<16xf32>
      %jit3A_1700 = arith.constant 0.000000e+00 : f32
      %broadcast_in_dim3A_1701 = vector.broadcast %jit3A_1700 : f32 to vector<16xf32>
      %select_n3A_1702 = arith.select %gt3A_1694, %get3A_1699, %broadcast_in_dim3A_1701 : vector<16xi1>, vector<16xf32>
      %add3A_1703 = arith.addf %add3A_1688, %select_n3A_1702 : vector<16xf32>
      %get3A_1704 = arith.constant 108 : i32
      %get3A_1705 = arith.index_cast %get3A_1704 : i32 to index
      %get3A_1706 = arith.constant 0 : index
      %get3A_1707 = tpu.vector_load %arg7[%get3A_1705, %get3A_1706] {strides = array<i32>} : memref<200x16xi32, #tpu.memory_space<vmem>>, vector<1x16xi32>,
      %get3A_1708 = vector.shape_cast %get3A_1707 : vector<1x16xi32> to vector<16xi32>
      %gt3A_1709 = arith.cmpi ugt, %get3A_1708, %sub3A_82 : vector<16xi32>
      %get3A_1710 = arith.constant 108 : i32
      %get3A_1711 = arith.index_cast %get3A_1710 : i32 to index
      %get3A_1712 = arith.constant 0 : index
      %get3A_1713 = tpu.vector_load %arg8[%get3A_1711, %get3A_1712] {strides = array<i32>} : memref<200x16xf32, #tpu.memory_space<vmem>>, vector<1x16xf32>,
      %get3A_1714 = vector.shape_cast %get3A_1713 : vector<1x16xf32> to vector<16xf32>
      %jit3A_1715 = arith.constant 0.000000e+00 : f32
      %broadcast_in_dim3A_1716 = vector.broadcast %jit3A_1715 : f32 to vector<16xf32>
      %select_n3A_1717 = arith.select %gt3A_1709, %get3A_1714, %broadcast_in_dim3A_1716 : vector<16xi1>, vector<16xf32>
      %add3A_1718 = arith.addf %add3A_1703, %select_n3A_1717 : vector<16xf32>
      %get3A_1719 = arith.constant 109 : i32
      %get3A_1720 = arith.index_cast %get3A_1719 : i32 to index
      %get3A_1721 = arith.constant 0 : index
      %get3A_1722 = tpu.vector_load %arg7[%get3A_1720, %get3A_1721] {strides = array<i32>} : memref<200x16xi32, #tpu.memory_space<vmem>>, vector<1x16xi32>,
      %get3A_1723 = vector.shape_cast %get3A_1722 : vector<1x16xi32> to vector<16xi32>
      %gt3A_1724 = arith.cmpi ugt, %get3A_1723, %sub3A_82 : vector<16xi32>
      %get3A_1725 = arith.constant 109 : i32
      %get3A_1726 = arith.index_cast %get3A_1725 : i32 to index
      %get3A_1727 = arith.constant 0 : index
      %get3A_1728 = tpu.vector_load %arg8[%get3A_1726, %get3A_1727] {strides = array<i32>} : memref<200x16xf32, #tpu.memory_space<vmem>>, vector<1x16xf32>,
      %get3A_1729 = vector.shape_cast %get3A_1728 : vector<1x16xf32> to vector<16xf32>
      %jit3A_1730 = arith.constant 0.000000e+00 : f32
      %broadcast_in_dim3A_1731 = vector.broadcast %jit3A_1730 : f32 to vector<16xf32>
      %select_n3A_1732 = arith.select %gt3A_1724, %get3A_1729, %broadcast_in_dim3A_1731 : vector<16xi1>, vector<16xf32>
      %add3A_1733 = arith.addf %add3A_1718, %select_n3A_1732 : vector<16xf32>
      %get3A_1734 = arith.constant 110 : i32
      %get3A_1735 = arith.index_cast %get3A_1734 : i32 to index
      %get3A_1736 = arith.constant 0 : index
      %get3A_1737 = tpu.vector_load %arg7[%get3A_1735, %get3A_1736] {strides = array<i32>} : memref<200x16xi32, #tpu.memory_space<vmem>>, vector<1x16xi32>,
      %get3A_1738 = vector.shape_cast %get3A_1737 : vector<1x16xi32> to vector<16xi32>
      %gt3A_1739 = arith.cmpi ugt, %get3A_1738, %sub3A_82 : vector<16xi32>
      %get3A_1740 = arith.constant 110 : i32
      %get3A_1741 = arith.index_cast %get3A_1740 : i32 to index
      %get3A_1742 = arith.constant 0 : index
      %get3A_1743 = tpu.vector_load %arg8[%get3A_1741, %get3A_1742] {strides = array<i32>} : memref<200x16xf32, #tpu.memory_space<vmem>>, vector<1x16xf32>,
      %get3A_1744 = vector.shape_cast %get3A_1743 : vector<1x16xf32> to vector<16xf32>
      %jit3A_1745 = arith.constant 0.000000e+00 : f32
      %broadcast_in_dim3A_1746 = vector.broadcast %jit3A_1745 : f32 to vector<16xf32>
      %select_n3A_1747 = arith.select %gt3A_1739, %get3A_1744, %broadcast_in_dim3A_1746 : vector<16xi1>, vector<16xf32>
      %add3A_1748 = arith.addf %add3A_1733, %select_n3A_1747 : vector<16xf32>
      %get3A_1749 = arith.constant 111 : i32
      %get3A_1750 = arith.index_cast %get3A_1749 : i32 to index
      %get3A_1751 = arith.constant 0 : index
      %get3A_1752 = tpu.vector_load %arg7[%get3A_1750, %get3A_1751] {strides = array<i32>} : memref<200x16xi32, #tpu.memory_space<vmem>>, vector<1x16xi32>,
      %get3A_1753 = vector.shape_cast %get3A_1752 : vector<1x16xi32> to vector<16xi32>
      %gt3A_1754 = arith.cmpi ugt, %get3A_1753, %sub3A_82 : vector<16xi32>
      %get3A_1755 = arith.constant 111 : i32
      %get3A_1756 = arith.index_cast %get3A_1755 : i32 to index
      %get3A_1757 = arith.constant 0 : index
      %get3A_1758 = tpu.vector_load %arg8[%get3A_1756, %get3A_1757] {strides = array<i32>} : memref<200x16xf32, #tpu.memory_space<vmem>>, vector<1x16xf32>,
      %get3A_1759 = vector.shape_cast %get3A_1758 : vector<1x16xf32> to vector<16xf32>
      %jit3A_1760 = arith.constant 0.000000e+00 : f32
      %broadcast_in_dim3A_1761 = vector.broadcast %jit3A_1760 : f32 to vector<16xf32>
      %select_n3A_1762 = arith.select %gt3A_1754, %get3A_1759, %broadcast_in_dim3A_1761 : vector<16xi1>, vector<16xf32>
      %add3A_1763 = arith.addf %add3A_1748, %select_n3A_1762 : vector<16xf32>
      %get3A_1764 = arith.constant 112 : i32
      %get3A_1765 = arith.index_cast %get3A_1764 : i32 to index
      %get3A_1766 = arith.constant 0 : index
      %get3A_1767 = tpu.vector_load %arg7[%get3A_1765, %get3A_1766] {strides = array<i32>} : memref<200x16xi32, #tpu.memory_space<vmem>>, vector<1x16xi32>,
      %get3A_1768 = vector.shape_cast %get3A_1767 : vector<1x16xi32> to vector<16xi32>
      %gt3A_1769 = arith.cmpi ugt, %get3A_1768, %sub3A_82 : vector<16xi32>
      %get3A_1770 = arith.constant 112 : i32
      %get3A_1771 = arith.index_cast %get3A_1770 : i32 to index
      %get3A_1772 = arith.constant 0 : index
      %get3A_1773 = tpu.vector_load %arg8[%get3A_1771, %get3A_1772] {strides = array<i32>} : memref<200x16xf32, #tpu.memory_space<vmem>>, vector<1x16xf32>,
      %get3A_1774 = vector.shape_cast %get3A_1773 : vector<1x16xf32> to vector<16xf32>
      %jit3A_1775 = arith.constant 0.000000e+00 : f32
      %broadcast_in_dim3A_1776 = vector.broadcast %jit3A_1775 : f32 to vector<16xf32>
      %select_n3A_1777 = arith.select %gt3A_1769, %get3A_1774, %broadcast_in_dim3A_1776 : vector<16xi1>, vector<16xf32>
      %add3A_1778 = arith.addf %add3A_1763, %select_n3A_1777 : vector<16xf32>
      %get3A_1779 = arith.constant 113 : i32
      %get3A_1780 = arith.index_cast %get3A_1779 : i32 to index
      %get3A_1781 = arith.constant 0 : index
      %get3A_1782 = tpu.vector_load %arg7[%get3A_1780, %get3A_1781] {strides = array<i32>} : memref<200x16xi32, #tpu.memory_space<vmem>>, vector<1x16xi32>,
      %get3A_1783 = vector.shape_cast %get3A_1782 : vector<1x16xi32> to vector<16xi32>
      %gt3A_1784 = arith.cmpi ugt, %get3A_1783, %sub3A_82 : vector<16xi32>
      %get3A_1785 = arith.constant 113 : i32
      %get3A_1786 = arith.index_cast %get3A_1785 : i32 to index
      %get3A_1787 = arith.constant 0 : index
      %get3A_1788 = tpu.vector_load %arg8[%get3A_1786, %get3A_1787] {strides = array<i32>} : memref<200x16xf32, #tpu.memory_space<vmem>>, vector<1x16xf32>,
      %get3A_1789 = vector.shape_cast %get3A_1788 : vector<1x16xf32> to vector<16xf32>
      %jit3A_1790 = arith.constant 0.000000e+00 : f32
      %broadcast_in_dim3A_1791 = vector.broadcast %jit3A_1790 : f32 to vector<16xf32>
      %select_n3A_1792 = arith.select %gt3A_1784, %get3A_1789, %broadcast_in_dim3A_1791 : vector<16xi1>, vector<16xf32>
      %add3A_1793 = arith.addf %add3A_1778, %select_n3A_1792 : vector<16xf32>
      %get3A_1794 = arith.constant 114 : i32
      %get3A_1795 = arith.index_cast %get3A_1794 : i32 to index
      %get3A_1796 = arith.constant 0 : index
      %get3A_1797 = tpu.vector_load %arg7[%get3A_1795, %get3A_1796] {strides = array<i32>} : memref<200x16xi32, #tpu.memory_space<vmem>>, vector<1x16xi32>,
      %get3A_1798 = vector.shape_cast %get3A_1797 : vector<1x16xi32> to vector<16xi32>
      %gt3A_1799 = arith.cmpi ugt, %get3A_1798, %sub3A_82 : vector<16xi32>
      %get3A_1800 = arith.constant 114 : i32
      %get3A_1801 = arith.index_cast %get3A_1800 : i32 to index
      %get3A_1802 = arith.constant 0 : index
      %get3A_1803 = tpu.vector_load %arg8[%get3A_1801, %get3A_1802] {strides = array<i32>} : memref<200x16xf32, #tpu.memory_space<vmem>>, vector<1x16xf32>,
      %get3A_1804 = vector.shape_cast %get3A_1803 : vector<1x16xf32> to vector<16xf32>
      %jit3A_1805 = arith.constant 0.000000e+00 : f32
      %broadcast_in_dim3A_1806 = vector.broadcast %jit3A_1805 : f32 to vector<16xf32>
      %select_n3A_1807 = arith.select %gt3A_1799, %get3A_1804, %broadcast_in_dim3A_1806 : vector<16xi1>, vector<16xf32>
      %add3A_1808 = arith.addf %add3A_1793, %select_n3A_1807 : vector<16xf32>
      %get3A_1809 = arith.constant 115 : i32
      %get3A_1810 = arith.index_cast %get3A_1809 : i32 to index
      %get3A_1811 = arith.constant 0 : index
      %get3A_1812 = tpu.vector_load %arg7[%get3A_1810, %get3A_1811] {strides = array<i32>} : memref<200x16xi32, #tpu.memory_space<vmem>>, vector<1x16xi32>,
      %get3A_1813 = vector.shape_cast %get3A_1812 : vector<1x16xi32> to vector<16xi32>
      %gt3A_1814 = arith.cmpi ugt, %get3A_1813, %sub3A_82 : vector<16xi32>
      %get3A_1815 = arith.constant 115 : i32
      %get3A_1816 = arith.index_cast %get3A_1815 : i32 to index
      %get3A_1817 = arith.constant 0 : index
      %get3A_1818 = tpu.vector_load %arg8[%get3A_1816, %get3A_1817] {strides = array<i32>} : memref<200x16xf32, #tpu.memory_space<vmem>>, vector<1x16xf32>,
      %get3A_1819 = vector.shape_cast %get3A_1818 : vector<1x16xf32> to vector<16xf32>
      %jit3A_1820 = arith.constant 0.000000e+00 : f32
      %broadcast_in_dim3A_1821 = vector.broadcast %jit3A_1820 : f32 to vector<16xf32>
      %select_n3A_1822 = arith.select %gt3A_1814, %get3A_1819, %broadcast_in_dim3A_1821 : vector<16xi1>, vector<16xf32>
      %add3A_1823 = arith.addf %add3A_1808, %select_n3A_1822 : vector<16xf32>
      %get3A_1824 = arith.constant 116 : i32
      %get3A_1825 = arith.index_cast %get3A_1824 : i32 to index
      %get3A_1826 = arith.constant 0 : index
      %get3A_1827 = tpu.vector_load %arg7[%get3A_1825, %get3A_1826] {strides = array<i32>} : memref<200x16xi32, #tpu.memory_space<vmem>>, vector<1x16xi32>,
      %get3A_1828 = vector.shape_cast %get3A_1827 : vector<1x16xi32> to vector<16xi32>
      %gt3A_1829 = arith.cmpi ugt, %get3A_1828, %sub3A_82 : vector<16xi32>
      %get3A_1830 = arith.constant 116 : i32
      %get3A_1831 = arith.index_cast %get3A_1830 : i32 to index
      %get3A_1832 = arith.constant 0 : index
      %get3A_1833 = tpu.vector_load %arg8[%get3A_1831, %get3A_1832] {strides = array<i32>} : memref<200x16xf32, #tpu.memory_space<vmem>>, vector<1x16xf32>,
      %get3A_1834 = vector.shape_cast %get3A_1833 : vector<1x16xf32> to vector<16xf32>
      %jit3A_1835 = arith.constant 0.000000e+00 : f32
      %broadcast_in_dim3A_1836 = vector.broadcast %jit3A_1835 : f32 to vector<16xf32>
      %select_n3A_1837 = arith.select %gt3A_1829, %get3A_1834, %broadcast_in_dim3A_1836 : vector<16xi1>, vector<16xf32>
      %add3A_1838 = arith.addf %add3A_1823, %select_n3A_1837 : vector<16xf32>
      %get3A_1839 = arith.constant 117 : i32
      %get3A_1840 = arith.index_cast %get3A_1839 : i32 to index
      %get3A_1841 = arith.constant 0 : index
      %get3A_1842 = tpu.vector_load %arg7[%get3A_1840, %get3A_1841] {strides = array<i32>} : memref<200x16xi32, #tpu.memory_space<vmem>>, vector<1x16xi32>,
      %get3A_1843 = vector.shape_cast %get3A_1842 : vector<1x16xi32> to vector<16xi32>
      %gt3A_1844 = arith.cmpi ugt, %get3A_1843, %sub3A_82 : vector<16xi32>
      %get3A_1845 = arith.constant 117 : i32
      %get3A_1846 = arith.index_cast %get3A_1845 : i32 to index
      %get3A_1847 = arith.constant 0 : index
      %get3A_1848 = tpu.vector_load %arg8[%get3A_1846, %get3A_1847] {strides = array<i32>} : memref<200x16xf32, #tpu.memory_space<vmem>>, vector<1x16xf32>,
      %get3A_1849 = vector.shape_cast %get3A_1848 : vector<1x16xf32> to vector<16xf32>
      %jit3A_1850 = arith.constant 0.000000e+00 : f32
      %broadcast_in_dim3A_1851 = vector.broadcast %jit3A_1850 : f32 to vector<16xf32>
      %select_n3A_1852 = arith.select %gt3A_1844, %get3A_1849, %broadcast_in_dim3A_1851 : vector<16xi1>, vector<16xf32>
      %add3A_1853 = arith.addf %add3A_1838, %select_n3A_1852 : vector<16xf32>
      %get3A_1854 = arith.constant 118 : i32
      %get3A_1855 = arith.index_cast %get3A_1854 : i32 to index
      %get3A_1856 = arith.constant 0 : index
      %get3A_1857 = tpu.vector_load %arg7[%get3A_1855, %get3A_1856] {strides = array<i32>} : memref<200x16xi32, #tpu.memory_space<vmem>>, vector<1x16xi32>,
      %get3A_1858 = vector.shape_cast %get3A_1857 : vector<1x16xi32> to vector<16xi32>
      %gt3A_1859 = arith.cmpi ugt, %get3A_1858, %sub3A_82 : vector<16xi32>
      %get3A_1860 = arith.constant 118 : i32
      %get3A_1861 = arith.index_cast %get3A_1860 : i32 to index
      %get3A_1862 = arith.constant 0 : index
      %get3A_1863 = tpu.vector_load %arg8[%get3A_1861, %get3A_1862] {strides = array<i32>} : memref<200x16xf32, #tpu.memory_space<vmem>>, vector<1x16xf32>,
      %get3A_1864 = vector.shape_cast %get3A_1863 : vector<1x16xf32> to vector<16xf32>
      %jit3A_1865 = arith.constant 0.000000e+00 : f32
      %broadcast_in_dim3A_1866 = vector.broadcast %jit3A_1865 : f32 to vector<16xf32>
      %select_n3A_1867 = arith.select %gt3A_1859, %get3A_1864, %broadcast_in_dim3A_1866 : vector<16xi1>, vector<16xf32>
      %add3A_1868 = arith.addf %add3A_1853, %select_n3A_1867 : vector<16xf32>
      %get3A_1869 = arith.constant 119 : i32
      %get3A_1870 = arith.index_cast %get3A_1869 : i32 to index
      %get3A_1871 = arith.constant 0 : index
      %get3A_1872 = tpu.vector_load %arg7[%get3A_1870, %get3A_1871] {strides = array<i32>} : memref<200x16xi32, #tpu.memory_space<vmem>>, vector<1x16xi32>,
      %get3A_1873 = vector.shape_cast %get3A_1872 : vector<1x16xi32> to vector<16xi32>
      %gt3A_1874 = arith.cmpi ugt, %get3A_1873, %sub3A_82 : vector<16xi32>
      %get3A_1875 = arith.constant 119 : i32
      %get3A_1876 = arith.index_cast %get3A_1875 : i32 to index
      %get3A_1877 = arith.constant 0 : index
      %get3A_1878 = tpu.vector_load %arg8[%get3A_1876, %get3A_1877] {strides = array<i32>} : memref<200x16xf32, #tpu.memory_space<vmem>>, vector<1x16xf32>,
      %get3A_1879 = vector.shape_cast %get3A_1878 : vector<1x16xf32> to vector<16xf32>
      %jit3A_1880 = arith.constant 0.000000e+00 : f32
      %broadcast_in_dim3A_1881 = vector.broadcast %jit3A_1880 : f32 to vector<16xf32>
      %select_n3A_1882 = arith.select %gt3A_1874, %get3A_1879, %broadcast_in_dim3A_1881 : vector<16xi1>, vector<16xf32>
      %add3A_1883 = arith.addf %add3A_1868, %select_n3A_1882 : vector<16xf32>
      %get3A_1884 = arith.constant 120 : i32
      %get3A_1885 = arith.index_cast %get3A_1884 : i32 to index
      %get3A_1886 = arith.constant 0 : index
      %get3A_1887 = tpu.vector_load %arg7[%get3A_1885, %get3A_1886] {strides = array<i32>} : memref<200x16xi32, #tpu.memory_space<vmem>>, vector<1x16xi32>,
      %get3A_1888 = vector.shape_cast %get3A_1887 : vector<1x16xi32> to vector<16xi32>
      %gt3A_1889 = arith.cmpi ugt, %get3A_1888, %sub3A_82 : vector<16xi32>
      %get3A_1890 = arith.constant 120 : i32
      %get3A_1891 = arith.index_cast %get3A_1890 : i32 to index
      %get3A_1892 = arith.constant 0 : index
      %get3A_1893 = tpu.vector_load %arg8[%get3A_1891, %get3A_1892] {strides = array<i32>} : memref<200x16xf32, #tpu.memory_space<vmem>>, vector<1x16xf32>,
      %get3A_1894 = vector.shape_cast %get3A_1893 : vector<1x16xf32> to vector<16xf32>
      %jit3A_1895 = arith.constant 0.000000e+00 : f32
      %broadcast_in_dim3A_1896 = vector.broadcast %jit3A_1895 : f32 to vector<16xf32>
      %select_n3A_1897 = arith.select %gt3A_1889, %get3A_1894, %broadcast_in_dim3A_1896 : vector<16xi1>, vector<16xf32>
      %add3A_1898 = arith.addf %add3A_1883, %select_n3A_1897 : vector<16xf32>
      %get3A_1899 = arith.constant 121 : i32
      %get3A_1900 = arith.index_cast %get3A_1899 : i32 to index
      %get3A_1901 = arith.constant 0 : index
      %get3A_1902 = tpu.vector_load %arg7[%get3A_1900, %get3A_1901] {strides = array<i32>} : memref<200x16xi32, #tpu.memory_space<vmem>>, vector<1x16xi32>,
      %get3A_1903 = vector.shape_cast %get3A_1902 : vector<1x16xi32> to vector<16xi32>
      %gt3A_1904 = arith.cmpi ugt, %get3A_1903, %sub3A_82 : vector<16xi32>
      %get3A_1905 = arith.constant 121 : i32
      %get3A_1906 = arith.index_cast %get3A_1905 : i32 to index
      %get3A_1907 = arith.constant 0 : index
      %get3A_1908 = tpu.vector_load %arg8[%get3A_1906, %get3A_1907] {strides = array<i32>} : memref<200x16xf32, #tpu.memory_space<vmem>>, vector<1x16xf32>,
      %get3A_1909 = vector.shape_cast %get3A_1908 : vector<1x16xf32> to vector<16xf32>
      %jit3A_1910 = arith.constant 0.000000e+00 : f32
      %broadcast_in_dim3A_1911 = vector.broadcast %jit3A_1910 : f32 to vector<16xf32>
      %select_n3A_1912 = arith.select %gt3A_1904, %get3A_1909, %broadcast_in_dim3A_1911 : vector<16xi1>, vector<16xf32>
      %add3A_1913 = arith.addf %add3A_1898, %select_n3A_1912 : vector<16xf32>
      %get3A_1914 = arith.constant 122 : i32
      %get3A_1915 = arith.index_cast %get3A_1914 : i32 to index
      %get3A_1916 = arith.constant 0 : index
      %get3A_1917 = tpu.vector_load %arg7[%get3A_1915, %get3A_1916] {strides = array<i32>} : memref<200x16xi32, #tpu.memory_space<vmem>>, vector<1x16xi32>,
      %get3A_1918 = vector.shape_cast %get3A_1917 : vector<1x16xi32> to vector<16xi32>
      %gt3A_1919 = arith.cmpi ugt, %get3A_1918, %sub3A_82 : vector<16xi32>
      %get3A_1920 = arith.constant 122 : i32
      %get3A_1921 = arith.index_cast %get3A_1920 : i32 to index
      %get3A_1922 = arith.constant 0 : index
      %get3A_1923 = tpu.vector_load %arg8[%get3A_1921, %get3A_1922] {strides = array<i32>} : memref<200x16xf32, #tpu.memory_space<vmem>>, vector<1x16xf32>,
      %get3A_1924 = vector.shape_cast %get3A_1923 : vector<1x16xf32> to vector<16xf32>
      %jit3A_1925 = arith.constant 0.000000e+00 : f32
      %broadcast_in_dim3A_1926 = vector.broadcast %jit3A_1925 : f32 to vector<16xf32>
      %select_n3A_1927 = arith.select %gt3A_1919, %get3A_1924, %broadcast_in_dim3A_1926 : vector<16xi1>, vector<16xf32>
      %add3A_1928 = arith.addf %add3A_1913, %select_n3A_1927 : vector<16xf32>
      %get3A_1929 = arith.constant 123 : i32
      %get3A_1930 = arith.index_cast %get3A_1929 : i32 to index
      %get3A_1931 = arith.constant 0 : index
      %get3A_1932 = tpu.vector_load %arg7[%get3A_1930, %get3A_1931] {strides = array<i32>} : memref<200x16xi32, #tpu.memory_space<vmem>>, vector<1x16xi32>,
      %get3A_1933 = vector.shape_cast %get3A_1932 : vector<1x16xi32> to vector<16xi32>
      %gt3A_1934 = arith.cmpi ugt, %get3A_1933, %sub3A_82 : vector<16xi32>
      %get3A_1935 = arith.constant 123 : i32
      %get3A_1936 = arith.index_cast %get3A_1935 : i32 to index
      %get3A_1937 = arith.constant 0 : index
      %get3A_1938 = tpu.vector_load %arg8[%get3A_1936, %get3A_1937] {strides = array<i32>} : memref<200x16xf32, #tpu.memory_space<vmem>>, vector<1x16xf32>,
      %get3A_1939 = vector.shape_cast %get3A_1938 : vector<1x16xf32> to vector<16xf32>
      %jit3A_1940 = arith.constant 0.000000e+00 : f32
      %broadcast_in_dim3A_1941 = vector.broadcast %jit3A_1940 : f32 to vector<16xf32>
      %select_n3A_1942 = arith.select %gt3A_1934, %get3A_1939, %broadcast_in_dim3A_1941 : vector<16xi1>, vector<16xf32>
      %add3A_1943 = arith.addf %add3A_1928, %select_n3A_1942 : vector<16xf32>
      %get3A_1944 = arith.constant 124 : i32
      %get3A_1945 = arith.index_cast %get3A_1944 : i32 to index
      %get3A_1946 = arith.constant 0 : index
      %get3A_1947 = tpu.vector_load %arg7[%get3A_1945, %get3A_1946] {strides = array<i32>} : memref<200x16xi32, #tpu.memory_space<vmem>>, vector<1x16xi32>,
      %get3A_1948 = vector.shape_cast %get3A_1947 : vector<1x16xi32> to vector<16xi32>
      %gt3A_1949 = arith.cmpi ugt, %get3A_1948, %sub3A_82 : vector<16xi32>
      %get3A_1950 = arith.constant 124 : i32
      %get3A_1951 = arith.index_cast %get3A_1950 : i32 to index
      %get3A_1952 = arith.constant 0 : index
      %get3A_1953 = tpu.vector_load %arg8[%get3A_1951, %get3A_1952] {strides = array<i32>} : memref<200x16xf32, #tpu.memory_space<vmem>>, vector<1x16xf32>,
      %get3A_1954 = vector.shape_cast %get3A_1953 : vector<1x16xf32> to vector<16xf32>
      %jit3A_1955 = arith.constant 0.000000e+00 : f32
      %broadcast_in_dim3A_1956 = vector.broadcast %jit3A_1955 : f32 to vector<16xf32>
      %select_n3A_1957 = arith.select %gt3A_1949, %get3A_1954, %broadcast_in_dim3A_1956 : vector<16xi1>, vector<16xf32>
      %add3A_1958 = arith.addf %add3A_1943, %select_n3A_1957 : vector<16xf32>
      %get3A_1959 = arith.constant 125 : i32
      %get3A_1960 = arith.index_cast %get3A_1959 : i32 to index
      %get3A_1961 = arith.constant 0 : index
      %get3A_1962 = tpu.vector_load %arg7[%get3A_1960, %get3A_1961] {strides = array<i32>} : memref<200x16xi32, #tpu.memory_space<vmem>>, vector<1x16xi32>,
      %get3A_1963 = vector.shape_cast %get3A_1962 : vector<1x16xi32> to vector<16xi32>
      %gt3A_1964 = arith.cmpi ugt, %get3A_1963, %sub3A_82 : vector<16xi32>
      %get3A_1965 = arith.constant 125 : i32
      %get3A_1966 = arith.index_cast %get3A_1965 : i32 to index
      %get3A_1967 = arith.constant 0 : index
      %get3A_1968 = tpu.vector_load %arg8[%get3A_1966, %get3A_1967] {strides = array<i32>} : memref<200x16xf32, #tpu.memory_space<vmem>>, vector<1x16xf32>,
      %get3A_1969 = vector.shape_cast %get3A_1968 : vector<1x16xf32> to vector<16xf32>
      %jit3A_1970 = arith.constant 0.000000e+00 : f32
      %broadcast_in_dim3A_1971 = vector.broadcast %jit3A_1970 : f32 to vector<16xf32>
      %select_n3A_1972 = arith.select %gt3A_1964, %get3A_1969, %broadcast_in_dim3A_1971 : vector<16xi1>, vector<16xf32>
      %add3A_1973 = arith.addf %add3A_1958, %select_n3A_1972 : vector<16xf32>
      %get3A_1974 = arith.constant 126 : i32
      %get3A_1975 = arith.index_cast %get3A_1974 : i32 to index
      %get3A_1976 = arith.constant 0 : index
      %get3A_1977 = tpu.vector_load %arg7[%get3A_1975, %get3A_1976] {strides = array<i32>} : memref<200x16xi32, #tpu.memory_space<vmem>>, vector<1x16xi32>,
      %get3A_1978 = vector.shape_cast %get3A_1977 : vector<1x16xi32> to vector<16xi32>
      %gt3A_1979 = arith.cmpi ugt, %get3A_1978, %sub3A_82 : vector<16xi32>
      %get3A_1980 = arith.constant 126 : i32
      %get3A_1981 = arith.index_cast %get3A_1980 : i32 to index
      %get3A_1982 = arith.constant 0 : index
      %get3A_1983 = tpu.vector_load %arg8[%get3A_1981, %get3A_1982] {strides = array<i32>} : memref<200x16xf32, #tpu.memory_space<vmem>>, vector<1x16xf32>,
      %get3A_1984 = vector.shape_cast %get3A_1983 : vector<1x16xf32> to vector<16xf32>
      %jit3A_1985 = arith.constant 0.000000e+00 : f32
      %broadcast_in_dim3A_1986 = vector.broadcast %jit3A_1985 : f32 to vector<16xf32>
      %select_n3A_1987 = arith.select %gt3A_1979, %get3A_1984, %broadcast_in_dim3A_1986 : vector<16xi1>, vector<16xf32>
      %add3A_1988 = arith.addf %add3A_1973, %select_n3A_1987 : vector<16xf32>
      %get3A_1989 = arith.constant 127 : i32
      %get3A_1990 = arith.index_cast %get3A_1989 : i32 to index
      %get3A_1991 = arith.constant 0 : index
      %get3A_1992 = tpu.vector_load %arg7[%get3A_1990, %get3A_1991] {strides = array<i32>} : memref<200x16xi32, #tpu.memory_space<vmem>>, vector<1x16xi32>,
      %get3A_1993 = vector.shape_cast %get3A_1992 : vector<1x16xi32> to vector<16xi32>
      %gt3A_1994 = arith.cmpi ugt, %get3A_1993, %sub3A_82 : vector<16xi32>
      %get3A_1995 = arith.constant 127 : i32
      %get3A_1996 = arith.index_cast %get3A_1995 : i32 to index
      %get3A_1997 = arith.constant 0 : index
      %get3A_1998 = tpu.vector_load %arg8[%get3A_1996, %get3A_1997] {strides = array<i32>} : memref<200x16xf32, #tpu.memory_space<vmem>>, vector<1x16xf32>,
      %get3A_1999 = vector.shape_cast %get3A_1998 : vector<1x16xf32> to vector<16xf32>
      %jit3A_2000 = arith.constant 0.000000e+00 : f32
      %broadcast_in_dim3A_2001 = vector.broadcast %jit3A_2000 : f32 to vector<16xf32>
      %select_n3A_2002 = arith.select %gt3A_1994, %get3A_1999, %broadcast_in_dim3A_2001 : vector<16xi1>, vector<16xf32>
      %add3A_2003 = arith.addf %add3A_1988, %select_n3A_2002 : vector<16xf32>
      %get3A_2004 = arith.constant 128 : i32
      %get3A_2005 = arith.index_cast %get3A_2004 : i32 to index
      %get3A_2006 = arith.constant 0 : index
      %get3A_2007 = tpu.vector_load %arg7[%get3A_2005, %get3A_2006] {strides = array<i32>} : memref<200x16xi32, #tpu.memory_space<vmem>>, vector<1x16xi32>,
      %get3A_2008 = vector.shape_cast %get3A_2007 : vector<1x16xi32> to vector<16xi32>
      %gt3A_2009 = arith.cmpi ugt, %get3A_2008, %sub3A_82 : vector<16xi32>
      %get3A_2010 = arith.constant 128 : i32
      %get3A_2011 = arith.index_cast %get3A_2010 : i32 to index
      %get3A_2012 = arith.constant 0 : index
      %get3A_2013 = tpu.vector_load %arg8[%get3A_2011, %get3A_2012] {strides = array<i32>} : memref<200x16xf32, #tpu.memory_space<vmem>>, vector<1x16xf32>,
      %get3A_2014 = vector.shape_cast %get3A_2013 : vector<1x16xf32> to vector<16xf32>
      %jit3A_2015 = arith.constant 0.000000e+00 : f32
      %broadcast_in_dim3A_2016 = vector.broadcast %jit3A_2015 : f32 to vector<16xf32>
      %select_n3A_2017 = arith.select %gt3A_2009, %get3A_2014, %broadcast_in_dim3A_2016 : vector<16xi1>, vector<16xf32>
      %add3A_2018 = arith.addf %add3A_2003, %select_n3A_2017 : vector<16xf32>
      %get3A_2019 = arith.constant 129 : i32
      %get3A_2020 = arith.index_cast %get3A_2019 : i32 to index
      %get3A_2021 = arith.constant 0 : index
      %get3A_2022 = tpu.vector_load %arg7[%get3A_2020, %get3A_2021] {strides = array<i32>} : memref<200x16xi32, #tpu.memory_space<vmem>>, vector<1x16xi32>,
      %get3A_2023 = vector.shape_cast %get3A_2022 : vector<1x16xi32> to vector<16xi32>
      %gt3A_2024 = arith.cmpi ugt, %get3A_2023, %sub3A_82 : vector<16xi32>
      %get3A_2025 = arith.constant 129 : i32
      %get3A_2026 = arith.index_cast %get3A_2025 : i32 to index
      %get3A_2027 = arith.constant 0 : index
      %get3A_2028 = tpu.vector_load %arg8[%get3A_2026, %get3A_2027] {strides = array<i32>} : memref<200x16xf32, #tpu.memory_space<vmem>>, vector<1x16xf32>,
      %get3A_2029 = vector.shape_cast %get3A_2028 : vector<1x16xf32> to vector<16xf32>
      %jit3A_2030 = arith.constant 0.000000e+00 : f32
      %broadcast_in_dim3A_2031 = vector.broadcast %jit3A_2030 : f32 to vector<16xf32>
      %select_n3A_2032 = arith.select %gt3A_2024, %get3A_2029, %broadcast_in_dim3A_2031 : vector<16xi1>, vector<16xf32>
      %add3A_2033 = arith.addf %add3A_2018, %select_n3A_2032 : vector<16xf32>
      %get3A_2034 = arith.constant 130 : i32
      %get3A_2035 = arith.index_cast %get3A_2034 : i32 to index
      %get3A_2036 = arith.constant 0 : index
      %get3A_2037 = tpu.vector_load %arg7[%get3A_2035, %get3A_2036] {strides = array<i32>} : memref<200x16xi32, #tpu.memory_space<vmem>>, vector<1x16xi32>,
      %get3A_2038 = vector.shape_cast %get3A_2037 : vector<1x16xi32> to vector<16xi32>
      %gt3A_2039 = arith.cmpi ugt, %get3A_2038, %sub3A_82 : vector<16xi32>
      %get3A_2040 = arith.constant 130 : i32
      %get3A_2041 = arith.index_cast %get3A_2040 : i32 to index
      %get3A_2042 = arith.constant 0 : index
      %get3A_2043 = tpu.vector_load %arg8[%get3A_2041, %get3A_2042] {strides = array<i32>} : memref<200x16xf32, #tpu.memory_space<vmem>>, vector<1x16xf32>,
      %get3A_2044 = vector.shape_cast %get3A_2043 : vector<1x16xf32> to vector<16xf32>
      %jit3A_2045 = arith.constant 0.000000e+00 : f32
      %broadcast_in_dim3A_2046 = vector.broadcast %jit3A_2045 : f32 to vector<16xf32>
      %select_n3A_2047 = arith.select %gt3A_2039, %get3A_2044, %broadcast_in_dim3A_2046 : vector<16xi1>, vector<16xf32>
      %add3A_2048 = arith.addf %add3A_2033, %select_n3A_2047 : vector<16xf32>
      %get3A_2049 = arith.constant 131 : i32
      %get3A_2050 = arith.index_cast %get3A_2049 : i32 to index
      %get3A_2051 = arith.constant 0 : index
      %get3A_2052 = tpu.vector_load %arg7[%get3A_2050, %get3A_2051] {strides = array<i32>} : memref<200x16xi32, #tpu.memory_space<vmem>>, vector<1x16xi32>,
      %get3A_2053 = vector.shape_cast %get3A_2052 : vector<1x16xi32> to vector<16xi32>
      %gt3A_2054 = arith.cmpi ugt, %get3A_2053, %sub3A_82 : vector<16xi32>
      %get3A_2055 = arith.constant 131 : i32
      %get3A_2056 = arith.index_cast %get3A_2055 : i32 to index
      %get3A_2057 = arith.constant 0 : index
      %get3A_2058 = tpu.vector_load %arg8[%get3A_2056, %get3A_2057] {strides = array<i32>} : memref<200x16xf32, #tpu.memory_space<vmem>>, vector<1x16xf32>,
      %get3A_2059 = vector.shape_cast %get3A_2058 : vector<1x16xf32> to vector<16xf32>
      %jit3A_2060 = arith.constant 0.000000e+00 : f32
      %broadcast_in_dim3A_2061 = vector.broadcast %jit3A_2060 : f32 to vector<16xf32>
      %select_n3A_2062 = arith.select %gt3A_2054, %get3A_2059, %broadcast_in_dim3A_2061 : vector<16xi1>, vector<16xf32>
      %add3A_2063 = arith.addf %add3A_2048, %select_n3A_2062 : vector<16xf32>
      %get3A_2064 = arith.constant 132 : i32
      %get3A_2065 = arith.index_cast %get3A_2064 : i32 to index
      %get3A_2066 = arith.constant 0 : index
      %get3A_2067 = tpu.vector_load %arg7[%get3A_2065, %get3A_2066] {strides = array<i32>} : memref<200x16xi32, #tpu.memory_space<vmem>>, vector<1x16xi32>,
      %get3A_2068 = vector.shape_cast %get3A_2067 : vector<1x16xi32> to vector<16xi32>
      %gt3A_2069 = arith.cmpi ugt, %get3A_2068, %sub3A_82 : vector<16xi32>
      %get3A_2070 = arith.constant 132 : i32
      %get3A_2071 = arith.index_cast %get3A_2070 : i32 to index
      %get3A_2072 = arith.constant 0 : index
      %get3A_2073 = tpu.vector_load %arg8[%get3A_2071, %get3A_2072] {strides = array<i32>} : memref<200x16xf32, #tpu.memory_space<vmem>>, vector<1x16xf32>,
      %get3A_2074 = vector.shape_cast %get3A_2073 : vector<1x16xf32> to vector<16xf32>
      %jit3A_2075 = arith.constant 0.000000e+00 : f32
      %broadcast_in_dim3A_2076 = vector.broadcast %jit3A_2075 : f32 to vector<16xf32>
      %select_n3A_2077 = arith.select %gt3A_2069, %get3A_2074, %broadcast_in_dim3A_2076 : vector<16xi1>, vector<16xf32>
      %add3A_2078 = arith.addf %add3A_2063, %select_n3A_2077 : vector<16xf32>
      %get3A_2079 = arith.constant 133 : i32
      %get3A_2080 = arith.index_cast %get3A_2079 : i32 to index
      %get3A_2081 = arith.constant 0 : index
      %get3A_2082 = tpu.vector_load %arg7[%get3A_2080, %get3A_2081] {strides = array<i32>} : memref<200x16xi32, #tpu.memory_space<vmem>>, vector<1x16xi32>,
      %get3A_2083 = vector.shape_cast %get3A_2082 : vector<1x16xi32> to vector<16xi32>
      %gt3A_2084 = arith.cmpi ugt, %get3A_2083, %sub3A_82 : vector<16xi32>
      %get3A_2085 = arith.constant 133 : i32
      %get3A_2086 = arith.index_cast %get3A_2085 : i32 to index
      %get3A_2087 = arith.constant 0 : index
      %get3A_2088 = tpu.vector_load %arg8[%get3A_2086, %get3A_2087] {strides = array<i32>} : memref<200x16xf32, #tpu.memory_space<vmem>>, vector<1x16xf32>,
      %get3A_2089 = vector.shape_cast %get3A_2088 : vector<1x16xf32> to vector<16xf32>
      %jit3A_2090 = arith.constant 0.000000e+00 : f32
      %broadcast_in_dim3A_2091 = vector.broadcast %jit3A_2090 : f32 to vector<16xf32>
      %select_n3A_2092 = arith.select %gt3A_2084, %get3A_2089, %broadcast_in_dim3A_2091 : vector<16xi1>, vector<16xf32>
      %add3A_2093 = arith.addf %add3A_2078, %select_n3A_2092 : vector<16xf32>
      %get3A_2094 = arith.constant 134 : i32
      %get3A_2095 = arith.index_cast %get3A_2094 : i32 to index
      %get3A_2096 = arith.constant 0 : index
      %get3A_2097 = tpu.vector_load %arg7[%get3A_2095, %get3A_2096] {strides = array<i32>} : memref<200x16xi32, #tpu.memory_space<vmem>>, vector<1x16xi32>,
      %get3A_2098 = vector.shape_cast %get3A_2097 : vector<1x16xi32> to vector<16xi32>
      %gt3A_2099 = arith.cmpi ugt, %get3A_2098, %sub3A_82 : vector<16xi32>
      %get3A_2100 = arith.constant 134 : i32
      %get3A_2101 = arith.index_cast %get3A_2100 : i32 to index
      %get3A_2102 = arith.constant 0 : index
      %get3A_2103 = tpu.vector_load %arg8[%get3A_2101, %get3A_2102] {strides = array<i32>} : memref<200x16xf32, #tpu.memory_space<vmem>>, vector<1x16xf32>,
      %get3A_2104 = vector.shape_cast %get3A_2103 : vector<1x16xf32> to vector<16xf32>
      %jit3A_2105 = arith.constant 0.000000e+00 : f32
      %broadcast_in_dim3A_2106 = vector.broadcast %jit3A_2105 : f32 to vector<16xf32>
      %select_n3A_2107 = arith.select %gt3A_2099, %get3A_2104, %broadcast_in_dim3A_2106 : vector<16xi1>, vector<16xf32>
      %add3A_2108 = arith.addf %add3A_2093, %select_n3A_2107 : vector<16xf32>
      %get3A_2109 = arith.constant 135 : i32
      %get3A_2110 = arith.index_cast %get3A_2109 : i32 to index
      %get3A_2111 = arith.constant 0 : index
      %get3A_2112 = tpu.vector_load %arg7[%get3A_2110, %get3A_2111] {strides = array<i32>} : memref<200x16xi32, #tpu.memory_space<vmem>>, vector<1x16xi32>,
      %get3A_2113 = vector.shape_cast %get3A_2112 : vector<1x16xi32> to vector<16xi32>
      %gt3A_2114 = arith.cmpi ugt, %get3A_2113, %sub3A_82 : vector<16xi32>
      %get3A_2115 = arith.constant 135 : i32
      %get3A_2116 = arith.index_cast %get3A_2115 : i32 to index
      %get3A_2117 = arith.constant 0 : index
      %get3A_2118 = tpu.vector_load %arg8[%get3A_2116, %get3A_2117] {strides = array<i32>} : memref<200x16xf32, #tpu.memory_space<vmem>>, vector<1x16xf32>,
      %get3A_2119 = vector.shape_cast %get3A_2118 : vector<1x16xf32> to vector<16xf32>
      %jit3A_2120 = arith.constant 0.000000e+00 : f32
      %broadcast_in_dim3A_2121 = vector.broadcast %jit3A_2120 : f32 to vector<16xf32>
      %select_n3A_2122 = arith.select %gt3A_2114, %get3A_2119, %broadcast_in_dim3A_2121 : vector<16xi1>, vector<16xf32>
      %add3A_2123 = arith.addf %add3A_2108, %select_n3A_2122 : vector<16xf32>
      %get3A_2124 = arith.constant 136 : i32
      %get3A_2125 = arith.index_cast %get3A_2124 : i32 to index
      %get3A_2126 = arith.constant 0 : index
      %get3A_2127 = tpu.vector_load %arg7[%get3A_2125, %get3A_2126] {strides = array<i32>} : memref<200x16xi32, #tpu.memory_space<vmem>>, vector<1x16xi32>,
      %get3A_2128 = vector.shape_cast %get3A_2127 : vector<1x16xi32> to vector<16xi32>
      %gt3A_2129 = arith.cmpi ugt, %get3A_2128, %sub3A_82 : vector<16xi32>
      %get3A_2130 = arith.constant 136 : i32
      %get3A_2131 = arith.index_cast %get3A_2130 : i32 to index
      %get3A_2132 = arith.constant 0 : index
      %get3A_2133 = tpu.vector_load %arg8[%get3A_2131, %get3A_2132] {strides = array<i32>} : memref<200x16xf32, #tpu.memory_space<vmem>>, vector<1x16xf32>,
      %get3A_2134 = vector.shape_cast %get3A_2133 : vector<1x16xf32> to vector<16xf32>
      %jit3A_2135 = arith.constant 0.000000e+00 : f32
      %broadcast_in_dim3A_2136 = vector.broadcast %jit3A_2135 : f32 to vector<16xf32>
      %select_n3A_2137 = arith.select %gt3A_2129, %get3A_2134, %broadcast_in_dim3A_2136 : vector<16xi1>, vector<16xf32>
      %add3A_2138 = arith.addf %add3A_2123, %select_n3A_2137 : vector<16xf32>
      %get3A_2139 = arith.constant 137 : i32
      %get3A_2140 = arith.index_cast %get3A_2139 : i32 to index
      %get3A_2141 = arith.constant 0 : index
      %get3A_2142 = tpu.vector_load %arg7[%get3A_2140, %get3A_2141] {strides = array<i32>} : memref<200x16xi32, #tpu.memory_space<vmem>>, vector<1x16xi32>,
      %get3A_2143 = vector.shape_cast %get3A_2142 : vector<1x16xi32> to vector<16xi32>
      %gt3A_2144 = arith.cmpi ugt, %get3A_2143, %sub3A_82 : vector<16xi32>
      %get3A_2145 = arith.constant 137 : i32
      %get3A_2146 = arith.index_cast %get3A_2145 : i32 to index
      %get3A_2147 = arith.constant 0 : index
      %get3A_2148 = tpu.vector_load %arg8[%get3A_2146, %get3A_2147] {strides = array<i32>} : memref<200x16xf32, #tpu.memory_space<vmem>>, vector<1x16xf32>,
      %get3A_2149 = vector.shape_cast %get3A_2148 : vector<1x16xf32> to vector<16xf32>
      %jit3A_2150 = arith.constant 0.000000e+00 : f32
      %broadcast_in_dim3A_2151 = vector.broadcast %jit3A_2150 : f32 to vector<16xf32>
      %select_n3A_2152 = arith.select %gt3A_2144, %get3A_2149, %broadcast_in_dim3A_2151 : vector<16xi1>, vector<16xf32>
      %add3A_2153 = arith.addf %add3A_2138, %select_n3A_2152 : vector<16xf32>
      %get3A_2154 = arith.constant 138 : i32
      %get3A_2155 = arith.index_cast %get3A_2154 : i32 to index
      %get3A_2156 = arith.constant 0 : index
      %get3A_2157 = tpu.vector_load %arg7[%get3A_2155, %get3A_2156] {strides = array<i32>} : memref<200x16xi32, #tpu.memory_space<vmem>>, vector<1x16xi32>,
      %get3A_2158 = vector.shape_cast %get3A_2157 : vector<1x16xi32> to vector<16xi32>
      %gt3A_2159 = arith.cmpi ugt, %get3A_2158, %sub3A_82 : vector<16xi32>
      %get3A_2160 = arith.constant 138 : i32
      %get3A_2161 = arith.index_cast %get3A_2160 : i32 to index
      %get3A_2162 = arith.constant 0 : index
      %get3A_2163 = tpu.vector_load %arg8[%get3A_2161, %get3A_2162] {strides = array<i32>} : memref<200x16xf32, #tpu.memory_space<vmem>>, vector<1x16xf32>,
      %get3A_2164 = vector.shape_cast %get3A_2163 : vector<1x16xf32> to vector<16xf32>
      %jit3A_2165 = arith.constant 0.000000e+00 : f32
      %broadcast_in_dim3A_2166 = vector.broadcast %jit3A_2165 : f32 to vector<16xf32>
      %select_n3A_2167 = arith.select %gt3A_2159, %get3A_2164, %broadcast_in_dim3A_2166 : vector<16xi1>, vector<16xf32>
      %add3A_2168 = arith.addf %add3A_2153, %select_n3A_2167 : vector<16xf32>
      %get3A_2169 = arith.constant 139 : i32
      %get3A_2170 = arith.index_cast %get3A_2169 : i32 to index
      %get3A_2171 = arith.constant 0 : index
      %get3A_2172 = tpu.vector_load %arg7[%get3A_2170, %get3A_2171] {strides = array<i32>} : memref<200x16xi32, #tpu.memory_space<vmem>>, vector<1x16xi32>,
      %get3A_2173 = vector.shape_cast %get3A_2172 : vector<1x16xi32> to vector<16xi32>
      %gt3A_2174 = arith.cmpi ugt, %get3A_2173, %sub3A_82 : vector<16xi32>
      %get3A_2175 = arith.constant 139 : i32
      %get3A_2176 = arith.index_cast %get3A_2175 : i32 to index
      %get3A_2177 = arith.constant 0 : index
      %get3A_2178 = tpu.vector_load %arg8[%get3A_2176, %get3A_2177] {strides = array<i32>} : memref<200x16xf32, #tpu.memory_space<vmem>>, vector<1x16xf32>,
      %get3A_2179 = vector.shape_cast %get3A_2178 : vector<1x16xf32> to vector<16xf32>
      %jit3A_2180 = arith.constant 0.000000e+00 : f32
      %broadcast_in_dim3A_2181 = vector.broadcast %jit3A_2180 : f32 to vector<16xf32>
      %select_n3A_2182 = arith.select %gt3A_2174, %get3A_2179, %broadcast_in_dim3A_2181 : vector<16xi1>, vector<16xf32>
      %add3A_2183 = arith.addf %add3A_2168, %select_n3A_2182 : vector<16xf32>
      %get3A_2184 = arith.constant 140 : i32
      %get3A_2185 = arith.index_cast %get3A_2184 : i32 to index
      %get3A_2186 = arith.constant 0 : index
      %get3A_2187 = tpu.vector_load %arg7[%get3A_2185, %get3A_2186] {strides = array<i32>} : memref<200x16xi32, #tpu.memory_space<vmem>>, vector<1x16xi32>,
      %get3A_2188 = vector.shape_cast %get3A_2187 : vector<1x16xi32> to vector<16xi32>
      %gt3A_2189 = arith.cmpi ugt, %get3A_2188, %sub3A_82 : vector<16xi32>
      %get3A_2190 = arith.constant 140 : i32
      %get3A_2191 = arith.index_cast %get3A_2190 : i32 to index
      %get3A_2192 = arith.constant 0 : index
      %get3A_2193 = tpu.vector_load %arg8[%get3A_2191, %get3A_2192] {strides = array<i32>} : memref<200x16xf32, #tpu.memory_space<vmem>>, vector<1x16xf32>,
      %get3A_2194 = vector.shape_cast %get3A_2193 : vector<1x16xf32> to vector<16xf32>
      %jit3A_2195 = arith.constant 0.000000e+00 : f32
      %broadcast_in_dim3A_2196 = vector.broadcast %jit3A_2195 : f32 to vector<16xf32>
      %select_n3A_2197 = arith.select %gt3A_2189, %get3A_2194, %broadcast_in_dim3A_2196 : vector<16xi1>, vector<16xf32>
      %add3A_2198 = arith.addf %add3A_2183, %select_n3A_2197 : vector<16xf32>
      %get3A_2199 = arith.constant 141 : i32
      %get3A_2200 = arith.index_cast %get3A_2199 : i32 to index
      %get3A_2201 = arith.constant 0 : index
      %get3A_2202 = tpu.vector_load %arg7[%get3A_2200, %get3A_2201] {strides = array<i32>} : memref<200x16xi32, #tpu.memory_space<vmem>>, vector<1x16xi32>,
      %get3A_2203 = vector.shape_cast %get3A_2202 : vector<1x16xi32> to vector<16xi32>
      %gt3A_2204 = arith.cmpi ugt, %get3A_2203, %sub3A_82 : vector<16xi32>
      %get3A_2205 = arith.constant 141 : i32
      %get3A_2206 = arith.index_cast %get3A_2205 : i32 to index
      %get3A_2207 = arith.constant 0 : index
      %get3A_2208 = tpu.vector_load %arg8[%get3A_2206, %get3A_2207] {strides = array<i32>} : memref<200x16xf32, #tpu.memory_space<vmem>>, vector<1x16xf32>,
      %get3A_2209 = vector.shape_cast %get3A_2208 : vector<1x16xf32> to vector<16xf32>
      %jit3A_2210 = arith.constant 0.000000e+00 : f32
      %broadcast_in_dim3A_2211 = vector.broadcast %jit3A_2210 : f32 to vector<16xf32>
      %select_n3A_2212 = arith.select %gt3A_2204, %get3A_2209, %broadcast_in_dim3A_2211 : vector<16xi1>, vector<16xf32>
      %add3A_2213 = arith.addf %add3A_2198, %select_n3A_2212 : vector<16xf32>
      %get3A_2214 = arith.constant 142 : i32
      %get3A_2215 = arith.index_cast %get3A_2214 : i32 to index
      %get3A_2216 = arith.constant 0 : index
      %get3A_2217 = tpu.vector_load %arg7[%get3A_2215, %get3A_2216] {strides = array<i32>} : memref<200x16xi32, #tpu.memory_space<vmem>>, vector<1x16xi32>,
      %get3A_2218 = vector.shape_cast %get3A_2217 : vector<1x16xi32> to vector<16xi32>
      %gt3A_2219 = arith.cmpi ugt, %get3A_2218, %sub3A_82 : vector<16xi32>
      %get3A_2220 = arith.constant 142 : i32
      %get3A_2221 = arith.index_cast %get3A_2220 : i32 to index
      %get3A_2222 = arith.constant 0 : index
      %get3A_2223 = tpu.vector_load %arg8[%get3A_2221, %get3A_2222] {strides = array<i32>} : memref<200x16xf32, #tpu.memory_space<vmem>>, vector<1x16xf32>,
      %get3A_2224 = vector.shape_cast %get3A_2223 : vector<1x16xf32> to vector<16xf32>
      %jit3A_2225 = arith.constant 0.000000e+00 : f32
      %broadcast_in_dim3A_2226 = vector.broadcast %jit3A_2225 : f32 to vector<16xf32>
      %select_n3A_2227 = arith.select %gt3A_2219, %get3A_2224, %broadcast_in_dim3A_2226 : vector<16xi1>, vector<16xf32>
      %add3A_2228 = arith.addf %add3A_2213, %select_n3A_2227 : vector<16xf32>
      %get3A_2229 = arith.constant 143 : i32
      %get3A_2230 = arith.index_cast %get3A_2229 : i32 to index
      %get3A_2231 = arith.constant 0 : index
      %get3A_2232 = tpu.vector_load %arg7[%get3A_2230, %get3A_2231] {strides = array<i32>} : memref<200x16xi32, #tpu.memory_space<vmem>>, vector<1x16xi32>,
      %get3A_2233 = vector.shape_cast %get3A_2232 : vector<1x16xi32> to vector<16xi32>
      %gt3A_2234 = arith.cmpi ugt, %get3A_2233, %sub3A_82 : vector<16xi32>
      %get3A_2235 = arith.constant 143 : i32
      %get3A_2236 = arith.index_cast %get3A_2235 : i32 to index
      %get3A_2237 = arith.constant 0 : index
      %get3A_2238 = tpu.vector_load %arg8[%get3A_2236, %get3A_2237] {strides = array<i32>} : memref<200x16xf32, #tpu.memory_space<vmem>>, vector<1x16xf32>,
      %get3A_2239 = vector.shape_cast %get3A_2238 : vector<1x16xf32> to vector<16xf32>
      %jit3A_2240 = arith.constant 0.000000e+00 : f32
      %broadcast_in_dim3A_2241 = vector.broadcast %jit3A_2240 : f32 to vector<16xf32>
      %select_n3A_2242 = arith.select %gt3A_2234, %get3A_2239, %broadcast_in_dim3A_2241 : vector<16xi1>, vector<16xf32>
      %add3A_2243 = arith.addf %add3A_2228, %select_n3A_2242 : vector<16xf32>
      %get3A_2244 = arith.constant 144 : i32
      %get3A_2245 = arith.index_cast %get3A_2244 : i32 to index
      %get3A_2246 = arith.constant 0 : index
      %get3A_2247 = tpu.vector_load %arg7[%get3A_2245, %get3A_2246] {strides = array<i32>} : memref<200x16xi32, #tpu.memory_space<vmem>>, vector<1x16xi32>,
      %get3A_2248 = vector.shape_cast %get3A_2247 : vector<1x16xi32> to vector<16xi32>
      %gt3A_2249 = arith.cmpi ugt, %get3A_2248, %sub3A_82 : vector<16xi32>
      %get3A_2250 = arith.constant 144 : i32
      %get3A_2251 = arith.index_cast %get3A_2250 : i32 to index
      %get3A_2252 = arith.constant 0 : index
      %get3A_2253 = tpu.vector_load %arg8[%get3A_2251, %get3A_2252] {strides = array<i32>} : memref<200x16xf32, #tpu.memory_space<vmem>>, vector<1x16xf32>,
      %get3A_2254 = vector.shape_cast %get3A_2253 : vector<1x16xf32> to vector<16xf32>
      %jit3A_2255 = arith.constant 0.000000e+00 : f32
      %broadcast_in_dim3A_2256 = vector.broadcast %jit3A_2255 : f32 to vector<16xf32>
      %select_n3A_2257 = arith.select %gt3A_2249, %get3A_2254, %broadcast_in_dim3A_2256 : vector<16xi1>, vector<16xf32>
      %add3A_2258 = arith.addf %add3A_2243, %select_n3A_2257 : vector<16xf32>
      %get3A_2259 = arith.constant 145 : i32
      %get3A_2260 = arith.index_cast %get3A_2259 : i32 to index
      %get3A_2261 = arith.constant 0 : index
      %get3A_2262 = tpu.vector_load %arg7[%get3A_2260, %get3A_2261] {strides = array<i32>} : memref<200x16xi32, #tpu.memory_space<vmem>>, vector<1x16xi32>,
      %get3A_2263 = vector.shape_cast %get3A_2262 : vector<1x16xi32> to vector<16xi32>
      %gt3A_2264 = arith.cmpi ugt, %get3A_2263, %sub3A_82 : vector<16xi32>
      %get3A_2265 = arith.constant 145 : i32
      %get3A_2266 = arith.index_cast %get3A_2265 : i32 to index
      %get3A_2267 = arith.constant 0 : index
      %get3A_2268 = tpu.vector_load %arg8[%get3A_2266, %get3A_2267] {strides = array<i32>} : memref<200x16xf32, #tpu.memory_space<vmem>>, vector<1x16xf32>,
      %get3A_2269 = vector.shape_cast %get3A_2268 : vector<1x16xf32> to vector<16xf32>
      %jit3A_2270 = arith.constant 0.000000e+00 : f32
      %broadcast_in_dim3A_2271 = vector.broadcast %jit3A_2270 : f32 to vector<16xf32>
      %select_n3A_2272 = arith.select %gt3A_2264, %get3A_2269, %broadcast_in_dim3A_2271 : vector<16xi1>, vector<16xf32>
      %add3A_2273 = arith.addf %add3A_2258, %select_n3A_2272 : vector<16xf32>
      %get3A_2274 = arith.constant 146 : i32
      %get3A_2275 = arith.index_cast %get3A_2274 : i32 to index
      %get3A_2276 = arith.constant 0 : index
      %get3A_2277 = tpu.vector_load %arg7[%get3A_2275, %get3A_2276] {strides = array<i32>} : memref<200x16xi32, #tpu.memory_space<vmem>>, vector<1x16xi32>,
      %get3A_2278 = vector.shape_cast %get3A_2277 : vector<1x16xi32> to vector<16xi32>
      %gt3A_2279 = arith.cmpi ugt, %get3A_2278, %sub3A_82 : vector<16xi32>
      %get3A_2280 = arith.constant 146 : i32
      %get3A_2281 = arith.index_cast %get3A_2280 : i32 to index
      %get3A_2282 = arith.constant 0 : index
      %get3A_2283 = tpu.vector_load %arg8[%get3A_2281, %get3A_2282] {strides = array<i32>} : memref<200x16xf32, #tpu.memory_space<vmem>>, vector<1x16xf32>,
      %get3A_2284 = vector.shape_cast %get3A_2283 : vector<1x16xf32> to vector<16xf32>
      %jit3A_2285 = arith.constant 0.000000e+00 : f32
      %broadcast_in_dim3A_2286 = vector.broadcast %jit3A_2285 : f32 to vector<16xf32>
      %select_n3A_2287 = arith.select %gt3A_2279, %get3A_2284, %broadcast_in_dim3A_2286 : vector<16xi1>, vector<16xf32>
      %add3A_2288 = arith.addf %add3A_2273, %select_n3A_2287 : vector<16xf32>
      %get3A_2289 = arith.constant 147 : i32
      %get3A_2290 = arith.index_cast %get3A_2289 : i32 to index
      %get3A_2291 = arith.constant 0 : index
      %get3A_2292 = tpu.vector_load %arg7[%get3A_2290, %get3A_2291] {strides = array<i32>} : memref<200x16xi32, #tpu.memory_space<vmem>>, vector<1x16xi32>,
      %get3A_2293 = vector.shape_cast %get3A_2292 : vector<1x16xi32> to vector<16xi32>
      %gt3A_2294 = arith.cmpi ugt, %get3A_2293, %sub3A_82 : vector<16xi32>
      %get3A_2295 = arith.constant 147 : i32
      %get3A_2296 = arith.index_cast %get3A_2295 : i32 to index
      %get3A_2297 = arith.constant 0 : index
      %get3A_2298 = tpu.vector_load %arg8[%get3A_2296, %get3A_2297] {strides = array<i32>} : memref<200x16xf32, #tpu.memory_space<vmem>>, vector<1x16xf32>,
      %get3A_2299 = vector.shape_cast %get3A_2298 : vector<1x16xf32> to vector<16xf32>
      %jit3A_2300 = arith.constant 0.000000e+00 : f32
      %broadcast_in_dim3A_2301 = vector.broadcast %jit3A_2300 : f32 to vector<16xf32>
      %select_n3A_2302 = arith.select %gt3A_2294, %get3A_2299, %broadcast_in_dim3A_2301 : vector<16xi1>, vector<16xf32>
      %add3A_2303 = arith.addf %add3A_2288, %select_n3A_2302 : vector<16xf32>
      %get3A_2304 = arith.constant 148 : i32
      %get3A_2305 = arith.index_cast %get3A_2304 : i32 to index
      %get3A_2306 = arith.constant 0 : index
      %get3A_2307 = tpu.vector_load %arg7[%get3A_2305, %get3A_2306] {strides = array<i32>} : memref<200x16xi32, #tpu.memory_space<vmem>>, vector<1x16xi32>,
      %get3A_2308 = vector.shape_cast %get3A_2307 : vector<1x16xi32> to vector<16xi32>
      %gt3A_2309 = arith.cmpi ugt, %get3A_2308, %sub3A_82 : vector<16xi32>
      %get3A_2310 = arith.constant 148 : i32
      %get3A_2311 = arith.index_cast %get3A_2310 : i32 to index
      %get3A_2312 = arith.constant 0 : index
      %get3A_2313 = tpu.vector_load %arg8[%get3A_2311, %get3A_2312] {strides = array<i32>} : memref<200x16xf32, #tpu.memory_space<vmem>>, vector<1x16xf32>,
      %get3A_2314 = vector.shape_cast %get3A_2313 : vector<1x16xf32> to vector<16xf32>
      %jit3A_2315 = arith.constant 0.000000e+00 : f32
      %broadcast_in_dim3A_2316 = vector.broadcast %jit3A_2315 : f32 to vector<16xf32>
      %select_n3A_2317 = arith.select %gt3A_2309, %get3A_2314, %broadcast_in_dim3A_2316 : vector<16xi1>, vector<16xf32>
      %add3A_2318 = arith.addf %add3A_2303, %select_n3A_2317 : vector<16xf32>
      %get3A_2319 = arith.constant 149 : i32
      %get3A_2320 = arith.index_cast %get3A_2319 : i32 to index
      %get3A_2321 = arith.constant 0 : index
      %get3A_2322 = tpu.vector_load %arg7[%get3A_2320, %get3A_2321] {strides = array<i32>} : memref<200x16xi32, #tpu.memory_space<vmem>>, vector<1x16xi32>,
      %get3A_2323 = vector.shape_cast %get3A_2322 : vector<1x16xi32> to vector<16xi32>
      %gt3A_2324 = arith.cmpi ugt, %get3A_2323, %sub3A_82 : vector<16xi32>
      %get3A_2325 = arith.constant 149 : i32
      %get3A_2326 = arith.index_cast %get3A_2325 : i32 to index
      %get3A_2327 = arith.constant 0 : index
      %get3A_2328 = tpu.vector_load %arg8[%get3A_2326, %get3A_2327] {strides = array<i32>} : memref<200x16xf32, #tpu.memory_space<vmem>>, vector<1x16xf32>,
      %get3A_2329 = vector.shape_cast %get3A_2328 : vector<1x16xf32> to vector<16xf32>
      %jit3A_2330 = arith.constant 0.000000e+00 : f32
      %broadcast_in_dim3A_2331 = vector.broadcast %jit3A_2330 : f32 to vector<16xf32>
      %select_n3A_2332 = arith.select %gt3A_2324, %get3A_2329, %broadcast_in_dim3A_2331 : vector<16xi1>, vector<16xf32>
      %add3A_2333 = arith.addf %add3A_2318, %select_n3A_2332 : vector<16xf32>
      %get3A_2334 = arith.constant 150 : i32
      %get3A_2335 = arith.index_cast %get3A_2334 : i32 to index
      %get3A_2336 = arith.constant 0 : index
      %get3A_2337 = tpu.vector_load %arg7[%get3A_2335, %get3A_2336] {strides = array<i32>} : memref<200x16xi32, #tpu.memory_space<vmem>>, vector<1x16xi32>,
      %get3A_2338 = vector.shape_cast %get3A_2337 : vector<1x16xi32> to vector<16xi32>
      %gt3A_2339 = arith.cmpi ugt, %get3A_2338, %sub3A_82 : vector<16xi32>
      %get3A_2340 = arith.constant 150 : i32
      %get3A_2341 = arith.index_cast %get3A_2340 : i32 to index
      %get3A_2342 = arith.constant 0 : index
      %get3A_2343 = tpu.vector_load %arg8[%get3A_2341, %get3A_2342] {strides = array<i32>} : memref<200x16xf32, #tpu.memory_space<vmem>>, vector<1x16xf32>,
      %get3A_2344 = vector.shape_cast %get3A_2343 : vector<1x16xf32> to vector<16xf32>
      %jit3A_2345 = arith.constant 0.000000e+00 : f32
      %broadcast_in_dim3A_2346 = vector.broadcast %jit3A_2345 : f32 to vector<16xf32>
      %select_n3A_2347 = arith.select %gt3A_2339, %get3A_2344, %broadcast_in_dim3A_2346 : vector<16xi1>, vector<16xf32>
      %add3A_2348 = arith.addf %add3A_2333, %select_n3A_2347 : vector<16xf32>
      %get3A_2349 = arith.constant 151 : i32
      %get3A_2350 = arith.index_cast %get3A_2349 : i32 to index
      %get3A_2351 = arith.constant 0 : index
      %get3A_2352 = tpu.vector_load %arg7[%get3A_2350, %get3A_2351] {strides = array<i32>} : memref<200x16xi32, #tpu.memory_space<vmem>>, vector<1x16xi32>,
      %get3A_2353 = vector.shape_cast %get3A_2352 : vector<1x16xi32> to vector<16xi32>
      %gt3A_2354 = arith.cmpi ugt, %get3A_2353, %sub3A_82 : vector<16xi32>
      %get3A_2355 = arith.constant 151 : i32
      %get3A_2356 = arith.index_cast %get3A_2355 : i32 to index
      %get3A_2357 = arith.constant 0 : index
      %get3A_2358 = tpu.vector_load %arg8[%get3A_2356, %get3A_2357] {strides = array<i32>} : memref<200x16xf32, #tpu.memory_space<vmem>>, vector<1x16xf32>,
      %get3A_2359 = vector.shape_cast %get3A_2358 : vector<1x16xf32> to vector<16xf32>
      %jit3A_2360 = arith.constant 0.000000e+00 : f32
      %broadcast_in_dim3A_2361 = vector.broadcast %jit3A_2360 : f32 to vector<16xf32>
      %select_n3A_2362 = arith.select %gt3A_2354, %get3A_2359, %broadcast_in_dim3A_2361 : vector<16xi1>, vector<16xf32>
      %add3A_2363 = arith.addf %add3A_2348, %select_n3A_2362 : vector<16xf32>
      %get3A_2364 = arith.constant 152 : i32
      %get3A_2365 = arith.index_cast %get3A_2364 : i32 to index
      %get3A_2366 = arith.constant 0 : index
      %get3A_2367 = tpu.vector_load %arg7[%get3A_2365, %get3A_2366] {strides = array<i32>} : memref<200x16xi32, #tpu.memory_space<vmem>>, vector<1x16xi32>,
      %get3A_2368 = vector.shape_cast %get3A_2367 : vector<1x16xi32> to vector<16xi32>
      %gt3A_2369 = arith.cmpi ugt, %get3A_2368, %sub3A_82 : vector<16xi32>
      %get3A_2370 = arith.constant 152 : i32
      %get3A_2371 = arith.index_cast %get3A_2370 : i32 to index
      %get3A_2372 = arith.constant 0 : index
      %get3A_2373 = tpu.vector_load %arg8[%get3A_2371, %get3A_2372] {strides = array<i32>} : memref<200x16xf32, #tpu.memory_space<vmem>>, vector<1x16xf32>,
      %get3A_2374 = vector.shape_cast %get3A_2373 : vector<1x16xf32> to vector<16xf32>
      %jit3A_2375 = arith.constant 0.000000e+00 : f32
      %broadcast_in_dim3A_2376 = vector.broadcast %jit3A_2375 : f32 to vector<16xf32>
      %select_n3A_2377 = arith.select %gt3A_2369, %get3A_2374, %broadcast_in_dim3A_2376 : vector<16xi1>, vector<16xf32>
      %add3A_2378 = arith.addf %add3A_2363, %select_n3A_2377 : vector<16xf32>
      %get3A_2379 = arith.constant 153 : i32
      %get3A_2380 = arith.index_cast %get3A_2379 : i32 to index
      %get3A_2381 = arith.constant 0 : index
      %get3A_2382 = tpu.vector_load %arg7[%get3A_2380, %get3A_2381] {strides = array<i32>} : memref<200x16xi32, #tpu.memory_space<vmem>>, vector<1x16xi32>,
      %get3A_2383 = vector.shape_cast %get3A_2382 : vector<1x16xi32> to vector<16xi32>
      %gt3A_2384 = arith.cmpi ugt, %get3A_2383, %sub3A_82 : vector<16xi32>
      %get3A_2385 = arith.constant 153 : i32
      %get3A_2386 = arith.index_cast %get3A_2385 : i32 to index
      %get3A_2387 = arith.constant 0 : index
      %get3A_2388 = tpu.vector_load %arg8[%get3A_2386, %get3A_2387] {strides = array<i32>} : memref<200x16xf32, #tpu.memory_space<vmem>>, vector<1x16xf32>,
      %get3A_2389 = vector.shape_cast %get3A_2388 : vector<1x16xf32> to vector<16xf32>
      %jit3A_2390 = arith.constant 0.000000e+00 : f32
      %broadcast_in_dim3A_2391 = vector.broadcast %jit3A_2390 : f32 to vector<16xf32>
      %select_n3A_2392 = arith.select %gt3A_2384, %get3A_2389, %broadcast_in_dim3A_2391 : vector<16xi1>, vector<16xf32>
      %add3A_2393 = arith.addf %add3A_2378, %select_n3A_2392 : vector<16xf32>
      %get3A_2394 = arith.constant 154 : i32
      %get3A_2395 = arith.index_cast %get3A_2394 : i32 to index
      %get3A_2396 = arith.constant 0 : index
      %get3A_2397 = tpu.vector_load %arg7[%get3A_2395, %get3A_2396] {strides = array<i32>} : memref<200x16xi32, #tpu.memory_space<vmem>>, vector<1x16xi32>,
      %get3A_2398 = vector.shape_cast %get3A_2397 : vector<1x16xi32> to vector<16xi32>
      %gt3A_2399 = arith.cmpi ugt, %get3A_2398, %sub3A_82 : vector<16xi32>
      %get3A_2400 = arith.constant 154 : i32
      %get3A_2401 = arith.index_cast %get3A_2400 : i32 to index
      %get3A_2402 = arith.constant 0 : index
      %get3A_2403 = tpu.vector_load %arg8[%get3A_2401, %get3A_2402] {strides = array<i32>} : memref<200x16xf32, #tpu.memory_space<vmem>>, vector<1x16xf32>,
      %get3A_2404 = vector.shape_cast %get3A_2403 : vector<1x16xf32> to vector<16xf32>
      %jit3A_2405 = arith.constant 0.000000e+00 : f32
      %broadcast_in_dim3A_2406 = vector.broadcast %jit3A_2405 : f32 to vector<16xf32>
      %select_n3A_2407 = arith.select %gt3A_2399, %get3A_2404, %broadcast_in_dim3A_2406 : vector<16xi1>, vector<16xf32>
      %add3A_2408 = arith.addf %add3A_2393, %select_n3A_2407 : vector<16xf32>
      %get3A_2409 = arith.constant 155 : i32
      %get3A_2410 = arith.index_cast %get3A_2409 : i32 to index
      %get3A_2411 = arith.constant 0 : index
      %get3A_2412 = tpu.vector_load %arg7[%get3A_2410, %get3A_2411] {strides = array<i32>} : memref<200x16xi32, #tpu.memory_space<vmem>>, vector<1x16xi32>,
      %get3A_2413 = vector.shape_cast %get3A_2412 : vector<1x16xi32> to vector<16xi32>
      %gt3A_2414 = arith.cmpi ugt, %get3A_2413, %sub3A_82 : vector<16xi32>
      %get3A_2415 = arith.constant 155 : i32
      %get3A_2416 = arith.index_cast %get3A_2415 : i32 to index
      %get3A_2417 = arith.constant 0 : index
      %get3A_2418 = tpu.vector_load %arg8[%get3A_2416, %get3A_2417] {strides = array<i32>} : memref<200x16xf32, #tpu.memory_space<vmem>>, vector<1x16xf32>,
      %get3A_2419 = vector.shape_cast %get3A_2418 : vector<1x16xf32> to vector<16xf32>
      %jit3A_2420 = arith.constant 0.000000e+00 : f32
      %broadcast_in_dim3A_2421 = vector.broadcast %jit3A_2420 : f32 to vector<16xf32>
      %select_n3A_2422 = arith.select %gt3A_2414, %get3A_2419, %broadcast_in_dim3A_2421 : vector<16xi1>, vector<16xf32>
      %add3A_2423 = arith.addf %add3A_2408, %select_n3A_2422 : vector<16xf32>
      %get3A_2424 = arith.constant 156 : i32
      %get3A_2425 = arith.index_cast %get3A_2424 : i32 to index
      %get3A_2426 = arith.constant 0 : index
      %get3A_2427 = tpu.vector_load %arg7[%get3A_2425, %get3A_2426] {strides = array<i32>} : memref<200x16xi32, #tpu.memory_space<vmem>>, vector<1x16xi32>,
      %get3A_2428 = vector.shape_cast %get3A_2427 : vector<1x16xi32> to vector<16xi32>
      %gt3A_2429 = arith.cmpi ugt, %get3A_2428, %sub3A_82 : vector<16xi32>
      %get3A_2430 = arith.constant 156 : i32
      %get3A_2431 = arith.index_cast %get3A_2430 : i32 to index
      %get3A_2432 = arith.constant 0 : index
      %get3A_2433 = tpu.vector_load %arg8[%get3A_2431, %get3A_2432] {strides = array<i32>} : memref<200x16xf32, #tpu.memory_space<vmem>>, vector<1x16xf32>,
      %get3A_2434 = vector.shape_cast %get3A_2433 : vector<1x16xf32> to vector<16xf32>
      %jit3A_2435 = arith.constant 0.000000e+00 : f32
      %broadcast_in_dim3A_2436 = vector.broadcast %jit3A_2435 : f32 to vector<16xf32>
      %select_n3A_2437 = arith.select %gt3A_2429, %get3A_2434, %broadcast_in_dim3A_2436 : vector<16xi1>, vector<16xf32>
      %add3A_2438 = arith.addf %add3A_2423, %select_n3A_2437 : vector<16xf32>
      %get3A_2439 = arith.constant 157 : i32
      %get3A_2440 = arith.index_cast %get3A_2439 : i32 to index
      %get3A_2441 = arith.constant 0 : index
      %get3A_2442 = tpu.vector_load %arg7[%get3A_2440, %get3A_2441] {strides = array<i32>} : memref<200x16xi32, #tpu.memory_space<vmem>>, vector<1x16xi32>,
      %get3A_2443 = vector.shape_cast %get3A_2442 : vector<1x16xi32> to vector<16xi32>
      %gt3A_2444 = arith.cmpi ugt, %get3A_2443, %sub3A_82 : vector<16xi32>
      %get3A_2445 = arith.constant 157 : i32
      %get3A_2446 = arith.index_cast %get3A_2445 : i32 to index
      %get3A_2447 = arith.constant 0 : index
      %get3A_2448 = tpu.vector_load %arg8[%get3A_2446, %get3A_2447] {strides = array<i32>} : memref<200x16xf32, #tpu.memory_space<vmem>>, vector<1x16xf32>,
      %get3A_2449 = vector.shape_cast %get3A_2448 : vector<1x16xf32> to vector<16xf32>
      %jit3A_2450 = arith.constant 0.000000e+00 : f32
      %broadcast_in_dim3A_2451 = vector.broadcast %jit3A_2450 : f32 to vector<16xf32>
      %select_n3A_2452 = arith.select %gt3A_2444, %get3A_2449, %broadcast_in_dim3A_2451 : vector<16xi1>, vector<16xf32>
      %add3A_2453 = arith.addf %add3A_2438, %select_n3A_2452 : vector<16xf32>
      %get3A_2454 = arith.constant 158 : i32
      %get3A_2455 = arith.index_cast %get3A_2454 : i32 to index
      %get3A_2456 = arith.constant 0 : index
      %get3A_2457 = tpu.vector_load %arg7[%get3A_2455, %get3A_2456] {strides = array<i32>} : memref<200x16xi32, #tpu.memory_space<vmem>>, vector<1x16xi32>,
      %get3A_2458 = vector.shape_cast %get3A_2457 : vector<1x16xi32> to vector<16xi32>
      %gt3A_2459 = arith.cmpi ugt, %get3A_2458, %sub3A_82 : vector<16xi32>
      %get3A_2460 = arith.constant 158 : i32
      %get3A_2461 = arith.index_cast %get3A_2460 : i32 to index
      %get3A_2462 = arith.constant 0 : index
      %get3A_2463 = tpu.vector_load %arg8[%get3A_2461, %get3A_2462] {strides = array<i32>} : memref<200x16xf32, #tpu.memory_space<vmem>>, vector<1x16xf32>,
      %get3A_2464 = vector.shape_cast %get3A_2463 : vector<1x16xf32> to vector<16xf32>
      %jit3A_2465 = arith.constant 0.000000e+00 : f32
      %broadcast_in_dim3A_2466 = vector.broadcast %jit3A_2465 : f32 to vector<16xf32>
      %select_n3A_2467 = arith.select %gt3A_2459, %get3A_2464, %broadcast_in_dim3A_2466 : vector<16xi1>, vector<16xf32>
      %add3A_2468 = arith.addf %add3A_2453, %select_n3A_2467 : vector<16xf32>
      %get3A_2469 = arith.constant 159 : i32
      %get3A_2470 = arith.index_cast %get3A_2469 : i32 to index
      %get3A_2471 = arith.constant 0 : index
      %get3A_2472 = tpu.vector_load %arg7[%get3A_2470, %get3A_2471] {strides = array<i32>} : memref<200x16xi32, #tpu.memory_space<vmem>>, vector<1x16xi32>,
      %get3A_2473 = vector.shape_cast %get3A_2472 : vector<1x16xi32> to vector<16xi32>
      %gt3A_2474 = arith.cmpi ugt, %get3A_2473, %sub3A_82 : vector<16xi32>
      %get3A_2475 = arith.constant 159 : i32
      %get3A_2476 = arith.index_cast %get3A_2475 : i32 to index
      %get3A_2477 = arith.constant 0 : index
      %get3A_2478 = tpu.vector_load %arg8[%get3A_2476, %get3A_2477] {strides = array<i32>} : memref<200x16xf32, #tpu.memory_space<vmem>>, vector<1x16xf32>,
      %get3A_2479 = vector.shape_cast %get3A_2478 : vector<1x16xf32> to vector<16xf32>
      %jit3A_2480 = arith.constant 0.000000e+00 : f32
      %broadcast_in_dim3A_2481 = vector.broadcast %jit3A_2480 : f32 to vector<16xf32>
      %select_n3A_2482 = arith.select %gt3A_2474, %get3A_2479, %broadcast_in_dim3A_2481 : vector<16xi1>, vector<16xf32>
      %add3A_2483 = arith.addf %add3A_2468, %select_n3A_2482 : vector<16xf32>
      %get3A_2484 = arith.constant 160 : i32
      %get3A_2485 = arith.index_cast %get3A_2484 : i32 to index
      %get3A_2486 = arith.constant 0 : index
      %get3A_2487 = tpu.vector_load %arg7[%get3A_2485, %get3A_2486] {strides = array<i32>} : memref<200x16xi32, #tpu.memory_space<vmem>>, vector<1x16xi32>,
      %get3A_2488 = vector.shape_cast %get3A_2487 : vector<1x16xi32> to vector<16xi32>
      %gt3A_2489 = arith.cmpi ugt, %get3A_2488, %sub3A_82 : vector<16xi32>
      %get3A_2490 = arith.constant 160 : i32
      %get3A_2491 = arith.index_cast %get3A_2490 : i32 to index
      %get3A_2492 = arith.constant 0 : index
      %get3A_2493 = tpu.vector_load %arg8[%get3A_2491, %get3A_2492] {strides = array<i32>} : memref<200x16xf32, #tpu.memory_space<vmem>>, vector<1x16xf32>,
      %get3A_2494 = vector.shape_cast %get3A_2493 : vector<1x16xf32> to vector<16xf32>
      %jit3A_2495 = arith.constant 0.000000e+00 : f32
      %broadcast_in_dim3A_2496 = vector.broadcast %jit3A_2495 : f32 to vector<16xf32>
      %select_n3A_2497 = arith.select %gt3A_2489, %get3A_2494, %broadcast_in_dim3A_2496 : vector<16xi1>, vector<16xf32>
      %add3A_2498 = arith.addf %add3A_2483, %select_n3A_2497 : vector<16xf32>
      %get3A_2499 = arith.constant 161 : i32
      %get3A_2500 = arith.index_cast %get3A_2499 : i32 to index
      %get3A_2501 = arith.constant 0 : index
      %get3A_2502 = tpu.vector_load %arg7[%get3A_2500, %get3A_2501] {strides = array<i32>} : memref<200x16xi32, #tpu.memory_space<vmem>>, vector<1x16xi32>,
      %get3A_2503 = vector.shape_cast %get3A_2502 : vector<1x16xi32> to vector<16xi32>
      %gt3A_2504 = arith.cmpi ugt, %get3A_2503, %sub3A_82 : vector<16xi32>
      %get3A_2505 = arith.constant 161 : i32
      %get3A_2506 = arith.index_cast %get3A_2505 : i32 to index
      %get3A_2507 = arith.constant 0 : index
      %get3A_2508 = tpu.vector_load %arg8[%get3A_2506, %get3A_2507] {strides = array<i32>} : memref<200x16xf32, #tpu.memory_space<vmem>>, vector<1x16xf32>,
      %get3A_2509 = vector.shape_cast %get3A_2508 : vector<1x16xf32> to vector<16xf32>
      %jit3A_2510 = arith.constant 0.000000e+00 : f32
      %broadcast_in_dim3A_2511 = vector.broadcast %jit3A_2510 : f32 to vector<16xf32>
      %select_n3A_2512 = arith.select %gt3A_2504, %get3A_2509, %broadcast_in_dim3A_2511 : vector<16xi1>, vector<16xf32>
      %add3A_2513 = arith.addf %add3A_2498, %select_n3A_2512 : vector<16xf32>
      %get3A_2514 = arith.constant 162 : i32
      %get3A_2515 = arith.index_cast %get3A_2514 : i32 to index
      %get3A_2516 = arith.constant 0 : index
      %get3A_2517 = tpu.vector_load %arg7[%get3A_2515, %get3A_2516] {strides = array<i32>} : memref<200x16xi32, #tpu.memory_space<vmem>>, vector<1x16xi32>,
      %get3A_2518 = vector.shape_cast %get3A_2517 : vector<1x16xi32> to vector<16xi32>
      %gt3A_2519 = arith.cmpi ugt, %get3A_2518, %sub3A_82 : vector<16xi32>
      %get3A_2520 = arith.constant 162 : i32
      %get3A_2521 = arith.index_cast %get3A_2520 : i32 to index
      %get3A_2522 = arith.constant 0 : index
      %get3A_2523 = tpu.vector_load %arg8[%get3A_2521, %get3A_2522] {strides = array<i32>} : memref<200x16xf32, #tpu.memory_space<vmem>>, vector<1x16xf32>,
      %get3A_2524 = vector.shape_cast %get3A_2523 : vector<1x16xf32> to vector<16xf32>
      %jit3A_2525 = arith.constant 0.000000e+00 : f32
      %broadcast_in_dim3A_2526 = vector.broadcast %jit3A_2525 : f32 to vector<16xf32>
      %select_n3A_2527 = arith.select %gt3A_2519, %get3A_2524, %broadcast_in_dim3A_2526 : vector<16xi1>, vector<16xf32>
      %add3A_2528 = arith.addf %add3A_2513, %select_n3A_2527 : vector<16xf32>
      %get3A_2529 = arith.constant 163 : i32
      %get3A_2530 = arith.index_cast %get3A_2529 : i32 to index
      %get3A_2531 = arith.constant 0 : index
      %get3A_2532 = tpu.vector_load %arg7[%get3A_2530, %get3A_2531] {strides = array<i32>} : memref<200x16xi32, #tpu.memory_space<vmem>>, vector<1x16xi32>,
      %get3A_2533 = vector.shape_cast %get3A_2532 : vector<1x16xi32> to vector<16xi32>
      %gt3A_2534 = arith.cmpi ugt, %get3A_2533, %sub3A_82 : vector<16xi32>
      %get3A_2535 = arith.constant 163 : i32
      %get3A_2536 = arith.index_cast %get3A_2535 : i32 to index
      %get3A_2537 = arith.constant 0 : index
      %get3A_2538 = tpu.vector_load %arg8[%get3A_2536, %get3A_2537] {strides = array<i32>} : memref<200x16xf32, #tpu.memory_space<vmem>>, vector<1x16xf32>,
      %get3A_2539 = vector.shape_cast %get3A_2538 : vector<1x16xf32> to vector<16xf32>
      %jit3A_2540 = arith.constant 0.000000e+00 : f32
      %broadcast_in_dim3A_2541 = vector.broadcast %jit3A_2540 : f32 to vector<16xf32>
      %select_n3A_2542 = arith.select %gt3A_2534, %get3A_2539, %broadcast_in_dim3A_2541 : vector<16xi1>, vector<16xf32>
      %add3A_2543 = arith.addf %add3A_2528, %select_n3A_2542 : vector<16xf32>
      %get3A_2544 = arith.constant 164 : i32
      %get3A_2545 = arith.index_cast %get3A_2544 : i32 to index
      %get3A_2546 = arith.constant 0 : index
      %get3A_2547 = tpu.vector_load %arg7[%get3A_2545, %get3A_2546] {strides = array<i32>} : memref<200x16xi32, #tpu.memory_space<vmem>>, vector<1x16xi32>,
      %get3A_2548 = vector.shape_cast %get3A_2547 : vector<1x16xi32> to vector<16xi32>
      %gt3A_2549 = arith.cmpi ugt, %get3A_2548, %sub3A_82 : vector<16xi32>
      %get3A_2550 = arith.constant 164 : i32
      %get3A_2551 = arith.index_cast %get3A_2550 : i32 to index
      %get3A_2552 = arith.constant 0 : index
      %get3A_2553 = tpu.vector_load %arg8[%get3A_2551, %get3A_2552] {strides = array<i32>} : memref<200x16xf32, #tpu.memory_space<vmem>>, vector<1x16xf32>,
      %get3A_2554 = vector.shape_cast %get3A_2553 : vector<1x16xf32> to vector<16xf32>
      %jit3A_2555 = arith.constant 0.000000e+00 : f32
      %broadcast_in_dim3A_2556 = vector.broadcast %jit3A_2555 : f32 to vector<16xf32>
      %select_n3A_2557 = arith.select %gt3A_2549, %get3A_2554, %broadcast_in_dim3A_2556 : vector<16xi1>, vector<16xf32>
      %add3A_2558 = arith.addf %add3A_2543, %select_n3A_2557 : vector<16xf32>
      %get3A_2559 = arith.constant 165 : i32
      %get3A_2560 = arith.index_cast %get3A_2559 : i32 to index
      %get3A_2561 = arith.constant 0 : index
      %get3A_2562 = tpu.vector_load %arg7[%get3A_2560, %get3A_2561] {strides = array<i32>} : memref<200x16xi32, #tpu.memory_space<vmem>>, vector<1x16xi32>,
      %get3A_2563 = vector.shape_cast %get3A_2562 : vector<1x16xi32> to vector<16xi32>
      %gt3A_2564 = arith.cmpi ugt, %get3A_2563, %sub3A_82 : vector<16xi32>
      %get3A_2565 = arith.constant 165 : i32
      %get3A_2566 = arith.index_cast %get3A_2565 : i32 to index
      %get3A_2567 = arith.constant 0 : index
      %get3A_2568 = tpu.vector_load %arg8[%get3A_2566, %get3A_2567] {strides = array<i32>} : memref<200x16xf32, #tpu.memory_space<vmem>>, vector<1x16xf32>,
      %get3A_2569 = vector.shape_cast %get3A_2568 : vector<1x16xf32> to vector<16xf32>
      %jit3A_2570 = arith.constant 0.000000e+00 : f32
      %broadcast_in_dim3A_2571 = vector.broadcast %jit3A_2570 : f32 to vector<16xf32>
      %select_n3A_2572 = arith.select %gt3A_2564, %get3A_2569, %broadcast_in_dim3A_2571 : vector<16xi1>, vector<16xf32>
      %add3A_2573 = arith.addf %add3A_2558, %select_n3A_2572 : vector<16xf32>
      %get3A_2574 = arith.constant 166 : i32
      %get3A_2575 = arith.index_cast %get3A_2574 : i32 to index
      %get3A_2576 = arith.constant 0 : index
      %get3A_2577 = tpu.vector_load %arg7[%get3A_2575, %get3A_2576] {strides = array<i32>} : memref<200x16xi32, #tpu.memory_space<vmem>>, vector<1x16xi32>,
      %get3A_2578 = vector.shape_cast %get3A_2577 : vector<1x16xi32> to vector<16xi32>
      %gt3A_2579 = arith.cmpi ugt, %get3A_2578, %sub3A_82 : vector<16xi32>
      %get3A_2580 = arith.constant 166 : i32
      %get3A_2581 = arith.index_cast %get3A_2580 : i32 to index
      %get3A_2582 = arith.constant 0 : index
      %get3A_2583 = tpu.vector_load %arg8[%get3A_2581, %get3A_2582] {strides = array<i32>} : memref<200x16xf32, #tpu.memory_space<vmem>>, vector<1x16xf32>,
      %get3A_2584 = vector.shape_cast %get3A_2583 : vector<1x16xf32> to vector<16xf32>
      %jit3A_2585 = arith.constant 0.000000e+00 : f32
      %broadcast_in_dim3A_2586 = vector.broadcast %jit3A_2585 : f32 to vector<16xf32>
      %select_n3A_2587 = arith.select %gt3A_2579, %get3A_2584, %broadcast_in_dim3A_2586 : vector<16xi1>, vector<16xf32>
      %add3A_2588 = arith.addf %add3A_2573, %select_n3A_2587 : vector<16xf32>
      %get3A_2589 = arith.constant 167 : i32
      %get3A_2590 = arith.index_cast %get3A_2589 : i32 to index
      %get3A_2591 = arith.constant 0 : index
      %get3A_2592 = tpu.vector_load %arg7[%get3A_2590, %get3A_2591] {strides = array<i32>} : memref<200x16xi32, #tpu.memory_space<vmem>>, vector<1x16xi32>,
      %get3A_2593 = vector.shape_cast %get3A_2592 : vector<1x16xi32> to vector<16xi32>
      %gt3A_2594 = arith.cmpi ugt, %get3A_2593, %sub3A_82 : vector<16xi32>
      %get3A_2595 = arith.constant 167 : i32
      %get3A_2596 = arith.index_cast %get3A_2595 : i32 to index
      %get3A_2597 = arith.constant 0 : index
      %get3A_2598 = tpu.vector_load %arg8[%get3A_2596, %get3A_2597] {strides = array<i32>} : memref<200x16xf32, #tpu.memory_space<vmem>>, vector<1x16xf32>,
      %get3A_2599 = vector.shape_cast %get3A_2598 : vector<1x16xf32> to vector<16xf32>
      %jit3A_2600 = arith.constant 0.000000e+00 : f32
      %broadcast_in_dim3A_2601 = vector.broadcast %jit3A_2600 : f32 to vector<16xf32>
      %select_n3A_2602 = arith.select %gt3A_2594, %get3A_2599, %broadcast_in_dim3A_2601 : vector<16xi1>, vector<16xf32>
      %add3A_2603 = arith.addf %add3A_2588, %select_n3A_2602 : vector<16xf32>
      %get3A_2604 = arith.constant 168 : i32
      %get3A_2605 = arith.index_cast %get3A_2604 : i32 to index
      %get3A_2606 = arith.constant 0 : index
      %get3A_2607 = tpu.vector_load %arg7[%get3A_2605, %get3A_2606] {strides = array<i32>} : memref<200x16xi32, #tpu.memory_space<vmem>>, vector<1x16xi32>,
      %get3A_2608 = vector.shape_cast %get3A_2607 : vector<1x16xi32> to vector<16xi32>
      %gt3A_2609 = arith.cmpi ugt, %get3A_2608, %sub3A_82 : vector<16xi32>
      %get3A_2610 = arith.constant 168 : i32
      %get3A_2611 = arith.index_cast %get3A_2610 : i32 to index
      %get3A_2612 = arith.constant 0 : index
      %get3A_2613 = tpu.vector_load %arg8[%get3A_2611, %get3A_2612] {strides = array<i32>} : memref<200x16xf32, #tpu.memory_space<vmem>>, vector<1x16xf32>,
      %get3A_2614 = vector.shape_cast %get3A_2613 : vector<1x16xf32> to vector<16xf32>
      %jit3A_2615 = arith.constant 0.000000e+00 : f32
      %broadcast_in_dim3A_2616 = vector.broadcast %jit3A_2615 : f32 to vector<16xf32>
      %select_n3A_2617 = arith.select %gt3A_2609, %get3A_2614, %broadcast_in_dim3A_2616 : vector<16xi1>, vector<16xf32>
      %add3A_2618 = arith.addf %add3A_2603, %select_n3A_2617 : vector<16xf32>
      %get3A_2619 = arith.constant 169 : i32
      %get3A_2620 = arith.index_cast %get3A_2619 : i32 to index
      %get3A_2621 = arith.constant 0 : index
      %get3A_2622 = tpu.vector_load %arg7[%get3A_2620, %get3A_2621] {strides = array<i32>} : memref<200x16xi32, #tpu.memory_space<vmem>>, vector<1x16xi32>,
      %get3A_2623 = vector.shape_cast %get3A_2622 : vector<1x16xi32> to vector<16xi32>
      %gt3A_2624 = arith.cmpi ugt, %get3A_2623, %sub3A_82 : vector<16xi32>
      %get3A_2625 = arith.constant 169 : i32
      %get3A_2626 = arith.index_cast %get3A_2625 : i32 to index
      %get3A_2627 = arith.constant 0 : index
      %get3A_2628 = tpu.vector_load %arg8[%get3A_2626, %get3A_2627] {strides = array<i32>} : memref<200x16xf32, #tpu.memory_space<vmem>>, vector<1x16xf32>,
      %get3A_2629 = vector.shape_cast %get3A_2628 : vector<1x16xf32> to vector<16xf32>
      %jit3A_2630 = arith.constant 0.000000e+00 : f32
      %broadcast_in_dim3A_2631 = vector.broadcast %jit3A_2630 : f32 to vector<16xf32>
      %select_n3A_2632 = arith.select %gt3A_2624, %get3A_2629, %broadcast_in_dim3A_2631 : vector<16xi1>, vector<16xf32>
      %add3A_2633 = arith.addf %add3A_2618, %select_n3A_2632 : vector<16xf32>
      %get3A_2634 = arith.constant 170 : i32
      %get3A_2635 = arith.index_cast %get3A_2634 : i32 to index
      %get3A_2636 = arith.constant 0 : index
      %get3A_2637 = tpu.vector_load %arg7[%get3A_2635, %get3A_2636] {strides = array<i32>} : memref<200x16xi32, #tpu.memory_space<vmem>>, vector<1x16xi32>,
      %get3A_2638 = vector.shape_cast %get3A_2637 : vector<1x16xi32> to vector<16xi32>
      %gt3A_2639 = arith.cmpi ugt, %get3A_2638, %sub3A_82 : vector<16xi32>
      %get3A_2640 = arith.constant 170 : i32
      %get3A_2641 = arith.index_cast %get3A_2640 : i32 to index
      %get3A_2642 = arith.constant 0 : index
      %get3A_2643 = tpu.vector_load %arg8[%get3A_2641, %get3A_2642] {strides = array<i32>} : memref<200x16xf32, #tpu.memory_space<vmem>>, vector<1x16xf32>,
      %get3A_2644 = vector.shape_cast %get3A_2643 : vector<1x16xf32> to vector<16xf32>
      %jit3A_2645 = arith.constant 0.000000e+00 : f32
      %broadcast_in_dim3A_2646 = vector.broadcast %jit3A_2645 : f32 to vector<16xf32>
      %select_n3A_2647 = arith.select %gt3A_2639, %get3A_2644, %broadcast_in_dim3A_2646 : vector<16xi1>, vector<16xf32>
      %add3A_2648 = arith.addf %add3A_2633, %select_n3A_2647 : vector<16xf32>
      %get3A_2649 = arith.constant 171 : i32
      %get3A_2650 = arith.index_cast %get3A_2649 : i32 to index
      %get3A_2651 = arith.constant 0 : index
      %get3A_2652 = tpu.vector_load %arg7[%get3A_2650, %get3A_2651] {strides = array<i32>} : memref<200x16xi32, #tpu.memory_space<vmem>>, vector<1x16xi32>,
      %get3A_2653 = vector.shape_cast %get3A_2652 : vector<1x16xi32> to vector<16xi32>
      %gt3A_2654 = arith.cmpi ugt, %get3A_2653, %sub3A_82 : vector<16xi32>
      %get3A_2655 = arith.constant 171 : i32
      %get3A_2656 = arith.index_cast %get3A_2655 : i32 to index
      %get3A_2657 = arith.constant 0 : index
      %get3A_2658 = tpu.vector_load %arg8[%get3A_2656, %get3A_2657] {strides = array<i32>} : memref<200x16xf32, #tpu.memory_space<vmem>>, vector<1x16xf32>,
      %get3A_2659 = vector.shape_cast %get3A_2658 : vector<1x16xf32> to vector<16xf32>
      %jit3A_2660 = arith.constant 0.000000e+00 : f32
      %broadcast_in_dim3A_2661 = vector.broadcast %jit3A_2660 : f32 to vector<16xf32>
      %select_n3A_2662 = arith.select %gt3A_2654, %get3A_2659, %broadcast_in_dim3A_2661 : vector<16xi1>, vector<16xf32>
      %add3A_2663 = arith.addf %add3A_2648, %select_n3A_2662 : vector<16xf32>
      %get3A_2664 = arith.constant 172 : i32
      %get3A_2665 = arith.index_cast %get3A_2664 : i32 to index
      %get3A_2666 = arith.constant 0 : index
      %get3A_2667 = tpu.vector_load %arg7[%get3A_2665, %get3A_2666] {strides = array<i32>} : memref<200x16xi32, #tpu.memory_space<vmem>>, vector<1x16xi32>,
      %get3A_2668 = vector.shape_cast %get3A_2667 : vector<1x16xi32> to vector<16xi32>
      %gt3A_2669 = arith.cmpi ugt, %get3A_2668, %sub3A_82 : vector<16xi32>
      %get3A_2670 = arith.constant 172 : i32
      %get3A_2671 = arith.index_cast %get3A_2670 : i32 to index
      %get3A_2672 = arith.constant 0 : index
      %get3A_2673 = tpu.vector_load %arg8[%get3A_2671, %get3A_2672] {strides = array<i32>} : memref<200x16xf32, #tpu.memory_space<vmem>>, vector<1x16xf32>,
      %get3A_2674 = vector.shape_cast %get3A_2673 : vector<1x16xf32> to vector<16xf32>
      %jit3A_2675 = arith.constant 0.000000e+00 : f32
      %broadcast_in_dim3A_2676 = vector.broadcast %jit3A_2675 : f32 to vector<16xf32>
      %select_n3A_2677 = arith.select %gt3A_2669, %get3A_2674, %broadcast_in_dim3A_2676 : vector<16xi1>, vector<16xf32>
      %add3A_2678 = arith.addf %add3A_2663, %select_n3A_2677 : vector<16xf32>
      %get3A_2679 = arith.constant 173 : i32
      %get3A_2680 = arith.index_cast %get3A_2679 : i32 to index
      %get3A_2681 = arith.constant 0 : index
      %get3A_2682 = tpu.vector_load %arg7[%get3A_2680, %get3A_2681] {strides = array<i32>} : memref<200x16xi32, #tpu.memory_space<vmem>>, vector<1x16xi32>,
      %get3A_2683 = vector.shape_cast %get3A_2682 : vector<1x16xi32> to vector<16xi32>
      %gt3A_2684 = arith.cmpi ugt, %get3A_2683, %sub3A_82 : vector<16xi32>
      %get3A_2685 = arith.constant 173 : i32
      %get3A_2686 = arith.index_cast %get3A_2685 : i32 to index
      %get3A_2687 = arith.constant 0 : index
      %get3A_2688 = tpu.vector_load %arg8[%get3A_2686, %get3A_2687] {strides = array<i32>} : memref<200x16xf32, #tpu.memory_space<vmem>>, vector<1x16xf32>,
      %get3A_2689 = vector.shape_cast %get3A_2688 : vector<1x16xf32> to vector<16xf32>
      %jit3A_2690 = arith.constant 0.000000e+00 : f32
      %broadcast_in_dim3A_2691 = vector.broadcast %jit3A_2690 : f32 to vector<16xf32>
      %select_n3A_2692 = arith.select %gt3A_2684, %get3A_2689, %broadcast_in_dim3A_2691 : vector<16xi1>, vector<16xf32>
      %add3A_2693 = arith.addf %add3A_2678, %select_n3A_2692 : vector<16xf32>
      %get3A_2694 = arith.constant 174 : i32
      %get3A_2695 = arith.index_cast %get3A_2694 : i32 to index
      %get3A_2696 = arith.constant 0 : index
      %get3A_2697 = tpu.vector_load %arg7[%get3A_2695, %get3A_2696] {strides = array<i32>} : memref<200x16xi32, #tpu.memory_space<vmem>>, vector<1x16xi32>,
      %get3A_2698 = vector.shape_cast %get3A_2697 : vector<1x16xi32> to vector<16xi32>
      %gt3A_2699 = arith.cmpi ugt, %get3A_2698, %sub3A_82 : vector<16xi32>
      %get3A_2700 = arith.constant 174 : i32
      %get3A_2701 = arith.index_cast %get3A_2700 : i32 to index
      %get3A_2702 = arith.constant 0 : index
      %get3A_2703 = tpu.vector_load %arg8[%get3A_2701, %get3A_2702] {strides = array<i32>} : memref<200x16xf32, #tpu.memory_space<vmem>>, vector<1x16xf32>,
      %get3A_2704 = vector.shape_cast %get3A_2703 : vector<1x16xf32> to vector<16xf32>
      %jit3A_2705 = arith.constant 0.000000e+00 : f32
      %broadcast_in_dim3A_2706 = vector.broadcast %jit3A_2705 : f32 to vector<16xf32>
      %select_n3A_2707 = arith.select %gt3A_2699, %get3A_2704, %broadcast_in_dim3A_2706 : vector<16xi1>, vector<16xf32>
      %add3A_2708 = arith.addf %add3A_2693, %select_n3A_2707 : vector<16xf32>
      %get3A_2709 = arith.constant 175 : i32
      %get3A_2710 = arith.index_cast %get3A_2709 : i32 to index
      %get3A_2711 = arith.constant 0 : index
      %get3A_2712 = tpu.vector_load %arg7[%get3A_2710, %get3A_2711] {strides = array<i32>} : memref<200x16xi32, #tpu.memory_space<vmem>>, vector<1x16xi32>,
      %get3A_2713 = vector.shape_cast %get3A_2712 : vector<1x16xi32> to vector<16xi32>
      %gt3A_2714 = arith.cmpi ugt, %get3A_2713, %sub3A_82 : vector<16xi32>
      %get3A_2715 = arith.constant 175 : i32
      %get3A_2716 = arith.index_cast %get3A_2715 : i32 to index
      %get3A_2717 = arith.constant 0 : index
      %get3A_2718 = tpu.vector_load %arg8[%get3A_2716, %get3A_2717] {strides = array<i32>} : memref<200x16xf32, #tpu.memory_space<vmem>>, vector<1x16xf32>,
      %get3A_2719 = vector.shape_cast %get3A_2718 : vector<1x16xf32> to vector<16xf32>
      %jit3A_2720 = arith.constant 0.000000e+00 : f32
      %broadcast_in_dim3A_2721 = vector.broadcast %jit3A_2720 : f32 to vector<16xf32>
      %select_n3A_2722 = arith.select %gt3A_2714, %get3A_2719, %broadcast_in_dim3A_2721 : vector<16xi1>, vector<16xf32>
      %add3A_2723 = arith.addf %add3A_2708, %select_n3A_2722 : vector<16xf32>
      %get3A_2724 = arith.constant 176 : i32
      %get3A_2725 = arith.index_cast %get3A_2724 : i32 to index
      %get3A_2726 = arith.constant 0 : index
      %get3A_2727 = tpu.vector_load %arg7[%get3A_2725, %get3A_2726] {strides = array<i32>} : memref<200x16xi32, #tpu.memory_space<vmem>>, vector<1x16xi32>,
      %get3A_2728 = vector.shape_cast %get3A_2727 : vector<1x16xi32> to vector<16xi32>
      %gt3A_2729 = arith.cmpi ugt, %get3A_2728, %sub3A_82 : vector<16xi32>
      %get3A_2730 = arith.constant 176 : i32
      %get3A_2731 = arith.index_cast %get3A_2730 : i32 to index
      %get3A_2732 = arith.constant 0 : index
      %get3A_2733 = tpu.vector_load %arg8[%get3A_2731, %get3A_2732] {strides = array<i32>} : memref<200x16xf32, #tpu.memory_space<vmem>>, vector<1x16xf32>,
      %get3A_2734 = vector.shape_cast %get3A_2733 : vector<1x16xf32> to vector<16xf32>
      %jit3A_2735 = arith.constant 0.000000e+00 : f32
      %broadcast_in_dim3A_2736 = vector.broadcast %jit3A_2735 : f32 to vector<16xf32>
      %select_n3A_2737 = arith.select %gt3A_2729, %get3A_2734, %broadcast_in_dim3A_2736 : vector<16xi1>, vector<16xf32>
      %add3A_2738 = arith.addf %add3A_2723, %select_n3A_2737 : vector<16xf32>
      %get3A_2739 = arith.constant 177 : i32
      %get3A_2740 = arith.index_cast %get3A_2739 : i32 to index
      %get3A_2741 = arith.constant 0 : index
      %get3A_2742 = tpu.vector_load %arg7[%get3A_2740, %get3A_2741] {strides = array<i32>} : memref<200x16xi32, #tpu.memory_space<vmem>>, vector<1x16xi32>,
      %get3A_2743 = vector.shape_cast %get3A_2742 : vector<1x16xi32> to vector<16xi32>
      %gt3A_2744 = arith.cmpi ugt, %get3A_2743, %sub3A_82 : vector<16xi32>
      %get3A_2745 = arith.constant 177 : i32
      %get3A_2746 = arith.index_cast %get3A_2745 : i32 to index
      %get3A_2747 = arith.constant 0 : index
      %get3A_2748 = tpu.vector_load %arg8[%get3A_2746, %get3A_2747] {strides = array<i32>} : memref<200x16xf32, #tpu.memory_space<vmem>>, vector<1x16xf32>,
      %get3A_2749 = vector.shape_cast %get3A_2748 : vector<1x16xf32> to vector<16xf32>
      %jit3A_2750 = arith.constant 0.000000e+00 : f32
      %broadcast_in_dim3A_2751 = vector.broadcast %jit3A_2750 : f32 to vector<16xf32>
      %select_n3A_2752 = arith.select %gt3A_2744, %get3A_2749, %broadcast_in_dim3A_2751 : vector<16xi1>, vector<16xf32>
      %add3A_2753 = arith.addf %add3A_2738, %select_n3A_2752 : vector<16xf32>
      %get3A_2754 = arith.constant 178 : i32
      %get3A_2755 = arith.index_cast %get3A_2754 : i32 to index
      %get3A_2756 = arith.constant 0 : index
      %get3A_2757 = tpu.vector_load %arg7[%get3A_2755, %get3A_2756] {strides = array<i32>} : memref<200x16xi32, #tpu.memory_space<vmem>>, vector<1x16xi32>,
      %get3A_2758 = vector.shape_cast %get3A_2757 : vector<1x16xi32> to vector<16xi32>
      %gt3A_2759 = arith.cmpi ugt, %get3A_2758, %sub3A_82 : vector<16xi32>
      %get3A_2760 = arith.constant 178 : i32
      %get3A_2761 = arith.index_cast %get3A_2760 : i32 to index
      %get3A_2762 = arith.constant 0 : index
      %get3A_2763 = tpu.vector_load %arg8[%get3A_2761, %get3A_2762] {strides = array<i32>} : memref<200x16xf32, #tpu.memory_space<vmem>>, vector<1x16xf32>,
      %get3A_2764 = vector.shape_cast %get3A_2763 : vector<1x16xf32> to vector<16xf32>
      %jit3A_2765 = arith.constant 0.000000e+00 : f32
      %broadcast_in_dim3A_2766 = vector.broadcast %jit3A_2765 : f32 to vector<16xf32>
      %select_n3A_2767 = arith.select %gt3A_2759, %get3A_2764, %broadcast_in_dim3A_2766 : vector<16xi1>, vector<16xf32>
      %add3A_2768 = arith.addf %add3A_2753, %select_n3A_2767 : vector<16xf32>
      %get3A_2769 = arith.constant 179 : i32
      %get3A_2770 = arith.index_cast %get3A_2769 : i32 to index
      %get3A_2771 = arith.constant 0 : index
      %get3A_2772 = tpu.vector_load %arg7[%get3A_2770, %get3A_2771] {strides = array<i32>} : memref<200x16xi32, #tpu.memory_space<vmem>>, vector<1x16xi32>,
      %get3A_2773 = vector.shape_cast %get3A_2772 : vector<1x16xi32> to vector<16xi32>
      %gt3A_2774 = arith.cmpi ugt, %get3A_2773, %sub3A_82 : vector<16xi32>
      %get3A_2775 = arith.constant 179 : i32
      %get3A_2776 = arith.index_cast %get3A_2775 : i32 to index
      %get3A_2777 = arith.constant 0 : index
      %get3A_2778 = tpu.vector_load %arg8[%get3A_2776, %get3A_2777] {strides = array<i32>} : memref<200x16xf32, #tpu.memory_space<vmem>>, vector<1x16xf32>,
      %get3A_2779 = vector.shape_cast %get3A_2778 : vector<1x16xf32> to vector<16xf32>
      %jit3A_2780 = arith.constant 0.000000e+00 : f32
      %broadcast_in_dim3A_2781 = vector.broadcast %jit3A_2780 : f32 to vector<16xf32>
      %select_n3A_2782 = arith.select %gt3A_2774, %get3A_2779, %broadcast_in_dim3A_2781 : vector<16xi1>, vector<16xf32>
      %add3A_2783 = arith.addf %add3A_2768, %select_n3A_2782 : vector<16xf32>
      %get3A_2784 = arith.constant 180 : i32
      %get3A_2785 = arith.index_cast %get3A_2784 : i32 to index
      %get3A_2786 = arith.constant 0 : index
      %get3A_2787 = tpu.vector_load %arg7[%get3A_2785, %get3A_2786] {strides = array<i32>} : memref<200x16xi32, #tpu.memory_space<vmem>>, vector<1x16xi32>,
      %get3A_2788 = vector.shape_cast %get3A_2787 : vector<1x16xi32> to vector<16xi32>
      %gt3A_2789 = arith.cmpi ugt, %get3A_2788, %sub3A_82 : vector<16xi32>
      %get3A_2790 = arith.constant 180 : i32
      %get3A_2791 = arith.index_cast %get3A_2790 : i32 to index
      %get3A_2792 = arith.constant 0 : index
      %get3A_2793 = tpu.vector_load %arg8[%get3A_2791, %get3A_2792] {strides = array<i32>} : memref<200x16xf32, #tpu.memory_space<vmem>>, vector<1x16xf32>,
      %get3A_2794 = vector.shape_cast %get3A_2793 : vector<1x16xf32> to vector<16xf32>
      %jit3A_2795 = arith.constant 0.000000e+00 : f32
      %broadcast_in_dim3A_2796 = vector.broadcast %jit3A_2795 : f32 to vector<16xf32>
      %select_n3A_2797 = arith.select %gt3A_2789, %get3A_2794, %broadcast_in_dim3A_2796 : vector<16xi1>, vector<16xf32>
      %add3A_2798 = arith.addf %add3A_2783, %select_n3A_2797 : vector<16xf32>
      %get3A_2799 = arith.constant 181 : i32
      %get3A_2800 = arith.index_cast %get3A_2799 : i32 to index
      %get3A_2801 = arith.constant 0 : index
      %get3A_2802 = tpu.vector_load %arg7[%get3A_2800, %get3A_2801] {strides = array<i32>} : memref<200x16xi32, #tpu.memory_space<vmem>>, vector<1x16xi32>,
      %get3A_2803 = vector.shape_cast %get3A_2802 : vector<1x16xi32> to vector<16xi32>
      %gt3A_2804 = arith.cmpi ugt, %get3A_2803, %sub3A_82 : vector<16xi32>
      %get3A_2805 = arith.constant 181 : i32
      %get3A_2806 = arith.index_cast %get3A_2805 : i32 to index
      %get3A_2807 = arith.constant 0 : index
      %get3A_2808 = tpu.vector_load %arg8[%get3A_2806, %get3A_2807] {strides = array<i32>} : memref<200x16xf32, #tpu.memory_space<vmem>>, vector<1x16xf32>,
      %get3A_2809 = vector.shape_cast %get3A_2808 : vector<1x16xf32> to vector<16xf32>
      %jit3A_2810 = arith.constant 0.000000e+00 : f32
      %broadcast_in_dim3A_2811 = vector.broadcast %jit3A_2810 : f32 to vector<16xf32>
      %select_n3A_2812 = arith.select %gt3A_2804, %get3A_2809, %broadcast_in_dim3A_2811 : vector<16xi1>, vector<16xf32>
      %add3A_2813 = arith.addf %add3A_2798, %select_n3A_2812 : vector<16xf32>
      %get3A_2814 = arith.constant 182 : i32
      %get3A_2815 = arith.index_cast %get3A_2814 : i32 to index
      %get3A_2816 = arith.constant 0 : index
      %get3A_2817 = tpu.vector_load %arg7[%get3A_2815, %get3A_2816] {strides = array<i32>} : memref<200x16xi32, #tpu.memory_space<vmem>>, vector<1x16xi32>,
      %get3A_2818 = vector.shape_cast %get3A_2817 : vector<1x16xi32> to vector<16xi32>
      %gt3A_2819 = arith.cmpi ugt, %get3A_2818, %sub3A_82 : vector<16xi32>
      %get3A_2820 = arith.constant 182 : i32
      %get3A_2821 = arith.index_cast %get3A_2820 : i32 to index
      %get3A_2822 = arith.constant 0 : index
      %get3A_2823 = tpu.vector_load %arg8[%get3A_2821, %get3A_2822] {strides = array<i32>} : memref<200x16xf32, #tpu.memory_space<vmem>>, vector<1x16xf32>,
      %get3A_2824 = vector.shape_cast %get3A_2823 : vector<1x16xf32> to vector<16xf32>
      %jit3A_2825 = arith.constant 0.000000e+00 : f32
      %broadcast_in_dim3A_2826 = vector.broadcast %jit3A_2825 : f32 to vector<16xf32>
      %select_n3A_2827 = arith.select %gt3A_2819, %get3A_2824, %broadcast_in_dim3A_2826 : vector<16xi1>, vector<16xf32>
      %add3A_2828 = arith.addf %add3A_2813, %select_n3A_2827 : vector<16xf32>
      %get3A_2829 = arith.constant 183 : i32
      %get3A_2830 = arith.index_cast %get3A_2829 : i32 to index
      %get3A_2831 = arith.constant 0 : index
      %get3A_2832 = tpu.vector_load %arg7[%get3A_2830, %get3A_2831] {strides = array<i32>} : memref<200x16xi32, #tpu.memory_space<vmem>>, vector<1x16xi32>,
      %get3A_2833 = vector.shape_cast %get3A_2832 : vector<1x16xi32> to vector<16xi32>
      %gt3A_2834 = arith.cmpi ugt, %get3A_2833, %sub3A_82 : vector<16xi32>
      %get3A_2835 = arith.constant 183 : i32
      %get3A_2836 = arith.index_cast %get3A_2835 : i32 to index
      %get3A_2837 = arith.constant 0 : index
      %get3A_2838 = tpu.vector_load %arg8[%get3A_2836, %get3A_2837] {strides = array<i32>} : memref<200x16xf32, #tpu.memory_space<vmem>>, vector<1x16xf32>,
      %get3A_2839 = vector.shape_cast %get3A_2838 : vector<1x16xf32> to vector<16xf32>
      %jit3A_2840 = arith.constant 0.000000e+00 : f32
      %broadcast_in_dim3A_2841 = vector.broadcast %jit3A_2840 : f32 to vector<16xf32>
      %select_n3A_2842 = arith.select %gt3A_2834, %get3A_2839, %broadcast_in_dim3A_2841 : vector<16xi1>, vector<16xf32>
      %add3A_2843 = arith.addf %add3A_2828, %select_n3A_2842 : vector<16xf32>
      %get3A_2844 = arith.constant 184 : i32
      %get3A_2845 = arith.index_cast %get3A_2844 : i32 to index
      %get3A_2846 = arith.constant 0 : index
      %get3A_2847 = tpu.vector_load %arg7[%get3A_2845, %get3A_2846] {strides = array<i32>} : memref<200x16xi32, #tpu.memory_space<vmem>>, vector<1x16xi32>,
      %get3A_2848 = vector.shape_cast %get3A_2847 : vector<1x16xi32> to vector<16xi32>
      %gt3A_2849 = arith.cmpi ugt, %get3A_2848, %sub3A_82 : vector<16xi32>
      %get3A_2850 = arith.constant 184 : i32
      %get3A_2851 = arith.index_cast %get3A_2850 : i32 to index
      %get3A_2852 = arith.constant 0 : index
      %get3A_2853 = tpu.vector_load %arg8[%get3A_2851, %get3A_2852] {strides = array<i32>} : memref<200x16xf32, #tpu.memory_space<vmem>>, vector<1x16xf32>,
      %get3A_2854 = vector.shape_cast %get3A_2853 : vector<1x16xf32> to vector<16xf32>
      %jit3A_2855 = arith.constant 0.000000e+00 : f32
      %broadcast_in_dim3A_2856 = vector.broadcast %jit3A_2855 : f32 to vector<16xf32>
      %select_n3A_2857 = arith.select %gt3A_2849, %get3A_2854, %broadcast_in_dim3A_2856 : vector<16xi1>, vector<16xf32>
      %add3A_2858 = arith.addf %add3A_2843, %select_n3A_2857 : vector<16xf32>
      %get3A_2859 = arith.constant 185 : i32
      %get3A_2860 = arith.index_cast %get3A_2859 : i32 to index
      %get3A_2861 = arith.constant 0 : index
      %get3A_2862 = tpu.vector_load %arg7[%get3A_2860, %get3A_2861] {strides = array<i32>} : memref<200x16xi32, #tpu.memory_space<vmem>>, vector<1x16xi32>,
      %get3A_2863 = vector.shape_cast %get3A_2862 : vector<1x16xi32> to vector<16xi32>
      %gt3A_2864 = arith.cmpi ugt, %get3A_2863, %sub3A_82 : vector<16xi32>
      %get3A_2865 = arith.constant 185 : i32
      %get3A_2866 = arith.index_cast %get3A_2865 : i32 to index
      %get3A_2867 = arith.constant 0 : index
      %get3A_2868 = tpu.vector_load %arg8[%get3A_2866, %get3A_2867] {strides = array<i32>} : memref<200x16xf32, #tpu.memory_space<vmem>>, vector<1x16xf32>,
      %get3A_2869 = vector.shape_cast %get3A_2868 : vector<1x16xf32> to vector<16xf32>
      %jit3A_2870 = arith.constant 0.000000e+00 : f32
      %broadcast_in_dim3A_2871 = vector.broadcast %jit3A_2870 : f32 to vector<16xf32>
      %select_n3A_2872 = arith.select %gt3A_2864, %get3A_2869, %broadcast_in_dim3A_2871 : vector<16xi1>, vector<16xf32>
      %add3A_2873 = arith.addf %add3A_2858, %select_n3A_2872 : vector<16xf32>
      %get3A_2874 = arith.constant 186 : i32
      %get3A_2875 = arith.index_cast %get3A_2874 : i32 to index
      %get3A_2876 = arith.constant 0 : index
      %get3A_2877 = tpu.vector_load %arg7[%get3A_2875, %get3A_2876] {strides = array<i32>} : memref<200x16xi32, #tpu.memory_space<vmem>>, vector<1x16xi32>,
      %get3A_2878 = vector.shape_cast %get3A_2877 : vector<1x16xi32> to vector<16xi32>
      %gt3A_2879 = arith.cmpi ugt, %get3A_2878, %sub3A_82 : vector<16xi32>
      %get3A_2880 = arith.constant 186 : i32
      %get3A_2881 = arith.index_cast %get3A_2880 : i32 to index
      %get3A_2882 = arith.constant 0 : index
      %get3A_2883 = tpu.vector_load %arg8[%get3A_2881, %get3A_2882] {strides = array<i32>} : memref<200x16xf32, #tpu.memory_space<vmem>>, vector<1x16xf32>,
      %get3A_2884 = vector.shape_cast %get3A_2883 : vector<1x16xf32> to vector<16xf32>
      %jit3A_2885 = arith.constant 0.000000e+00 : f32
      %broadcast_in_dim3A_2886 = vector.broadcast %jit3A_2885 : f32 to vector<16xf32>
      %select_n3A_2887 = arith.select %gt3A_2879, %get3A_2884, %broadcast_in_dim3A_2886 : vector<16xi1>, vector<16xf32>
      %add3A_2888 = arith.addf %add3A_2873, %select_n3A_2887 : vector<16xf32>
      %get3A_2889 = arith.constant 187 : i32
      %get3A_2890 = arith.index_cast %get3A_2889 : i32 to index
      %get3A_2891 = arith.constant 0 : index
      %get3A_2892 = tpu.vector_load %arg7[%get3A_2890, %get3A_2891] {strides = array<i32>} : memref<200x16xi32, #tpu.memory_space<vmem>>, vector<1x16xi32>,
      %get3A_2893 = vector.shape_cast %get3A_2892 : vector<1x16xi32> to vector<16xi32>
      %gt3A_2894 = arith.cmpi ugt, %get3A_2893, %sub3A_82 : vector<16xi32>
      %get3A_2895 = arith.constant 187 : i32
      %get3A_2896 = arith.index_cast %get3A_2895 : i32 to index
      %get3A_2897 = arith.constant 0 : index
      %get3A_2898 = tpu.vector_load %arg8[%get3A_2896, %get3A_2897] {strides = array<i32>} : memref<200x16xf32, #tpu.memory_space<vmem>>, vector<1x16xf32>,
      %get3A_2899 = vector.shape_cast %get3A_2898 : vector<1x16xf32> to vector<16xf32>
      %jit3A_2900 = arith.constant 0.000000e+00 : f32
      %broadcast_in_dim3A_2901 = vector.broadcast %jit3A_2900 : f32 to vector<16xf32>
      %select_n3A_2902 = arith.select %gt3A_2894, %get3A_2899, %broadcast_in_dim3A_2901 : vector<16xi1>, vector<16xf32>
      %add3A_2903 = arith.addf %add3A_2888, %select_n3A_2902 : vector<16xf32>
      %get3A_2904 = arith.constant 188 : i32
      %get3A_2905 = arith.index_cast %get3A_2904 : i32 to index
      %get3A_2906 = arith.constant 0 : index
      %get3A_2907 = tpu.vector_load %arg7[%get3A_2905, %get3A_2906] {strides = array<i32>} : memref<200x16xi32, #tpu.memory_space<vmem>>, vector<1x16xi32>,
      %get3A_2908 = vector.shape_cast %get3A_2907 : vector<1x16xi32> to vector<16xi32>
      %gt3A_2909 = arith.cmpi ugt, %get3A_2908, %sub3A_82 : vector<16xi32>
      %get3A_2910 = arith.constant 188 : i32
      %get3A_2911 = arith.index_cast %get3A_2910 : i32 to index
      %get3A_2912 = arith.constant 0 : index
      %get3A_2913 = tpu.vector_load %arg8[%get3A_2911, %get3A_2912] {strides = array<i32>} : memref<200x16xf32, #tpu.memory_space<vmem>>, vector<1x16xf32>,
      %get3A_2914 = vector.shape_cast %get3A_2913 : vector<1x16xf32> to vector<16xf32>
      %jit3A_2915 = arith.constant 0.000000e+00 : f32
      %broadcast_in_dim3A_2916 = vector.broadcast %jit3A_2915 : f32 to vector<16xf32>
      %select_n3A_2917 = arith.select %gt3A_2909, %get3A_2914, %broadcast_in_dim3A_2916 : vector<16xi1>, vector<16xf32>
      %add3A_2918 = arith.addf %add3A_2903, %select_n3A_2917 : vector<16xf32>
      %get3A_2919 = arith.constant 189 : i32
      %get3A_2920 = arith.index_cast %get3A_2919 : i32 to index
      %get3A_2921 = arith.constant 0 : index
      %get3A_2922 = tpu.vector_load %arg7[%get3A_2920, %get3A_2921] {strides = array<i32>} : memref<200x16xi32, #tpu.memory_space<vmem>>, vector<1x16xi32>,
      %get3A_2923 = vector.shape_cast %get3A_2922 : vector<1x16xi32> to vector<16xi32>
      %gt3A_2924 = arith.cmpi ugt, %get3A_2923, %sub3A_82 : vector<16xi32>
      %get3A_2925 = arith.constant 189 : i32
      %get3A_2926 = arith.index_cast %get3A_2925 : i32 to index
      %get3A_2927 = arith.constant 0 : index
      %get3A_2928 = tpu.vector_load %arg8[%get3A_2926, %get3A_2927] {strides = array<i32>} : memref<200x16xf32, #tpu.memory_space<vmem>>, vector<1x16xf32>,
      %get3A_2929 = vector.shape_cast %get3A_2928 : vector<1x16xf32> to vector<16xf32>
      %jit3A_2930 = arith.constant 0.000000e+00 : f32
      %broadcast_in_dim3A_2931 = vector.broadcast %jit3A_2930 : f32 to vector<16xf32>
      %select_n3A_2932 = arith.select %gt3A_2924, %get3A_2929, %broadcast_in_dim3A_2931 : vector<16xi1>, vector<16xf32>
      %add3A_2933 = arith.addf %add3A_2918, %select_n3A_2932 : vector<16xf32>
      %get3A_2934 = arith.constant 190 : i32
      %get3A_2935 = arith.index_cast %get3A_2934 : i32 to index
      %get3A_2936 = arith.constant 0 : index
      %get3A_2937 = tpu.vector_load %arg7[%get3A_2935, %get3A_2936] {strides = array<i32>} : memref<200x16xi32, #tpu.memory_space<vmem>>, vector<1x16xi32>,
      %get3A_2938 = vector.shape_cast %get3A_2937 : vector<1x16xi32> to vector<16xi32>
      %gt3A_2939 = arith.cmpi ugt, %get3A_2938, %sub3A_82 : vector<16xi32>
      %get3A_2940 = arith.constant 190 : i32
      %get3A_2941 = arith.index_cast %get3A_2940 : i32 to index
      %get3A_2942 = arith.constant 0 : index
      %get3A_2943 = tpu.vector_load %arg8[%get3A_2941, %get3A_2942] {strides = array<i32>} : memref<200x16xf32, #tpu.memory_space<vmem>>, vector<1x16xf32>,
      %get3A_2944 = vector.shape_cast %get3A_2943 : vector<1x16xf32> to vector<16xf32>
      %jit3A_2945 = arith.constant 0.000000e+00 : f32
      %broadcast_in_dim3A_2946 = vector.broadcast %jit3A_2945 : f32 to vector<16xf32>
      %select_n3A_2947 = arith.select %gt3A_2939, %get3A_2944, %broadcast_in_dim3A_2946 : vector<16xi1>, vector<16xf32>
      %add3A_2948 = arith.addf %add3A_2933, %select_n3A_2947 : vector<16xf32>
      %get3A_2949 = arith.constant 191 : i32
      %get3A_2950 = arith.index_cast %get3A_2949 : i32 to index
      %get3A_2951 = arith.constant 0 : index
      %get3A_2952 = tpu.vector_load %arg7[%get3A_2950, %get3A_2951] {strides = array<i32>} : memref<200x16xi32, #tpu.memory_space<vmem>>, vector<1x16xi32>,
      %get3A_2953 = vector.shape_cast %get3A_2952 : vector<1x16xi32> to vector<16xi32>
      %gt3A_2954 = arith.cmpi ugt, %get3A_2953, %sub3A_82 : vector<16xi32>
      %get3A_2955 = arith.constant 191 : i32
      %get3A_2956 = arith.index_cast %get3A_2955 : i32 to index
      %get3A_2957 = arith.constant 0 : index
      %get3A_2958 = tpu.vector_load %arg8[%get3A_2956, %get3A_2957] {strides = array<i32>} : memref<200x16xf32, #tpu.memory_space<vmem>>, vector<1x16xf32>,
      %get3A_2959 = vector.shape_cast %get3A_2958 : vector<1x16xf32> to vector<16xf32>
      %jit3A_2960 = arith.constant 0.000000e+00 : f32
      %broadcast_in_dim3A_2961 = vector.broadcast %jit3A_2960 : f32 to vector<16xf32>
      %select_n3A_2962 = arith.select %gt3A_2954, %get3A_2959, %broadcast_in_dim3A_2961 : vector<16xi1>, vector<16xf32>
      %add3A_2963 = arith.addf %add3A_2948, %select_n3A_2962 : vector<16xf32>
      %get3A_2964 = arith.constant 192 : i32
      %get3A_2965 = arith.index_cast %get3A_2964 : i32 to index
      %get3A_2966 = arith.constant 0 : index
      %get3A_2967 = tpu.vector_load %arg7[%get3A_2965, %get3A_2966] {strides = array<i32>} : memref<200x16xi32, #tpu.memory_space<vmem>>, vector<1x16xi32>,
      %get3A_2968 = vector.shape_cast %get3A_2967 : vector<1x16xi32> to vector<16xi32>
      %gt3A_2969 = arith.cmpi ugt, %get3A_2968, %sub3A_82 : vector<16xi32>
      %get3A_2970 = arith.constant 192 : i32
      %get3A_2971 = arith.index_cast %get3A_2970 : i32 to index
      %get3A_2972 = arith.constant 0 : index
      %get3A_2973 = tpu.vector_load %arg8[%get3A_2971, %get3A_2972] {strides = array<i32>} : memref<200x16xf32, #tpu.memory_space<vmem>>, vector<1x16xf32>,
      %get3A_2974 = vector.shape_cast %get3A_2973 : vector<1x16xf32> to vector<16xf32>
      %jit3A_2975 = arith.constant 0.000000e+00 : f32
      %broadcast_in_dim3A_2976 = vector.broadcast %jit3A_2975 : f32 to vector<16xf32>
      %select_n3A_2977 = arith.select %gt3A_2969, %get3A_2974, %broadcast_in_dim3A_2976 : vector<16xi1>, vector<16xf32>
      %add3A_2978 = arith.addf %add3A_2963, %select_n3A_2977 : vector<16xf32>
      %get3A_2979 = arith.constant 193 : i32
      %get3A_2980 = arith.index_cast %get3A_2979 : i32 to index
      %get3A_2981 = arith.constant 0 : index
      %get3A_2982 = tpu.vector_load %arg7[%get3A_2980, %get3A_2981] {strides = array<i32>} : memref<200x16xi32, #tpu.memory_space<vmem>>, vector<1x16xi32>,
      %get3A_2983 = vector.shape_cast %get3A_2982 : vector<1x16xi32> to vector<16xi32>
      %gt3A_2984 = arith.cmpi ugt, %get3A_2983, %sub3A_82 : vector<16xi32>
      %get3A_2985 = arith.constant 193 : i32
      %get3A_2986 = arith.index_cast %get3A_2985 : i32 to index
      %get3A_2987 = arith.constant 0 : index
      %get3A_2988 = tpu.vector_load %arg8[%get3A_2986, %get3A_2987] {strides = array<i32>} : memref<200x16xf32, #tpu.memory_space<vmem>>, vector<1x16xf32>,
      %get3A_2989 = vector.shape_cast %get3A_2988 : vector<1x16xf32> to vector<16xf32>
      %jit3A_2990 = arith.constant 0.000000e+00 : f32
      %broadcast_in_dim3A_2991 = vector.broadcast %jit3A_2990 : f32 to vector<16xf32>
      %select_n3A_2992 = arith.select %gt3A_2984, %get3A_2989, %broadcast_in_dim3A_2991 : vector<16xi1>, vector<16xf32>
      %add3A_2993 = arith.addf %add3A_2978, %select_n3A_2992 : vector<16xf32>
      %get3A_2994 = arith.constant 194 : i32
      %get3A_2995 = arith.index_cast %get3A_2994 : i32 to index
      %get3A_2996 = arith.constant 0 : index
      %get3A_2997 = tpu.vector_load %arg7[%get3A_2995, %get3A_2996] {strides = array<i32>} : memref<200x16xi32, #tpu.memory_space<vmem>>, vector<1x16xi32>,
      %get3A_2998 = vector.shape_cast %get3A_2997 : vector<1x16xi32> to vector<16xi32>
      %gt3A_2999 = arith.cmpi ugt, %get3A_2998, %sub3A_82 : vector<16xi32>
      %get3A_3000 = arith.constant 194 : i32
      %get3A_3001 = arith.index_cast %get3A_3000 : i32 to index
      %get3A_3002 = arith.constant 0 : index
      %get3A_3003 = tpu.vector_load %arg8[%get3A_3001, %get3A_3002] {strides = array<i32>} : memref<200x16xf32, #tpu.memory_space<vmem>>, vector<1x16xf32>,
      %get3A_3004 = vector.shape_cast %get3A_3003 : vector<1x16xf32> to vector<16xf32>
      %jit3A_3005 = arith.constant 0.000000e+00 : f32
      %broadcast_in_dim3A_3006 = vector.broadcast %jit3A_3005 : f32 to vector<16xf32>
      %select_n3A_3007 = arith.select %gt3A_2999, %get3A_3004, %broadcast_in_dim3A_3006 : vector<16xi1>, vector<16xf32>
      %add3A_3008 = arith.addf %add3A_2993, %select_n3A_3007 : vector<16xf32>
      %get3A_3009 = arith.constant 195 : i32
      %get3A_3010 = arith.index_cast %get3A_3009 : i32 to index
      %get3A_3011 = arith.constant 0 : index
      %get3A_3012 = tpu.vector_load %arg7[%get3A_3010, %get3A_3011] {strides = array<i32>} : memref<200x16xi32, #tpu.memory_space<vmem>>, vector<1x16xi32>,
      %get3A_3013 = vector.shape_cast %get3A_3012 : vector<1x16xi32> to vector<16xi32>
      %gt3A_3014 = arith.cmpi ugt, %get3A_3013, %sub3A_82 : vector<16xi32>
      %get3A_3015 = arith.constant 195 : i32
      %get3A_3016 = arith.index_cast %get3A_3015 : i32 to index
      %get3A_3017 = arith.constant 0 : index
      %get3A_3018 = tpu.vector_load %arg8[%get3A_3016, %get3A_3017] {strides = array<i32>} : memref<200x16xf32, #tpu.memory_space<vmem>>, vector<1x16xf32>,
      %get3A_3019 = vector.shape_cast %get3A_3018 : vector<1x16xf32> to vector<16xf32>
      %jit3A_3020 = arith.constant 0.000000e+00 : f32
      %broadcast_in_dim3A_3021 = vector.broadcast %jit3A_3020 : f32 to vector<16xf32>
      %select_n3A_3022 = arith.select %gt3A_3014, %get3A_3019, %broadcast_in_dim3A_3021 : vector<16xi1>, vector<16xf32>
      %add3A_3023 = arith.addf %add3A_3008, %select_n3A_3022 : vector<16xf32>
      %get3A_3024 = arith.constant 196 : i32
      %get3A_3025 = arith.index_cast %get3A_3024 : i32 to index
      %get3A_3026 = arith.constant 0 : index
      %get3A_3027 = tpu.vector_load %arg7[%get3A_3025, %get3A_3026] {strides = array<i32>} : memref<200x16xi32, #tpu.memory_space<vmem>>, vector<1x16xi32>,
      %get3A_3028 = vector.shape_cast %get3A_3027 : vector<1x16xi32> to vector<16xi32>
      %gt3A_3029 = arith.cmpi ugt, %get3A_3028, %sub3A_82 : vector<16xi32>
      %get3A_3030 = arith.constant 196 : i32
      %get3A_3031 = arith.index_cast %get3A_3030 : i32 to index
      %get3A_3032 = arith.constant 0 : index
      %get3A_3033 = tpu.vector_load %arg8[%get3A_3031, %get3A_3032] {strides = array<i32>} : memref<200x16xf32, #tpu.memory_space<vmem>>, vector<1x16xf32>,
      %get3A_3034 = vector.shape_cast %get3A_3033 : vector<1x16xf32> to vector<16xf32>
      %jit3A_3035 = arith.constant 0.000000e+00 : f32
      %broadcast_in_dim3A_3036 = vector.broadcast %jit3A_3035 : f32 to vector<16xf32>
      %select_n3A_3037 = arith.select %gt3A_3029, %get3A_3034, %broadcast_in_dim3A_3036 : vector<16xi1>, vector<16xf32>
      %add3A_3038 = arith.addf %add3A_3023, %select_n3A_3037 : vector<16xf32>
      %get3A_3039 = arith.constant 197 : i32
      %get3A_3040 = arith.index_cast %get3A_3039 : i32 to index
      %get3A_3041 = arith.constant 0 : index
      %get3A_3042 = tpu.vector_load %arg7[%get3A_3040, %get3A_3041] {strides = array<i32>} : memref<200x16xi32, #tpu.memory_space<vmem>>, vector<1x16xi32>,
      %get3A_3043 = vector.shape_cast %get3A_3042 : vector<1x16xi32> to vector<16xi32>
      %gt3A_3044 = arith.cmpi ugt, %get3A_3043, %sub3A_82 : vector<16xi32>
      %get3A_3045 = arith.constant 197 : i32
      %get3A_3046 = arith.index_cast %get3A_3045 : i32 to index
      %get3A_3047 = arith.constant 0 : index
      %get3A_3048 = tpu.vector_load %arg8[%get3A_3046, %get3A_3047] {strides = array<i32>} : memref<200x16xf32, #tpu.memory_space<vmem>>, vector<1x16xf32>,
      %get3A_3049 = vector.shape_cast %get3A_3048 : vector<1x16xf32> to vector<16xf32>
      %jit3A_3050 = arith.constant 0.000000e+00 : f32
      %broadcast_in_dim3A_3051 = vector.broadcast %jit3A_3050 : f32 to vector<16xf32>
      %select_n3A_3052 = arith.select %gt3A_3044, %get3A_3049, %broadcast_in_dim3A_3051 : vector<16xi1>, vector<16xf32>
      %add3A_3053 = arith.addf %add3A_3038, %select_n3A_3052 : vector<16xf32>
      %get3A_3054 = arith.constant 198 : i32
      %get3A_3055 = arith.index_cast %get3A_3054 : i32 to index
      %get3A_3056 = arith.constant 0 : index
      %get3A_3057 = tpu.vector_load %arg7[%get3A_3055, %get3A_3056] {strides = array<i32>} : memref<200x16xi32, #tpu.memory_space<vmem>>, vector<1x16xi32>,
      %get3A_3058 = vector.shape_cast %get3A_3057 : vector<1x16xi32> to vector<16xi32>
      %gt3A_3059 = arith.cmpi ugt, %get3A_3058, %sub3A_82 : vector<16xi32>
      %get3A_3060 = arith.constant 198 : i32
      %get3A_3061 = arith.index_cast %get3A_3060 : i32 to index
      %get3A_3062 = arith.constant 0 : index
      %get3A_3063 = tpu.vector_load %arg8[%get3A_3061, %get3A_3062] {strides = array<i32>} : memref<200x16xf32, #tpu.memory_space<vmem>>, vector<1x16xf32>,
      %get3A_3064 = vector.shape_cast %get3A_3063 : vector<1x16xf32> to vector<16xf32>
      %jit3A_3065 = arith.constant 0.000000e+00 : f32
      %broadcast_in_dim3A_3066 = vector.broadcast %jit3A_3065 : f32 to vector<16xf32>
      %select_n3A_3067 = arith.select %gt3A_3059, %get3A_3064, %broadcast_in_dim3A_3066 : vector<16xi1>, vector<16xf32>
      %add3A_3068 = arith.addf %add3A_3053, %select_n3A_3067 : vector<16xf32>
      %get3A_3069 = arith.constant 199 : i32
      %get3A_3070 = arith.index_cast %get3A_3069 : i32 to index
      %get3A_3071 = arith.constant 0 : index
      %get3A_3072 = tpu.vector_load %arg7[%get3A_3070, %get3A_3071] {strides = array<i32>} : memref<200x16xi32, #tpu.memory_space<vmem>>, vector<1x16xi32>,
      %get3A_3073 = vector.shape_cast %get3A_3072 : vector<1x16xi32> to vector<16xi32>
      %gt3A_3074 = arith.cmpi ugt, %get3A_3073, %sub3A_82 : vector<16xi32>
      %get3A_3075 = arith.constant 199 : i32
      %get3A_3076 = arith.index_cast %get3A_3075 : i32 to index
      %get3A_3077 = arith.constant 0 : index
      %get3A_3078 = tpu.vector_load %arg8[%get3A_3076, %get3A_3077] {strides = array<i32>} : memref<200x16xf32, #tpu.memory_space<vmem>>, vector<1x16xf32>,
      %get3A_3079 = vector.shape_cast %get3A_3078 : vector<1x16xf32> to vector<16xf32>
      %jit3A_3080 = arith.constant 0.000000e+00 : f32
      %broadcast_in_dim3A_3081 = vector.broadcast %jit3A_3080 : f32 to vector<16xf32>
      %select_n3A_3082 = arith.select %gt3A_3074, %get3A_3079, %broadcast_in_dim3A_3081 : vector<16xi1>, vector<16xf32>
      %add3A_3083 = arith.addf %add3A_3068, %select_n3A_3082 : vector<16xf32>
      %bitcast_convert_type3A = tpu.bitcast %add3A_3083 : vector<16xf32> -> vector<16xi32>
      %convert_element_type3A = arith.sitofp %bitcast_convert_type3A : vector<16xi32> to vector<16xf32>
      %sub3A_3084 = arith.constant 1.06486682E+9 : f32
      %sub3A_3085 = vector.broadcast %sub3A_3084 : f32 to vector<16xf32>
      %sub3A_3086 = arith.subf %convert_element_type3A, %sub3A_3085 : vector<16xf32>
      %mul3A_3087 = arith.constant 8.26295832E-8 : f32
      %mul3A_3088 = vector.broadcast %mul3A_3087 : f32 to vector<16xf32>
      %mul3A_3089 = arith.mulf %sub3A_3086, %mul3A_3088 : vector<16xf32>
      %neg3A_3090 = arith.constant 0.000000e+00 : f32
      %neg3A_3091 = vector.broadcast %neg3A_3090 : f32 to vector<16xf32>
      %neg3A_3092 = arith.subf %neg3A_3091, %mul3A_3089 : vector<16xf32>
      %exp3A = math.exp %neg3A_3092 : vector<16xf32>
      %mul3A_3093 = arith.mulf %add3A_3083, %exp3A : vector<16xf32>
      %add3A_3094 = arith.addf %mul3A_3089, %mul3A_3093 : vector<16xf32>
      %sub3A_3095 = arith.constant 1.000000e+00 : f32
      %sub3A_3096 = vector.broadcast %sub3A_3095 : f32 to vector<16xf32>
      %sub3A_3097 = arith.subf %add3A_3094, %sub3A_3096 : vector<16xf32>
      %neg3A_3098 = arith.constant 0.000000e+00 : f32
      %neg3A_3099 = vector.broadcast %neg3A_3098 : f32 to vector<16xf32>
      %neg3A_3100 = arith.subf %neg3A_3099, %sub3A_3097 : vector<16xf32>
      %exp3A_3101 = math.exp %neg3A_3100 : vector<16xf32>
      %mul3A_3102 = arith.mulf %add3A_3083, %exp3A_3101 : vector<16xf32>
      %add3A_3103 = arith.addf %sub3A_3097, %mul3A_3102 : vector<16xf32>
      %sub3A_3104 = arith.constant 1.000000e+00 : f32
      %sub3A_3105 = vector.broadcast %sub3A_3104 : f32 to vector<16xf32>
      %sub3A_3106 = arith.subf %add3A_3103, %sub3A_3105 : vector<16xf32>
      %neg3A_3107 = arith.constant 0.000000e+00 : f32
      %neg3A_3108 = vector.broadcast %neg3A_3107 : f32 to vector<16xf32>
      %neg3A_3109 = arith.subf %neg3A_3108, %sub3A_3106 : vector<16xf32>
      %exp3A_3110 = math.exp %neg3A_3109 : vector<16xf32>
      %mul3A_3111 = arith.mulf %add3A_3083, %exp3A_3110 : vector<16xf32>
      %add3A_3112 = arith.addf %sub3A_3106, %mul3A_3111 : vector<16xf32>
      %sub3A_3113 = arith.constant 1.000000e+00 : f32
      %sub3A_3114 = vector.broadcast %sub3A_3113 : f32 to vector<16xf32>
      %sub3A_3115 = arith.subf %add3A_3112, %sub3A_3114 : vector<16xf32>
      %add3A_3116 = arith.addf %scan3A_68, %sub3A_3115 : vector<16xf32>
      scf.yield %add3A_3116 : vector<16xf32>
    }
    %scan3A_54 = arith.constant 200 : i32
    %neg3A = arith.constant 0.000000e+00 : f32
    %neg3A_55 = vector.broadcast %neg3A : f32 to vector<16xf32>
    %neg3A_56 = arith.subf %neg3A_55, %scan3A_39#1 : vector<16xf32>
    %add3A_57 = arith.addf %neg3A_56, %scan3A_53 : vector<16xf32>
    %mul3A_58 = arith.constant 2.000000e+02 : f32
    %mul3A_59 = vector.broadcast %mul3A_58 : f32 to vector<16xf32>
    %mul3A_60 = arith.mulf %mul3A_59, %scan3A_39#0 : vector<16xf32>
    %add3A_61 = arith.addf %add3A_57, %mul3A_60 : vector<16xf32>
    %swap3A = arith.constant 0 : i32
    %swap3A_62 = arith.index_cast %swap3A : i32 to index
    %swap3A_63 = arith.constant 0 : index
    %swap3A_64 = tpu.vector_load %arg9[%swap3A_62, %swap3A_63] {strides = array<i32>} : memref<1x16xf32, #tpu.memory_space<vmem>>, vector<1x16xf32>,
    %swap3A_65 = vector.shape_cast %swap3A_64 : vector<1x16xf32> to vector<16xf32>
    %swap3A_66 = vector.shape_cast %add3A_61 : vector<16xf32> to vector<1x16xf32>
    tpu.vector_store %arg9[%swap3A_62, %swap3A_63], %swap3A_66 {strides = array<i32>} : memref<1x16xf32, #tpu.memory_space<vmem>>, vector<1x16xf32>,
    "tpu.region"() ({
      %run_scoped3A = tpu.sem_alloc : memref<!tpu.dma_semaphore, #tpu.memory_space<semaphore_mem>>
      %dma_start3A = arith.constant 0 : i32
      %dma_start3A_67 = tpu.memref_slice %arg4[%add3A, %dma_start3A] : memref<32x16xf32, #tpu.memory_space<hbm>> -> memref<1x16xf32, #tpu.memory_space<hbm>>
      %dma_start3A_68 = arith.constant 0 : i32
      %dma_start3A_69 = tpu.memref_slice %arg4[%add3A, %dma_start3A_68] : memref<32x16xf32, #tpu.memory_space<hbm>> -> memref<1x16xf32, #tpu.memory_space<hbm>>
      tpu.enqueue_dma source(%arg9 : memref<1x16xf32, #tpu.memory_space<vmem>>) target(%dma_start3A_69 : memref<1x16xf32, #tpu.memory_space<hbm>>) target_semaphore(%run_scoped3A : memref<!tpu.dma_semaphore, #tpu.memory_space<semaphore_mem>>)
      %dma_wait3A = arith.constant 0 : i32
      %dma_wait3A_70 = tpu.memref_slice %arg4[%add3A, %dma_wait3A] : memref<32x16xf32, #tpu.memory_space<hbm>> -> memref<1x16xf32, #tpu.memory_space<hbm>>
      %dma_wait3A_71 = arith.constant 0 : i32
      %dma_wait3A_72 = tpu.memref_slice %arg4[%add3A, %dma_wait3A_71] : memref<32x16xf32, #tpu.memory_space<hbm>> -> memref<1x16xf32, #tpu.memory_space<hbm>>
      tpu.wait_dma2 semaphore(%run_scoped3A : memref<!tpu.dma_semaphore, #tpu.memory_space<semaphore_mem>>) src(%arg9 : memref<1x16xf32, #tpu.memory_space<vmem>>) dst(%dma_wait3A_72 : memref<1x16xf32, #tpu.memory_space<hbm>>)
      tpu.yield
    }) : () -> ()
    return
  }
}

module attributes {stable_mosaic.version = 14 : i64} {
  func.func @_body(%arg0: i32, %arg1: memref<200x256xf32, #tpu.memory_space<vmem>>, %arg2: memref<200x256xf32, #tpu.memory_space<vmem>>, %arg3: memref<1x1xf32, #tpu.memory_space<vmem>>, %arg4: memref<200x256xi32, #tpu.memory_space<vmem>>, %arg5: memref<200x256xf32, #tpu.memory_space<vmem>>, %arg6: memref<200x256xf32, #tpu.memory_space<vmem>>) attributes {dimension_semantics = [#tpu.dimension_semantics<arbitrary>], iteration_bounds = array<i64: 14>, scalar_prefetch = 0 : i64, scratch_operands = 3 : i64, tpu.core_type = #tpu.core_type<tc>, window_params = [{transform_indices = @transform_0, window_bounds = array<i64: 200, 256>}, {transform_indices = @transform_1, window_bounds = array<i64: 200, 256>}, {pipeline_mode = #tpu.pipeline_mode<synchronous>, transform_indices = @transform_2, window_bounds = array<i64: 1, 1>}]} {
    %get3A = arith.constant 0 : index
    %get3A_0 = arith.constant 0 : index
    %get3A_1 = vector.load %arg1[%get3A, %get3A_0] : memref<200x256xf32, #tpu.memory_space<vmem>>, vector<200x256xf32>
    %get3A_2 = arith.constant 0 : index
    %get3A_3 = arith.constant 0 : index
    %get3A_4 = vector.load %arg2[%get3A_2, %get3A_3] : memref<200x256xf32, #tpu.memory_space<vmem>>, vector<200x256xf32>
    %reduce_max3A = arith.constant dense<0xFF800000> : vector<256xf32>
    %reduce_max3A_5 = vector.multi_reduction <maximumf>, %get3A_1, %reduce_max3A [0] : vector<200x256xf32> to vector<256xf32>
    %broadcast_in_dim3A = vector.shape_cast %reduce_max3A_5 : vector<256xf32> to vector<1x256xf32>
    %sub3A = vector.broadcast %broadcast_in_dim3A : vector<1x256xf32> to vector<200x256xf32>
    %sub3A_6 = arith.subf %get3A_1, %sub3A : vector<200x256xf32>
    %exp3A = math.exp %sub3A_6 : vector<200x256xf32>
    %swap3A = arith.constant 0 : index
    %swap3A_7 = arith.constant 0 : index
    %swap3A_8 = vector.load %arg5[%swap3A, %swap3A_7] : memref<200x256xf32, #tpu.memory_space<vmem>>, vector<200x256xf32>
    tpu.vector_store %arg5[%swap3A, %swap3A_7], %exp3A {strides = array<i32>} : memref<200x256xf32, #tpu.memory_space<vmem>>, vector<200x256xf32>,
    %reduce_sum3A = arith.constant dense<0.000000e+00> : vector<256xf32>
    %reduce_sum3A_9 = vector.multi_reduction <add>, %get3A_1, %reduce_sum3A [0] : vector<200x256xf32> to vector<256xf32>
    %broadcast_in_dim3A_10 = vector.shape_cast %reduce_sum3A_9 : vector<256xf32> to vector<1x256xf32>
    %bitcast_convert_type3A = tpu.bitcast %get3A_4 : vector<200x256xf32> -> vector<200x256xi32>
    %shift_right_arithmetic3A = arith.constant 31 : i32
    %shift_right_arithmetic3A_11 = vector.broadcast %shift_right_arithmetic3A : i32 to vector<200x256xi32>
    %shift_right_arithmetic3A_12 = arith.shrsi %bitcast_convert_type3A, %shift_right_arithmetic3A_11 : vector<200x256xi32>
    %or3A = arith.constant -2147483648 : i32
    %or3A_13 = vector.broadcast %or3A : i32 to vector<200x256xi32>
    %or3A_14 = arith.ori %shift_right_arithmetic3A_12, %or3A_13 : vector<200x256xi32>
    %xor3A = arith.xori %bitcast_convert_type3A, %or3A_14 : vector<200x256xi32>
    %bitcast_convert_type3A_15 = tpu.bitcast %xor3A : vector<200x256xi32> -> vector<200x256xi32>
    %swap3A_16 = arith.constant 0 : index
    %swap3A_17 = arith.constant 0 : index
    %swap3A_18 = vector.load %arg4[%swap3A_16, %swap3A_17] : memref<200x256xi32, #tpu.memory_space<vmem>>, vector<200x256xi32>
    tpu.vector_store %arg4[%swap3A_16, %swap3A_17], %bitcast_convert_type3A_15 {strides = array<i32>} : memref<200x256xi32, #tpu.memory_space<vmem>>, vector<200x256xi32>,
    %iota3A = tpu.iota {dimensions = array<i32: 0>} : vector<8x256xi32>
    %scan3A = arith.constant 0 : i32
    %scan3A_19 = arith.constant 25 : i32
    %scan3A_20 = arith.addi %scan3A, %scan3A_19 : i32
    %scan3A_21 = arith.constant 1 : i32
    scf.for %scan3A_51 = %scan3A to %scan3A_20 step %scan3A_21  : i32 {
      %mul3A_52 = arith.constant 8 : i32
      %mul3A_53 = arith.muli %scan3A_51, %mul3A_52 : i32
      %get3A_54 = arith.index_cast %mul3A_53 : i32 to index
      %get3A_55 = arith.constant 0 : index
      %get3A_56 = vector.load %arg4[%get3A_54, %get3A_55] : memref<200x256xi32, #tpu.memory_space<vmem>>, vector<8x256xi32>
      %get3A_57 = arith.index_cast %mul3A_53 : i32 to index
      %get3A_58 = arith.constant 0 : index
      %get3A_59 = vector.load %arg5[%get3A_57, %get3A_58] : memref<200x256xf32, #tpu.memory_space<vmem>>, vector<8x256xf32>
      %slice3A = vector.extract_strided_slice %get3A_56 {offsets = [0, 0], sizes = [1, 256], strides = [1, 1]} : vector<8x256xi32> to vector<1x256xi32>
      %broadcast_in_dim3A_60 = vector.shape_cast %slice3A : vector<1x256xi32> to vector<1x256xi32>
      %broadcast_in_dim3A_61 = vector.broadcast %broadcast_in_dim3A_60 : vector<1x256xi32> to vector<8x256xi32>
      %slice3A_62 = vector.extract_strided_slice %get3A_56 {offsets = [1, 0], sizes = [1, 256], strides = [1, 1]} : vector<8x256xi32> to vector<1x256xi32>
      %broadcast_in_dim3A_63 = vector.shape_cast %slice3A_62 : vector<1x256xi32> to vector<1x256xi32>
      %broadcast_in_dim3A_64 = vector.broadcast %broadcast_in_dim3A_63 : vector<1x256xi32> to vector<8x256xi32>
      %slice3A_65 = vector.extract_strided_slice %get3A_56 {offsets = [2, 0], sizes = [1, 256], strides = [1, 1]} : vector<8x256xi32> to vector<1x256xi32>
      %broadcast_in_dim3A_66 = vector.shape_cast %slice3A_65 : vector<1x256xi32> to vector<1x256xi32>
      %broadcast_in_dim3A_67 = vector.broadcast %broadcast_in_dim3A_66 : vector<1x256xi32> to vector<8x256xi32>
      %slice3A_68 = vector.extract_strided_slice %get3A_56 {offsets = [3, 0], sizes = [1, 256], strides = [1, 1]} : vector<8x256xi32> to vector<1x256xi32>
      %broadcast_in_dim3A_69 = vector.shape_cast %slice3A_68 : vector<1x256xi32> to vector<1x256xi32>
      %broadcast_in_dim3A_70 = vector.broadcast %broadcast_in_dim3A_69 : vector<1x256xi32> to vector<8x256xi32>
      %slice3A_71 = vector.extract_strided_slice %get3A_56 {offsets = [4, 0], sizes = [1, 256], strides = [1, 1]} : vector<8x256xi32> to vector<1x256xi32>
      %broadcast_in_dim3A_72 = vector.shape_cast %slice3A_71 : vector<1x256xi32> to vector<1x256xi32>
      %broadcast_in_dim3A_73 = vector.broadcast %broadcast_in_dim3A_72 : vector<1x256xi32> to vector<8x256xi32>
      %slice3A_74 = vector.extract_strided_slice %get3A_56 {offsets = [5, 0], sizes = [1, 256], strides = [1, 1]} : vector<8x256xi32> to vector<1x256xi32>
      %broadcast_in_dim3A_75 = vector.shape_cast %slice3A_74 : vector<1x256xi32> to vector<1x256xi32>
      %broadcast_in_dim3A_76 = vector.broadcast %broadcast_in_dim3A_75 : vector<1x256xi32> to vector<8x256xi32>
      %slice3A_77 = vector.extract_strided_slice %get3A_56 {offsets = [6, 0], sizes = [1, 256], strides = [1, 1]} : vector<8x256xi32> to vector<1x256xi32>
      %broadcast_in_dim3A_78 = vector.shape_cast %slice3A_77 : vector<1x256xi32> to vector<1x256xi32>
      %broadcast_in_dim3A_79 = vector.broadcast %broadcast_in_dim3A_78 : vector<1x256xi32> to vector<8x256xi32>
      %slice3A_80 = vector.extract_strided_slice %get3A_56 {offsets = [7, 0], sizes = [1, 256], strides = [1, 1]} : vector<8x256xi32> to vector<1x256xi32>
      %broadcast_in_dim3A_81 = vector.shape_cast %slice3A_80 : vector<1x256xi32> to vector<1x256xi32>
      %broadcast_in_dim3A_82 = vector.broadcast %broadcast_in_dim3A_81 : vector<1x256xi32> to vector<8x256xi32>
      %broadcast_in_dim3A_83 = arith.constant 0.000000e+00 : f32
      %broadcast_in_dim3A_84 = vector.broadcast %broadcast_in_dim3A_83 : f32 to vector<8x256xf32>
      %broadcast_in_dim3A_85 = arith.constant 0.000000e+00 : f32
      %broadcast_in_dim3A_86 = vector.broadcast %broadcast_in_dim3A_85 : f32 to vector<8x256xf32>
      %broadcast_in_dim3A_87 = arith.constant 0.000000e+00 : f32
      %broadcast_in_dim3A_88 = vector.broadcast %broadcast_in_dim3A_87 : f32 to vector<8x256xf32>
      %broadcast_in_dim3A_89 = arith.constant 0.000000e+00 : f32
      %broadcast_in_dim3A_90 = vector.broadcast %broadcast_in_dim3A_89 : f32 to vector<8x256xf32>
      %broadcast_in_dim3A_91 = arith.constant 0.000000e+00 : f32
      %broadcast_in_dim3A_92 = vector.broadcast %broadcast_in_dim3A_91 : f32 to vector<8x256xf32>
      %broadcast_in_dim3A_93 = arith.constant 0.000000e+00 : f32
      %broadcast_in_dim3A_94 = vector.broadcast %broadcast_in_dim3A_93 : f32 to vector<8x256xf32>
      %broadcast_in_dim3A_95 = arith.constant 0.000000e+00 : f32
      %broadcast_in_dim3A_96 = vector.broadcast %broadcast_in_dim3A_95 : f32 to vector<8x256xf32>
      %broadcast_in_dim3A_97 = arith.constant 0.000000e+00 : f32
      %broadcast_in_dim3A_98 = vector.broadcast %broadcast_in_dim3A_97 : f32 to vector<8x256xf32>
      %get3A_99 = arith.constant 0 : index
      %get3A_100 = arith.constant 0 : index
      %get3A_101 = vector.load %arg4[%get3A_99, %get3A_100] : memref<200x256xi32, #tpu.memory_space<vmem>>, vector<8x256xi32>
      %get3A_102 = arith.constant 0 : index
      %get3A_103 = arith.constant 0 : index
      %get3A_104 = vector.load %arg5[%get3A_102, %get3A_103] : memref<200x256xf32, #tpu.memory_space<vmem>>, vector<8x256xf32>
      %gt3A = arith.cmpi ugt, %get3A_101, %broadcast_in_dim3A_61 : vector<8x256xi32>
      %jit3A = arith.constant 0.000000e+00 : f32
      %broadcast_in_dim3A_105 = vector.broadcast %jit3A : f32 to vector<8x256xf32>
      %select_n3A = arith.select %gt3A, %get3A_104, %broadcast_in_dim3A_105 : vector<8x256xi1>, vector<8x256xf32>
      %add3A_106 = arith.addf %broadcast_in_dim3A_84, %select_n3A : vector<8x256xf32>
      %gt3A_107 = arith.cmpi ugt, %get3A_101, %broadcast_in_dim3A_64 : vector<8x256xi32>
      %jit3A_108 = arith.constant 0.000000e+00 : f32
      %broadcast_in_dim3A_109 = vector.broadcast %jit3A_108 : f32 to vector<8x256xf32>
      %select_n3A_110 = arith.select %gt3A_107, %get3A_104, %broadcast_in_dim3A_109 : vector<8x256xi1>, vector<8x256xf32>
      %add3A_111 = arith.addf %broadcast_in_dim3A_86, %select_n3A_110 : vector<8x256xf32>
      %gt3A_112 = arith.cmpi ugt, %get3A_101, %broadcast_in_dim3A_67 : vector<8x256xi32>
      %jit3A_113 = arith.constant 0.000000e+00 : f32
      %broadcast_in_dim3A_114 = vector.broadcast %jit3A_113 : f32 to vector<8x256xf32>
      %select_n3A_115 = arith.select %gt3A_112, %get3A_104, %broadcast_in_dim3A_114 : vector<8x256xi1>, vector<8x256xf32>
      %add3A_116 = arith.addf %broadcast_in_dim3A_88, %select_n3A_115 : vector<8x256xf32>
      %gt3A_117 = arith.cmpi ugt, %get3A_101, %broadcast_in_dim3A_70 : vector<8x256xi32>
      %jit3A_118 = arith.constant 0.000000e+00 : f32
      %broadcast_in_dim3A_119 = vector.broadcast %jit3A_118 : f32 to vector<8x256xf32>
      %select_n3A_120 = arith.select %gt3A_117, %get3A_104, %broadcast_in_dim3A_119 : vector<8x256xi1>, vector<8x256xf32>
      %add3A_121 = arith.addf %broadcast_in_dim3A_90, %select_n3A_120 : vector<8x256xf32>
      %gt3A_122 = arith.cmpi ugt, %get3A_101, %broadcast_in_dim3A_73 : vector<8x256xi32>
      %jit3A_123 = arith.constant 0.000000e+00 : f32
      %broadcast_in_dim3A_124 = vector.broadcast %jit3A_123 : f32 to vector<8x256xf32>
      %select_n3A_125 = arith.select %gt3A_122, %get3A_104, %broadcast_in_dim3A_124 : vector<8x256xi1>, vector<8x256xf32>
      %add3A_126 = arith.addf %broadcast_in_dim3A_92, %select_n3A_125 : vector<8x256xf32>
      %gt3A_127 = arith.cmpi ugt, %get3A_101, %broadcast_in_dim3A_76 : vector<8x256xi32>
      %jit3A_128 = arith.constant 0.000000e+00 : f32
      %broadcast_in_dim3A_129 = vector.broadcast %jit3A_128 : f32 to vector<8x256xf32>
      %select_n3A_130 = arith.select %gt3A_127, %get3A_104, %broadcast_in_dim3A_129 : vector<8x256xi1>, vector<8x256xf32>
      %add3A_131 = arith.addf %broadcast_in_dim3A_94, %select_n3A_130 : vector<8x256xf32>
      %gt3A_132 = arith.cmpi ugt, %get3A_101, %broadcast_in_dim3A_79 : vector<8x256xi32>
      %jit3A_133 = arith.constant 0.000000e+00 : f32
      %broadcast_in_dim3A_134 = vector.broadcast %jit3A_133 : f32 to vector<8x256xf32>
      %select_n3A_135 = arith.select %gt3A_132, %get3A_104, %broadcast_in_dim3A_134 : vector<8x256xi1>, vector<8x256xf32>
      %add3A_136 = arith.addf %broadcast_in_dim3A_96, %select_n3A_135 : vector<8x256xf32>
      %gt3A_137 = arith.cmpi ugt, %get3A_101, %broadcast_in_dim3A_82 : vector<8x256xi32>
      %jit3A_138 = arith.constant 0.000000e+00 : f32
      %broadcast_in_dim3A_139 = vector.broadcast %jit3A_138 : f32 to vector<8x256xf32>
      %select_n3A_140 = arith.select %gt3A_137, %get3A_104, %broadcast_in_dim3A_139 : vector<8x256xi1>, vector<8x256xf32>
      %add3A_141 = arith.addf %broadcast_in_dim3A_98, %select_n3A_140 : vector<8x256xf32>
      %get3A_142 = arith.constant 8 : index
      %get3A_143 = arith.constant 0 : index
      %get3A_144 = vector.load %arg4[%get3A_142, %get3A_143] : memref<200x256xi32, #tpu.memory_space<vmem>>, vector<8x256xi32>
      %get3A_145 = arith.constant 8 : index
      %get3A_146 = arith.constant 0 : index
      %get3A_147 = vector.load %arg5[%get3A_145, %get3A_146] : memref<200x256xf32, #tpu.memory_space<vmem>>, vector<8x256xf32>
      %gt3A_148 = arith.cmpi ugt, %get3A_144, %broadcast_in_dim3A_61 : vector<8x256xi32>
      %jit3A_149 = arith.constant 0.000000e+00 : f32
      %broadcast_in_dim3A_150 = vector.broadcast %jit3A_149 : f32 to vector<8x256xf32>
      %select_n3A_151 = arith.select %gt3A_148, %get3A_147, %broadcast_in_dim3A_150 : vector<8x256xi1>, vector<8x256xf32>
      %add3A_152 = arith.addf %add3A_106, %select_n3A_151 : vector<8x256xf32>
      %gt3A_153 = arith.cmpi ugt, %get3A_144, %broadcast_in_dim3A_64 : vector<8x256xi32>
      %jit3A_154 = arith.constant 0.000000e+00 : f32
      %broadcast_in_dim3A_155 = vector.broadcast %jit3A_154 : f32 to vector<8x256xf32>
      %select_n3A_156 = arith.select %gt3A_153, %get3A_147, %broadcast_in_dim3A_155 : vector<8x256xi1>, vector<8x256xf32>
      %add3A_157 = arith.addf %add3A_111, %select_n3A_156 : vector<8x256xf32>
      %gt3A_158 = arith.cmpi ugt, %get3A_144, %broadcast_in_dim3A_67 : vector<8x256xi32>
      %jit3A_159 = arith.constant 0.000000e+00 : f32
      %broadcast_in_dim3A_160 = vector.broadcast %jit3A_159 : f32 to vector<8x256xf32>
      %select_n3A_161 = arith.select %gt3A_158, %get3A_147, %broadcast_in_dim3A_160 : vector<8x256xi1>, vector<8x256xf32>
      %add3A_162 = arith.addf %add3A_116, %select_n3A_161 : vector<8x256xf32>
      %gt3A_163 = arith.cmpi ugt, %get3A_144, %broadcast_in_dim3A_70 : vector<8x256xi32>
      %jit3A_164 = arith.constant 0.000000e+00 : f32
      %broadcast_in_dim3A_165 = vector.broadcast %jit3A_164 : f32 to vector<8x256xf32>
      %select_n3A_166 = arith.select %gt3A_163, %get3A_147, %broadcast_in_dim3A_165 : vector<8x256xi1>, vector<8x256xf32>
      %add3A_167 = arith.addf %add3A_121, %select_n3A_166 : vector<8x256xf32>
      %gt3A_168 = arith.cmpi ugt, %get3A_144, %broadcast_in_dim3A_73 : vector<8x256xi32>
      %jit3A_169 = arith.constant 0.000000e+00 : f32
      %broadcast_in_dim3A_170 = vector.broadcast %jit3A_169 : f32 to vector<8x256xf32>
      %select_n3A_171 = arith.select %gt3A_168, %get3A_147, %broadcast_in_dim3A_170 : vector<8x256xi1>, vector<8x256xf32>
      %add3A_172 = arith.addf %add3A_126, %select_n3A_171 : vector<8x256xf32>
      %gt3A_173 = arith.cmpi ugt, %get3A_144, %broadcast_in_dim3A_76 : vector<8x256xi32>
      %jit3A_174 = arith.constant 0.000000e+00 : f32
      %broadcast_in_dim3A_175 = vector.broadcast %jit3A_174 : f32 to vector<8x256xf32>
      %select_n3A_176 = arith.select %gt3A_173, %get3A_147, %broadcast_in_dim3A_175 : vector<8x256xi1>, vector<8x256xf32>
      %add3A_177 = arith.addf %add3A_131, %select_n3A_176 : vector<8x256xf32>
      %gt3A_178 = arith.cmpi ugt, %get3A_144, %broadcast_in_dim3A_79 : vector<8x256xi32>
      %jit3A_179 = arith.constant 0.000000e+00 : f32
      %broadcast_in_dim3A_180 = vector.broadcast %jit3A_179 : f32 to vector<8x256xf32>
      %select_n3A_181 = arith.select %gt3A_178, %get3A_147, %broadcast_in_dim3A_180 : vector<8x256xi1>, vector<8x256xf32>
      %add3A_182 = arith.addf %add3A_136, %select_n3A_181 : vector<8x256xf32>
      %gt3A_183 = arith.cmpi ugt, %get3A_144, %broadcast_in_dim3A_82 : vector<8x256xi32>
      %jit3A_184 = arith.constant 0.000000e+00 : f32
      %broadcast_in_dim3A_185 = vector.broadcast %jit3A_184 : f32 to vector<8x256xf32>
      %select_n3A_186 = arith.select %gt3A_183, %get3A_147, %broadcast_in_dim3A_185 : vector<8x256xi1>, vector<8x256xf32>
      %add3A_187 = arith.addf %add3A_141, %select_n3A_186 : vector<8x256xf32>
      %get3A_188 = arith.constant 16 : index
      %get3A_189 = arith.constant 0 : index
      %get3A_190 = vector.load %arg4[%get3A_188, %get3A_189] : memref<200x256xi32, #tpu.memory_space<vmem>>, vector<8x256xi32>
      %get3A_191 = arith.constant 16 : index
      %get3A_192 = arith.constant 0 : index
      %get3A_193 = vector.load %arg5[%get3A_191, %get3A_192] : memref<200x256xf32, #tpu.memory_space<vmem>>, vector<8x256xf32>
      %gt3A_194 = arith.cmpi ugt, %get3A_190, %broadcast_in_dim3A_61 : vector<8x256xi32>
      %jit3A_195 = arith.constant 0.000000e+00 : f32
      %broadcast_in_dim3A_196 = vector.broadcast %jit3A_195 : f32 to vector<8x256xf32>
      %select_n3A_197 = arith.select %gt3A_194, %get3A_193, %broadcast_in_dim3A_196 : vector<8x256xi1>, vector<8x256xf32>
      %add3A_198 = arith.addf %add3A_152, %select_n3A_197 : vector<8x256xf32>
      %gt3A_199 = arith.cmpi ugt, %get3A_190, %broadcast_in_dim3A_64 : vector<8x256xi32>
      %jit3A_200 = arith.constant 0.000000e+00 : f32
      %broadcast_in_dim3A_201 = vector.broadcast %jit3A_200 : f32 to vector<8x256xf32>
      %select_n3A_202 = arith.select %gt3A_199, %get3A_193, %broadcast_in_dim3A_201 : vector<8x256xi1>, vector<8x256xf32>
      %add3A_203 = arith.addf %add3A_157, %select_n3A_202 : vector<8x256xf32>
      %gt3A_204 = arith.cmpi ugt, %get3A_190, %broadcast_in_dim3A_67 : vector<8x256xi32>
      %jit3A_205 = arith.constant 0.000000e+00 : f32
      %broadcast_in_dim3A_206 = vector.broadcast %jit3A_205 : f32 to vector<8x256xf32>
      %select_n3A_207 = arith.select %gt3A_204, %get3A_193, %broadcast_in_dim3A_206 : vector<8x256xi1>, vector<8x256xf32>
      %add3A_208 = arith.addf %add3A_162, %select_n3A_207 : vector<8x256xf32>
      %gt3A_209 = arith.cmpi ugt, %get3A_190, %broadcast_in_dim3A_70 : vector<8x256xi32>
      %jit3A_210 = arith.constant 0.000000e+00 : f32
      %broadcast_in_dim3A_211 = vector.broadcast %jit3A_210 : f32 to vector<8x256xf32>
      %select_n3A_212 = arith.select %gt3A_209, %get3A_193, %broadcast_in_dim3A_211 : vector<8x256xi1>, vector<8x256xf32>
      %add3A_213 = arith.addf %add3A_167, %select_n3A_212 : vector<8x256xf32>
      %gt3A_214 = arith.cmpi ugt, %get3A_190, %broadcast_in_dim3A_73 : vector<8x256xi32>
      %jit3A_215 = arith.constant 0.000000e+00 : f32
      %broadcast_in_dim3A_216 = vector.broadcast %jit3A_215 : f32 to vector<8x256xf32>
      %select_n3A_217 = arith.select %gt3A_214, %get3A_193, %broadcast_in_dim3A_216 : vector<8x256xi1>, vector<8x256xf32>
      %add3A_218 = arith.addf %add3A_172, %select_n3A_217 : vector<8x256xf32>
      %gt3A_219 = arith.cmpi ugt, %get3A_190, %broadcast_in_dim3A_76 : vector<8x256xi32>
      %jit3A_220 = arith.constant 0.000000e+00 : f32
      %broadcast_in_dim3A_221 = vector.broadcast %jit3A_220 : f32 to vector<8x256xf32>
      %select_n3A_222 = arith.select %gt3A_219, %get3A_193, %broadcast_in_dim3A_221 : vector<8x256xi1>, vector<8x256xf32>
      %add3A_223 = arith.addf %add3A_177, %select_n3A_222 : vector<8x256xf32>
      %gt3A_224 = arith.cmpi ugt, %get3A_190, %broadcast_in_dim3A_79 : vector<8x256xi32>
      %jit3A_225 = arith.constant 0.000000e+00 : f32
      %broadcast_in_dim3A_226 = vector.broadcast %jit3A_225 : f32 to vector<8x256xf32>
      %select_n3A_227 = arith.select %gt3A_224, %get3A_193, %broadcast_in_dim3A_226 : vector<8x256xi1>, vector<8x256xf32>
      %add3A_228 = arith.addf %add3A_182, %select_n3A_227 : vector<8x256xf32>
      %gt3A_229 = arith.cmpi ugt, %get3A_190, %broadcast_in_dim3A_82 : vector<8x256xi32>
      %jit3A_230 = arith.constant 0.000000e+00 : f32
      %broadcast_in_dim3A_231 = vector.broadcast %jit3A_230 : f32 to vector<8x256xf32>
      %select_n3A_232 = arith.select %gt3A_229, %get3A_193, %broadcast_in_dim3A_231 : vector<8x256xi1>, vector<8x256xf32>
      %add3A_233 = arith.addf %add3A_187, %select_n3A_232 : vector<8x256xf32>
      %get3A_234 = arith.constant 24 : index
      %get3A_235 = arith.constant 0 : index
      %get3A_236 = vector.load %arg4[%get3A_234, %get3A_235] : memref<200x256xi32, #tpu.memory_space<vmem>>, vector<8x256xi32>
      %get3A_237 = arith.constant 24 : index
      %get3A_238 = arith.constant 0 : index
      %get3A_239 = vector.load %arg5[%get3A_237, %get3A_238] : memref<200x256xf32, #tpu.memory_space<vmem>>, vector<8x256xf32>
      %gt3A_240 = arith.cmpi ugt, %get3A_236, %broadcast_in_dim3A_61 : vector<8x256xi32>
      %jit3A_241 = arith.constant 0.000000e+00 : f32
      %broadcast_in_dim3A_242 = vector.broadcast %jit3A_241 : f32 to vector<8x256xf32>
      %select_n3A_243 = arith.select %gt3A_240, %get3A_239, %broadcast_in_dim3A_242 : vector<8x256xi1>, vector<8x256xf32>
      %add3A_244 = arith.addf %add3A_198, %select_n3A_243 : vector<8x256xf32>
      %gt3A_245 = arith.cmpi ugt, %get3A_236, %broadcast_in_dim3A_64 : vector<8x256xi32>
      %jit3A_246 = arith.constant 0.000000e+00 : f32
      %broadcast_in_dim3A_247 = vector.broadcast %jit3A_246 : f32 to vector<8x256xf32>
      %select_n3A_248 = arith.select %gt3A_245, %get3A_239, %broadcast_in_dim3A_247 : vector<8x256xi1>, vector<8x256xf32>
      %add3A_249 = arith.addf %add3A_203, %select_n3A_248 : vector<8x256xf32>
      %gt3A_250 = arith.cmpi ugt, %get3A_236, %broadcast_in_dim3A_67 : vector<8x256xi32>
      %jit3A_251 = arith.constant 0.000000e+00 : f32
      %broadcast_in_dim3A_252 = vector.broadcast %jit3A_251 : f32 to vector<8x256xf32>
      %select_n3A_253 = arith.select %gt3A_250, %get3A_239, %broadcast_in_dim3A_252 : vector<8x256xi1>, vector<8x256xf32>
      %add3A_254 = arith.addf %add3A_208, %select_n3A_253 : vector<8x256xf32>
      %gt3A_255 = arith.cmpi ugt, %get3A_236, %broadcast_in_dim3A_70 : vector<8x256xi32>
      %jit3A_256 = arith.constant 0.000000e+00 : f32
      %broadcast_in_dim3A_257 = vector.broadcast %jit3A_256 : f32 to vector<8x256xf32>
      %select_n3A_258 = arith.select %gt3A_255, %get3A_239, %broadcast_in_dim3A_257 : vector<8x256xi1>, vector<8x256xf32>
      %add3A_259 = arith.addf %add3A_213, %select_n3A_258 : vector<8x256xf32>
      %gt3A_260 = arith.cmpi ugt, %get3A_236, %broadcast_in_dim3A_73 : vector<8x256xi32>
      %jit3A_261 = arith.constant 0.000000e+00 : f32
      %broadcast_in_dim3A_262 = vector.broadcast %jit3A_261 : f32 to vector<8x256xf32>
      %select_n3A_263 = arith.select %gt3A_260, %get3A_239, %broadcast_in_dim3A_262 : vector<8x256xi1>, vector<8x256xf32>
      %add3A_264 = arith.addf %add3A_218, %select_n3A_263 : vector<8x256xf32>
      %gt3A_265 = arith.cmpi ugt, %get3A_236, %broadcast_in_dim3A_76 : vector<8x256xi32>
      %jit3A_266 = arith.constant 0.000000e+00 : f32
      %broadcast_in_dim3A_267 = vector.broadcast %jit3A_266 : f32 to vector<8x256xf32>
      %select_n3A_268 = arith.select %gt3A_265, %get3A_239, %broadcast_in_dim3A_267 : vector<8x256xi1>, vector<8x256xf32>
      %add3A_269 = arith.addf %add3A_223, %select_n3A_268 : vector<8x256xf32>
      %gt3A_270 = arith.cmpi ugt, %get3A_236, %broadcast_in_dim3A_79 : vector<8x256xi32>
      %jit3A_271 = arith.constant 0.000000e+00 : f32
      %broadcast_in_dim3A_272 = vector.broadcast %jit3A_271 : f32 to vector<8x256xf32>
      %select_n3A_273 = arith.select %gt3A_270, %get3A_239, %broadcast_in_dim3A_272 : vector<8x256xi1>, vector<8x256xf32>
      %add3A_274 = arith.addf %add3A_228, %select_n3A_273 : vector<8x256xf32>
      %gt3A_275 = arith.cmpi ugt, %get3A_236, %broadcast_in_dim3A_82 : vector<8x256xi32>
      %jit3A_276 = arith.constant 0.000000e+00 : f32
      %broadcast_in_dim3A_277 = vector.broadcast %jit3A_276 : f32 to vector<8x256xf32>
      %select_n3A_278 = arith.select %gt3A_275, %get3A_239, %broadcast_in_dim3A_277 : vector<8x256xi1>, vector<8x256xf32>
      %add3A_279 = arith.addf %add3A_233, %select_n3A_278 : vector<8x256xf32>
      %get3A_280 = arith.constant 32 : index
      %get3A_281 = arith.constant 0 : index
      %get3A_282 = vector.load %arg4[%get3A_280, %get3A_281] : memref<200x256xi32, #tpu.memory_space<vmem>>, vector<8x256xi32>
      %get3A_283 = arith.constant 32 : index
      %get3A_284 = arith.constant 0 : index
      %get3A_285 = vector.load %arg5[%get3A_283, %get3A_284] : memref<200x256xf32, #tpu.memory_space<vmem>>, vector<8x256xf32>
      %gt3A_286 = arith.cmpi ugt, %get3A_282, %broadcast_in_dim3A_61 : vector<8x256xi32>
      %jit3A_287 = arith.constant 0.000000e+00 : f32
      %broadcast_in_dim3A_288 = vector.broadcast %jit3A_287 : f32 to vector<8x256xf32>
      %select_n3A_289 = arith.select %gt3A_286, %get3A_285, %broadcast_in_dim3A_288 : vector<8x256xi1>, vector<8x256xf32>
      %add3A_290 = arith.addf %add3A_244, %select_n3A_289 : vector<8x256xf32>
      %gt3A_291 = arith.cmpi ugt, %get3A_282, %broadcast_in_dim3A_64 : vector<8x256xi32>
      %jit3A_292 = arith.constant 0.000000e+00 : f32
      %broadcast_in_dim3A_293 = vector.broadcast %jit3A_292 : f32 to vector<8x256xf32>
      %select_n3A_294 = arith.select %gt3A_291, %get3A_285, %broadcast_in_dim3A_293 : vector<8x256xi1>, vector<8x256xf32>
      %add3A_295 = arith.addf %add3A_249, %select_n3A_294 : vector<8x256xf32>
      %gt3A_296 = arith.cmpi ugt, %get3A_282, %broadcast_in_dim3A_67 : vector<8x256xi32>
      %jit3A_297 = arith.constant 0.000000e+00 : f32
      %broadcast_in_dim3A_298 = vector.broadcast %jit3A_297 : f32 to vector<8x256xf32>
      %select_n3A_299 = arith.select %gt3A_296, %get3A_285, %broadcast_in_dim3A_298 : vector<8x256xi1>, vector<8x256xf32>
      %add3A_300 = arith.addf %add3A_254, %select_n3A_299 : vector<8x256xf32>
      %gt3A_301 = arith.cmpi ugt, %get3A_282, %broadcast_in_dim3A_70 : vector<8x256xi32>
      %jit3A_302 = arith.constant 0.000000e+00 : f32
      %broadcast_in_dim3A_303 = vector.broadcast %jit3A_302 : f32 to vector<8x256xf32>
      %select_n3A_304 = arith.select %gt3A_301, %get3A_285, %broadcast_in_dim3A_303 : vector<8x256xi1>, vector<8x256xf32>
      %add3A_305 = arith.addf %add3A_259, %select_n3A_304 : vector<8x256xf32>
      %gt3A_306 = arith.cmpi ugt, %get3A_282, %broadcast_in_dim3A_73 : vector<8x256xi32>
      %jit3A_307 = arith.constant 0.000000e+00 : f32
      %broadcast_in_dim3A_308 = vector.broadcast %jit3A_307 : f32 to vector<8x256xf32>
      %select_n3A_309 = arith.select %gt3A_306, %get3A_285, %broadcast_in_dim3A_308 : vector<8x256xi1>, vector<8x256xf32>
      %add3A_310 = arith.addf %add3A_264, %select_n3A_309 : vector<8x256xf32>
      %gt3A_311 = arith.cmpi ugt, %get3A_282, %broadcast_in_dim3A_76 : vector<8x256xi32>
      %jit3A_312 = arith.constant 0.000000e+00 : f32
      %broadcast_in_dim3A_313 = vector.broadcast %jit3A_312 : f32 to vector<8x256xf32>
      %select_n3A_314 = arith.select %gt3A_311, %get3A_285, %broadcast_in_dim3A_313 : vector<8x256xi1>, vector<8x256xf32>
      %add3A_315 = arith.addf %add3A_269, %select_n3A_314 : vector<8x256xf32>
      %gt3A_316 = arith.cmpi ugt, %get3A_282, %broadcast_in_dim3A_79 : vector<8x256xi32>
      %jit3A_317 = arith.constant 0.000000e+00 : f32
      %broadcast_in_dim3A_318 = vector.broadcast %jit3A_317 : f32 to vector<8x256xf32>
      %select_n3A_319 = arith.select %gt3A_316, %get3A_285, %broadcast_in_dim3A_318 : vector<8x256xi1>, vector<8x256xf32>
      %add3A_320 = arith.addf %add3A_274, %select_n3A_319 : vector<8x256xf32>
      %gt3A_321 = arith.cmpi ugt, %get3A_282, %broadcast_in_dim3A_82 : vector<8x256xi32>
      %jit3A_322 = arith.constant 0.000000e+00 : f32
      %broadcast_in_dim3A_323 = vector.broadcast %jit3A_322 : f32 to vector<8x256xf32>
      %select_n3A_324 = arith.select %gt3A_321, %get3A_285, %broadcast_in_dim3A_323 : vector<8x256xi1>, vector<8x256xf32>
      %add3A_325 = arith.addf %add3A_279, %select_n3A_324 : vector<8x256xf32>
      %get3A_326 = arith.constant 40 : index
      %get3A_327 = arith.constant 0 : index
      %get3A_328 = vector.load %arg4[%get3A_326, %get3A_327] : memref<200x256xi32, #tpu.memory_space<vmem>>, vector<8x256xi32>
      %get3A_329 = arith.constant 40 : index
      %get3A_330 = arith.constant 0 : index
      %get3A_331 = vector.load %arg5[%get3A_329, %get3A_330] : memref<200x256xf32, #tpu.memory_space<vmem>>, vector<8x256xf32>
      %gt3A_332 = arith.cmpi ugt, %get3A_328, %broadcast_in_dim3A_61 : vector<8x256xi32>
      %jit3A_333 = arith.constant 0.000000e+00 : f32
      %broadcast_in_dim3A_334 = vector.broadcast %jit3A_333 : f32 to vector<8x256xf32>
      %select_n3A_335 = arith.select %gt3A_332, %get3A_331, %broadcast_in_dim3A_334 : vector<8x256xi1>, vector<8x256xf32>
      %add3A_336 = arith.addf %add3A_290, %select_n3A_335 : vector<8x256xf32>
      %gt3A_337 = arith.cmpi ugt, %get3A_328, %broadcast_in_dim3A_64 : vector<8x256xi32>
      %jit3A_338 = arith.constant 0.000000e+00 : f32
      %broadcast_in_dim3A_339 = vector.broadcast %jit3A_338 : f32 to vector<8x256xf32>
      %select_n3A_340 = arith.select %gt3A_337, %get3A_331, %broadcast_in_dim3A_339 : vector<8x256xi1>, vector<8x256xf32>
      %add3A_341 = arith.addf %add3A_295, %select_n3A_340 : vector<8x256xf32>
      %gt3A_342 = arith.cmpi ugt, %get3A_328, %broadcast_in_dim3A_67 : vector<8x256xi32>
      %jit3A_343 = arith.constant 0.000000e+00 : f32
      %broadcast_in_dim3A_344 = vector.broadcast %jit3A_343 : f32 to vector<8x256xf32>
      %select_n3A_345 = arith.select %gt3A_342, %get3A_331, %broadcast_in_dim3A_344 : vector<8x256xi1>, vector<8x256xf32>
      %add3A_346 = arith.addf %add3A_300, %select_n3A_345 : vector<8x256xf32>
      %gt3A_347 = arith.cmpi ugt, %get3A_328, %broadcast_in_dim3A_70 : vector<8x256xi32>
      %jit3A_348 = arith.constant 0.000000e+00 : f32
      %broadcast_in_dim3A_349 = vector.broadcast %jit3A_348 : f32 to vector<8x256xf32>
      %select_n3A_350 = arith.select %gt3A_347, %get3A_331, %broadcast_in_dim3A_349 : vector<8x256xi1>, vector<8x256xf32>
      %add3A_351 = arith.addf %add3A_305, %select_n3A_350 : vector<8x256xf32>
      %gt3A_352 = arith.cmpi ugt, %get3A_328, %broadcast_in_dim3A_73 : vector<8x256xi32>
      %jit3A_353 = arith.constant 0.000000e+00 : f32
      %broadcast_in_dim3A_354 = vector.broadcast %jit3A_353 : f32 to vector<8x256xf32>
      %select_n3A_355 = arith.select %gt3A_352, %get3A_331, %broadcast_in_dim3A_354 : vector<8x256xi1>, vector<8x256xf32>
      %add3A_356 = arith.addf %add3A_310, %select_n3A_355 : vector<8x256xf32>
      %gt3A_357 = arith.cmpi ugt, %get3A_328, %broadcast_in_dim3A_76 : vector<8x256xi32>
      %jit3A_358 = arith.constant 0.000000e+00 : f32
      %broadcast_in_dim3A_359 = vector.broadcast %jit3A_358 : f32 to vector<8x256xf32>
      %select_n3A_360 = arith.select %gt3A_357, %get3A_331, %broadcast_in_dim3A_359 : vector<8x256xi1>, vector<8x256xf32>
      %add3A_361 = arith.addf %add3A_315, %select_n3A_360 : vector<8x256xf32>
      %gt3A_362 = arith.cmpi ugt, %get3A_328, %broadcast_in_dim3A_79 : vector<8x256xi32>
      %jit3A_363 = arith.constant 0.000000e+00 : f32
      %broadcast_in_dim3A_364 = vector.broadcast %jit3A_363 : f32 to vector<8x256xf32>
      %select_n3A_365 = arith.select %gt3A_362, %get3A_331, %broadcast_in_dim3A_364 : vector<8x256xi1>, vector<8x256xf32>
      %add3A_366 = arith.addf %add3A_320, %select_n3A_365 : vector<8x256xf32>
      %gt3A_367 = arith.cmpi ugt, %get3A_328, %broadcast_in_dim3A_82 : vector<8x256xi32>
      %jit3A_368 = arith.constant 0.000000e+00 : f32
      %broadcast_in_dim3A_369 = vector.broadcast %jit3A_368 : f32 to vector<8x256xf32>
      %select_n3A_370 = arith.select %gt3A_367, %get3A_331, %broadcast_in_dim3A_369 : vector<8x256xi1>, vector<8x256xf32>
      %add3A_371 = arith.addf %add3A_325, %select_n3A_370 : vector<8x256xf32>
      %get3A_372 = arith.constant 48 : index
      %get3A_373 = arith.constant 0 : index
      %get3A_374 = vector.load %arg4[%get3A_372, %get3A_373] : memref<200x256xi32, #tpu.memory_space<vmem>>, vector<8x256xi32>
      %get3A_375 = arith.constant 48 : index
      %get3A_376 = arith.constant 0 : index
      %get3A_377 = vector.load %arg5[%get3A_375, %get3A_376] : memref<200x256xf32, #tpu.memory_space<vmem>>, vector<8x256xf32>
      %gt3A_378 = arith.cmpi ugt, %get3A_374, %broadcast_in_dim3A_61 : vector<8x256xi32>
      %jit3A_379 = arith.constant 0.000000e+00 : f32
      %broadcast_in_dim3A_380 = vector.broadcast %jit3A_379 : f32 to vector<8x256xf32>
      %select_n3A_381 = arith.select %gt3A_378, %get3A_377, %broadcast_in_dim3A_380 : vector<8x256xi1>, vector<8x256xf32>
      %add3A_382 = arith.addf %add3A_336, %select_n3A_381 : vector<8x256xf32>
      %gt3A_383 = arith.cmpi ugt, %get3A_374, %broadcast_in_dim3A_64 : vector<8x256xi32>
      %jit3A_384 = arith.constant 0.000000e+00 : f32
      %broadcast_in_dim3A_385 = vector.broadcast %jit3A_384 : f32 to vector<8x256xf32>
      %select_n3A_386 = arith.select %gt3A_383, %get3A_377, %broadcast_in_dim3A_385 : vector<8x256xi1>, vector<8x256xf32>
      %add3A_387 = arith.addf %add3A_341, %select_n3A_386 : vector<8x256xf32>
      %gt3A_388 = arith.cmpi ugt, %get3A_374, %broadcast_in_dim3A_67 : vector<8x256xi32>
      %jit3A_389 = arith.constant 0.000000e+00 : f32
      %broadcast_in_dim3A_390 = vector.broadcast %jit3A_389 : f32 to vector<8x256xf32>
      %select_n3A_391 = arith.select %gt3A_388, %get3A_377, %broadcast_in_dim3A_390 : vector<8x256xi1>, vector<8x256xf32>
      %add3A_392 = arith.addf %add3A_346, %select_n3A_391 : vector<8x256xf32>
      %gt3A_393 = arith.cmpi ugt, %get3A_374, %broadcast_in_dim3A_70 : vector<8x256xi32>
      %jit3A_394 = arith.constant 0.000000e+00 : f32
      %broadcast_in_dim3A_395 = vector.broadcast %jit3A_394 : f32 to vector<8x256xf32>
      %select_n3A_396 = arith.select %gt3A_393, %get3A_377, %broadcast_in_dim3A_395 : vector<8x256xi1>, vector<8x256xf32>
      %add3A_397 = arith.addf %add3A_351, %select_n3A_396 : vector<8x256xf32>
      %gt3A_398 = arith.cmpi ugt, %get3A_374, %broadcast_in_dim3A_73 : vector<8x256xi32>
      %jit3A_399 = arith.constant 0.000000e+00 : f32
      %broadcast_in_dim3A_400 = vector.broadcast %jit3A_399 : f32 to vector<8x256xf32>
      %select_n3A_401 = arith.select %gt3A_398, %get3A_377, %broadcast_in_dim3A_400 : vector<8x256xi1>, vector<8x256xf32>
      %add3A_402 = arith.addf %add3A_356, %select_n3A_401 : vector<8x256xf32>
      %gt3A_403 = arith.cmpi ugt, %get3A_374, %broadcast_in_dim3A_76 : vector<8x256xi32>
      %jit3A_404 = arith.constant 0.000000e+00 : f32
      %broadcast_in_dim3A_405 = vector.broadcast %jit3A_404 : f32 to vector<8x256xf32>
      %select_n3A_406 = arith.select %gt3A_403, %get3A_377, %broadcast_in_dim3A_405 : vector<8x256xi1>, vector<8x256xf32>
      %add3A_407 = arith.addf %add3A_361, %select_n3A_406 : vector<8x256xf32>
      %gt3A_408 = arith.cmpi ugt, %get3A_374, %broadcast_in_dim3A_79 : vector<8x256xi32>
      %jit3A_409 = arith.constant 0.000000e+00 : f32
      %broadcast_in_dim3A_410 = vector.broadcast %jit3A_409 : f32 to vector<8x256xf32>
      %select_n3A_411 = arith.select %gt3A_408, %get3A_377, %broadcast_in_dim3A_410 : vector<8x256xi1>, vector<8x256xf32>
      %add3A_412 = arith.addf %add3A_366, %select_n3A_411 : vector<8x256xf32>
      %gt3A_413 = arith.cmpi ugt, %get3A_374, %broadcast_in_dim3A_82 : vector<8x256xi32>
      %jit3A_414 = arith.constant 0.000000e+00 : f32
      %broadcast_in_dim3A_415 = vector.broadcast %jit3A_414 : f32 to vector<8x256xf32>
      %select_n3A_416 = arith.select %gt3A_413, %get3A_377, %broadcast_in_dim3A_415 : vector<8x256xi1>, vector<8x256xf32>
      %add3A_417 = arith.addf %add3A_371, %select_n3A_416 : vector<8x256xf32>
      %get3A_418 = arith.constant 56 : index
      %get3A_419 = arith.constant 0 : index
      %get3A_420 = vector.load %arg4[%get3A_418, %get3A_419] : memref<200x256xi32, #tpu.memory_space<vmem>>, vector<8x256xi32>
      %get3A_421 = arith.constant 56 : index
      %get3A_422 = arith.constant 0 : index
      %get3A_423 = vector.load %arg5[%get3A_421, %get3A_422] : memref<200x256xf32, #tpu.memory_space<vmem>>, vector<8x256xf32>
      %gt3A_424 = arith.cmpi ugt, %get3A_420, %broadcast_in_dim3A_61 : vector<8x256xi32>
      %jit3A_425 = arith.constant 0.000000e+00 : f32
      %broadcast_in_dim3A_426 = vector.broadcast %jit3A_425 : f32 to vector<8x256xf32>
      %select_n3A_427 = arith.select %gt3A_424, %get3A_423, %broadcast_in_dim3A_426 : vector<8x256xi1>, vector<8x256xf32>
      %add3A_428 = arith.addf %add3A_382, %select_n3A_427 : vector<8x256xf32>
      %gt3A_429 = arith.cmpi ugt, %get3A_420, %broadcast_in_dim3A_64 : vector<8x256xi32>
      %jit3A_430 = arith.constant 0.000000e+00 : f32
      %broadcast_in_dim3A_431 = vector.broadcast %jit3A_430 : f32 to vector<8x256xf32>
      %select_n3A_432 = arith.select %gt3A_429, %get3A_423, %broadcast_in_dim3A_431 : vector<8x256xi1>, vector<8x256xf32>
      %add3A_433 = arith.addf %add3A_387, %select_n3A_432 : vector<8x256xf32>
      %gt3A_434 = arith.cmpi ugt, %get3A_420, %broadcast_in_dim3A_67 : vector<8x256xi32>
      %jit3A_435 = arith.constant 0.000000e+00 : f32
      %broadcast_in_dim3A_436 = vector.broadcast %jit3A_435 : f32 to vector<8x256xf32>
      %select_n3A_437 = arith.select %gt3A_434, %get3A_423, %broadcast_in_dim3A_436 : vector<8x256xi1>, vector<8x256xf32>
      %add3A_438 = arith.addf %add3A_392, %select_n3A_437 : vector<8x256xf32>
      %gt3A_439 = arith.cmpi ugt, %get3A_420, %broadcast_in_dim3A_70 : vector<8x256xi32>
      %jit3A_440 = arith.constant 0.000000e+00 : f32
      %broadcast_in_dim3A_441 = vector.broadcast %jit3A_440 : f32 to vector<8x256xf32>
      %select_n3A_442 = arith.select %gt3A_439, %get3A_423, %broadcast_in_dim3A_441 : vector<8x256xi1>, vector<8x256xf32>
      %add3A_443 = arith.addf %add3A_397, %select_n3A_442 : vector<8x256xf32>
      %gt3A_444 = arith.cmpi ugt, %get3A_420, %broadcast_in_dim3A_73 : vector<8x256xi32>
      %jit3A_445 = arith.constant 0.000000e+00 : f32
      %broadcast_in_dim3A_446 = vector.broadcast %jit3A_445 : f32 to vector<8x256xf32>
      %select_n3A_447 = arith.select %gt3A_444, %get3A_423, %broadcast_in_dim3A_446 : vector<8x256xi1>, vector<8x256xf32>
      %add3A_448 = arith.addf %add3A_402, %select_n3A_447 : vector<8x256xf32>
      %gt3A_449 = arith.cmpi ugt, %get3A_420, %broadcast_in_dim3A_76 : vector<8x256xi32>
      %jit3A_450 = arith.constant 0.000000e+00 : f32
      %broadcast_in_dim3A_451 = vector.broadcast %jit3A_450 : f32 to vector<8x256xf32>
      %select_n3A_452 = arith.select %gt3A_449, %get3A_423, %broadcast_in_dim3A_451 : vector<8x256xi1>, vector<8x256xf32>
      %add3A_453 = arith.addf %add3A_407, %select_n3A_452 : vector<8x256xf32>
      %gt3A_454 = arith.cmpi ugt, %get3A_420, %broadcast_in_dim3A_79 : vector<8x256xi32>
      %jit3A_455 = arith.constant 0.000000e+00 : f32
      %broadcast_in_dim3A_456 = vector.broadcast %jit3A_455 : f32 to vector<8x256xf32>
      %select_n3A_457 = arith.select %gt3A_454, %get3A_423, %broadcast_in_dim3A_456 : vector<8x256xi1>, vector<8x256xf32>
      %add3A_458 = arith.addf %add3A_412, %select_n3A_457 : vector<8x256xf32>
      %gt3A_459 = arith.cmpi ugt, %get3A_420, %broadcast_in_dim3A_82 : vector<8x256xi32>
      %jit3A_460 = arith.constant 0.000000e+00 : f32
      %broadcast_in_dim3A_461 = vector.broadcast %jit3A_460 : f32 to vector<8x256xf32>
      %select_n3A_462 = arith.select %gt3A_459, %get3A_423, %broadcast_in_dim3A_461 : vector<8x256xi1>, vector<8x256xf32>
      %add3A_463 = arith.addf %add3A_417, %select_n3A_462 : vector<8x256xf32>
      %get3A_464 = arith.constant 64 : index
      %get3A_465 = arith.constant 0 : index
      %get3A_466 = vector.load %arg4[%get3A_464, %get3A_465] : memref<200x256xi32, #tpu.memory_space<vmem>>, vector<8x256xi32>
      %get3A_467 = arith.constant 64 : index
      %get3A_468 = arith.constant 0 : index
      %get3A_469 = vector.load %arg5[%get3A_467, %get3A_468] : memref<200x256xf32, #tpu.memory_space<vmem>>, vector<8x256xf32>
      %gt3A_470 = arith.cmpi ugt, %get3A_466, %broadcast_in_dim3A_61 : vector<8x256xi32>
      %jit3A_471 = arith.constant 0.000000e+00 : f32
      %broadcast_in_dim3A_472 = vector.broadcast %jit3A_471 : f32 to vector<8x256xf32>
      %select_n3A_473 = arith.select %gt3A_470, %get3A_469, %broadcast_in_dim3A_472 : vector<8x256xi1>, vector<8x256xf32>
      %add3A_474 = arith.addf %add3A_428, %select_n3A_473 : vector<8x256xf32>
      %gt3A_475 = arith.cmpi ugt, %get3A_466, %broadcast_in_dim3A_64 : vector<8x256xi32>
      %jit3A_476 = arith.constant 0.000000e+00 : f32
      %broadcast_in_dim3A_477 = vector.broadcast %jit3A_476 : f32 to vector<8x256xf32>
      %select_n3A_478 = arith.select %gt3A_475, %get3A_469, %broadcast_in_dim3A_477 : vector<8x256xi1>, vector<8x256xf32>
      %add3A_479 = arith.addf %add3A_433, %select_n3A_478 : vector<8x256xf32>
      %gt3A_480 = arith.cmpi ugt, %get3A_466, %broadcast_in_dim3A_67 : vector<8x256xi32>
      %jit3A_481 = arith.constant 0.000000e+00 : f32
      %broadcast_in_dim3A_482 = vector.broadcast %jit3A_481 : f32 to vector<8x256xf32>
      %select_n3A_483 = arith.select %gt3A_480, %get3A_469, %broadcast_in_dim3A_482 : vector<8x256xi1>, vector<8x256xf32>
      %add3A_484 = arith.addf %add3A_438, %select_n3A_483 : vector<8x256xf32>
      %gt3A_485 = arith.cmpi ugt, %get3A_466, %broadcast_in_dim3A_70 : vector<8x256xi32>
      %jit3A_486 = arith.constant 0.000000e+00 : f32
      %broadcast_in_dim3A_487 = vector.broadcast %jit3A_486 : f32 to vector<8x256xf32>
      %select_n3A_488 = arith.select %gt3A_485, %get3A_469, %broadcast_in_dim3A_487 : vector<8x256xi1>, vector<8x256xf32>
      %add3A_489 = arith.addf %add3A_443, %select_n3A_488 : vector<8x256xf32>
      %gt3A_490 = arith.cmpi ugt, %get3A_466, %broadcast_in_dim3A_73 : vector<8x256xi32>
      %jit3A_491 = arith.constant 0.000000e+00 : f32
      %broadcast_in_dim3A_492 = vector.broadcast %jit3A_491 : f32 to vector<8x256xf32>
      %select_n3A_493 = arith.select %gt3A_490, %get3A_469, %broadcast_in_dim3A_492 : vector<8x256xi1>, vector<8x256xf32>
      %add3A_494 = arith.addf %add3A_448, %select_n3A_493 : vector<8x256xf32>
      %gt3A_495 = arith.cmpi ugt, %get3A_466, %broadcast_in_dim3A_76 : vector<8x256xi32>
      %jit3A_496 = arith.constant 0.000000e+00 : f32
      %broadcast_in_dim3A_497 = vector.broadcast %jit3A_496 : f32 to vector<8x256xf32>
      %select_n3A_498 = arith.select %gt3A_495, %get3A_469, %broadcast_in_dim3A_497 : vector<8x256xi1>, vector<8x256xf32>
      %add3A_499 = arith.addf %add3A_453, %select_n3A_498 : vector<8x256xf32>
      %gt3A_500 = arith.cmpi ugt, %get3A_466, %broadcast_in_dim3A_79 : vector<8x256xi32>
      %jit3A_501 = arith.constant 0.000000e+00 : f32
      %broadcast_in_dim3A_502 = vector.broadcast %jit3A_501 : f32 to vector<8x256xf32>
      %select_n3A_503 = arith.select %gt3A_500, %get3A_469, %broadcast_in_dim3A_502 : vector<8x256xi1>, vector<8x256xf32>
      %add3A_504 = arith.addf %add3A_458, %select_n3A_503 : vector<8x256xf32>
      %gt3A_505 = arith.cmpi ugt, %get3A_466, %broadcast_in_dim3A_82 : vector<8x256xi32>
      %jit3A_506 = arith.constant 0.000000e+00 : f32
      %broadcast_in_dim3A_507 = vector.broadcast %jit3A_506 : f32 to vector<8x256xf32>
      %select_n3A_508 = arith.select %gt3A_505, %get3A_469, %broadcast_in_dim3A_507 : vector<8x256xi1>, vector<8x256xf32>
      %add3A_509 = arith.addf %add3A_463, %select_n3A_508 : vector<8x256xf32>
      %get3A_510 = arith.constant 72 : index
      %get3A_511 = arith.constant 0 : index
      %get3A_512 = vector.load %arg4[%get3A_510, %get3A_511] : memref<200x256xi32, #tpu.memory_space<vmem>>, vector<8x256xi32>
      %get3A_513 = arith.constant 72 : index
      %get3A_514 = arith.constant 0 : index
      %get3A_515 = vector.load %arg5[%get3A_513, %get3A_514] : memref<200x256xf32, #tpu.memory_space<vmem>>, vector<8x256xf32>
      %gt3A_516 = arith.cmpi ugt, %get3A_512, %broadcast_in_dim3A_61 : vector<8x256xi32>
      %jit3A_517 = arith.constant 0.000000e+00 : f32
      %broadcast_in_dim3A_518 = vector.broadcast %jit3A_517 : f32 to vector<8x256xf32>
      %select_n3A_519 = arith.select %gt3A_516, %get3A_515, %broadcast_in_dim3A_518 : vector<8x256xi1>, vector<8x256xf32>
      %add3A_520 = arith.addf %add3A_474, %select_n3A_519 : vector<8x256xf32>
      %gt3A_521 = arith.cmpi ugt, %get3A_512, %broadcast_in_dim3A_64 : vector<8x256xi32>
      %jit3A_522 = arith.constant 0.000000e+00 : f32
      %broadcast_in_dim3A_523 = vector.broadcast %jit3A_522 : f32 to vector<8x256xf32>
      %select_n3A_524 = arith.select %gt3A_521, %get3A_515, %broadcast_in_dim3A_523 : vector<8x256xi1>, vector<8x256xf32>
      %add3A_525 = arith.addf %add3A_479, %select_n3A_524 : vector<8x256xf32>
      %gt3A_526 = arith.cmpi ugt, %get3A_512, %broadcast_in_dim3A_67 : vector<8x256xi32>
      %jit3A_527 = arith.constant 0.000000e+00 : f32
      %broadcast_in_dim3A_528 = vector.broadcast %jit3A_527 : f32 to vector<8x256xf32>
      %select_n3A_529 = arith.select %gt3A_526, %get3A_515, %broadcast_in_dim3A_528 : vector<8x256xi1>, vector<8x256xf32>
      %add3A_530 = arith.addf %add3A_484, %select_n3A_529 : vector<8x256xf32>
      %gt3A_531 = arith.cmpi ugt, %get3A_512, %broadcast_in_dim3A_70 : vector<8x256xi32>
      %jit3A_532 = arith.constant 0.000000e+00 : f32
      %broadcast_in_dim3A_533 = vector.broadcast %jit3A_532 : f32 to vector<8x256xf32>
      %select_n3A_534 = arith.select %gt3A_531, %get3A_515, %broadcast_in_dim3A_533 : vector<8x256xi1>, vector<8x256xf32>
      %add3A_535 = arith.addf %add3A_489, %select_n3A_534 : vector<8x256xf32>
      %gt3A_536 = arith.cmpi ugt, %get3A_512, %broadcast_in_dim3A_73 : vector<8x256xi32>
      %jit3A_537 = arith.constant 0.000000e+00 : f32
      %broadcast_in_dim3A_538 = vector.broadcast %jit3A_537 : f32 to vector<8x256xf32>
      %select_n3A_539 = arith.select %gt3A_536, %get3A_515, %broadcast_in_dim3A_538 : vector<8x256xi1>, vector<8x256xf32>
      %add3A_540 = arith.addf %add3A_494, %select_n3A_539 : vector<8x256xf32>
      %gt3A_541 = arith.cmpi ugt, %get3A_512, %broadcast_in_dim3A_76 : vector<8x256xi32>
      %jit3A_542 = arith.constant 0.000000e+00 : f32
      %broadcast_in_dim3A_543 = vector.broadcast %jit3A_542 : f32 to vector<8x256xf32>
      %select_n3A_544 = arith.select %gt3A_541, %get3A_515, %broadcast_in_dim3A_543 : vector<8x256xi1>, vector<8x256xf32>
      %add3A_545 = arith.addf %add3A_499, %select_n3A_544 : vector<8x256xf32>
      %gt3A_546 = arith.cmpi ugt, %get3A_512, %broadcast_in_dim3A_79 : vector<8x256xi32>
      %jit3A_547 = arith.constant 0.000000e+00 : f32
      %broadcast_in_dim3A_548 = vector.broadcast %jit3A_547 : f32 to vector<8x256xf32>
      %select_n3A_549 = arith.select %gt3A_546, %get3A_515, %broadcast_in_dim3A_548 : vector<8x256xi1>, vector<8x256xf32>
      %add3A_550 = arith.addf %add3A_504, %select_n3A_549 : vector<8x256xf32>
      %gt3A_551 = arith.cmpi ugt, %get3A_512, %broadcast_in_dim3A_82 : vector<8x256xi32>
      %jit3A_552 = arith.constant 0.000000e+00 : f32
      %broadcast_in_dim3A_553 = vector.broadcast %jit3A_552 : f32 to vector<8x256xf32>
      %select_n3A_554 = arith.select %gt3A_551, %get3A_515, %broadcast_in_dim3A_553 : vector<8x256xi1>, vector<8x256xf32>
      %add3A_555 = arith.addf %add3A_509, %select_n3A_554 : vector<8x256xf32>
      %get3A_556 = arith.constant 80 : index
      %get3A_557 = arith.constant 0 : index
      %get3A_558 = vector.load %arg4[%get3A_556, %get3A_557] : memref<200x256xi32, #tpu.memory_space<vmem>>, vector<8x256xi32>
      %get3A_559 = arith.constant 80 : index
      %get3A_560 = arith.constant 0 : index
      %get3A_561 = vector.load %arg5[%get3A_559, %get3A_560] : memref<200x256xf32, #tpu.memory_space<vmem>>, vector<8x256xf32>
      %gt3A_562 = arith.cmpi ugt, %get3A_558, %broadcast_in_dim3A_61 : vector<8x256xi32>
      %jit3A_563 = arith.constant 0.000000e+00 : f32
      %broadcast_in_dim3A_564 = vector.broadcast %jit3A_563 : f32 to vector<8x256xf32>
      %select_n3A_565 = arith.select %gt3A_562, %get3A_561, %broadcast_in_dim3A_564 : vector<8x256xi1>, vector<8x256xf32>
      %add3A_566 = arith.addf %add3A_520, %select_n3A_565 : vector<8x256xf32>
      %gt3A_567 = arith.cmpi ugt, %get3A_558, %broadcast_in_dim3A_64 : vector<8x256xi32>
      %jit3A_568 = arith.constant 0.000000e+00 : f32
      %broadcast_in_dim3A_569 = vector.broadcast %jit3A_568 : f32 to vector<8x256xf32>
      %select_n3A_570 = arith.select %gt3A_567, %get3A_561, %broadcast_in_dim3A_569 : vector<8x256xi1>, vector<8x256xf32>
      %add3A_571 = arith.addf %add3A_525, %select_n3A_570 : vector<8x256xf32>
      %gt3A_572 = arith.cmpi ugt, %get3A_558, %broadcast_in_dim3A_67 : vector<8x256xi32>
      %jit3A_573 = arith.constant 0.000000e+00 : f32
      %broadcast_in_dim3A_574 = vector.broadcast %jit3A_573 : f32 to vector<8x256xf32>
      %select_n3A_575 = arith.select %gt3A_572, %get3A_561, %broadcast_in_dim3A_574 : vector<8x256xi1>, vector<8x256xf32>
      %add3A_576 = arith.addf %add3A_530, %select_n3A_575 : vector<8x256xf32>
      %gt3A_577 = arith.cmpi ugt, %get3A_558, %broadcast_in_dim3A_70 : vector<8x256xi32>
      %jit3A_578 = arith.constant 0.000000e+00 : f32
      %broadcast_in_dim3A_579 = vector.broadcast %jit3A_578 : f32 to vector<8x256xf32>
      %select_n3A_580 = arith.select %gt3A_577, %get3A_561, %broadcast_in_dim3A_579 : vector<8x256xi1>, vector<8x256xf32>
      %add3A_581 = arith.addf %add3A_535, %select_n3A_580 : vector<8x256xf32>
      %gt3A_582 = arith.cmpi ugt, %get3A_558, %broadcast_in_dim3A_73 : vector<8x256xi32>
      %jit3A_583 = arith.constant 0.000000e+00 : f32
      %broadcast_in_dim3A_584 = vector.broadcast %jit3A_583 : f32 to vector<8x256xf32>
      %select_n3A_585 = arith.select %gt3A_582, %get3A_561, %broadcast_in_dim3A_584 : vector<8x256xi1>, vector<8x256xf32>
      %add3A_586 = arith.addf %add3A_540, %select_n3A_585 : vector<8x256xf32>
      %gt3A_587 = arith.cmpi ugt, %get3A_558, %broadcast_in_dim3A_76 : vector<8x256xi32>
      %jit3A_588 = arith.constant 0.000000e+00 : f32
      %broadcast_in_dim3A_589 = vector.broadcast %jit3A_588 : f32 to vector<8x256xf32>
      %select_n3A_590 = arith.select %gt3A_587, %get3A_561, %broadcast_in_dim3A_589 : vector<8x256xi1>, vector<8x256xf32>
      %add3A_591 = arith.addf %add3A_545, %select_n3A_590 : vector<8x256xf32>
      %gt3A_592 = arith.cmpi ugt, %get3A_558, %broadcast_in_dim3A_79 : vector<8x256xi32>
      %jit3A_593 = arith.constant 0.000000e+00 : f32
      %broadcast_in_dim3A_594 = vector.broadcast %jit3A_593 : f32 to vector<8x256xf32>
      %select_n3A_595 = arith.select %gt3A_592, %get3A_561, %broadcast_in_dim3A_594 : vector<8x256xi1>, vector<8x256xf32>
      %add3A_596 = arith.addf %add3A_550, %select_n3A_595 : vector<8x256xf32>
      %gt3A_597 = arith.cmpi ugt, %get3A_558, %broadcast_in_dim3A_82 : vector<8x256xi32>
      %jit3A_598 = arith.constant 0.000000e+00 : f32
      %broadcast_in_dim3A_599 = vector.broadcast %jit3A_598 : f32 to vector<8x256xf32>
      %select_n3A_600 = arith.select %gt3A_597, %get3A_561, %broadcast_in_dim3A_599 : vector<8x256xi1>, vector<8x256xf32>
      %add3A_601 = arith.addf %add3A_555, %select_n3A_600 : vector<8x256xf32>
      %get3A_602 = arith.constant 88 : index
      %get3A_603 = arith.constant 0 : index
      %get3A_604 = vector.load %arg4[%get3A_602, %get3A_603] : memref<200x256xi32, #tpu.memory_space<vmem>>, vector<8x256xi32>
      %get3A_605 = arith.constant 88 : index
      %get3A_606 = arith.constant 0 : index
      %get3A_607 = vector.load %arg5[%get3A_605, %get3A_606] : memref<200x256xf32, #tpu.memory_space<vmem>>, vector<8x256xf32>
      %gt3A_608 = arith.cmpi ugt, %get3A_604, %broadcast_in_dim3A_61 : vector<8x256xi32>
      %jit3A_609 = arith.constant 0.000000e+00 : f32
      %broadcast_in_dim3A_610 = vector.broadcast %jit3A_609 : f32 to vector<8x256xf32>
      %select_n3A_611 = arith.select %gt3A_608, %get3A_607, %broadcast_in_dim3A_610 : vector<8x256xi1>, vector<8x256xf32>
      %add3A_612 = arith.addf %add3A_566, %select_n3A_611 : vector<8x256xf32>
      %gt3A_613 = arith.cmpi ugt, %get3A_604, %broadcast_in_dim3A_64 : vector<8x256xi32>
      %jit3A_614 = arith.constant 0.000000e+00 : f32
      %broadcast_in_dim3A_615 = vector.broadcast %jit3A_614 : f32 to vector<8x256xf32>
      %select_n3A_616 = arith.select %gt3A_613, %get3A_607, %broadcast_in_dim3A_615 : vector<8x256xi1>, vector<8x256xf32>
      %add3A_617 = arith.addf %add3A_571, %select_n3A_616 : vector<8x256xf32>
      %gt3A_618 = arith.cmpi ugt, %get3A_604, %broadcast_in_dim3A_67 : vector<8x256xi32>
      %jit3A_619 = arith.constant 0.000000e+00 : f32
      %broadcast_in_dim3A_620 = vector.broadcast %jit3A_619 : f32 to vector<8x256xf32>
      %select_n3A_621 = arith.select %gt3A_618, %get3A_607, %broadcast_in_dim3A_620 : vector<8x256xi1>, vector<8x256xf32>
      %add3A_622 = arith.addf %add3A_576, %select_n3A_621 : vector<8x256xf32>
      %gt3A_623 = arith.cmpi ugt, %get3A_604, %broadcast_in_dim3A_70 : vector<8x256xi32>
      %jit3A_624 = arith.constant 0.000000e+00 : f32
      %broadcast_in_dim3A_625 = vector.broadcast %jit3A_624 : f32 to vector<8x256xf32>
      %select_n3A_626 = arith.select %gt3A_623, %get3A_607, %broadcast_in_dim3A_625 : vector<8x256xi1>, vector<8x256xf32>
      %add3A_627 = arith.addf %add3A_581, %select_n3A_626 : vector<8x256xf32>
      %gt3A_628 = arith.cmpi ugt, %get3A_604, %broadcast_in_dim3A_73 : vector<8x256xi32>
      %jit3A_629 = arith.constant 0.000000e+00 : f32
      %broadcast_in_dim3A_630 = vector.broadcast %jit3A_629 : f32 to vector<8x256xf32>
      %select_n3A_631 = arith.select %gt3A_628, %get3A_607, %broadcast_in_dim3A_630 : vector<8x256xi1>, vector<8x256xf32>
      %add3A_632 = arith.addf %add3A_586, %select_n3A_631 : vector<8x256xf32>
      %gt3A_633 = arith.cmpi ugt, %get3A_604, %broadcast_in_dim3A_76 : vector<8x256xi32>
      %jit3A_634 = arith.constant 0.000000e+00 : f32
      %broadcast_in_dim3A_635 = vector.broadcast %jit3A_634 : f32 to vector<8x256xf32>
      %select_n3A_636 = arith.select %gt3A_633, %get3A_607, %broadcast_in_dim3A_635 : vector<8x256xi1>, vector<8x256xf32>
      %add3A_637 = arith.addf %add3A_591, %select_n3A_636 : vector<8x256xf32>
      %gt3A_638 = arith.cmpi ugt, %get3A_604, %broadcast_in_dim3A_79 : vector<8x256xi32>
      %jit3A_639 = arith.constant 0.000000e+00 : f32
      %broadcast_in_dim3A_640 = vector.broadcast %jit3A_639 : f32 to vector<8x256xf32>
      %select_n3A_641 = arith.select %gt3A_638, %get3A_607, %broadcast_in_dim3A_640 : vector<8x256xi1>, vector<8x256xf32>
      %add3A_642 = arith.addf %add3A_596, %select_n3A_641 : vector<8x256xf32>
      %gt3A_643 = arith.cmpi ugt, %get3A_604, %broadcast_in_dim3A_82 : vector<8x256xi32>
      %jit3A_644 = arith.constant 0.000000e+00 : f32
      %broadcast_in_dim3A_645 = vector.broadcast %jit3A_644 : f32 to vector<8x256xf32>
      %select_n3A_646 = arith.select %gt3A_643, %get3A_607, %broadcast_in_dim3A_645 : vector<8x256xi1>, vector<8x256xf32>
      %add3A_647 = arith.addf %add3A_601, %select_n3A_646 : vector<8x256xf32>
      %get3A_648 = arith.constant 96 : index
      %get3A_649 = arith.constant 0 : index
      %get3A_650 = vector.load %arg4[%get3A_648, %get3A_649] : memref<200x256xi32, #tpu.memory_space<vmem>>, vector<8x256xi32>
      %get3A_651 = arith.constant 96 : index
      %get3A_652 = arith.constant 0 : index
      %get3A_653 = vector.load %arg5[%get3A_651, %get3A_652] : memref<200x256xf32, #tpu.memory_space<vmem>>, vector<8x256xf32>
      %gt3A_654 = arith.cmpi ugt, %get3A_650, %broadcast_in_dim3A_61 : vector<8x256xi32>
      %jit3A_655 = arith.constant 0.000000e+00 : f32
      %broadcast_in_dim3A_656 = vector.broadcast %jit3A_655 : f32 to vector<8x256xf32>
      %select_n3A_657 = arith.select %gt3A_654, %get3A_653, %broadcast_in_dim3A_656 : vector<8x256xi1>, vector<8x256xf32>
      %add3A_658 = arith.addf %add3A_612, %select_n3A_657 : vector<8x256xf32>
      %gt3A_659 = arith.cmpi ugt, %get3A_650, %broadcast_in_dim3A_64 : vector<8x256xi32>
      %jit3A_660 = arith.constant 0.000000e+00 : f32
      %broadcast_in_dim3A_661 = vector.broadcast %jit3A_660 : f32 to vector<8x256xf32>
      %select_n3A_662 = arith.select %gt3A_659, %get3A_653, %broadcast_in_dim3A_661 : vector<8x256xi1>, vector<8x256xf32>
      %add3A_663 = arith.addf %add3A_617, %select_n3A_662 : vector<8x256xf32>
      %gt3A_664 = arith.cmpi ugt, %get3A_650, %broadcast_in_dim3A_67 : vector<8x256xi32>
      %jit3A_665 = arith.constant 0.000000e+00 : f32
      %broadcast_in_dim3A_666 = vector.broadcast %jit3A_665 : f32 to vector<8x256xf32>
      %select_n3A_667 = arith.select %gt3A_664, %get3A_653, %broadcast_in_dim3A_666 : vector<8x256xi1>, vector<8x256xf32>
      %add3A_668 = arith.addf %add3A_622, %select_n3A_667 : vector<8x256xf32>
      %gt3A_669 = arith.cmpi ugt, %get3A_650, %broadcast_in_dim3A_70 : vector<8x256xi32>
      %jit3A_670 = arith.constant 0.000000e+00 : f32
      %broadcast_in_dim3A_671 = vector.broadcast %jit3A_670 : f32 to vector<8x256xf32>
      %select_n3A_672 = arith.select %gt3A_669, %get3A_653, %broadcast_in_dim3A_671 : vector<8x256xi1>, vector<8x256xf32>
      %add3A_673 = arith.addf %add3A_627, %select_n3A_672 : vector<8x256xf32>
      %gt3A_674 = arith.cmpi ugt, %get3A_650, %broadcast_in_dim3A_73 : vector<8x256xi32>
      %jit3A_675 = arith.constant 0.000000e+00 : f32
      %broadcast_in_dim3A_676 = vector.broadcast %jit3A_675 : f32 to vector<8x256xf32>
      %select_n3A_677 = arith.select %gt3A_674, %get3A_653, %broadcast_in_dim3A_676 : vector<8x256xi1>, vector<8x256xf32>
      %add3A_678 = arith.addf %add3A_632, %select_n3A_677 : vector<8x256xf32>
      %gt3A_679 = arith.cmpi ugt, %get3A_650, %broadcast_in_dim3A_76 : vector<8x256xi32>
      %jit3A_680 = arith.constant 0.000000e+00 : f32
      %broadcast_in_dim3A_681 = vector.broadcast %jit3A_680 : f32 to vector<8x256xf32>
      %select_n3A_682 = arith.select %gt3A_679, %get3A_653, %broadcast_in_dim3A_681 : vector<8x256xi1>, vector<8x256xf32>
      %add3A_683 = arith.addf %add3A_637, %select_n3A_682 : vector<8x256xf32>
      %gt3A_684 = arith.cmpi ugt, %get3A_650, %broadcast_in_dim3A_79 : vector<8x256xi32>
      %jit3A_685 = arith.constant 0.000000e+00 : f32
      %broadcast_in_dim3A_686 = vector.broadcast %jit3A_685 : f32 to vector<8x256xf32>
      %select_n3A_687 = arith.select %gt3A_684, %get3A_653, %broadcast_in_dim3A_686 : vector<8x256xi1>, vector<8x256xf32>
      %add3A_688 = arith.addf %add3A_642, %select_n3A_687 : vector<8x256xf32>
      %gt3A_689 = arith.cmpi ugt, %get3A_650, %broadcast_in_dim3A_82 : vector<8x256xi32>
      %jit3A_690 = arith.constant 0.000000e+00 : f32
      %broadcast_in_dim3A_691 = vector.broadcast %jit3A_690 : f32 to vector<8x256xf32>
      %select_n3A_692 = arith.select %gt3A_689, %get3A_653, %broadcast_in_dim3A_691 : vector<8x256xi1>, vector<8x256xf32>
      %add3A_693 = arith.addf %add3A_647, %select_n3A_692 : vector<8x256xf32>
      %get3A_694 = arith.constant 104 : index
      %get3A_695 = arith.constant 0 : index
      %get3A_696 = vector.load %arg4[%get3A_694, %get3A_695] : memref<200x256xi32, #tpu.memory_space<vmem>>, vector<8x256xi32>
      %get3A_697 = arith.constant 104 : index
      %get3A_698 = arith.constant 0 : index
      %get3A_699 = vector.load %arg5[%get3A_697, %get3A_698] : memref<200x256xf32, #tpu.memory_space<vmem>>, vector<8x256xf32>
      %gt3A_700 = arith.cmpi ugt, %get3A_696, %broadcast_in_dim3A_61 : vector<8x256xi32>
      %jit3A_701 = arith.constant 0.000000e+00 : f32
      %broadcast_in_dim3A_702 = vector.broadcast %jit3A_701 : f32 to vector<8x256xf32>
      %select_n3A_703 = arith.select %gt3A_700, %get3A_699, %broadcast_in_dim3A_702 : vector<8x256xi1>, vector<8x256xf32>
      %add3A_704 = arith.addf %add3A_658, %select_n3A_703 : vector<8x256xf32>
      %gt3A_705 = arith.cmpi ugt, %get3A_696, %broadcast_in_dim3A_64 : vector<8x256xi32>
      %jit3A_706 = arith.constant 0.000000e+00 : f32
      %broadcast_in_dim3A_707 = vector.broadcast %jit3A_706 : f32 to vector<8x256xf32>
      %select_n3A_708 = arith.select %gt3A_705, %get3A_699, %broadcast_in_dim3A_707 : vector<8x256xi1>, vector<8x256xf32>
      %add3A_709 = arith.addf %add3A_663, %select_n3A_708 : vector<8x256xf32>
      %gt3A_710 = arith.cmpi ugt, %get3A_696, %broadcast_in_dim3A_67 : vector<8x256xi32>
      %jit3A_711 = arith.constant 0.000000e+00 : f32
      %broadcast_in_dim3A_712 = vector.broadcast %jit3A_711 : f32 to vector<8x256xf32>
      %select_n3A_713 = arith.select %gt3A_710, %get3A_699, %broadcast_in_dim3A_712 : vector<8x256xi1>, vector<8x256xf32>
      %add3A_714 = arith.addf %add3A_668, %select_n3A_713 : vector<8x256xf32>
      %gt3A_715 = arith.cmpi ugt, %get3A_696, %broadcast_in_dim3A_70 : vector<8x256xi32>
      %jit3A_716 = arith.constant 0.000000e+00 : f32
      %broadcast_in_dim3A_717 = vector.broadcast %jit3A_716 : f32 to vector<8x256xf32>
      %select_n3A_718 = arith.select %gt3A_715, %get3A_699, %broadcast_in_dim3A_717 : vector<8x256xi1>, vector<8x256xf32>
      %add3A_719 = arith.addf %add3A_673, %select_n3A_718 : vector<8x256xf32>
      %gt3A_720 = arith.cmpi ugt, %get3A_696, %broadcast_in_dim3A_73 : vector<8x256xi32>
      %jit3A_721 = arith.constant 0.000000e+00 : f32
      %broadcast_in_dim3A_722 = vector.broadcast %jit3A_721 : f32 to vector<8x256xf32>
      %select_n3A_723 = arith.select %gt3A_720, %get3A_699, %broadcast_in_dim3A_722 : vector<8x256xi1>, vector<8x256xf32>
      %add3A_724 = arith.addf %add3A_678, %select_n3A_723 : vector<8x256xf32>
      %gt3A_725 = arith.cmpi ugt, %get3A_696, %broadcast_in_dim3A_76 : vector<8x256xi32>
      %jit3A_726 = arith.constant 0.000000e+00 : f32
      %broadcast_in_dim3A_727 = vector.broadcast %jit3A_726 : f32 to vector<8x256xf32>
      %select_n3A_728 = arith.select %gt3A_725, %get3A_699, %broadcast_in_dim3A_727 : vector<8x256xi1>, vector<8x256xf32>
      %add3A_729 = arith.addf %add3A_683, %select_n3A_728 : vector<8x256xf32>
      %gt3A_730 = arith.cmpi ugt, %get3A_696, %broadcast_in_dim3A_79 : vector<8x256xi32>
      %jit3A_731 = arith.constant 0.000000e+00 : f32
      %broadcast_in_dim3A_732 = vector.broadcast %jit3A_731 : f32 to vector<8x256xf32>
      %select_n3A_733 = arith.select %gt3A_730, %get3A_699, %broadcast_in_dim3A_732 : vector<8x256xi1>, vector<8x256xf32>
      %add3A_734 = arith.addf %add3A_688, %select_n3A_733 : vector<8x256xf32>
      %gt3A_735 = arith.cmpi ugt, %get3A_696, %broadcast_in_dim3A_82 : vector<8x256xi32>
      %jit3A_736 = arith.constant 0.000000e+00 : f32
      %broadcast_in_dim3A_737 = vector.broadcast %jit3A_736 : f32 to vector<8x256xf32>
      %select_n3A_738 = arith.select %gt3A_735, %get3A_699, %broadcast_in_dim3A_737 : vector<8x256xi1>, vector<8x256xf32>
      %add3A_739 = arith.addf %add3A_693, %select_n3A_738 : vector<8x256xf32>
      %get3A_740 = arith.constant 112 : index
      %get3A_741 = arith.constant 0 : index
      %get3A_742 = vector.load %arg4[%get3A_740, %get3A_741] : memref<200x256xi32, #tpu.memory_space<vmem>>, vector<8x256xi32>
      %get3A_743 = arith.constant 112 : index
      %get3A_744 = arith.constant 0 : index
      %get3A_745 = vector.load %arg5[%get3A_743, %get3A_744] : memref<200x256xf32, #tpu.memory_space<vmem>>, vector<8x256xf32>
      %gt3A_746 = arith.cmpi ugt, %get3A_742, %broadcast_in_dim3A_61 : vector<8x256xi32>
      %jit3A_747 = arith.constant 0.000000e+00 : f32
      %broadcast_in_dim3A_748 = vector.broadcast %jit3A_747 : f32 to vector<8x256xf32>
      %select_n3A_749 = arith.select %gt3A_746, %get3A_745, %broadcast_in_dim3A_748 : vector<8x256xi1>, vector<8x256xf32>
      %add3A_750 = arith.addf %add3A_704, %select_n3A_749 : vector<8x256xf32>
      %gt3A_751 = arith.cmpi ugt, %get3A_742, %broadcast_in_dim3A_64 : vector<8x256xi32>
      %jit3A_752 = arith.constant 0.000000e+00 : f32
      %broadcast_in_dim3A_753 = vector.broadcast %jit3A_752 : f32 to vector<8x256xf32>
      %select_n3A_754 = arith.select %gt3A_751, %get3A_745, %broadcast_in_dim3A_753 : vector<8x256xi1>, vector<8x256xf32>
      %add3A_755 = arith.addf %add3A_709, %select_n3A_754 : vector<8x256xf32>
      %gt3A_756 = arith.cmpi ugt, %get3A_742, %broadcast_in_dim3A_67 : vector<8x256xi32>
      %jit3A_757 = arith.constant 0.000000e+00 : f32
      %broadcast_in_dim3A_758 = vector.broadcast %jit3A_757 : f32 to vector<8x256xf32>
      %select_n3A_759 = arith.select %gt3A_756, %get3A_745, %broadcast_in_dim3A_758 : vector<8x256xi1>, vector<8x256xf32>
      %add3A_760 = arith.addf %add3A_714, %select_n3A_759 : vector<8x256xf32>
      %gt3A_761 = arith.cmpi ugt, %get3A_742, %broadcast_in_dim3A_70 : vector<8x256xi32>
      %jit3A_762 = arith.constant 0.000000e+00 : f32
      %broadcast_in_dim3A_763 = vector.broadcast %jit3A_762 : f32 to vector<8x256xf32>
      %select_n3A_764 = arith.select %gt3A_761, %get3A_745, %broadcast_in_dim3A_763 : vector<8x256xi1>, vector<8x256xf32>
      %add3A_765 = arith.addf %add3A_719, %select_n3A_764 : vector<8x256xf32>
      %gt3A_766 = arith.cmpi ugt, %get3A_742, %broadcast_in_dim3A_73 : vector<8x256xi32>
      %jit3A_767 = arith.constant 0.000000e+00 : f32
      %broadcast_in_dim3A_768 = vector.broadcast %jit3A_767 : f32 to vector<8x256xf32>
      %select_n3A_769 = arith.select %gt3A_766, %get3A_745, %broadcast_in_dim3A_768 : vector<8x256xi1>, vector<8x256xf32>
      %add3A_770 = arith.addf %add3A_724, %select_n3A_769 : vector<8x256xf32>
      %gt3A_771 = arith.cmpi ugt, %get3A_742, %broadcast_in_dim3A_76 : vector<8x256xi32>
      %jit3A_772 = arith.constant 0.000000e+00 : f32
      %broadcast_in_dim3A_773 = vector.broadcast %jit3A_772 : f32 to vector<8x256xf32>
      %select_n3A_774 = arith.select %gt3A_771, %get3A_745, %broadcast_in_dim3A_773 : vector<8x256xi1>, vector<8x256xf32>
      %add3A_775 = arith.addf %add3A_729, %select_n3A_774 : vector<8x256xf32>
      %gt3A_776 = arith.cmpi ugt, %get3A_742, %broadcast_in_dim3A_79 : vector<8x256xi32>
      %jit3A_777 = arith.constant 0.000000e+00 : f32
      %broadcast_in_dim3A_778 = vector.broadcast %jit3A_777 : f32 to vector<8x256xf32>
      %select_n3A_779 = arith.select %gt3A_776, %get3A_745, %broadcast_in_dim3A_778 : vector<8x256xi1>, vector<8x256xf32>
      %add3A_780 = arith.addf %add3A_734, %select_n3A_779 : vector<8x256xf32>
      %gt3A_781 = arith.cmpi ugt, %get3A_742, %broadcast_in_dim3A_82 : vector<8x256xi32>
      %jit3A_782 = arith.constant 0.000000e+00 : f32
      %broadcast_in_dim3A_783 = vector.broadcast %jit3A_782 : f32 to vector<8x256xf32>
      %select_n3A_784 = arith.select %gt3A_781, %get3A_745, %broadcast_in_dim3A_783 : vector<8x256xi1>, vector<8x256xf32>
      %add3A_785 = arith.addf %add3A_739, %select_n3A_784 : vector<8x256xf32>
      %get3A_786 = arith.constant 120 : index
      %get3A_787 = arith.constant 0 : index
      %get3A_788 = vector.load %arg4[%get3A_786, %get3A_787] : memref<200x256xi32, #tpu.memory_space<vmem>>, vector<8x256xi32>
      %get3A_789 = arith.constant 120 : index
      %get3A_790 = arith.constant 0 : index
      %get3A_791 = vector.load %arg5[%get3A_789, %get3A_790] : memref<200x256xf32, #tpu.memory_space<vmem>>, vector<8x256xf32>
      %gt3A_792 = arith.cmpi ugt, %get3A_788, %broadcast_in_dim3A_61 : vector<8x256xi32>
      %jit3A_793 = arith.constant 0.000000e+00 : f32
      %broadcast_in_dim3A_794 = vector.broadcast %jit3A_793 : f32 to vector<8x256xf32>
      %select_n3A_795 = arith.select %gt3A_792, %get3A_791, %broadcast_in_dim3A_794 : vector<8x256xi1>, vector<8x256xf32>
      %add3A_796 = arith.addf %add3A_750, %select_n3A_795 : vector<8x256xf32>
      %gt3A_797 = arith.cmpi ugt, %get3A_788, %broadcast_in_dim3A_64 : vector<8x256xi32>
      %jit3A_798 = arith.constant 0.000000e+00 : f32
      %broadcast_in_dim3A_799 = vector.broadcast %jit3A_798 : f32 to vector<8x256xf32>
      %select_n3A_800 = arith.select %gt3A_797, %get3A_791, %broadcast_in_dim3A_799 : vector<8x256xi1>, vector<8x256xf32>
      %add3A_801 = arith.addf %add3A_755, %select_n3A_800 : vector<8x256xf32>
      %gt3A_802 = arith.cmpi ugt, %get3A_788, %broadcast_in_dim3A_67 : vector<8x256xi32>
      %jit3A_803 = arith.constant 0.000000e+00 : f32
      %broadcast_in_dim3A_804 = vector.broadcast %jit3A_803 : f32 to vector<8x256xf32>
      %select_n3A_805 = arith.select %gt3A_802, %get3A_791, %broadcast_in_dim3A_804 : vector<8x256xi1>, vector<8x256xf32>
      %add3A_806 = arith.addf %add3A_760, %select_n3A_805 : vector<8x256xf32>
      %gt3A_807 = arith.cmpi ugt, %get3A_788, %broadcast_in_dim3A_70 : vector<8x256xi32>
      %jit3A_808 = arith.constant 0.000000e+00 : f32
      %broadcast_in_dim3A_809 = vector.broadcast %jit3A_808 : f32 to vector<8x256xf32>
      %select_n3A_810 = arith.select %gt3A_807, %get3A_791, %broadcast_in_dim3A_809 : vector<8x256xi1>, vector<8x256xf32>
      %add3A_811 = arith.addf %add3A_765, %select_n3A_810 : vector<8x256xf32>
      %gt3A_812 = arith.cmpi ugt, %get3A_788, %broadcast_in_dim3A_73 : vector<8x256xi32>
      %jit3A_813 = arith.constant 0.000000e+00 : f32
      %broadcast_in_dim3A_814 = vector.broadcast %jit3A_813 : f32 to vector<8x256xf32>
      %select_n3A_815 = arith.select %gt3A_812, %get3A_791, %broadcast_in_dim3A_814 : vector<8x256xi1>, vector<8x256xf32>
      %add3A_816 = arith.addf %add3A_770, %select_n3A_815 : vector<8x256xf32>
      %gt3A_817 = arith.cmpi ugt, %get3A_788, %broadcast_in_dim3A_76 : vector<8x256xi32>
      %jit3A_818 = arith.constant 0.000000e+00 : f32
      %broadcast_in_dim3A_819 = vector.broadcast %jit3A_818 : f32 to vector<8x256xf32>
      %select_n3A_820 = arith.select %gt3A_817, %get3A_791, %broadcast_in_dim3A_819 : vector<8x256xi1>, vector<8x256xf32>
      %add3A_821 = arith.addf %add3A_775, %select_n3A_820 : vector<8x256xf32>
      %gt3A_822 = arith.cmpi ugt, %get3A_788, %broadcast_in_dim3A_79 : vector<8x256xi32>
      %jit3A_823 = arith.constant 0.000000e+00 : f32
      %broadcast_in_dim3A_824 = vector.broadcast %jit3A_823 : f32 to vector<8x256xf32>
      %select_n3A_825 = arith.select %gt3A_822, %get3A_791, %broadcast_in_dim3A_824 : vector<8x256xi1>, vector<8x256xf32>
      %add3A_826 = arith.addf %add3A_780, %select_n3A_825 : vector<8x256xf32>
      %gt3A_827 = arith.cmpi ugt, %get3A_788, %broadcast_in_dim3A_82 : vector<8x256xi32>
      %jit3A_828 = arith.constant 0.000000e+00 : f32
      %broadcast_in_dim3A_829 = vector.broadcast %jit3A_828 : f32 to vector<8x256xf32>
      %select_n3A_830 = arith.select %gt3A_827, %get3A_791, %broadcast_in_dim3A_829 : vector<8x256xi1>, vector<8x256xf32>
      %add3A_831 = arith.addf %add3A_785, %select_n3A_830 : vector<8x256xf32>
      %get3A_832 = arith.constant 128 : index
      %get3A_833 = arith.constant 0 : index
      %get3A_834 = vector.load %arg4[%get3A_832, %get3A_833] : memref<200x256xi32, #tpu.memory_space<vmem>>, vector<8x256xi32>
      %get3A_835 = arith.constant 128 : index
      %get3A_836 = arith.constant 0 : index
      %get3A_837 = vector.load %arg5[%get3A_835, %get3A_836] : memref<200x256xf32, #tpu.memory_space<vmem>>, vector<8x256xf32>
      %gt3A_838 = arith.cmpi ugt, %get3A_834, %broadcast_in_dim3A_61 : vector<8x256xi32>
      %jit3A_839 = arith.constant 0.000000e+00 : f32
      %broadcast_in_dim3A_840 = vector.broadcast %jit3A_839 : f32 to vector<8x256xf32>
      %select_n3A_841 = arith.select %gt3A_838, %get3A_837, %broadcast_in_dim3A_840 : vector<8x256xi1>, vector<8x256xf32>
      %add3A_842 = arith.addf %add3A_796, %select_n3A_841 : vector<8x256xf32>
      %gt3A_843 = arith.cmpi ugt, %get3A_834, %broadcast_in_dim3A_64 : vector<8x256xi32>
      %jit3A_844 = arith.constant 0.000000e+00 : f32
      %broadcast_in_dim3A_845 = vector.broadcast %jit3A_844 : f32 to vector<8x256xf32>
      %select_n3A_846 = arith.select %gt3A_843, %get3A_837, %broadcast_in_dim3A_845 : vector<8x256xi1>, vector<8x256xf32>
      %add3A_847 = arith.addf %add3A_801, %select_n3A_846 : vector<8x256xf32>
      %gt3A_848 = arith.cmpi ugt, %get3A_834, %broadcast_in_dim3A_67 : vector<8x256xi32>
      %jit3A_849 = arith.constant 0.000000e+00 : f32
      %broadcast_in_dim3A_850 = vector.broadcast %jit3A_849 : f32 to vector<8x256xf32>
      %select_n3A_851 = arith.select %gt3A_848, %get3A_837, %broadcast_in_dim3A_850 : vector<8x256xi1>, vector<8x256xf32>
      %add3A_852 = arith.addf %add3A_806, %select_n3A_851 : vector<8x256xf32>
      %gt3A_853 = arith.cmpi ugt, %get3A_834, %broadcast_in_dim3A_70 : vector<8x256xi32>
      %jit3A_854 = arith.constant 0.000000e+00 : f32
      %broadcast_in_dim3A_855 = vector.broadcast %jit3A_854 : f32 to vector<8x256xf32>
      %select_n3A_856 = arith.select %gt3A_853, %get3A_837, %broadcast_in_dim3A_855 : vector<8x256xi1>, vector<8x256xf32>
      %add3A_857 = arith.addf %add3A_811, %select_n3A_856 : vector<8x256xf32>
      %gt3A_858 = arith.cmpi ugt, %get3A_834, %broadcast_in_dim3A_73 : vector<8x256xi32>
      %jit3A_859 = arith.constant 0.000000e+00 : f32
      %broadcast_in_dim3A_860 = vector.broadcast %jit3A_859 : f32 to vector<8x256xf32>
      %select_n3A_861 = arith.select %gt3A_858, %get3A_837, %broadcast_in_dim3A_860 : vector<8x256xi1>, vector<8x256xf32>
      %add3A_862 = arith.addf %add3A_816, %select_n3A_861 : vector<8x256xf32>
      %gt3A_863 = arith.cmpi ugt, %get3A_834, %broadcast_in_dim3A_76 : vector<8x256xi32>
      %jit3A_864 = arith.constant 0.000000e+00 : f32
      %broadcast_in_dim3A_865 = vector.broadcast %jit3A_864 : f32 to vector<8x256xf32>
      %select_n3A_866 = arith.select %gt3A_863, %get3A_837, %broadcast_in_dim3A_865 : vector<8x256xi1>, vector<8x256xf32>
      %add3A_867 = arith.addf %add3A_821, %select_n3A_866 : vector<8x256xf32>
      %gt3A_868 = arith.cmpi ugt, %get3A_834, %broadcast_in_dim3A_79 : vector<8x256xi32>
      %jit3A_869 = arith.constant 0.000000e+00 : f32
      %broadcast_in_dim3A_870 = vector.broadcast %jit3A_869 : f32 to vector<8x256xf32>
      %select_n3A_871 = arith.select %gt3A_868, %get3A_837, %broadcast_in_dim3A_870 : vector<8x256xi1>, vector<8x256xf32>
      %add3A_872 = arith.addf %add3A_826, %select_n3A_871 : vector<8x256xf32>
      %gt3A_873 = arith.cmpi ugt, %get3A_834, %broadcast_in_dim3A_82 : vector<8x256xi32>
      %jit3A_874 = arith.constant 0.000000e+00 : f32
      %broadcast_in_dim3A_875 = vector.broadcast %jit3A_874 : f32 to vector<8x256xf32>
      %select_n3A_876 = arith.select %gt3A_873, %get3A_837, %broadcast_in_dim3A_875 : vector<8x256xi1>, vector<8x256xf32>
      %add3A_877 = arith.addf %add3A_831, %select_n3A_876 : vector<8x256xf32>
      %get3A_878 = arith.constant 136 : index
      %get3A_879 = arith.constant 0 : index
      %get3A_880 = vector.load %arg4[%get3A_878, %get3A_879] : memref<200x256xi32, #tpu.memory_space<vmem>>, vector<8x256xi32>
      %get3A_881 = arith.constant 136 : index
      %get3A_882 = arith.constant 0 : index
      %get3A_883 = vector.load %arg5[%get3A_881, %get3A_882] : memref<200x256xf32, #tpu.memory_space<vmem>>, vector<8x256xf32>
      %gt3A_884 = arith.cmpi ugt, %get3A_880, %broadcast_in_dim3A_61 : vector<8x256xi32>
      %jit3A_885 = arith.constant 0.000000e+00 : f32
      %broadcast_in_dim3A_886 = vector.broadcast %jit3A_885 : f32 to vector<8x256xf32>
      %select_n3A_887 = arith.select %gt3A_884, %get3A_883, %broadcast_in_dim3A_886 : vector<8x256xi1>, vector<8x256xf32>
      %add3A_888 = arith.addf %add3A_842, %select_n3A_887 : vector<8x256xf32>
      %gt3A_889 = arith.cmpi ugt, %get3A_880, %broadcast_in_dim3A_64 : vector<8x256xi32>
      %jit3A_890 = arith.constant 0.000000e+00 : f32
      %broadcast_in_dim3A_891 = vector.broadcast %jit3A_890 : f32 to vector<8x256xf32>
      %select_n3A_892 = arith.select %gt3A_889, %get3A_883, %broadcast_in_dim3A_891 : vector<8x256xi1>, vector<8x256xf32>
      %add3A_893 = arith.addf %add3A_847, %select_n3A_892 : vector<8x256xf32>
      %gt3A_894 = arith.cmpi ugt, %get3A_880, %broadcast_in_dim3A_67 : vector<8x256xi32>
      %jit3A_895 = arith.constant 0.000000e+00 : f32
      %broadcast_in_dim3A_896 = vector.broadcast %jit3A_895 : f32 to vector<8x256xf32>
      %select_n3A_897 = arith.select %gt3A_894, %get3A_883, %broadcast_in_dim3A_896 : vector<8x256xi1>, vector<8x256xf32>
      %add3A_898 = arith.addf %add3A_852, %select_n3A_897 : vector<8x256xf32>
      %gt3A_899 = arith.cmpi ugt, %get3A_880, %broadcast_in_dim3A_70 : vector<8x256xi32>
      %jit3A_900 = arith.constant 0.000000e+00 : f32
      %broadcast_in_dim3A_901 = vector.broadcast %jit3A_900 : f32 to vector<8x256xf32>
      %select_n3A_902 = arith.select %gt3A_899, %get3A_883, %broadcast_in_dim3A_901 : vector<8x256xi1>, vector<8x256xf32>
      %add3A_903 = arith.addf %add3A_857, %select_n3A_902 : vector<8x256xf32>
      %gt3A_904 = arith.cmpi ugt, %get3A_880, %broadcast_in_dim3A_73 : vector<8x256xi32>
      %jit3A_905 = arith.constant 0.000000e+00 : f32
      %broadcast_in_dim3A_906 = vector.broadcast %jit3A_905 : f32 to vector<8x256xf32>
      %select_n3A_907 = arith.select %gt3A_904, %get3A_883, %broadcast_in_dim3A_906 : vector<8x256xi1>, vector<8x256xf32>
      %add3A_908 = arith.addf %add3A_862, %select_n3A_907 : vector<8x256xf32>
      %gt3A_909 = arith.cmpi ugt, %get3A_880, %broadcast_in_dim3A_76 : vector<8x256xi32>
      %jit3A_910 = arith.constant 0.000000e+00 : f32
      %broadcast_in_dim3A_911 = vector.broadcast %jit3A_910 : f32 to vector<8x256xf32>
      %select_n3A_912 = arith.select %gt3A_909, %get3A_883, %broadcast_in_dim3A_911 : vector<8x256xi1>, vector<8x256xf32>
      %add3A_913 = arith.addf %add3A_867, %select_n3A_912 : vector<8x256xf32>
      %gt3A_914 = arith.cmpi ugt, %get3A_880, %broadcast_in_dim3A_79 : vector<8x256xi32>
      %jit3A_915 = arith.constant 0.000000e+00 : f32
      %broadcast_in_dim3A_916 = vector.broadcast %jit3A_915 : f32 to vector<8x256xf32>
      %select_n3A_917 = arith.select %gt3A_914, %get3A_883, %broadcast_in_dim3A_916 : vector<8x256xi1>, vector<8x256xf32>
      %add3A_918 = arith.addf %add3A_872, %select_n3A_917 : vector<8x256xf32>
      %gt3A_919 = arith.cmpi ugt, %get3A_880, %broadcast_in_dim3A_82 : vector<8x256xi32>
      %jit3A_920 = arith.constant 0.000000e+00 : f32
      %broadcast_in_dim3A_921 = vector.broadcast %jit3A_920 : f32 to vector<8x256xf32>
      %select_n3A_922 = arith.select %gt3A_919, %get3A_883, %broadcast_in_dim3A_921 : vector<8x256xi1>, vector<8x256xf32>
      %add3A_923 = arith.addf %add3A_877, %select_n3A_922 : vector<8x256xf32>
      %get3A_924 = arith.constant 144 : index
      %get3A_925 = arith.constant 0 : index
      %get3A_926 = vector.load %arg4[%get3A_924, %get3A_925] : memref<200x256xi32, #tpu.memory_space<vmem>>, vector<8x256xi32>
      %get3A_927 = arith.constant 144 : index
      %get3A_928 = arith.constant 0 : index
      %get3A_929 = vector.load %arg5[%get3A_927, %get3A_928] : memref<200x256xf32, #tpu.memory_space<vmem>>, vector<8x256xf32>
      %gt3A_930 = arith.cmpi ugt, %get3A_926, %broadcast_in_dim3A_61 : vector<8x256xi32>
      %jit3A_931 = arith.constant 0.000000e+00 : f32
      %broadcast_in_dim3A_932 = vector.broadcast %jit3A_931 : f32 to vector<8x256xf32>
      %select_n3A_933 = arith.select %gt3A_930, %get3A_929, %broadcast_in_dim3A_932 : vector<8x256xi1>, vector<8x256xf32>
      %add3A_934 = arith.addf %add3A_888, %select_n3A_933 : vector<8x256xf32>
      %gt3A_935 = arith.cmpi ugt, %get3A_926, %broadcast_in_dim3A_64 : vector<8x256xi32>
      %jit3A_936 = arith.constant 0.000000e+00 : f32
      %broadcast_in_dim3A_937 = vector.broadcast %jit3A_936 : f32 to vector<8x256xf32>
      %select_n3A_938 = arith.select %gt3A_935, %get3A_929, %broadcast_in_dim3A_937 : vector<8x256xi1>, vector<8x256xf32>
      %add3A_939 = arith.addf %add3A_893, %select_n3A_938 : vector<8x256xf32>
      %gt3A_940 = arith.cmpi ugt, %get3A_926, %broadcast_in_dim3A_67 : vector<8x256xi32>
      %jit3A_941 = arith.constant 0.000000e+00 : f32
      %broadcast_in_dim3A_942 = vector.broadcast %jit3A_941 : f32 to vector<8x256xf32>
      %select_n3A_943 = arith.select %gt3A_940, %get3A_929, %broadcast_in_dim3A_942 : vector<8x256xi1>, vector<8x256xf32>
      %add3A_944 = arith.addf %add3A_898, %select_n3A_943 : vector<8x256xf32>
      %gt3A_945 = arith.cmpi ugt, %get3A_926, %broadcast_in_dim3A_70 : vector<8x256xi32>
      %jit3A_946 = arith.constant 0.000000e+00 : f32
      %broadcast_in_dim3A_947 = vector.broadcast %jit3A_946 : f32 to vector<8x256xf32>
      %select_n3A_948 = arith.select %gt3A_945, %get3A_929, %broadcast_in_dim3A_947 : vector<8x256xi1>, vector<8x256xf32>
      %add3A_949 = arith.addf %add3A_903, %select_n3A_948 : vector<8x256xf32>
      %gt3A_950 = arith.cmpi ugt, %get3A_926, %broadcast_in_dim3A_73 : vector<8x256xi32>
      %jit3A_951 = arith.constant 0.000000e+00 : f32
      %broadcast_in_dim3A_952 = vector.broadcast %jit3A_951 : f32 to vector<8x256xf32>
      %select_n3A_953 = arith.select %gt3A_950, %get3A_929, %broadcast_in_dim3A_952 : vector<8x256xi1>, vector<8x256xf32>
      %add3A_954 = arith.addf %add3A_908, %select_n3A_953 : vector<8x256xf32>
      %gt3A_955 = arith.cmpi ugt, %get3A_926, %broadcast_in_dim3A_76 : vector<8x256xi32>
      %jit3A_956 = arith.constant 0.000000e+00 : f32
      %broadcast_in_dim3A_957 = vector.broadcast %jit3A_956 : f32 to vector<8x256xf32>
      %select_n3A_958 = arith.select %gt3A_955, %get3A_929, %broadcast_in_dim3A_957 : vector<8x256xi1>, vector<8x256xf32>
      %add3A_959 = arith.addf %add3A_913, %select_n3A_958 : vector<8x256xf32>
      %gt3A_960 = arith.cmpi ugt, %get3A_926, %broadcast_in_dim3A_79 : vector<8x256xi32>
      %jit3A_961 = arith.constant 0.000000e+00 : f32
      %broadcast_in_dim3A_962 = vector.broadcast %jit3A_961 : f32 to vector<8x256xf32>
      %select_n3A_963 = arith.select %gt3A_960, %get3A_929, %broadcast_in_dim3A_962 : vector<8x256xi1>, vector<8x256xf32>
      %add3A_964 = arith.addf %add3A_918, %select_n3A_963 : vector<8x256xf32>
      %gt3A_965 = arith.cmpi ugt, %get3A_926, %broadcast_in_dim3A_82 : vector<8x256xi32>
      %jit3A_966 = arith.constant 0.000000e+00 : f32
      %broadcast_in_dim3A_967 = vector.broadcast %jit3A_966 : f32 to vector<8x256xf32>
      %select_n3A_968 = arith.select %gt3A_965, %get3A_929, %broadcast_in_dim3A_967 : vector<8x256xi1>, vector<8x256xf32>
      %add3A_969 = arith.addf %add3A_923, %select_n3A_968 : vector<8x256xf32>
      %get3A_970 = arith.constant 152 : index
      %get3A_971 = arith.constant 0 : index
      %get3A_972 = vector.load %arg4[%get3A_970, %get3A_971] : memref<200x256xi32, #tpu.memory_space<vmem>>, vector<8x256xi32>
      %get3A_973 = arith.constant 152 : index
      %get3A_974 = arith.constant 0 : index
      %get3A_975 = vector.load %arg5[%get3A_973, %get3A_974] : memref<200x256xf32, #tpu.memory_space<vmem>>, vector<8x256xf32>
      %gt3A_976 = arith.cmpi ugt, %get3A_972, %broadcast_in_dim3A_61 : vector<8x256xi32>
      %jit3A_977 = arith.constant 0.000000e+00 : f32
      %broadcast_in_dim3A_978 = vector.broadcast %jit3A_977 : f32 to vector<8x256xf32>
      %select_n3A_979 = arith.select %gt3A_976, %get3A_975, %broadcast_in_dim3A_978 : vector<8x256xi1>, vector<8x256xf32>
      %add3A_980 = arith.addf %add3A_934, %select_n3A_979 : vector<8x256xf32>
      %gt3A_981 = arith.cmpi ugt, %get3A_972, %broadcast_in_dim3A_64 : vector<8x256xi32>
      %jit3A_982 = arith.constant 0.000000e+00 : f32
      %broadcast_in_dim3A_983 = vector.broadcast %jit3A_982 : f32 to vector<8x256xf32>
      %select_n3A_984 = arith.select %gt3A_981, %get3A_975, %broadcast_in_dim3A_983 : vector<8x256xi1>, vector<8x256xf32>
      %add3A_985 = arith.addf %add3A_939, %select_n3A_984 : vector<8x256xf32>
      %gt3A_986 = arith.cmpi ugt, %get3A_972, %broadcast_in_dim3A_67 : vector<8x256xi32>
      %jit3A_987 = arith.constant 0.000000e+00 : f32
      %broadcast_in_dim3A_988 = vector.broadcast %jit3A_987 : f32 to vector<8x256xf32>
      %select_n3A_989 = arith.select %gt3A_986, %get3A_975, %broadcast_in_dim3A_988 : vector<8x256xi1>, vector<8x256xf32>
      %add3A_990 = arith.addf %add3A_944, %select_n3A_989 : vector<8x256xf32>
      %gt3A_991 = arith.cmpi ugt, %get3A_972, %broadcast_in_dim3A_70 : vector<8x256xi32>
      %jit3A_992 = arith.constant 0.000000e+00 : f32
      %broadcast_in_dim3A_993 = vector.broadcast %jit3A_992 : f32 to vector<8x256xf32>
      %select_n3A_994 = arith.select %gt3A_991, %get3A_975, %broadcast_in_dim3A_993 : vector<8x256xi1>, vector<8x256xf32>
      %add3A_995 = arith.addf %add3A_949, %select_n3A_994 : vector<8x256xf32>
      %gt3A_996 = arith.cmpi ugt, %get3A_972, %broadcast_in_dim3A_73 : vector<8x256xi32>
      %jit3A_997 = arith.constant 0.000000e+00 : f32
      %broadcast_in_dim3A_998 = vector.broadcast %jit3A_997 : f32 to vector<8x256xf32>
      %select_n3A_999 = arith.select %gt3A_996, %get3A_975, %broadcast_in_dim3A_998 : vector<8x256xi1>, vector<8x256xf32>
      %add3A_1000 = arith.addf %add3A_954, %select_n3A_999 : vector<8x256xf32>
      %gt3A_1001 = arith.cmpi ugt, %get3A_972, %broadcast_in_dim3A_76 : vector<8x256xi32>
      %jit3A_1002 = arith.constant 0.000000e+00 : f32
      %broadcast_in_dim3A_1003 = vector.broadcast %jit3A_1002 : f32 to vector<8x256xf32>
      %select_n3A_1004 = arith.select %gt3A_1001, %get3A_975, %broadcast_in_dim3A_1003 : vector<8x256xi1>, vector<8x256xf32>
      %add3A_1005 = arith.addf %add3A_959, %select_n3A_1004 : vector<8x256xf32>
      %gt3A_1006 = arith.cmpi ugt, %get3A_972, %broadcast_in_dim3A_79 : vector<8x256xi32>
      %jit3A_1007 = arith.constant 0.000000e+00 : f32
      %broadcast_in_dim3A_1008 = vector.broadcast %jit3A_1007 : f32 to vector<8x256xf32>
      %select_n3A_1009 = arith.select %gt3A_1006, %get3A_975, %broadcast_in_dim3A_1008 : vector<8x256xi1>, vector<8x256xf32>
      %add3A_1010 = arith.addf %add3A_964, %select_n3A_1009 : vector<8x256xf32>
      %gt3A_1011 = arith.cmpi ugt, %get3A_972, %broadcast_in_dim3A_82 : vector<8x256xi32>
      %jit3A_1012 = arith.constant 0.000000e+00 : f32
      %broadcast_in_dim3A_1013 = vector.broadcast %jit3A_1012 : f32 to vector<8x256xf32>
      %select_n3A_1014 = arith.select %gt3A_1011, %get3A_975, %broadcast_in_dim3A_1013 : vector<8x256xi1>, vector<8x256xf32>
      %add3A_1015 = arith.addf %add3A_969, %select_n3A_1014 : vector<8x256xf32>
      %get3A_1016 = arith.constant 160 : index
      %get3A_1017 = arith.constant 0 : index
      %get3A_1018 = vector.load %arg4[%get3A_1016, %get3A_1017] : memref<200x256xi32, #tpu.memory_space<vmem>>, vector<8x256xi32>
      %get3A_1019 = arith.constant 160 : index
      %get3A_1020 = arith.constant 0 : index
      %get3A_1021 = vector.load %arg5[%get3A_1019, %get3A_1020] : memref<200x256xf32, #tpu.memory_space<vmem>>, vector<8x256xf32>
      %gt3A_1022 = arith.cmpi ugt, %get3A_1018, %broadcast_in_dim3A_61 : vector<8x256xi32>
      %jit3A_1023 = arith.constant 0.000000e+00 : f32
      %broadcast_in_dim3A_1024 = vector.broadcast %jit3A_1023 : f32 to vector<8x256xf32>
      %select_n3A_1025 = arith.select %gt3A_1022, %get3A_1021, %broadcast_in_dim3A_1024 : vector<8x256xi1>, vector<8x256xf32>
      %add3A_1026 = arith.addf %add3A_980, %select_n3A_1025 : vector<8x256xf32>
      %gt3A_1027 = arith.cmpi ugt, %get3A_1018, %broadcast_in_dim3A_64 : vector<8x256xi32>
      %jit3A_1028 = arith.constant 0.000000e+00 : f32
      %broadcast_in_dim3A_1029 = vector.broadcast %jit3A_1028 : f32 to vector<8x256xf32>
      %select_n3A_1030 = arith.select %gt3A_1027, %get3A_1021, %broadcast_in_dim3A_1029 : vector<8x256xi1>, vector<8x256xf32>
      %add3A_1031 = arith.addf %add3A_985, %select_n3A_1030 : vector<8x256xf32>
      %gt3A_1032 = arith.cmpi ugt, %get3A_1018, %broadcast_in_dim3A_67 : vector<8x256xi32>
      %jit3A_1033 = arith.constant 0.000000e+00 : f32
      %broadcast_in_dim3A_1034 = vector.broadcast %jit3A_1033 : f32 to vector<8x256xf32>
      %select_n3A_1035 = arith.select %gt3A_1032, %get3A_1021, %broadcast_in_dim3A_1034 : vector<8x256xi1>, vector<8x256xf32>
      %add3A_1036 = arith.addf %add3A_990, %select_n3A_1035 : vector<8x256xf32>
      %gt3A_1037 = arith.cmpi ugt, %get3A_1018, %broadcast_in_dim3A_70 : vector<8x256xi32>
      %jit3A_1038 = arith.constant 0.000000e+00 : f32
      %broadcast_in_dim3A_1039 = vector.broadcast %jit3A_1038 : f32 to vector<8x256xf32>
      %select_n3A_1040 = arith.select %gt3A_1037, %get3A_1021, %broadcast_in_dim3A_1039 : vector<8x256xi1>, vector<8x256xf32>
      %add3A_1041 = arith.addf %add3A_995, %select_n3A_1040 : vector<8x256xf32>
      %gt3A_1042 = arith.cmpi ugt, %get3A_1018, %broadcast_in_dim3A_73 : vector<8x256xi32>
      %jit3A_1043 = arith.constant 0.000000e+00 : f32
      %broadcast_in_dim3A_1044 = vector.broadcast %jit3A_1043 : f32 to vector<8x256xf32>
      %select_n3A_1045 = arith.select %gt3A_1042, %get3A_1021, %broadcast_in_dim3A_1044 : vector<8x256xi1>, vector<8x256xf32>
      %add3A_1046 = arith.addf %add3A_1000, %select_n3A_1045 : vector<8x256xf32>
      %gt3A_1047 = arith.cmpi ugt, %get3A_1018, %broadcast_in_dim3A_76 : vector<8x256xi32>
      %jit3A_1048 = arith.constant 0.000000e+00 : f32
      %broadcast_in_dim3A_1049 = vector.broadcast %jit3A_1048 : f32 to vector<8x256xf32>
      %select_n3A_1050 = arith.select %gt3A_1047, %get3A_1021, %broadcast_in_dim3A_1049 : vector<8x256xi1>, vector<8x256xf32>
      %add3A_1051 = arith.addf %add3A_1005, %select_n3A_1050 : vector<8x256xf32>
      %gt3A_1052 = arith.cmpi ugt, %get3A_1018, %broadcast_in_dim3A_79 : vector<8x256xi32>
      %jit3A_1053 = arith.constant 0.000000e+00 : f32
      %broadcast_in_dim3A_1054 = vector.broadcast %jit3A_1053 : f32 to vector<8x256xf32>
      %select_n3A_1055 = arith.select %gt3A_1052, %get3A_1021, %broadcast_in_dim3A_1054 : vector<8x256xi1>, vector<8x256xf32>
      %add3A_1056 = arith.addf %add3A_1010, %select_n3A_1055 : vector<8x256xf32>
      %gt3A_1057 = arith.cmpi ugt, %get3A_1018, %broadcast_in_dim3A_82 : vector<8x256xi32>
      %jit3A_1058 = arith.constant 0.000000e+00 : f32
      %broadcast_in_dim3A_1059 = vector.broadcast %jit3A_1058 : f32 to vector<8x256xf32>
      %select_n3A_1060 = arith.select %gt3A_1057, %get3A_1021, %broadcast_in_dim3A_1059 : vector<8x256xi1>, vector<8x256xf32>
      %add3A_1061 = arith.addf %add3A_1015, %select_n3A_1060 : vector<8x256xf32>
      %get3A_1062 = arith.constant 168 : index
      %get3A_1063 = arith.constant 0 : index
      %get3A_1064 = vector.load %arg4[%get3A_1062, %get3A_1063] : memref<200x256xi32, #tpu.memory_space<vmem>>, vector<8x256xi32>
      %get3A_1065 = arith.constant 168 : index
      %get3A_1066 = arith.constant 0 : index
      %get3A_1067 = vector.load %arg5[%get3A_1065, %get3A_1066] : memref<200x256xf32, #tpu.memory_space<vmem>>, vector<8x256xf32>
      %gt3A_1068 = arith.cmpi ugt, %get3A_1064, %broadcast_in_dim3A_61 : vector<8x256xi32>
      %jit3A_1069 = arith.constant 0.000000e+00 : f32
      %broadcast_in_dim3A_1070 = vector.broadcast %jit3A_1069 : f32 to vector<8x256xf32>
      %select_n3A_1071 = arith.select %gt3A_1068, %get3A_1067, %broadcast_in_dim3A_1070 : vector<8x256xi1>, vector<8x256xf32>
      %add3A_1072 = arith.addf %add3A_1026, %select_n3A_1071 : vector<8x256xf32>
      %gt3A_1073 = arith.cmpi ugt, %get3A_1064, %broadcast_in_dim3A_64 : vector<8x256xi32>
      %jit3A_1074 = arith.constant 0.000000e+00 : f32
      %broadcast_in_dim3A_1075 = vector.broadcast %jit3A_1074 : f32 to vector<8x256xf32>
      %select_n3A_1076 = arith.select %gt3A_1073, %get3A_1067, %broadcast_in_dim3A_1075 : vector<8x256xi1>, vector<8x256xf32>
      %add3A_1077 = arith.addf %add3A_1031, %select_n3A_1076 : vector<8x256xf32>
      %gt3A_1078 = arith.cmpi ugt, %get3A_1064, %broadcast_in_dim3A_67 : vector<8x256xi32>
      %jit3A_1079 = arith.constant 0.000000e+00 : f32
      %broadcast_in_dim3A_1080 = vector.broadcast %jit3A_1079 : f32 to vector<8x256xf32>
      %select_n3A_1081 = arith.select %gt3A_1078, %get3A_1067, %broadcast_in_dim3A_1080 : vector<8x256xi1>, vector<8x256xf32>
      %add3A_1082 = arith.addf %add3A_1036, %select_n3A_1081 : vector<8x256xf32>
      %gt3A_1083 = arith.cmpi ugt, %get3A_1064, %broadcast_in_dim3A_70 : vector<8x256xi32>
      %jit3A_1084 = arith.constant 0.000000e+00 : f32
      %broadcast_in_dim3A_1085 = vector.broadcast %jit3A_1084 : f32 to vector<8x256xf32>
      %select_n3A_1086 = arith.select %gt3A_1083, %get3A_1067, %broadcast_in_dim3A_1085 : vector<8x256xi1>, vector<8x256xf32>
      %add3A_1087 = arith.addf %add3A_1041, %select_n3A_1086 : vector<8x256xf32>
      %gt3A_1088 = arith.cmpi ugt, %get3A_1064, %broadcast_in_dim3A_73 : vector<8x256xi32>
      %jit3A_1089 = arith.constant 0.000000e+00 : f32
      %broadcast_in_dim3A_1090 = vector.broadcast %jit3A_1089 : f32 to vector<8x256xf32>
      %select_n3A_1091 = arith.select %gt3A_1088, %get3A_1067, %broadcast_in_dim3A_1090 : vector<8x256xi1>, vector<8x256xf32>
      %add3A_1092 = arith.addf %add3A_1046, %select_n3A_1091 : vector<8x256xf32>
      %gt3A_1093 = arith.cmpi ugt, %get3A_1064, %broadcast_in_dim3A_76 : vector<8x256xi32>
      %jit3A_1094 = arith.constant 0.000000e+00 : f32
      %broadcast_in_dim3A_1095 = vector.broadcast %jit3A_1094 : f32 to vector<8x256xf32>
      %select_n3A_1096 = arith.select %gt3A_1093, %get3A_1067, %broadcast_in_dim3A_1095 : vector<8x256xi1>, vector<8x256xf32>
      %add3A_1097 = arith.addf %add3A_1051, %select_n3A_1096 : vector<8x256xf32>
      %gt3A_1098 = arith.cmpi ugt, %get3A_1064, %broadcast_in_dim3A_79 : vector<8x256xi32>
      %jit3A_1099 = arith.constant 0.000000e+00 : f32
      %broadcast_in_dim3A_1100 = vector.broadcast %jit3A_1099 : f32 to vector<8x256xf32>
      %select_n3A_1101 = arith.select %gt3A_1098, %get3A_1067, %broadcast_in_dim3A_1100 : vector<8x256xi1>, vector<8x256xf32>
      %add3A_1102 = arith.addf %add3A_1056, %select_n3A_1101 : vector<8x256xf32>
      %gt3A_1103 = arith.cmpi ugt, %get3A_1064, %broadcast_in_dim3A_82 : vector<8x256xi32>
      %jit3A_1104 = arith.constant 0.000000e+00 : f32
      %broadcast_in_dim3A_1105 = vector.broadcast %jit3A_1104 : f32 to vector<8x256xf32>
      %select_n3A_1106 = arith.select %gt3A_1103, %get3A_1067, %broadcast_in_dim3A_1105 : vector<8x256xi1>, vector<8x256xf32>
      %add3A_1107 = arith.addf %add3A_1061, %select_n3A_1106 : vector<8x256xf32>
      %get3A_1108 = arith.constant 176 : index
      %get3A_1109 = arith.constant 0 : index
      %get3A_1110 = vector.load %arg4[%get3A_1108, %get3A_1109] : memref<200x256xi32, #tpu.memory_space<vmem>>, vector<8x256xi32>
      %get3A_1111 = arith.constant 176 : index
      %get3A_1112 = arith.constant 0 : index
      %get3A_1113 = vector.load %arg5[%get3A_1111, %get3A_1112] : memref<200x256xf32, #tpu.memory_space<vmem>>, vector<8x256xf32>
      %gt3A_1114 = arith.cmpi ugt, %get3A_1110, %broadcast_in_dim3A_61 : vector<8x256xi32>
      %jit3A_1115 = arith.constant 0.000000e+00 : f32
      %broadcast_in_dim3A_1116 = vector.broadcast %jit3A_1115 : f32 to vector<8x256xf32>
      %select_n3A_1117 = arith.select %gt3A_1114, %get3A_1113, %broadcast_in_dim3A_1116 : vector<8x256xi1>, vector<8x256xf32>
      %add3A_1118 = arith.addf %add3A_1072, %select_n3A_1117 : vector<8x256xf32>
      %gt3A_1119 = arith.cmpi ugt, %get3A_1110, %broadcast_in_dim3A_64 : vector<8x256xi32>
      %jit3A_1120 = arith.constant 0.000000e+00 : f32
      %broadcast_in_dim3A_1121 = vector.broadcast %jit3A_1120 : f32 to vector<8x256xf32>
      %select_n3A_1122 = arith.select %gt3A_1119, %get3A_1113, %broadcast_in_dim3A_1121 : vector<8x256xi1>, vector<8x256xf32>
      %add3A_1123 = arith.addf %add3A_1077, %select_n3A_1122 : vector<8x256xf32>
      %gt3A_1124 = arith.cmpi ugt, %get3A_1110, %broadcast_in_dim3A_67 : vector<8x256xi32>
      %jit3A_1125 = arith.constant 0.000000e+00 : f32
      %broadcast_in_dim3A_1126 = vector.broadcast %jit3A_1125 : f32 to vector<8x256xf32>
      %select_n3A_1127 = arith.select %gt3A_1124, %get3A_1113, %broadcast_in_dim3A_1126 : vector<8x256xi1>, vector<8x256xf32>
      %add3A_1128 = arith.addf %add3A_1082, %select_n3A_1127 : vector<8x256xf32>
      %gt3A_1129 = arith.cmpi ugt, %get3A_1110, %broadcast_in_dim3A_70 : vector<8x256xi32>
      %jit3A_1130 = arith.constant 0.000000e+00 : f32
      %broadcast_in_dim3A_1131 = vector.broadcast %jit3A_1130 : f32 to vector<8x256xf32>
      %select_n3A_1132 = arith.select %gt3A_1129, %get3A_1113, %broadcast_in_dim3A_1131 : vector<8x256xi1>, vector<8x256xf32>
      %add3A_1133 = arith.addf %add3A_1087, %select_n3A_1132 : vector<8x256xf32>
      %gt3A_1134 = arith.cmpi ugt, %get3A_1110, %broadcast_in_dim3A_73 : vector<8x256xi32>
      %jit3A_1135 = arith.constant 0.000000e+00 : f32
      %broadcast_in_dim3A_1136 = vector.broadcast %jit3A_1135 : f32 to vector<8x256xf32>
      %select_n3A_1137 = arith.select %gt3A_1134, %get3A_1113, %broadcast_in_dim3A_1136 : vector<8x256xi1>, vector<8x256xf32>
      %add3A_1138 = arith.addf %add3A_1092, %select_n3A_1137 : vector<8x256xf32>
      %gt3A_1139 = arith.cmpi ugt, %get3A_1110, %broadcast_in_dim3A_76 : vector<8x256xi32>
      %jit3A_1140 = arith.constant 0.000000e+00 : f32
      %broadcast_in_dim3A_1141 = vector.broadcast %jit3A_1140 : f32 to vector<8x256xf32>
      %select_n3A_1142 = arith.select %gt3A_1139, %get3A_1113, %broadcast_in_dim3A_1141 : vector<8x256xi1>, vector<8x256xf32>
      %add3A_1143 = arith.addf %add3A_1097, %select_n3A_1142 : vector<8x256xf32>
      %gt3A_1144 = arith.cmpi ugt, %get3A_1110, %broadcast_in_dim3A_79 : vector<8x256xi32>
      %jit3A_1145 = arith.constant 0.000000e+00 : f32
      %broadcast_in_dim3A_1146 = vector.broadcast %jit3A_1145 : f32 to vector<8x256xf32>
      %select_n3A_1147 = arith.select %gt3A_1144, %get3A_1113, %broadcast_in_dim3A_1146 : vector<8x256xi1>, vector<8x256xf32>
      %add3A_1148 = arith.addf %add3A_1102, %select_n3A_1147 : vector<8x256xf32>
      %gt3A_1149 = arith.cmpi ugt, %get3A_1110, %broadcast_in_dim3A_82 : vector<8x256xi32>
      %jit3A_1150 = arith.constant 0.000000e+00 : f32
      %broadcast_in_dim3A_1151 = vector.broadcast %jit3A_1150 : f32 to vector<8x256xf32>
      %select_n3A_1152 = arith.select %gt3A_1149, %get3A_1113, %broadcast_in_dim3A_1151 : vector<8x256xi1>, vector<8x256xf32>
      %add3A_1153 = arith.addf %add3A_1107, %select_n3A_1152 : vector<8x256xf32>
      %get3A_1154 = arith.constant 184 : index
      %get3A_1155 = arith.constant 0 : index
      %get3A_1156 = vector.load %arg4[%get3A_1154, %get3A_1155] : memref<200x256xi32, #tpu.memory_space<vmem>>, vector<8x256xi32>
      %get3A_1157 = arith.constant 184 : index
      %get3A_1158 = arith.constant 0 : index
      %get3A_1159 = vector.load %arg5[%get3A_1157, %get3A_1158] : memref<200x256xf32, #tpu.memory_space<vmem>>, vector<8x256xf32>
      %gt3A_1160 = arith.cmpi ugt, %get3A_1156, %broadcast_in_dim3A_61 : vector<8x256xi32>
      %jit3A_1161 = arith.constant 0.000000e+00 : f32
      %broadcast_in_dim3A_1162 = vector.broadcast %jit3A_1161 : f32 to vector<8x256xf32>
      %select_n3A_1163 = arith.select %gt3A_1160, %get3A_1159, %broadcast_in_dim3A_1162 : vector<8x256xi1>, vector<8x256xf32>
      %add3A_1164 = arith.addf %add3A_1118, %select_n3A_1163 : vector<8x256xf32>
      %gt3A_1165 = arith.cmpi ugt, %get3A_1156, %broadcast_in_dim3A_64 : vector<8x256xi32>
      %jit3A_1166 = arith.constant 0.000000e+00 : f32
      %broadcast_in_dim3A_1167 = vector.broadcast %jit3A_1166 : f32 to vector<8x256xf32>
      %select_n3A_1168 = arith.select %gt3A_1165, %get3A_1159, %broadcast_in_dim3A_1167 : vector<8x256xi1>, vector<8x256xf32>
      %add3A_1169 = arith.addf %add3A_1123, %select_n3A_1168 : vector<8x256xf32>
      %gt3A_1170 = arith.cmpi ugt, %get3A_1156, %broadcast_in_dim3A_67 : vector<8x256xi32>
      %jit3A_1171 = arith.constant 0.000000e+00 : f32
      %broadcast_in_dim3A_1172 = vector.broadcast %jit3A_1171 : f32 to vector<8x256xf32>
      %select_n3A_1173 = arith.select %gt3A_1170, %get3A_1159, %broadcast_in_dim3A_1172 : vector<8x256xi1>, vector<8x256xf32>
      %add3A_1174 = arith.addf %add3A_1128, %select_n3A_1173 : vector<8x256xf32>
      %gt3A_1175 = arith.cmpi ugt, %get3A_1156, %broadcast_in_dim3A_70 : vector<8x256xi32>
      %jit3A_1176 = arith.constant 0.000000e+00 : f32
      %broadcast_in_dim3A_1177 = vector.broadcast %jit3A_1176 : f32 to vector<8x256xf32>
      %select_n3A_1178 = arith.select %gt3A_1175, %get3A_1159, %broadcast_in_dim3A_1177 : vector<8x256xi1>, vector<8x256xf32>
      %add3A_1179 = arith.addf %add3A_1133, %select_n3A_1178 : vector<8x256xf32>
      %gt3A_1180 = arith.cmpi ugt, %get3A_1156, %broadcast_in_dim3A_73 : vector<8x256xi32>
      %jit3A_1181 = arith.constant 0.000000e+00 : f32
      %broadcast_in_dim3A_1182 = vector.broadcast %jit3A_1181 : f32 to vector<8x256xf32>
      %select_n3A_1183 = arith.select %gt3A_1180, %get3A_1159, %broadcast_in_dim3A_1182 : vector<8x256xi1>, vector<8x256xf32>
      %add3A_1184 = arith.addf %add3A_1138, %select_n3A_1183 : vector<8x256xf32>
      %gt3A_1185 = arith.cmpi ugt, %get3A_1156, %broadcast_in_dim3A_76 : vector<8x256xi32>
      %jit3A_1186 = arith.constant 0.000000e+00 : f32
      %broadcast_in_dim3A_1187 = vector.broadcast %jit3A_1186 : f32 to vector<8x256xf32>
      %select_n3A_1188 = arith.select %gt3A_1185, %get3A_1159, %broadcast_in_dim3A_1187 : vector<8x256xi1>, vector<8x256xf32>
      %add3A_1189 = arith.addf %add3A_1143, %select_n3A_1188 : vector<8x256xf32>
      %gt3A_1190 = arith.cmpi ugt, %get3A_1156, %broadcast_in_dim3A_79 : vector<8x256xi32>
      %jit3A_1191 = arith.constant 0.000000e+00 : f32
      %broadcast_in_dim3A_1192 = vector.broadcast %jit3A_1191 : f32 to vector<8x256xf32>
      %select_n3A_1193 = arith.select %gt3A_1190, %get3A_1159, %broadcast_in_dim3A_1192 : vector<8x256xi1>, vector<8x256xf32>
      %add3A_1194 = arith.addf %add3A_1148, %select_n3A_1193 : vector<8x256xf32>
      %gt3A_1195 = arith.cmpi ugt, %get3A_1156, %broadcast_in_dim3A_82 : vector<8x256xi32>
      %jit3A_1196 = arith.constant 0.000000e+00 : f32
      %broadcast_in_dim3A_1197 = vector.broadcast %jit3A_1196 : f32 to vector<8x256xf32>
      %select_n3A_1198 = arith.select %gt3A_1195, %get3A_1159, %broadcast_in_dim3A_1197 : vector<8x256xi1>, vector<8x256xf32>
      %add3A_1199 = arith.addf %add3A_1153, %select_n3A_1198 : vector<8x256xf32>
      %get3A_1200 = arith.constant 192 : index
      %get3A_1201 = arith.constant 0 : index
      %get3A_1202 = vector.load %arg4[%get3A_1200, %get3A_1201] : memref<200x256xi32, #tpu.memory_space<vmem>>, vector<8x256xi32>
      %get3A_1203 = arith.constant 192 : index
      %get3A_1204 = arith.constant 0 : index
      %get3A_1205 = vector.load %arg5[%get3A_1203, %get3A_1204] : memref<200x256xf32, #tpu.memory_space<vmem>>, vector<8x256xf32>
      %gt3A_1206 = arith.cmpi ugt, %get3A_1202, %broadcast_in_dim3A_61 : vector<8x256xi32>
      %jit3A_1207 = arith.constant 0.000000e+00 : f32
      %broadcast_in_dim3A_1208 = vector.broadcast %jit3A_1207 : f32 to vector<8x256xf32>
      %select_n3A_1209 = arith.select %gt3A_1206, %get3A_1205, %broadcast_in_dim3A_1208 : vector<8x256xi1>, vector<8x256xf32>
      %add3A_1210 = arith.addf %add3A_1164, %select_n3A_1209 : vector<8x256xf32>
      %gt3A_1211 = arith.cmpi ugt, %get3A_1202, %broadcast_in_dim3A_64 : vector<8x256xi32>
      %jit3A_1212 = arith.constant 0.000000e+00 : f32
      %broadcast_in_dim3A_1213 = vector.broadcast %jit3A_1212 : f32 to vector<8x256xf32>
      %select_n3A_1214 = arith.select %gt3A_1211, %get3A_1205, %broadcast_in_dim3A_1213 : vector<8x256xi1>, vector<8x256xf32>
      %add3A_1215 = arith.addf %add3A_1169, %select_n3A_1214 : vector<8x256xf32>
      %gt3A_1216 = arith.cmpi ugt, %get3A_1202, %broadcast_in_dim3A_67 : vector<8x256xi32>
      %jit3A_1217 = arith.constant 0.000000e+00 : f32
      %broadcast_in_dim3A_1218 = vector.broadcast %jit3A_1217 : f32 to vector<8x256xf32>
      %select_n3A_1219 = arith.select %gt3A_1216, %get3A_1205, %broadcast_in_dim3A_1218 : vector<8x256xi1>, vector<8x256xf32>
      %add3A_1220 = arith.addf %add3A_1174, %select_n3A_1219 : vector<8x256xf32>
      %gt3A_1221 = arith.cmpi ugt, %get3A_1202, %broadcast_in_dim3A_70 : vector<8x256xi32>
      %jit3A_1222 = arith.constant 0.000000e+00 : f32
      %broadcast_in_dim3A_1223 = vector.broadcast %jit3A_1222 : f32 to vector<8x256xf32>
      %select_n3A_1224 = arith.select %gt3A_1221, %get3A_1205, %broadcast_in_dim3A_1223 : vector<8x256xi1>, vector<8x256xf32>
      %add3A_1225 = arith.addf %add3A_1179, %select_n3A_1224 : vector<8x256xf32>
      %gt3A_1226 = arith.cmpi ugt, %get3A_1202, %broadcast_in_dim3A_73 : vector<8x256xi32>
      %jit3A_1227 = arith.constant 0.000000e+00 : f32
      %broadcast_in_dim3A_1228 = vector.broadcast %jit3A_1227 : f32 to vector<8x256xf32>
      %select_n3A_1229 = arith.select %gt3A_1226, %get3A_1205, %broadcast_in_dim3A_1228 : vector<8x256xi1>, vector<8x256xf32>
      %add3A_1230 = arith.addf %add3A_1184, %select_n3A_1229 : vector<8x256xf32>
      %gt3A_1231 = arith.cmpi ugt, %get3A_1202, %broadcast_in_dim3A_76 : vector<8x256xi32>
      %jit3A_1232 = arith.constant 0.000000e+00 : f32
      %broadcast_in_dim3A_1233 = vector.broadcast %jit3A_1232 : f32 to vector<8x256xf32>
      %select_n3A_1234 = arith.select %gt3A_1231, %get3A_1205, %broadcast_in_dim3A_1233 : vector<8x256xi1>, vector<8x256xf32>
      %add3A_1235 = arith.addf %add3A_1189, %select_n3A_1234 : vector<8x256xf32>
      %gt3A_1236 = arith.cmpi ugt, %get3A_1202, %broadcast_in_dim3A_79 : vector<8x256xi32>
      %jit3A_1237 = arith.constant 0.000000e+00 : f32
      %broadcast_in_dim3A_1238 = vector.broadcast %jit3A_1237 : f32 to vector<8x256xf32>
      %select_n3A_1239 = arith.select %gt3A_1236, %get3A_1205, %broadcast_in_dim3A_1238 : vector<8x256xi1>, vector<8x256xf32>
      %add3A_1240 = arith.addf %add3A_1194, %select_n3A_1239 : vector<8x256xf32>
      %gt3A_1241 = arith.cmpi ugt, %get3A_1202, %broadcast_in_dim3A_82 : vector<8x256xi32>
      %jit3A_1242 = arith.constant 0.000000e+00 : f32
      %broadcast_in_dim3A_1243 = vector.broadcast %jit3A_1242 : f32 to vector<8x256xf32>
      %select_n3A_1244 = arith.select %gt3A_1241, %get3A_1205, %broadcast_in_dim3A_1243 : vector<8x256xi1>, vector<8x256xf32>
      %add3A_1245 = arith.addf %add3A_1199, %select_n3A_1244 : vector<8x256xf32>
      %eq3A_1246 = arith.cmpi eq, %get3A_56, %broadcast_in_dim3A_61 : vector<8x256xi32>
      %le3A = arith.constant 0 : i32
      %le3A_1247 = vector.broadcast %le3A : i32 to vector<8x256xi32>
      %le3A_1248 = arith.cmpi ule, %iota3A, %le3A_1247 : vector<8x256xi32>
      %and3A = arith.andi %eq3A_1246, %le3A_1248 : vector<8x256xi1>
      %jit3A_1249 = arith.constant 0.000000e+00 : f32
      %broadcast_in_dim3A_1250 = vector.broadcast %jit3A_1249 : f32 to vector<8x256xf32>
      %select_n3A_1251 = arith.select %and3A, %get3A_59, %broadcast_in_dim3A_1250 : vector<8x256xi1>, vector<8x256xf32>
      %add3A_1252 = arith.addf %add3A_1210, %select_n3A_1251 : vector<8x256xf32>
      %reduce_sum3A_1253 = arith.constant dense<0.000000e+00> : vector<256xf32>
      %reduce_sum3A_1254 = vector.multi_reduction <add>, %add3A_1252, %reduce_sum3A_1253 [0] : vector<8x256xf32> to vector<256xf32>
      %broadcast_in_dim3A_1255 = vector.shape_cast %reduce_sum3A_1254 : vector<256xf32> to vector<1x256xf32>
      %eq3A_1256 = arith.cmpi eq, %get3A_56, %broadcast_in_dim3A_64 : vector<8x256xi32>
      %le3A_1257 = arith.constant 1 : i32
      %le3A_1258 = vector.broadcast %le3A_1257 : i32 to vector<8x256xi32>
      %le3A_1259 = arith.cmpi ule, %iota3A, %le3A_1258 : vector<8x256xi32>
      %and3A_1260 = arith.andi %eq3A_1256, %le3A_1259 : vector<8x256xi1>
      %jit3A_1261 = arith.constant 0.000000e+00 : f32
      %broadcast_in_dim3A_1262 = vector.broadcast %jit3A_1261 : f32 to vector<8x256xf32>
      %select_n3A_1263 = arith.select %and3A_1260, %get3A_59, %broadcast_in_dim3A_1262 : vector<8x256xi1>, vector<8x256xf32>
      %add3A_1264 = arith.addf %add3A_1215, %select_n3A_1263 : vector<8x256xf32>
      %reduce_sum3A_1265 = arith.constant dense<0.000000e+00> : vector<256xf32>
      %reduce_sum3A_1266 = vector.multi_reduction <add>, %add3A_1264, %reduce_sum3A_1265 [0] : vector<8x256xf32> to vector<256xf32>
      %broadcast_in_dim3A_1267 = vector.shape_cast %reduce_sum3A_1266 : vector<256xf32> to vector<1x256xf32>
      %eq3A_1268 = arith.cmpi eq, %get3A_56, %broadcast_in_dim3A_67 : vector<8x256xi32>
      %le3A_1269 = arith.constant 2 : i32
      %le3A_1270 = vector.broadcast %le3A_1269 : i32 to vector<8x256xi32>
      %le3A_1271 = arith.cmpi ule, %iota3A, %le3A_1270 : vector<8x256xi32>
      %and3A_1272 = arith.andi %eq3A_1268, %le3A_1271 : vector<8x256xi1>
      %jit3A_1273 = arith.constant 0.000000e+00 : f32
      %broadcast_in_dim3A_1274 = vector.broadcast %jit3A_1273 : f32 to vector<8x256xf32>
      %select_n3A_1275 = arith.select %and3A_1272, %get3A_59, %broadcast_in_dim3A_1274 : vector<8x256xi1>, vector<8x256xf32>
      %add3A_1276 = arith.addf %add3A_1220, %select_n3A_1275 : vector<8x256xf32>
      %reduce_sum3A_1277 = arith.constant dense<0.000000e+00> : vector<256xf32>
      %reduce_sum3A_1278 = vector.multi_reduction <add>, %add3A_1276, %reduce_sum3A_1277 [0] : vector<8x256xf32> to vector<256xf32>
      %broadcast_in_dim3A_1279 = vector.shape_cast %reduce_sum3A_1278 : vector<256xf32> to vector<1x256xf32>
      %eq3A_1280 = arith.cmpi eq, %get3A_56, %broadcast_in_dim3A_70 : vector<8x256xi32>
      %le3A_1281 = arith.constant 3 : i32
      %le3A_1282 = vector.broadcast %le3A_1281 : i32 to vector<8x256xi32>
      %le3A_1283 = arith.cmpi ule, %iota3A, %le3A_1282 : vector<8x256xi32>
      %and3A_1284 = arith.andi %eq3A_1280, %le3A_1283 : vector<8x256xi1>
      %jit3A_1285 = arith.constant 0.000000e+00 : f32
      %broadcast_in_dim3A_1286 = vector.broadcast %jit3A_1285 : f32 to vector<8x256xf32>
      %select_n3A_1287 = arith.select %and3A_1284, %get3A_59, %broadcast_in_dim3A_1286 : vector<8x256xi1>, vector<8x256xf32>
      %add3A_1288 = arith.addf %add3A_1225, %select_n3A_1287 : vector<8x256xf32>
      %reduce_sum3A_1289 = arith.constant dense<0.000000e+00> : vector<256xf32>
      %reduce_sum3A_1290 = vector.multi_reduction <add>, %add3A_1288, %reduce_sum3A_1289 [0] : vector<8x256xf32> to vector<256xf32>
      %broadcast_in_dim3A_1291 = vector.shape_cast %reduce_sum3A_1290 : vector<256xf32> to vector<1x256xf32>
      %eq3A_1292 = arith.cmpi eq, %get3A_56, %broadcast_in_dim3A_73 : vector<8x256xi32>
      %le3A_1293 = arith.constant 4 : i32
      %le3A_1294 = vector.broadcast %le3A_1293 : i32 to vector<8x256xi32>
      %le3A_1295 = arith.cmpi ule, %iota3A, %le3A_1294 : vector<8x256xi32>
      %and3A_1296 = arith.andi %eq3A_1292, %le3A_1295 : vector<8x256xi1>
      %jit3A_1297 = arith.constant 0.000000e+00 : f32
      %broadcast_in_dim3A_1298 = vector.broadcast %jit3A_1297 : f32 to vector<8x256xf32>
      %select_n3A_1299 = arith.select %and3A_1296, %get3A_59, %broadcast_in_dim3A_1298 : vector<8x256xi1>, vector<8x256xf32>
      %add3A_1300 = arith.addf %add3A_1230, %select_n3A_1299 : vector<8x256xf32>
      %reduce_sum3A_1301 = arith.constant dense<0.000000e+00> : vector<256xf32>
      %reduce_sum3A_1302 = vector.multi_reduction <add>, %add3A_1300, %reduce_sum3A_1301 [0] : vector<8x256xf32> to vector<256xf32>
      %broadcast_in_dim3A_1303 = vector.shape_cast %reduce_sum3A_1302 : vector<256xf32> to vector<1x256xf32>
      %eq3A_1304 = arith.cmpi eq, %get3A_56, %broadcast_in_dim3A_76 : vector<8x256xi32>
      %le3A_1305 = arith.constant 5 : i32
      %le3A_1306 = vector.broadcast %le3A_1305 : i32 to vector<8x256xi32>
      %le3A_1307 = arith.cmpi ule, %iota3A, %le3A_1306 : vector<8x256xi32>
      %and3A_1308 = arith.andi %eq3A_1304, %le3A_1307 : vector<8x256xi1>
      %jit3A_1309 = arith.constant 0.000000e+00 : f32
      %broadcast_in_dim3A_1310 = vector.broadcast %jit3A_1309 : f32 to vector<8x256xf32>
      %select_n3A_1311 = arith.select %and3A_1308, %get3A_59, %broadcast_in_dim3A_1310 : vector<8x256xi1>, vector<8x256xf32>
      %add3A_1312 = arith.addf %add3A_1235, %select_n3A_1311 : vector<8x256xf32>
      %reduce_sum3A_1313 = arith.constant dense<0.000000e+00> : vector<256xf32>
      %reduce_sum3A_1314 = vector.multi_reduction <add>, %add3A_1312, %reduce_sum3A_1313 [0] : vector<8x256xf32> to vector<256xf32>
      %broadcast_in_dim3A_1315 = vector.shape_cast %reduce_sum3A_1314 : vector<256xf32> to vector<1x256xf32>
      %eq3A_1316 = arith.cmpi eq, %get3A_56, %broadcast_in_dim3A_79 : vector<8x256xi32>
      %le3A_1317 = arith.constant 6 : i32
      %le3A_1318 = vector.broadcast %le3A_1317 : i32 to vector<8x256xi32>
      %le3A_1319 = arith.cmpi ule, %iota3A, %le3A_1318 : vector<8x256xi32>
      %and3A_1320 = arith.andi %eq3A_1316, %le3A_1319 : vector<8x256xi1>
      %jit3A_1321 = arith.constant 0.000000e+00 : f32
      %broadcast_in_dim3A_1322 = vector.broadcast %jit3A_1321 : f32 to vector<8x256xf32>
      %select_n3A_1323 = arith.select %and3A_1320, %get3A_59, %broadcast_in_dim3A_1322 : vector<8x256xi1>, vector<8x256xf32>
      %add3A_1324 = arith.addf %add3A_1240, %select_n3A_1323 : vector<8x256xf32>
      %reduce_sum3A_1325 = arith.constant dense<0.000000e+00> : vector<256xf32>
      %reduce_sum3A_1326 = vector.multi_reduction <add>, %add3A_1324, %reduce_sum3A_1325 [0] : vector<8x256xf32> to vector<256xf32>
      %broadcast_in_dim3A_1327 = vector.shape_cast %reduce_sum3A_1326 : vector<256xf32> to vector<1x256xf32>
      %eq3A_1328 = arith.cmpi eq, %get3A_56, %broadcast_in_dim3A_82 : vector<8x256xi32>
      %le3A_1329 = arith.constant 7 : i32
      %le3A_1330 = vector.broadcast %le3A_1329 : i32 to vector<8x256xi32>
      %le3A_1331 = arith.cmpi ule, %iota3A, %le3A_1330 : vector<8x256xi32>
      %and3A_1332 = arith.andi %eq3A_1328, %le3A_1331 : vector<8x256xi1>
      %jit3A_1333 = arith.constant 0.000000e+00 : f32
      %broadcast_in_dim3A_1334 = vector.broadcast %jit3A_1333 : f32 to vector<8x256xf32>
      %select_n3A_1335 = arith.select %and3A_1332, %get3A_59, %broadcast_in_dim3A_1334 : vector<8x256xi1>, vector<8x256xf32>
      %add3A_1336 = arith.addf %add3A_1245, %select_n3A_1335 : vector<8x256xf32>
      %reduce_sum3A_1337 = arith.constant dense<0.000000e+00> : vector<256xf32>
      %reduce_sum3A_1338 = vector.multi_reduction <add>, %add3A_1336, %reduce_sum3A_1337 [0] : vector<8x256xf32> to vector<256xf32>
      %broadcast_in_dim3A_1339 = vector.shape_cast %reduce_sum3A_1338 : vector<256xf32> to vector<1x256xf32>
      %concatenate3A = tpu.concatenate %broadcast_in_dim3A_1255, %broadcast_in_dim3A_1267, %broadcast_in_dim3A_1279, %broadcast_in_dim3A_1291, %broadcast_in_dim3A_1303, %broadcast_in_dim3A_1315, %broadcast_in_dim3A_1327, %broadcast_in_dim3A_1339 in 0 : vector<1x256xf32>, vector<1x256xf32>, vector<1x256xf32>, vector<1x256xf32>, vector<1x256xf32>, vector<1x256xf32>, vector<1x256xf32>, vector<1x256xf32> -> vector<8x256xf32>
      %swap3A_1340 = arith.index_cast %mul3A_53 : i32 to index
      %swap3A_1341 = arith.constant 0 : index
      %swap3A_1342 = vector.load %arg6[%swap3A_1340, %swap3A_1341] : memref<200x256xf32, #tpu.memory_space<vmem>>, vector<8x256xf32>
      tpu.vector_store %arg6[%swap3A_1340, %swap3A_1341], %concatenate3A {strides = array<i32>} : memref<200x256xf32, #tpu.memory_space<vmem>>, vector<8x256xf32>,
      %add3A_1343 = arith.constant 1 : i32
      %add3A_1344 = vector.broadcast %add3A_1343 : i32 to vector<8x256xi32>
      %add3A_1345 = arith.addi %get3A_56, %add3A_1344 : vector<8x256xi32>
      %swap3A_1346 = arith.index_cast %mul3A_53 : i32 to index
      %swap3A_1347 = arith.constant 0 : index
      %swap3A_1348 = vector.load %arg4[%swap3A_1346, %swap3A_1347] : memref<200x256xi32, #tpu.memory_space<vmem>>, vector<8x256xi32>
      tpu.vector_store %arg4[%swap3A_1346, %swap3A_1347], %add3A_1345 {strides = array<i32>} : memref<200x256xi32, #tpu.memory_space<vmem>>, vector<8x256xi32>,
    }
    %scan3A_22 = arith.constant 25 : i32
    %get3A_23 = arith.constant 0 : index
    %get3A_24 = arith.constant 0 : index
    %get3A_25 = vector.load %arg6[%get3A_23, %get3A_24] : memref<200x256xf32, #tpu.memory_space<vmem>>, vector<200x256xf32>
    %log3A = math.log %get3A_25 : vector<200x256xf32>
    %reduce_sum3A_26 = arith.constant dense<0.000000e+00> : vector<256xf32>
    %reduce_sum3A_27 = vector.multi_reduction <add>, %log3A, %reduce_sum3A_26 [0] : vector<200x256xf32> to vector<256xf32>
    %broadcast_in_dim3A_28 = vector.shape_cast %reduce_sum3A_27 : vector<256xf32> to vector<1x256xf32>
    %neg3A = arith.constant 0.000000e+00 : f32
    %neg3A_29 = vector.broadcast %neg3A : f32 to vector<1x256xf32>
    %neg3A_30 = arith.subf %neg3A_29, %broadcast_in_dim3A_10 : vector<1x256xf32>
    %add3A = arith.addf %neg3A_30, %broadcast_in_dim3A_28 : vector<1x256xf32>
    %mul3A = arith.constant 2.000000e+02 : f32
    %mul3A_31 = vector.broadcast %mul3A : f32 to vector<1x256xf32>
    %mul3A_32 = arith.mulf %mul3A_31, %broadcast_in_dim3A : vector<1x256xf32>
    %add3A_33 = arith.addf %add3A, %mul3A_32 : vector<1x256xf32>
    %reduce_sum3A_34 = vector.shape_cast %add3A_33 : vector<1x256xf32> to vector<1x1x256xf32>
    %reduce_sum3A_35 = arith.constant dense<0.000000e+00> : vector<1xf32>
    %reduce_sum3A_36 = vector.multi_reduction <add>, %reduce_sum3A_34, %reduce_sum3A_35 [1, 2] : vector<1x1x256xf32> to vector<1xf32>
    %reduce_sum3A_37 = vector.shape_cast %reduce_sum3A_36 : vector<1xf32> to vector<1x1x1xf32>
    %reduce_sum3A_38 = vector.extract %reduce_sum3A_37[0, 0, 0] : f32 from vector<1x1x1xf32>
    %mul3A_39 = arith.constant 2.44140625E-4 : f32
    %mul3A_40 = arith.mulf %reduce_sum3A_38, %mul3A_39 : f32
    %eq3A = arith.constant 0 : i32
    %eq3A_41 = arith.cmpi eq, %arg0, %eq3A : i32
    %convert_element_type3A = arith.extui %eq3A_41 : i1 to i32
    %cond3A = arith.constant 0 : i32
    %cond3A_42 = arith.cmpi ne, %convert_element_type3A, %cond3A : i32
    scf.if %cond3A_42 {
      %broadcast_in_dim3A_51 = arith.constant 0.000000e+00 : f32
      %broadcast_in_dim3A_52 = vector.broadcast %broadcast_in_dim3A_51 : f32 to vector<1x1xf32>
      %swap3A_53 = arith.constant 0 : index
      %swap3A_54 = arith.constant 0 : index
      %swap3A_55 = vector.load %arg3[%swap3A_53, %swap3A_54] : memref<1x1xf32, #tpu.memory_space<vmem>>, vector<1x1xf32>
      tpu.vector_store %arg3[%swap3A_53, %swap3A_54], %broadcast_in_dim3A_52 {strides = array<i32>} : memref<1x1xf32, #tpu.memory_space<vmem>>, vector<1x1xf32>,
    } else {
    }
    %get3A_43 = arith.constant 0 : index
    %get3A_44 = arith.constant 0 : index
    %get3A_45 = vector.load %arg3[%get3A_43, %get3A_44] : memref<1x1xf32, #tpu.memory_space<vmem>>, vector<1x1xf32>
    %broadcast_in_dim3A_46 = vector.broadcast %mul3A_40 : f32 to vector<1x1xf32>
    %add3A_47 = arith.addf %get3A_45, %broadcast_in_dim3A_46 : vector<1x1xf32>
    %swap3A_48 = arith.constant 0 : index
    %swap3A_49 = arith.constant 0 : index
    %swap3A_50 = vector.load %arg3[%swap3A_48, %swap3A_49] : memref<1x1xf32, #tpu.memory_space<vmem>>, vector<1x1xf32>
    tpu.vector_store %arg3[%swap3A_48, %swap3A_49], %add3A_47 {strides = array<i32>} : memref<1x1xf32, #tpu.memory_space<vmem>>, vector<1x1xf32>,
    return
  }
  func.func @transform_0(%arg0: i32) -> (i32, i32) {
    %c0_i32 = arith.constant 0 : i32
    %c0_i32_0 = arith.constant 0 : i32
    return %c0_i32, %arg0 : i32, i32
  }
  func.func @transform_1(%arg0: i32) -> (i32, i32) {
    %c0_i32 = arith.constant 0 : i32
    %c0_i32_0 = arith.constant 0 : i32
    return %c0_i32, %arg0 : i32, i32
  }
  func.func @transform_2(%arg0: i32) -> (i32, i32) {
    %c0_i32 = arith.constant 0 : i32
    %c0_i32_0 = arith.constant 0 : i32
    %c0_i32_1 = arith.constant 0 : i32
    return %c0_i32, %c0_i32_0 : i32, i32
  }
}

</mosaic_0001>

<sc_bundles>
// kernel: kernel.4.cloned.1.call-start
scs
__scs_entry_jumppad:
0x0: {  	(pc) =	sbr.rel $0x88, $3  }
0x1: {  	(tag) =	ssettag $0x0;
	lr =	simm.s32 $0x1  }
0x2: {  	[smem:$0x3F9F] =	sst lr;
	_ =	strace $0xD0000000  }
0x3: {  	_ = 	snop  }
0x4: {  	_ = 	snop  }
0x5: {  	_ = 	snop  }
0x6: {  	_ = 	snop  }
0x7: {  	_ = 	snop  }
__scs_overlays_trampoline_lowered:
0x8: {  	[smem:$0x3FAE] =	sst s0  }
0x9: {  	[smem:$0x3FAF] =	sst s1  }
0xa: {  	[smem:$0x3FB0] =	sst s2  }
0xb: {  	[smem:$0x3FB1] =	sst s3  }
0xc: {  	[smem:$0x3FB2] =	sst s4  }
0xd: {  	[smem:$0x3FB3] =	sst s5  }
0xe: {  	[smem:$0x3FB4] =	sst s6  }
0xf: {  	[smem:$0x3FB5] =	sst s7  }
0x10: {  	[smem:$0x3FB6] =	sst s8  }
0x11: {  	[smem:$0x3FB7] =	sst s9;
	s0 =	simm.s32 @!p0 $0x0  }
0x12: {  	s1 =	sld [smem:$0x3F9D];
	s0 =	simm.s32 @p0 $0x1  }
0x13: {  	[smem:$0x3FB8] =	sst s0;
	s0 =	simm.s32 @!p1 $0x0  }
0x14: {  	s2 =	sld [smem:$0x3F9C];
	s0 =	simm.s32 @p1 $0x1  }
0x15: {  	[smem:$0x3FB9] =	sst s0;
	s0 =	simm.s32 @!p2 $0x0  }
0x16: {  	s3 =	sld [smem:$0x3FDB];
	s0 =	simm.s32 @p2 $0x1  }
0x17: {  	s4 =	simm.s32 $0x1BF5;
	[smem:$0x3FBB] =	sst s0  }
0x18: {  	s0 =	sld [smem:$0x3F9E];
	_ =	swait.ge [sflag:s4], $0x0  }
0x19: {  	s7 =	sld [smem:$0x3F9F]  }
0x1a: {  	s8 =	sadd.s32 $0xFFFFE003, lr  }
0x1b: {  	s9 =	sadd.s32 $0xFFFFFEF7, lr;
	s5 =	simm.s32 $0xFFFFFFFF;
	p2 =	slt.u32 s8, $0xFFFFF086  }
0x1c: {  	p1 =	slt.u32 s9, $0xF7A;
	s5 =	simm.s32 @!p2 $0x0  }
0x1d: {  	s5 =	simm.s32 @p1 $0x1;
	p0 =	seq.s32 s7, s2  }
0x1e: {  	s7 =	smul.u32 @!p0 $0xF7A, s2;
	p2 =	seq.s32 @!p0 s5, $0x0  }
0x1f: {  	s9 =	smul.u32 $0xF7A, s1;
	s8 =	simm.s32 @!p0 $0x1BF5;
	p2 =	por !p2, p0  }
0x20: {  	[sflag:s8] =	ssyncset.s32 @!p0 $0xFFFFF086;
	s6 =	sadd.s32 @!p0 s3, s7;
	s7 =	simm.s32 @!p0 $0x108  }
0x21: {  	s3 =	sadd.s32 s3, s9;
	s6 =	sadd.s32 @!p0 $0x88, s6;
	s7 =	simm.s32 @p2 $0x1082  }
0x22: {  	[simem:s7], [sflag:s8] =	dma.local @!p0 [hbm:s6], $0xF7A  }
0x23: {  	s9 =	sor.u32 $0xD0000000, s2;
	s6 =	simm.s32 $0x108;
	_ =	swait.ge @!p0 [sflag:s8], $0x0  }
0x24: {  	s3 =	sadd.s32 $0x88, s3;
	s6 =	simm.s32 @!p1 $0x1082;
	[sflag:s4] =	ssyncset.s32 $0xFFFFF086  }
0x25: {  	[simem:s6], [sflag:s4] =	dma.local [hbm:s3], $0xF7A  }
0x26: {  	[smem:$0x3F9F] =	sst s1;
	(tag) =	ssettag s2;
	_ =	strace s9  }
0x27: {  	s1 =	sld [smem:$0x3FAF]  }
0x28: {  	s2 =	sld [smem:$0x3FB0]  }
0x29: {  	s4 =	sld [smem:$0x3FB2]  }
0x2a: {  	p0 =	seq.s32 s5, $0x0;
	s5 =	sld [smem:$0x3FB3]  }
0x2b: {  	s6 =	sld [smem:$0x3FB4]  }
0x2c: {  	s7 =	sld [smem:$0x3FB5]  }
0x2d: {  	s3 =	simm.s32 $0x108;
	s8 =	sld [smem:$0x3FB6]  }
0x2e: {  	s3 =	simm.s32 @!p0 $0x1082;
	s9 =	sld [smem:$0x3FB7]  }
0x2f: {  	lr =	sadd.s32 s0, s3;
	s0 =	sld [smem:$0x3FAE]  }
0x30: {  	s3 =	sld [smem:$0x3FB1]  }
0x31: {  	[smem:$0x3FBA] =	sst s10  }
0x32: {  	s10 =	sld [smem:$0x3FB8];
	_ =	sdelay $0x3  }
0x33: {  	p0 =	seq.s32 s10, $0x1;
	s10 =	sld [smem:$0x3FBA];
	_ =	sdelay $0x3  }
0x34: {  	[smem:$0x3FBA] =	sst s10  }
0x35: {  	s10 =	sld [smem:$0x3FB9];
	_ =	sdelay $0x3  }
0x36: {  	p1 =	seq.s32 s10, $0x1;
	s10 =	sld [smem:$0x3FBA];
	_ =	sdelay $0x3  }
0x37: {  	[smem:$0x3FBA] =	sst s10  }
0x38: {  	s10 =	sld [smem:$0x3FBB]  }
0x39: {  	_ = 	snop;
	(pc) =	sbr.ind lr, $3  }
0x3a: {  	_ = 	snop  }
0x3b: {  	_ = 	snop  }
0x3c: {  	p2 =	seq.s32 s10, $0x1;
	s10 =	sld [smem:$0x3FBA]  }
0x3d: {  	_ =	shalt  }
0x3e: {  	_ =	shalt  }
0x3f: {  	_ =	shalt  }
0x40: {  	_ =	shalt  }
0x41: {  	_ =	shalt  }
0x42: {  	_ =	shalt  }
0x43: {  	_ =	shalt  }
0x44: {  	_ =	shalt  }
0x45: {  	_ =	shalt  }
0x46: {  	_ =	shalt  }
0x47: {  	_ =	shalt  }
0x48: {  	_ =	shalt  }
0x49: {  	_ =	shalt  }
0x4a: {  	_ =	shalt  }
0x4b: {  	_ =	shalt  }
0x4c: {  	_ =	shalt  }
0x4d: {  	_ =	shalt  }
0x4e: {  	_ =	shalt  }
0x4f: {  	_ =	shalt  }
0x50: {  	_ =	shalt  }
0x51: {  	_ =	shalt  }
0x52: {  	_ =	shalt  }
0x53: {  	_ =	shalt  }
0x54: {  	_ =	shalt  }
0x55: {  	_ =	shalt  }
0x56: {  	_ =	shalt  }
0x57: {  	_ =	shalt  }
0x58: {  	_ =	shalt  }
0x59: {  	_ =	shalt  }
0x5a: {  	_ =	shalt  }
0x5b: {  	_ =	shalt  }
0x5c: {  	_ =	shalt  }
0x5d: {  	_ =	shalt  }
0x5e: {  	_ =	shalt  }
0x5f: {  	_ =	shalt  }
0x60: {  	_ =	shalt  }
0x61: {  	_ =	shalt  }
0x62: {  	_ =	shalt  }
0x63: {  	_ =	shalt  }
0x64: {  	_ =	shalt  }
0x65: {  	_ =	shalt  }
0x66: {  	_ =	shalt  }
0x67: {  	_ =	shalt  }
0x68: {  	_ =	shalt  }
0x69: {  	_ =	shalt  }
0x6a: {  	_ =	shalt  }
0x6b: {  	_ =	shalt  }
0x6c: {  	_ =	shalt  }
0x6d: {  	_ =	shalt  }
0x6e: {  	_ =	shalt  }
0x6f: {  	_ =	shalt  }
0x70: {  	_ =	shalt  }
0x71: {  	_ =	shalt  }
0x72: {  	_ =	shalt  }
0x73: {  	_ =	shalt  }
0x74: {  	_ =	shalt  }
0x75: {  	_ =	shalt  }
0x76: {  	_ =	shalt  }
0x77: {  	_ =	shalt  }
0x78: {  	_ =	shalt  }
0x79: {  	_ =	shalt  }
0x7a: {  	_ =	shalt  }
0x7b: {  	_ =	shalt  }
0x7c: {  	_ =	shalt  }
0x7d: {  	_ =	shalt  }
0x7e: {  	_ =	shalt  }
0x7f: {  	_ =	shalt  }
0x80: {  	_ =	shalt  }
0x81: {  	_ =	shalt  }
0x82: {  	_ =	shalt  }
0x83: {  	_ =	shalt  }
0x84: {  	_ =	shalt  }
0x85: {  	_ =	shalt  }
0x86: {  	_ =	shalt  }
0x87: {  	_ =	shalt  }
.Lfunc_end0:
.L_simem_size_0:
called_computation_lowered:
.L_overlay_start_0:
0x88: {  	s2 =	sld [smem:$0x3FD9]  }
0x89: {  	s3 =	sld [smem:$0x3FFE];
	_ =	sdelay $0x1  }
0x8a: {  	s1 =	srdreg.scid  }
0x8b: {  	s0 =	sand.u32 $0x1, s1  }
0x8c: {  	s16 =	sshll.u32 s0, $0xA;
	s2 =	sadd.s32 s3, s2  }
0x8d: {  	s2 =	sadd.s32 s2, s16  }
0x8e: {  	[smem:$0x3FC6] =	sst s2  }
0x8f: {  	_ = 	snop  }
0x90: {  	(tm) =	ssettm $0x1  }
0x91: {  	s17 =	sld [smem:$0x3FFB];
	_ =	sdelay $0x3  }
0x92: {  	_ =	strace s17  }
0x93: {  	s2 =	sld [smem:$0x3FFC];
	_ =	sdelay $0x3  }
0x94: {  	_ =	strace s2  }
0x95: {  	s2 =	sld [smem:$0x3FFD];
	_ =	sdelay $0x3  }
0x96: {  	_ =	strace s2  }
0x97: {  	_ =	strace $0x8FFFFFFF  }
0x98: {  	s18 =	sld [smem:$0x3FDB];
	_ =	sdelay $0x1  }
0x99: {  	s19 =	simm.s32 $_scs_section_size  }
0x9a: {  	s4 =	simm.s32 $_size__tile_overlayer_lowered;
	s5 =	simm.s32 $_tile_overlayer_lowered  }
0x9b: {  	s22 =	simm.s32 $0x1BFF;
	s21 =	sshll.u32 s5, $0x1;
	s2 =	sadd.s32 s19, s18  }
0x9c: {  	s6 =	simm.s32 $0x0;
	s20 =	sshll.u32 s4, $0x1;
	s4 =	sadd.s32 s21, s2  }
0x9d: {  	[timem:s6], [sflag:s22] =	dma.local [hbm:s4], s20  }
0x9e: {  	_ =	swait.ge [sflag:s22], s20  }
0x9f: {  	s3 =	ssub.s32 $0x0, s20;
	[sflag:s22] =	ssyncset.done $0x0  }
0xa0: {  	[sflag:s22] =	ssyncadd.s32 s3;
	_ =	sdelay $0x1  }
0xa1: {  	s23 =	simm.s32 $0x1B8B  }
0xa2: {  	_ =	swait.ge [sflag:s23], $0x1  }
0xa3: {  	[sflag:s23] =	ssyncset.done $0x0  }
0xa4: {  	s25 =	simm.s32 $0x1B8E;
	s24 =	sld [smem:$0x3FFE];
	[sflag:s23] =	ssyncadd.s32 $0xFFFFFFFF  }
0xa5: {  	s26 =	simm.s32 $execute0_lowered;
	[smem:$0x3FD2] =	sst s25  }
0xa6: {  	s4 =	sshll.u32 s26, $0x1;
	_ =	strace $0x80000046;
	[dreg:$0x1] =	wrdreg $0xFFFFFFFF  }
0xa7: {  	s28 =	simm.s32 $_size_execute0_lowered;
	s2 =	sadd.s32 s2, s4;
	[dreg:$0x0] =	wrdreg $0x0  }
0xa8: {  	s4 =	sshll.u32 s28, $0x1;
	[dreg:$0x2] =	wrdreg s2  }
0xa9: {  	[dreg:$0x3] =	wrdreg s4  }
0xaa: {  	[dreg:$0x4] =	wrdreg $0xC0  }
0xab: {  	_ =	task [dreg:s6], $0x5FFFF  }
0xac: {  	[dreg:$0x1] =	wrdreg $0xFFFFFFFF  }
0xad: {  	[dreg:$0x0] =	wrdreg $0x60  }
0xae: {  	[dreg:$0x2] =	wrdreg s24  }
0xaf: {  	[dreg:$0x3] =	wrdreg $0x9  }
0xb0: {  	_ =	task.clear_ibuf [dreg:s6], $0x4FFFF;
	_ =	strace $0x90000046  }
0xb1: {  	s29 =	simm.s32 $0x9;
	_ =	strace $0x80000048  }
0xb2: {  	_ =	swait.ge [sflag:s29], $0x1  }
0xb3: {  	[sflag:s29] =	ssyncadd.s32 $0xFFFFFFFF  }
0xb4: {  	_ =	strace $0x90000048  }
0xb5: {  	_ =	sfence  }
0xb6: {  	s30 =	sld [smem:$0x0];
	_ =	sdelay $0x2  }
0xb7: {  	s31 =	sshll.u32 s1, $0xD;
	s1 =	sshrl.u32 s1, $0x2  }
0xb8: {  	s3 =	sand.u32 $0x4000, s31;
	s1 =	sadd.s32 s1, s30  }
0xb9: {  	s0 =	sor.u32 s3, s0;
	s1 =	sshll.u32 s1, $0x11  }
0xba: {  	s0 =	sor.u32 s1, s0  }
0xbb: {  	s0 =	sadd.s32 $0x8F2B, s0  }
0xbc: {  	[sflag:s0] =	ssyncadd.remote.s32 $0x1  }
0xbd: {  	_ =	sfence.sel $0xFFFF  }
0xbe: {  	[dreg:$0x0] =	wrdreg $0xFFFFFFFF;
	(pc) =	sbr.abs _section_cstart, $3  }
0xbf: {  	[dreg:$0x1] =	wrdreg $0xFFFFFFFF  }
0xc0: {  	_ =	task.clear_ibuf [dreg:s6], $0x2FFFF;
	_ =	strace $0x9FFFFFFF  }
0xc1: {  	(tm) =	ssettm $0x7FFFFFFF  }
tec
execute0_lowered:
.L_overlay_start_1:
0x0: {  	(tag) =	ssettag $0x1  }
0x1: {  	s5 =	srdreg.scid  }
0x2: {  	s1 =	stileid.u32;
	s5 =	sand.u32 $0x1, s5  }
0x3: {  	s6 =	sshll.u32 s1, $0x5;
	s7 =	sshll.u32 s5, $0x4  }
0x4: {  	s3 =	rddreg [dreg:$0x0];
	s6 =	sor.u32 s7, s6  }
0x5: {  	s0 =	rddreg [dreg:$0x1];
	s4 =	sshrl.u32 s1, $0x2;
	s10 =	sand.u32 $0x70, s6  }
0x6: {  	s2 =	simm.s32 $0x0;
	s4 =	smul.u32 $0xC80, s4;
	s11 =	sor.u32 $0x6400, s10  }
0x7: {  	s9 =	simm.s32 $0x19000;
	[smem:$0x7FF] =	sst s2;
	s5 =	ssub.s32 $0x2, s5;
	v1 =	vmov s11  }
0x8: {  	_ =	strace $0x80000047;
	s31 =	sshrl.u32 s5, $0x1;
	s4 =	sadd.s32 s4, s3  }
0x9: {  	s8 =	sadd.s32 s6, s3;
	s7 =	ssub.s32 s5, s31;
	s3 =	sadd.s32 $0x3800, s4  }
0xa: {  	s4 =	sadd.s32 $0x600, s4;
	s5 =	sadd.s32 $0x6A00, s8;
	s6 =	smax.u32 s7, $0x1  }
0xb: {  	s7 =	simm.s32 $0x1;
	s8 =	simm.s32 $0x6400;
	v0 =	vmov s10;
	s10 =	simm.s32 $0x0  }
.LBB2_1:
0xc: {  	[tilespmem:s2], [sflag:$0x1] =	stream.linear.gather [hbm4b:s3+s2], $0x6400, $0x38;
	[tilespmem:$0x19080] =	vst v63  }
0xd: {  	_ =	swait.ge [sflag:s7], $0x6400  }
0xe: {  	[sflag:s7] =	ssyncset.done $0x0  }
0xf: {  	[sflag:s7] =	ssyncadd.s32 $0xFFFF9C00  }
0x10: {  	[tilespmem:s8], [sflag:$0x1] =	stream.linear.gather [hbm4b:s4+s2], $0x6400, $0x38;
	[tilespmem:$0x19080] =	vst v63  }
0x11: {  	_ =	swait.ge [sflag:s7], $0x6400  }
0x12: {  	[sflag:s7] =	ssyncset.done $0x0  }
0x13: {  	s12 =	simm.s32 $0x0;
	[sflag:s7] =	ssyncadd.s32 $0xFFFF9C00  }
0x14: {  	v2 =	vimm.f32 $-Inf;
	v3 =	vimm.f32 $0.0e+00;
	s11 =	simm.s32 $0x200;
	v4 =	vld.idx.msk [tilespmem:v0+s12+$0x0 ss:$0x1], $0xffff  }
.LBB2_2:
0x15: {  	p0 =	sne.s32 s11, $0x18E00  }
.Ltmp0:
0x16: {  	_ = 	snop;
	(pc) =	sbr.rel @p0 .LBB2_2-.Ltmp0, $3  }
0x17: {  	_ =	sdelay $0x1  }
0x18: {  	s12 =	sshra.s32 s11, $0x2;
	s11 =	sadd.s32 $0x200, s11  }
0x19: {  	v2 =	vmax.f32 v2, v4;
	v3 =	vadd.f32 v4, v3;
	v4 =	vld.idx.msk [tilespmem:v0+s12+$0x0 ss:$0x1], $0xffff  }
0x1a: {  	_ =	sdelay $0x3  }
0x1b: {  	s11 =	simm.s32 $0x0;
	s12 =	simm.s32 $0x0;
	s13 =	simm.s32 $0x200;
	v2 =	vmax.f32 v2, v4;
	v3 =	vadd.f32 v4, v3  }
.LBB2_4:
0x1c: {  	p0 =	sne.s32 s13, $0x18E00;
	v4 =	vld.idx.msk [tilespmem:v1+s12+$0x0 ss:$0x1], $0xffff;
	_ =	sdelay $0x5  }
0x1d: {  	v5 =	vshra.s32 v4, $0x1F  }
0x1e: {  	v5 =	vor.u32 $0x80000000, v5  }
0x1f: {  	v4 =	vxor.u32 v4, v5  }
0x20: {  	[tilespmem:s12+$0xC800] =	vst v4  }
0x21: {  	v4 =	vld.idx.msk [tilespmem:v0+s12+$0x0 ss:$0x1], $0xffff;
	_ =	sdelay $0x5  }
0x22: {  	v4 =	vsub.f32 v4, v2;
	_ =	sdelay $0x1  }
0x23: {  	v4 =	vmul.f32 $1.442695020e+00, v4;
	_ =	sdelay $0x1  }
0x24: {  	(erf) = vpow2.f32 v4;
	_ =	sdelay $0x5  }
.Ltmp1:
0x25: {  	(pc) =	sbr.rel @p0 .LBB2_4-.Ltmp1, $3  }
0x26: {  	_ =	sdelay $0x1  }
0x27: {  	v4 =	vpop (erf)  }
0x28: {  	[tilespmem:s12+$0x12C00] =	vst v4;
	s12 =	sshra.s32 s13, $0x2;
	s13 =	sadd.s32 $0x200, s13  }
0x29: {  	_ =	sdelay $0x3  }
0x2a: {  	v4 =	vld.idx.msk [tilespmem:v1+s12+$0x0 ss:$0x1], $0xffff;
	_ =	sdelay $0x4  }
0x2b: {  	v5 =	vshra.s32 v4, $0x1F  }
0x2c: {  	v5 =	vor.u32 $0x80000000, v5  }
0x2d: {  	v4 =	vxor.u32 v4, v5  }
0x2e: {  	[tilespmem:s12+$0xC800] =	vst v4  }
0x2f: {  	v4 =	vld.idx.msk [tilespmem:v0+s12+$0x0 ss:$0x1], $0xffff;
	_ =	sdelay $0x4  }
0x30: {  	v4 =	vsub.f32 v4, v2;
	_ =	sdelay $0x1  }
0x31: {  	v4 =	vmul.f32 $1.442695020e+00, v4;
	_ =	sdelay $0x1  }
0x32: {  	(erf) = vpow2.f32 v4;
	_ =	sdelay $0x8  }
0x33: {  	v4 =	vpop (erf)  }
0x34: {  	[tilespmem:s12+$0x12C00] =	vst v4;
	v4 =	vimm.f32 $0.0e+00  }
.LBB2_6:
0x35: {  	s12 =	sshra.s32 s11, $0x2  }
0x36: {  	v5 =	vld [tilespmem:s12+$0xC800];
	_ =	sdelay $0x4  }
0x37: {  	v6 =	vadd.s32 $0x1, v5  }
0x38: {  	[tilespmem:s12+$0xC800] =	vst v6  }
0x39: {  	v6 =	vld [tilespmem:$0xC800]  }
0x3a: {  	v7 =	vld [tilespmem:$0x12C00]  }
0x3b: {  	v8 =	vld [tilespmem:$0xC880]  }
0x3c: {  	v9 =	vld [tilespmem:$0x12C80]  }
0x3d: {  	v10 =	vld [tilespmem:$0xC900]  }
0x3e: {  	v11 =	vld [tilespmem:$0x12D00]  }
0x3f: {  	v12 =	vld [tilespmem:$0xC980];
	v7 =	vadd.f32 $0.0e+00, v7  }
0x40: {  	vm0 =	vgt.u32 v6, v5;
	vm1 =	vgt.u32 v8, v5;
	v6 =	vld [tilespmem:$0x12D80]  }
0x41: {  	v25 =	vld [tilespmem:$0xCA00];
	v8 =	vnsel vm1, $0x0, v9;
	v7 =	vnsel vm0, $0x0, v7  }
0x42: {  	v26 =	vld [tilespmem:$0x12E00];
	vm10 =	vgt.u32 v10, v5;
	v7 =	vadd.f32 v8, v7  }
0x43: {  	v27 =	vld [tilespmem:$0xCA80];
	v10 =	vnsel vm10, $0x0, v11  }
0x44: {  	v28 =	vld [tilespmem:$0x12E80];
	vm11 =	vgt.u32 v12, v5;
	v7 =	vadd.f32 v10, v7  }
0x45: {  	v29 =	vld [tilespmem:$0xCB00];
	v6 =	vnsel vm11, $0x0, v6  }
0x46: {  	vm12 =	vgt.u32 v25, v5;
	v6 =	vadd.f32 v6, v7;
	v7 =	vld [tilespmem:$0x12F00]  }
0x47: {  	v30 =	vld [tilespmem:$0xCB80];
	v8 =	vnsel vm12, $0x0, v26  }
0x48: {  	v31 =	vld [tilespmem:$0x12F80];
	vm13 =	vgt.u32 v27, v5;
	v6 =	vadd.f32 v8, v6  }
0x49: {  	v32 =	vld [tilespmem:$0xCC00];
	v10 =	vnsel vm13, $0x0, v28  }
0x4a: {  	v33 =	vld [tilespmem:$0x13000];
	vm14 =	vgt.u32 v29, v5;
	v6 =	vadd.f32 v10, v6  }
0x4b: {  	v34 =	vld [tilespmem:$0xCC80];
	v7 =	vnsel vm14, $0x0, v7  }
0x4c: {  	vm15 =	vgt.u32 v30, v5;
	v6 =	vadd.f32 v7, v6;
	v7 =	vld [tilespmem:$0x13080]  }
0x4d: {  	v35 =	vld [tilespmem:$0xCD00];
	v8 =	vnsel vm15, $0x0, v31  }
0x4e: {  	v36 =	vld [tilespmem:$0x13100];
	vm4 =	vgt.u32 v32, v5;
	v6 =	vadd.f32 v8, v6  }
0x4f: {  	v37 =	vld [tilespmem:$0xCD80];
	v10 =	vnsel vm4, $0x0, v33  }
0x50: {  	v38 =	vld [tilespmem:$0x13180];
	vm5 =	vgt.u32 v34, v5;
	v6 =	vadd.f32 v10, v6  }
0x51: {  	v39 =	vld [tilespmem:$0xCE00];
	v7 =	vnsel vm5, $0x0, v7  }
0x52: {  	vm6 =	vgt.u32 v35, v5;
	v6 =	vadd.f32 v7, v6;
	v7 =	vld [tilespmem:$0x13200]  }
0x53: {  	v40 =	vld [tilespmem:$0xCE80];
	v8 =	vnsel vm6, $0x0, v36  }
0x54: {  	v41 =	vld [tilespmem:$0x13280];
	vm7 =	vgt.u32 v37, v5;
	v6 =	vadd.f32 v8, v6  }
0x55: {  	v42 =	vld [tilespmem:$0xCF00];
	v10 =	vnsel vm7, $0x0, v38  }
0x56: {  	v43 =	vld [tilespmem:$0x13300];
	vm8 =	vgt.u32 v39, v5;
	v6 =	vadd.f32 v10, v6  }
0x57: {  	v44 =	vld [tilespmem:$0xCF80];
	v7 =	vnsel vm8, $0x0, v7  }
0x58: {  	vm9 =	vgt.u32 v40, v5;
	v6 =	vadd.f32 v7, v6;
	v7 =	vld [tilespmem:$0x13380]  }
0x59: {  	v45 =	vld [tilespmem:$0xD000];
	v8 =	vnsel vm9, $0x0, v41  }
0x5a: {  	v46 =	vld [tilespmem:$0x13400];
	vm10 =	vgt.u32 v42, v5;
	v6 =	vadd.f32 v8, v6  }
0x5b: {  	v47 =	vld [tilespmem:$0xD080];
	v10 =	vnsel vm10, $0x0, v43  }
0x5c: {  	v48 =	vld [tilespmem:$0x13480];
	vm11 =	vgt.u32 v44, v5;
	v6 =	vadd.f32 v10, v6  }
0x5d: {  	v49 =	vld [tilespmem:$0xD100];
	v7 =	vnsel vm11, $0x0, v7  }
0x5e: {  	vm12 =	vgt.u32 v45, v5;
	v6 =	vadd.f32 v7, v6;
	v7 =	vld [tilespmem:$0x13500]  }
0x5f: {  	v50 =	vld [tilespmem:$0xD180];
	v8 =	vnsel vm12, $0x0, v46  }
0x60: {  	v51 =	vld [tilespmem:$0x13580];
	vm13 =	vgt.u32 v47, v5;
	v6 =	vadd.f32 v8, v6  }
0x61: {  	v52 =	vld [tilespmem:$0xD200];
	v10 =	vnsel vm13, $0x0, v48  }
0x62: {  	v53 =	vld [tilespmem:$0x13600];
	vm14 =	vgt.u32 v49, v5;
	v6 =	vadd.f32 v10, v6  }
0x63: {  	v54 =	vld [tilespmem:$0xD280];
	v7 =	vnsel vm14, $0x0, v7  }
0x64: {  	vm15 =	vgt.u32 v50, v5;
	v6 =	vadd.f32 v7, v6;
	v7 =	vld [tilespmem:$0x13680]  }
0x65: {  	v55 =	vld [tilespmem:$0xD300];
	v8 =	vnsel vm15, $0x0, v51  }
0x66: {  	v56 =	vld [tilespmem:$0x13700];
	vm4 =	vgt.u32 v52, v5;
	v6 =	vadd.f32 v8, v6  }
0x67: {  	v57 =	vld [tilespmem:$0xD380];
	v10 =	vnsel vm4, $0x0, v53  }
0x68: {  	v58 =	vld [tilespmem:$0x13780];
	vm5 =	vgt.u32 v54, v5;
	v6 =	vadd.f32 v10, v6  }
0x69: {  	v59 =	vld [tilespmem:$0xD400];
	v7 =	vnsel vm5, $0x0, v7  }
0x6a: {  	vm6 =	vgt.u32 v55, v5;
	v6 =	vadd.f32 v7, v6;
	v7 =	vld [tilespmem:$0x13800]  }
0x6b: {  	v60 =	vld [tilespmem:$0xD480];
	v8 =	vnsel vm6, $0x0, v56  }
0x6c: {  	v61 =	vld [tilespmem:$0x13880];
	vm7 =	vgt.u32 v57, v5;
	v6 =	vadd.f32 v8, v6  }
0x6d: {  	v62 =	vld [tilespmem:$0xD500];
	v10 =	vnsel vm7, $0x0, v58  }
0x6e: {  	v63 =	vld [tilespmem:$0x13900];
	vm8 =	vgt.u32 v59, v5;
	v6 =	vadd.f32 v10, v6  }
0x6f: {  	v16 =	vld [tilespmem:$0xD580];
	v7 =	vnsel vm8, $0x0, v7  }
0x70: {  	vm9 =	vgt.u32 v60, v5;
	v6 =	vadd.f32 v7, v6;
	v7 =	vld [tilespmem:$0x13980]  }
0x71: {  	v17 =	vld [tilespmem:$0xD600];
	v8 =	vnsel vm9, $0x0, v61  }
0x72: {  	v18 =	vld [tilespmem:$0x13A00];
	vm10 =	vgt.u32 v62, v5;
	v6 =	vadd.f32 v8, v6  }
0x73: {  	v19 =	vld [tilespmem:$0xD680];
	v10 =	vnsel vm10, $0x0, v63  }
0x74: {  	v20 =	vld [tilespmem:$0x13A80];
	vm11 =	vgt.u32 v16, v5;
	v6 =	vadd.f32 v10, v6  }
0x75: {  	v21 =	vld [tilespmem:$0xD700];
	v7 =	vnsel vm11, $0x0, v7  }
0x76: {  	vm12 =	vgt.u32 v17, v5;
	v6 =	vadd.f32 v7, v6;
	v7 =	vld [tilespmem:$0x13B00]  }
0x77: {  	v22 =	vld [tilespmem:$0xD780];
	v8 =	vnsel vm12, $0x0, v18  }
0x78: {  	v23 =	vld [tilespmem:$0x13B80];
	vm13 =	vgt.u32 v19, v5;
	v6 =	vadd.f32 v8, v6  }
0x79: {  	v24 =	vld [tilespmem:$0xD800];
	v10 =	vnsel vm13, $0x0, v20  }
0x7a: {  	v25 =	vld [tilespmem:$0x13C00];
	vm14 =	vgt.u32 v21, v5;
	v6 =	vadd.f32 v10, v6  }
0x7b: {  	v26 =	vld [tilespmem:$0xD880];
	v7 =	vnsel vm14, $0x0, v7  }
0x7c: {  	vm15 =	vgt.u32 v22, v5;
	v6 =	vadd.f32 v7, v6;
	v7 =	vld [tilespmem:$0x13C80]  }
0x7d: {  	v27 =	vld [tilespmem:$0xD900];
	v8 =	vnsel vm15, $0x0, v23  }
0x7e: {  	v28 =	vld [tilespmem:$0x13D00];
	vm4 =	vgt.u32 v24, v5;
	v6 =	vadd.f32 v8, v6  }
0x7f: {  	v29 =	vld [tilespmem:$0xD980];
	v10 =	vnsel vm4, $0x0, v25  }
0x80: {  	v30 =	vld [tilespmem:$0x13D80];
	vm5 =	vgt.u32 v26, v5;
	v6 =	vadd.f32 v10, v6  }
0x81: {  	v31 =	vld [tilespmem:$0xDA00];
	v7 =	vnsel vm5, $0x0, v7  }
0x82: {  	vm6 =	vgt.u32 v27, v5;
	v6 =	vadd.f32 v7, v6;
	v7 =	vld [tilespmem:$0x13E00]  }
0x83: {  	v32 =	vld [tilespmem:$0xDA80];
	v8 =	vnsel vm6, $0x0, v28  }
0x84: {  	v33 =	vld [tilespmem:$0x13E80];
	vm7 =	vgt.u32 v29, v5;
	v6 =	vadd.f32 v8, v6  }
0x85: {  	v34 =	vld [tilespmem:$0xDB00];
	v10 =	vnsel vm7, $0x0, v30  }
0x86: {  	v35 =	vld [tilespmem:$0x13F00];
	vm8 =	vgt.u32 v31, v5;
	v6 =	vadd.f32 v10, v6  }
0x87: {  	v36 =	vld [tilespmem:$0xDB80];
	v7 =	vnsel vm8, $0x0, v7  }
0x88: {  	vm9 =	vgt.u32 v32, v5;
	v6 =	vadd.f32 v7, v6;
	v7 =	vld [tilespmem:$0x13F80]  }
0x89: {  	v37 =	vld [tilespmem:$0xDC00];
	v8 =	vnsel vm9, $0x0, v33  }
0x8a: {  	v38 =	vld [tilespmem:$0x14000];
	vm10 =	vgt.u32 v34, v5;
	v6 =	vadd.f32 v8, v6  }
0x8b: {  	v39 =	vld [tilespmem:$0xDC80];
	v10 =	vnsel vm10, $0x0, v35  }
0x8c: {  	v40 =	vld [tilespmem:$0x14080];
	vm11 =	vgt.u32 v36, v5;
	v6 =	vadd.f32 v10, v6  }
0x8d: {  	v41 =	vld [tilespmem:$0xDD00];
	v7 =	vnsel vm11, $0x0, v7  }
0x8e: {  	vm12 =	vgt.u32 v37, v5;
	v6 =	vadd.f32 v7, v6;
	v7 =	vld [tilespmem:$0x14100]  }
0x8f: {  	v42 =	vld [tilespmem:$0xDD80];
	v8 =	vnsel vm12, $0x0, v38  }
0x90: {  	v43 =	vld [tilespmem:$0x14180];
	vm13 =	vgt.u32 v39, v5;
	v6 =	vadd.f32 v8, v6  }
0x91: {  	v44 =	vld [tilespmem:$0xDE00];
	v10 =	vnsel vm13, $0x0, v40  }
0x92: {  	v45 =	vld [tilespmem:$0x14200];
	vm14 =	vgt.u32 v41, v5;
	v6 =	vadd.f32 v10, v6  }
0x93: {  	v46 =	vld [tilespmem:$0xDE80];
	v7 =	vnsel vm14, $0x0, v7  }
0x94: {  	vm15 =	vgt.u32 v42, v5;
	v6 =	vadd.f32 v7, v6;
	v7 =	vld [tilespmem:$0x14280]  }
0x95: {  	v47 =	vld [tilespmem:$0xDF00];
	v8 =	vnsel vm15, $0x0, v43  }
0x96: {  	v48 =	vld [tilespmem:$0x14300];
	vm4 =	vgt.u32 v44, v5;
	v6 =	vadd.f32 v8, v6  }
0x97: {  	v49 =	vld [tilespmem:$0xDF80];
	v10 =	vnsel vm4, $0x0, v45  }
0x98: {  	v50 =	vld [tilespmem:$0x14380];
	vm5 =	vgt.u32 v46, v5;
	v6 =	vadd.f32 v10, v6  }
0x99: {  	v51 =	vld [tilespmem:$0xE000];
	v7 =	vnsel vm5, $0x0, v7  }
0x9a: {  	vm6 =	vgt.u32 v47, v5;
	v6 =	vadd.f32 v7, v6;
	v7 =	vld [tilespmem:$0x14400]  }
0x9b: {  	v52 =	vld [tilespmem:$0xE080];
	v8 =	vnsel vm6, $0x0, v48  }
0x9c: {  	v53 =	vld [tilespmem:$0x14480];
	vm7 =	vgt.u32 v49, v5;
	v6 =	vadd.f32 v8, v6  }
0x9d: {  	v54 =	vld [tilespmem:$0xE100];
	v10 =	vnsel vm7, $0x0, v50  }
0x9e: {  	v55 =	vld [tilespmem:$0x14500];
	vm8 =	vgt.u32 v51, v5;
	v6 =	vadd.f32 v10, v6  }
0x9f: {  	v56 =	vld [tilespmem:$0xE180];
	v7 =	vnsel vm8, $0x0, v7  }
0xa0: {  	vm9 =	vgt.u32 v52, v5;
	v6 =	vadd.f32 v7, v6;
	v7 =	vld [tilespmem:$0x14580]  }
0xa1: {  	v57 =	vld [tilespmem:$0xE200];
	v8 =	vnsel vm9, $0x0, v53  }
0xa2: {  	v58 =	vld [tilespmem:$0x14600];
	vm10 =	vgt.u32 v54, v5;
	v6 =	vadd.f32 v8, v6  }
0xa3: {  	v59 =	vld [tilespmem:$0xE280];
	v10 =	vnsel vm10, $0x0, v55  }
0xa4: {  	v60 =	vld [tilespmem:$0x14680];
	vm11 =	vgt.u32 v56, v5;
	v6 =	vadd.f32 v10, v6  }
0xa5: {  	v61 =	vld [tilespmem:$0xE300];
	v7 =	vnsel vm11, $0x0, v7  }
0xa6: {  	vm12 =	vgt.u32 v57, v5;
	v6 =	vadd.f32 v7, v6;
	v7 =	vld [tilespmem:$0x14700]  }
0xa7: {  	v62 =	vld [tilespmem:$0xE380];
	v8 =	vnsel vm12, $0x0, v58  }
0xa8: {  	v63 =	vld [tilespmem:$0x14780];
	vm13 =	vgt.u32 v59, v5;
	v6 =	vadd.f32 v8, v6  }
0xa9: {  	v16 =	vld [tilespmem:$0xE400];
	v10 =	vnsel vm13, $0x0, v60  }
0xaa: {  	v17 =	vld [tilespmem:$0x14800];
	vm14 =	vgt.u32 v61, v5;
	v6 =	vadd.f32 v10, v6  }
0xab: {  	v18 =	vld [tilespmem:$0xE480];
	v7 =	vnsel vm14, $0x0, v7  }
0xac: {  	vm15 =	vgt.u32 v62, v5;
	v6 =	vadd.f32 v7, v6;
	v7 =	vld [tilespmem:$0x14880]  }
0xad: {  	v19 =	vld [tilespmem:$0xE500];
	v8 =	vnsel vm15, $0x0, v63  }
0xae: {  	v20 =	vld [tilespmem:$0x14900];
	vm4 =	vgt.u32 v16, v5;
	v6 =	vadd.f32 v8, v6  }
0xaf: {  	v21 =	vld [tilespmem:$0xE580];
	v10 =	vnsel vm4, $0x0, v17  }
0xb0: {  	v22 =	vld [tilespmem:$0x14980];
	vm5 =	vgt.u32 v18, v5;
	v6 =	vadd.f32 v10, v6  }
0xb1: {  	v23 =	vld [tilespmem:$0xE600];
	v7 =	vnsel vm5, $0x0, v7  }
0xb2: {  	vm6 =	vgt.u32 v19, v5;
	v6 =	vadd.f32 v7, v6;
	v7 =	vld [tilespmem:$0x14A00]  }
0xb3: {  	v24 =	vld [tilespmem:$0xE680];
	v8 =	vnsel vm6, $0x0, v20  }
0xb4: {  	v25 =	vld [tilespmem:$0x14A80];
	vm7 =	vgt.u32 v21, v5;
	v6 =	vadd.f32 v8, v6  }
0xb5: {  	v26 =	vld [tilespmem:$0xE700];
	v10 =	vnsel vm7, $0x0, v22  }
0xb6: {  	v27 =	vld [tilespmem:$0x14B00];
	vm8 =	vgt.u32 v23, v5;
	v6 =	vadd.f32 v10, v6  }
0xb7: {  	v28 =	vld [tilespmem:$0xE780];
	v7 =	vnsel vm8, $0x0, v7  }
0xb8: {  	vm9 =	vgt.u32 v24, v5;
	v6 =	vadd.f32 v7, v6;
	v7 =	vld [tilespmem:$0x14B80]  }
0xb9: {  	v29 =	vld [tilespmem:$0xE800];
	v8 =	vnsel vm9, $0x0, v25  }
0xba: {  	v30 =	vld [tilespmem:$0x14C00];
	vm10 =	vgt.u32 v26, v5;
	v6 =	vadd.f32 v8, v6  }
0xbb: {  	v31 =	vld [tilespmem:$0xE880];
	v10 =	vnsel vm10, $0x0, v27  }
0xbc: {  	v32 =	vld [tilespmem:$0x14C80];
	vm11 =	vgt.u32 v28, v5;
	v6 =	vadd.f32 v10, v6  }
0xbd: {  	v33 =	vld [tilespmem:$0xE900];
	v7 =	vnsel vm11, $0x0, v7  }
0xbe: {  	vm12 =	vgt.u32 v29, v5;
	v6 =	vadd.f32 v7, v6;
	v7 =	vld [tilespmem:$0x14D00]  }
0xbf: {  	v34 =	vld [tilespmem:$0xE980];
	v8 =	vnsel vm12, $0x0, v30  }
0xc0: {  	v35 =	vld [tilespmem:$0x14D80];
	vm13 =	vgt.u32 v31, v5;
	v6 =	vadd.f32 v8, v6  }
0xc1: {  	v36 =	vld [tilespmem:$0xEA00];
	v10 =	vnsel vm13, $0x0, v32  }
0xc2: {  	v37 =	vld [tilespmem:$0x14E00];
	vm14 =	vgt.u32 v33, v5;
	v6 =	vadd.f32 v10, v6  }
0xc3: {  	v38 =	vld [tilespmem:$0xEA80];
	v7 =	vnsel vm14, $0x0, v7  }
0xc4: {  	vm15 =	vgt.u32 v34, v5;
	v6 =	vadd.f32 v7, v6;
	v7 =	vld [tilespmem:$0x14E80]  }
0xc5: {  	v39 =	vld [tilespmem:$0xEB00];
	v8 =	vnsel vm15, $0x0, v35  }
0xc6: {  	v40 =	vld [tilespmem:$0x14F00];
	vm4 =	vgt.u32 v36, v5;
	v6 =	vadd.f32 v8, v6  }
0xc7: {  	v41 =	vld [tilespmem:$0xEB80];
	v10 =	vnsel vm4, $0x0, v37  }
0xc8: {  	v42 =	vld [tilespmem:$0x14F80];
	vm5 =	vgt.u32 v38, v5;
	v6 =	vadd.f32 v10, v6  }
0xc9: {  	v43 =	vld [tilespmem:$0xEC00];
	v7 =	vnsel vm5, $0x0, v7  }
0xca: {  	vm6 =	vgt.u32 v39, v5;
	v6 =	vadd.f32 v7, v6;
	v7 =	vld [tilespmem:$0x15000]  }
0xcb: {  	v44 =	vld [tilespmem:$0xEC80];
	v8 =	vnsel vm6, $0x0, v40  }
0xcc: {  	v45 =	vld [tilespmem:$0x15080];
	vm7 =	vgt.u32 v41, v5;
	v6 =	vadd.f32 v8, v6  }
0xcd: {  	v46 =	vld [tilespmem:$0xED00];
	v10 =	vnsel vm7, $0x0, v42  }
0xce: {  	v47 =	vld [tilespmem:$0x15100];
	vm8 =	vgt.u32 v43, v5;
	v6 =	vadd.f32 v10, v6  }
0xcf: {  	v48 =	vld [tilespmem:$0xED80];
	v7 =	vnsel vm8, $0x0, v7  }
0xd0: {  	vm9 =	vgt.u32 v44, v5;
	v6 =	vadd.f32 v7, v6;
	v7 =	vld [tilespmem:$0x15180]  }
0xd1: {  	v49 =	vld [tilespmem:$0xEE00];
	v8 =	vnsel vm9, $0x0, v45  }
0xd2: {  	v50 =	vld [tilespmem:$0x15200];
	vm10 =	vgt.u32 v46, v5;
	v6 =	vadd.f32 v8, v6  }
0xd3: {  	v51 =	vld [tilespmem:$0xEE80];
	v10 =	vnsel vm10, $0x0, v47  }
0xd4: {  	v52 =	vld [tilespmem:$0x15280];
	vm11 =	vgt.u32 v48, v5;
	v6 =	vadd.f32 v10, v6  }
0xd5: {  	v53 =	vld [tilespmem:$0xEF00];
	v7 =	vnsel vm11, $0x0, v7  }
0xd6: {  	vm12 =	vgt.u32 v49, v5;
	v6 =	vadd.f32 v7, v6;
	v7 =	vld [tilespmem:$0x15300]  }
0xd7: {  	v54 =	vld [tilespmem:$0xEF80];
	v8 =	vnsel vm12, $0x0, v50  }
0xd8: {  	v55 =	vld [tilespmem:$0x15380];
	vm13 =	vgt.u32 v51, v5;
	v6 =	vadd.f32 v8, v6  }
0xd9: {  	v56 =	vld [tilespmem:$0xF000];
	v10 =	vnsel vm13, $0x0, v52  }
0xda: {  	v57 =	vld [tilespmem:$0x15400];
	vm14 =	vgt.u32 v53, v5;
	v6 =	vadd.f32 v10, v6  }
0xdb: {  	v58 =	vld [tilespmem:$0xF080];
	v7 =	vnsel vm14, $0x0, v7  }
0xdc: {  	vm15 =	vgt.u32 v54, v5;
	v6 =	vadd.f32 v7, v6;
	v7 =	vld [tilespmem:$0x15480]  }
0xdd: {  	v59 =	vld [tilespmem:$0xF100];
	v8 =	vnsel vm15, $0x0, v55  }
0xde: {  	v60 =	vld [tilespmem:$0x15500];
	vm4 =	vgt.u32 v56, v5;
	v6 =	vadd.f32 v8, v6  }
0xdf: {  	v61 =	vld [tilespmem:$0xF180];
	v10 =	vnsel vm4, $0x0, v57  }
0xe0: {  	v62 =	vld [tilespmem:$0x15580];
	vm5 =	vgt.u32 v58, v5;
	v6 =	vadd.f32 v10, v6  }
0xe1: {  	v63 =	vld [tilespmem:$0xF200];
	v7 =	vnsel vm5, $0x0, v7  }
0xe2: {  	vm6 =	vgt.u32 v59, v5;
	v6 =	vadd.f32 v7, v6;
	v7 =	vld [tilespmem:$0x15600]  }
0xe3: {  	v16 =	vld [tilespmem:$0xF280];
	v8 =	vnsel vm6, $0x0, v60  }
0xe4: {  	v17 =	vld [tilespmem:$0x15680];
	vm7 =	vgt.u32 v61, v5;
	v6 =	vadd.f32 v8, v6  }
0xe5: {  	v18 =	vld [tilespmem:$0xF300];
	v10 =	vnsel vm7, $0x0, v62  }
0xe6: {  	v19 =	vld [tilespmem:$0x15700];
	vm8 =	vgt.u32 v63, v5;
	v6 =	vadd.f32 v10, v6  }
0xe7: {  	v20 =	vld [tilespmem:$0xF380];
	v7 =	vnsel vm8, $0x0, v7  }
0xe8: {  	vm9 =	vgt.u32 v16, v5;
	v6 =	vadd.f32 v7, v6;
	v7 =	vld [tilespmem:$0x15780]  }
0xe9: {  	v21 =	vld [tilespmem:$0xF400];
	v8 =	vnsel vm9, $0x0, v17  }
0xea: {  	v22 =	vld [tilespmem:$0x15800];
	vm10 =	vgt.u32 v18, v5;
	v6 =	vadd.f32 v8, v6  }
0xeb: {  	v23 =	vld [tilespmem:$0xF480];
	v10 =	vnsel vm10, $0x0, v19  }
0xec: {  	v24 =	vld [tilespmem:$0x15880];
	vm11 =	vgt.u32 v20, v5;
	v6 =	vadd.f32 v10, v6  }
0xed: {  	v25 =	vld [tilespmem:$0xF500];
	v7 =	vnsel vm11, $0x0, v7  }
0xee: {  	vm12 =	vgt.u32 v21, v5;
	v6 =	vadd.f32 v7, v6;
	v7 =	vld [tilespmem:$0x15900]  }
0xef: {  	v26 =	vld [tilespmem:$0xF580];
	v8 =	vnsel vm12, $0x0, v22  }
0xf0: {  	v27 =	vld [tilespmem:$0x15980];
	vm13 =	vgt.u32 v23, v5;
	v6 =	vadd.f32 v8, v6  }
0xf1: {  	v28 =	vld [tilespmem:$0xF600];
	v10 =	vnsel vm13, $0x0, v24  }
0xf2: {  	v29 =	vld [tilespmem:$0x15A00];
	vm14 =	vgt.u32 v25, v5;
	v6 =	vadd.f32 v10, v6  }
0xf3: {  	v30 =	vld [tilespmem:$0xF680];
	v7 =	vnsel vm14, $0x0, v7  }
0xf4: {  	vm15 =	vgt.u32 v26, v5;
	v6 =	vadd.f32 v7, v6;
	v7 =	vld [tilespmem:$0x15A80]  }
0xf5: {  	v31 =	vld [tilespmem:$0xF700];
	v8 =	vnsel vm15, $0x0, v27  }
0xf6: {  	v32 =	vld [tilespmem:$0x15B00];
	vm4 =	vgt.u32 v28, v5;
	v6 =	vadd.f32 v8, v6  }
0xf7: {  	v33 =	vld [tilespmem:$0xF780];
	v10 =	vnsel vm4, $0x0, v29  }
0xf8: {  	v34 =	vld [tilespmem:$0x15B80];
	vm5 =	vgt.u32 v30, v5;
	v6 =	vadd.f32 v10, v6  }
0xf9: {  	v35 =	vld [tilespmem:$0xF800];
	v7 =	vnsel vm5, $0x0, v7  }
0xfa: {  	vm6 =	vgt.u32 v31, v5;
	v6 =	vadd.f32 v7, v6;
	v7 =	vld [tilespmem:$0x15C00]  }
0xfb: {  	v36 =	vld [tilespmem:$0xF880];
	v8 =	vnsel vm6, $0x0, v32  }
0xfc: {  	v37 =	vld [tilespmem:$0x15C80];
	vm7 =	vgt.u32 v33, v5;
	v6 =	vadd.f32 v8, v6  }
0xfd: {  	v38 =	vld [tilespmem:$0xF900];
	v10 =	vnsel vm7, $0x0, v34  }
0xfe: {  	v39 =	vld [tilespmem:$0x15D00];
	vm8 =	vgt.u32 v35, v5;
	v6 =	vadd.f32 v10, v6  }
0xff: {  	v40 =	vld [tilespmem:$0xF980];
	v7 =	vnsel vm8, $0x0, v7  }
0x100: {  	vm9 =	vgt.u32 v36, v5;
	v6 =	vadd.f32 v7, v6;
	v7 =	vld [tilespmem:$0x15D80]  }
0x101: {  	v41 =	vld [tilespmem:$0xFA00];
	v8 =	vnsel vm9, $0x0, v37  }
0x102: {  	v42 =	vld [tilespmem:$0x15E00];
	vm10 =	vgt.u32 v38, v5;
	v6 =	vadd.f32 v8, v6  }
0x103: {  	v43 =	vld [tilespmem:$0xFA80];
	v10 =	vnsel vm10, $0x0, v39  }
0x104: {  	v44 =	vld [tilespmem:$0x15E80];
	vm11 =	vgt.u32 v40, v5;
	v6 =	vadd.f32 v10, v6  }
0x105: {  	v45 =	vld [tilespmem:$0xFB00];
	v7 =	vnsel vm11, $0x0, v7  }
0x106: {  	vm12 =	vgt.u32 v41, v5;
	v6 =	vadd.f32 v7, v6;
	v7 =	vld [tilespmem:$0x15F00]  }
0x107: {  	v46 =	vld [tilespmem:$0xFB80];
	v8 =	vnsel vm12, $0x0, v42  }
0x108: {  	v47 =	vld [tilespmem:$0x15F80];
	vm13 =	vgt.u32 v43, v5;
	v6 =	vadd.f32 v8, v6  }
0x109: {  	v48 =	vld [tilespmem:$0xFC00];
	v10 =	vnsel vm13, $0x0, v44  }
0x10a: {  	v49 =	vld [tilespmem:$0x16000];
	vm14 =	vgt.u32 v45, v5;
	v6 =	vadd.f32 v10, v6  }
0x10b: {  	v50 =	vld [tilespmem:$0xFC80];
	v7 =	vnsel vm14, $0x0, v7  }
0x10c: {  	vm15 =	vgt.u32 v46, v5;
	v6 =	vadd.f32 v7, v6;
	v7 =	vld [tilespmem:$0x16080]  }
0x10d: {  	v51 =	vld [tilespmem:$0xFD00];
	v8 =	vnsel vm15, $0x0, v47  }
0x10e: {  	v52 =	vld [tilespmem:$0x16100];
	vm4 =	vgt.u32 v48, v5;
	v6 =	vadd.f32 v8, v6  }
0x10f: {  	v53 =	vld [tilespmem:$0xFD80];
	v10 =	vnsel vm4, $0x0, v49  }
0x110: {  	v54 =	vld [tilespmem:$0x16180];
	vm5 =	vgt.u32 v50, v5;
	v6 =	vadd.f32 v10, v6  }
0x111: {  	v55 =	vld [tilespmem:$0xFE00];
	v7 =	vnsel vm5, $0x0, v7  }
0x112: {  	vm6 =	vgt.u32 v51, v5;
	v6 =	vadd.f32 v7, v6;
	v7 =	vld [tilespmem:$0x16200]  }
0x113: {  	v56 =	vld [tilespmem:$0xFE80];
	v8 =	vnsel vm6, $0x0, v52  }
0x114: {  	v57 =	vld [tilespmem:$0x16280];
	vm7 =	vgt.u32 v53, v5;
	v6 =	vadd.f32 v8, v6  }
0x115: {  	v58 =	vld [tilespmem:$0xFF00];
	v10 =	vnsel vm7, $0x0, v54  }
0x116: {  	v59 =	vld [tilespmem:$0x16300];
	vm8 =	vgt.u32 v55, v5;
	v6 =	vadd.f32 v10, v6  }
0x117: {  	v60 =	vld [tilespmem:$0xFF80];
	v7 =	vnsel vm8, $0x0, v7  }
0x118: {  	vm9 =	vgt.u32 v56, v5;
	v6 =	vadd.f32 v7, v6;
	v7 =	vld [tilespmem:$0x16380]  }
0x119: {  	v61 =	vld [tilespmem:$0x10000];
	v8 =	vnsel vm9, $0x0, v57  }
0x11a: {  	v62 =	vld [tilespmem:$0x16400];
	vm10 =	vgt.u32 v58, v5;
	v6 =	vadd.f32 v8, v6  }
0x11b: {  	v63 =	vld [tilespmem:$0x10080];
	v10 =	vnsel vm10, $0x0, v59  }
0x11c: {  	v16 =	vld [tilespmem:$0x16480];
	vm11 =	vgt.u32 v60, v5;
	v6 =	vadd.f32 v10, v6  }
0x11d: {  	v17 =	vld [tilespmem:$0x10100];
	v7 =	vnsel vm11, $0x0, v7  }
0x11e: {  	vm12 =	vgt.u32 v61, v5;
	v6 =	vadd.f32 v7, v6;
	v7 =	vld [tilespmem:$0x16500]  }
0x11f: {  	v18 =	vld [tilespmem:$0x10180];
	v8 =	vnsel vm12, $0x0, v62  }
0x120: {  	v19 =	vld [tilespmem:$0x16580];
	vm13 =	vgt.u32 v63, v5;
	v6 =	vadd.f32 v8, v6  }
0x121: {  	v20 =	vld [tilespmem:$0x10200];
	v10 =	vnsel vm13, $0x0, v16  }
0x122: {  	v21 =	vld [tilespmem:$0x16600];
	vm14 =	vgt.u32 v17, v5;
	v6 =	vadd.f32 v10, v6  }
0x123: {  	v22 =	vld [tilespmem:$0x10280];
	v7 =	vnsel vm14, $0x0, v7  }
0x124: {  	vm15 =	vgt.u32 v18, v5;
	v6 =	vadd.f32 v7, v6;
	v7 =	vld [tilespmem:$0x16680]  }
0x125: {  	v23 =	vld [tilespmem:$0x10300];
	v8 =	vnsel vm15, $0x0, v19  }
0x126: {  	v24 =	vld [tilespmem:$0x16700];
	vm4 =	vgt.u32 v20, v5;
	v6 =	vadd.f32 v8, v6  }
0x127: {  	v25 =	vld [tilespmem:$0x10380];
	v10 =	vnsel vm4, $0x0, v21  }
0x128: {  	v26 =	vld [tilespmem:$0x16780];
	vm5 =	vgt.u32 v22, v5;
	v6 =	vadd.f32 v10, v6  }
0x129: {  	v27 =	vld [tilespmem:$0x10400];
	v7 =	vnsel vm5, $0x0, v7  }
0x12a: {  	vm6 =	vgt.u32 v23, v5;
	v6 =	vadd.f32 v7, v6;
	v7 =	vld [tilespmem:$0x16800]  }
0x12b: {  	v28 =	vld [tilespmem:$0x10480];
	v8 =	vnsel vm6, $0x0, v24  }
0x12c: {  	v29 =	vld [tilespmem:$0x16880];
	vm7 =	vgt.u32 v25, v5;
	v6 =	vadd.f32 v8, v6  }
0x12d: {  	v30 =	vld [tilespmem:$0x10500];
	v10 =	vnsel vm7, $0x0, v26  }
0x12e: {  	v31 =	vld [tilespmem:$0x16900];
	vm8 =	vgt.u32 v27, v5;
	v6 =	vadd.f32 v10, v6  }
0x12f: {  	v32 =	vld [tilespmem:$0x10580];
	v7 =	vnsel vm8, $0x0, v7  }
0x130: {  	vm9 =	vgt.u32 v28, v5;
	v6 =	vadd.f32 v7, v6;
	v7 =	vld [tilespmem:$0x16980]  }
0x131: {  	v33 =	vld [tilespmem:$0x10600];
	v8 =	vnsel vm9, $0x0, v29  }
0x132: {  	v34 =	vld [tilespmem:$0x16A00];
	vm10 =	vgt.u32 v30, v5;
	v6 =	vadd.f32 v8, v6  }
0x133: {  	v35 =	vld [tilespmem:$0x10680];
	v10 =	vnsel vm10, $0x0, v31  }
0x134: {  	v36 =	vld [tilespmem:$0x16A80];
	vm11 =	vgt.u32 v32, v5;
	v6 =	vadd.f32 v10, v6  }
0x135: {  	v37 =	vld [tilespmem:$0x10700];
	v7 =	vnsel vm11, $0x0, v7  }
0x136: {  	vm12 =	vgt.u32 v33, v5;
	v6 =	vadd.f32 v7, v6;
	v7 =	vld [tilespmem:$0x16B00]  }
0x137: {  	v38 =	vld [tilespmem:$0x10780];
	v8 =	vnsel vm12, $0x0, v34  }
0x138: {  	v39 =	vld [tilespmem:$0x16B80];
	vm13 =	vgt.u32 v35, v5;
	v6 =	vadd.f32 v8, v6  }
0x139: {  	v40 =	vld [tilespmem:$0x10800];
	v10 =	vnsel vm13, $0x0, v36  }
0x13a: {  	v41 =	vld [tilespmem:$0x16C00];
	vm14 =	vgt.u32 v37, v5;
	v6 =	vadd.f32 v10, v6  }
0x13b: {  	v42 =	vld [tilespmem:$0x10880];
	v7 =	vnsel vm14, $0x0, v7  }
0x13c: {  	vm15 =	vgt.u32 v38, v5;
	v6 =	vadd.f32 v7, v6;
	v7 =	vld [tilespmem:$0x16C80]  }
0x13d: {  	v43 =	vld [tilespmem:$0x10900];
	v8 =	vnsel vm15, $0x0, v39  }
0x13e: {  	v44 =	vld [tilespmem:$0x16D00];
	vm4 =	vgt.u32 v40, v5;
	v6 =	vadd.f32 v8, v6  }
0x13f: {  	v45 =	vld [tilespmem:$0x10980];
	v10 =	vnsel vm4, $0x0, v41  }
0x140: {  	v46 =	vld [tilespmem:$0x16D80];
	vm5 =	vgt.u32 v42, v5;
	v6 =	vadd.f32 v10, v6  }
0x141: {  	v47 =	vld [tilespmem:$0x10A00];
	v7 =	vnsel vm5, $0x0, v7  }
0x142: {  	vm6 =	vgt.u32 v43, v5;
	v6 =	vadd.f32 v7, v6;
	v7 =	vld [tilespmem:$0x16E00]  }
0x143: {  	v48 =	vld [tilespmem:$0x10A80];
	v8 =	vnsel vm6, $0x0, v44  }
0x144: {  	v49 =	vld [tilespmem:$0x16E80];
	vm7 =	vgt.u32 v45, v5;
	v6 =	vadd.f32 v8, v6  }
0x145: {  	v50 =	vld [tilespmem:$0x10B00];
	v10 =	vnsel vm7, $0x0, v46  }
0x146: {  	v51 =	vld [tilespmem:$0x16F00];
	vm8 =	vgt.u32 v47, v5;
	v6 =	vadd.f32 v10, v6  }
0x147: {  	v52 =	vld [tilespmem:$0x10B80];
	v7 =	vnsel vm8, $0x0, v7  }
0x148: {  	vm9 =	vgt.u32 v48, v5;
	v6 =	vadd.f32 v7, v6;
	v7 =	vld [tilespmem:$0x16F80]  }
0x149: {  	v53 =	vld [tilespmem:$0x10C00];
	v8 =	vnsel vm9, $0x0, v49  }
0x14a: {  	v54 =	vld [tilespmem:$0x17000];
	vm10 =	vgt.u32 v50, v5;
	v6 =	vadd.f32 v8, v6  }
0x14b: {  	v55 =	vld [tilespmem:$0x10C80];
	v10 =	vnsel vm10, $0x0, v51  }
0x14c: {  	v56 =	vld [tilespmem:$0x17080];
	vm11 =	vgt.u32 v52, v5;
	v6 =	vadd.f32 v10, v6  }
0x14d: {  	v57 =	vld [tilespmem:$0x10D00];
	v7 =	vnsel vm11, $0x0, v7  }
0x14e: {  	vm12 =	vgt.u32 v53, v5;
	v6 =	vadd.f32 v7, v6;
	v7 =	vld [tilespmem:$0x17100]  }
0x14f: {  	v58 =	vld [tilespmem:$0x10D80];
	v8 =	vnsel vm12, $0x0, v54  }
0x150: {  	v59 =	vld [tilespmem:$0x17180];
	vm13 =	vgt.u32 v55, v5;
	v6 =	vadd.f32 v8, v6  }
0x151: {  	v60 =	vld [tilespmem:$0x10E00];
	v10 =	vnsel vm13, $0x0, v56  }
0x152: {  	v61 =	vld [tilespmem:$0x17200];
	vm14 =	vgt.u32 v57, v5;
	v6 =	vadd.f32 v10, v6  }
0x153: {  	v62 =	vld [tilespmem:$0x10E80];
	v7 =	vnsel vm14, $0x0, v7  }
0x154: {  	vm15 =	vgt.u32 v58, v5;
	v6 =	vadd.f32 v7, v6;
	v7 =	vld [tilespmem:$0x17280]  }
0x155: {  	v63 =	vld [tilespmem:$0x10F00];
	v8 =	vnsel vm15, $0x0, v59  }
0x156: {  	v16 =	vld [tilespmem:$0x17300];
	vm4 =	vgt.u32 v60, v5;
	v6 =	vadd.f32 v8, v6  }
0x157: {  	v17 =	vld [tilespmem:$0x10F80];
	v10 =	vnsel vm4, $0x0, v61  }
0x158: {  	v18 =	vld [tilespmem:$0x17380];
	vm5 =	vgt.u32 v62, v5;
	v6 =	vadd.f32 v10, v6  }
0x159: {  	v19 =	vld [tilespmem:$0x11000];
	v7 =	vnsel vm5, $0x0, v7  }
0x15a: {  	vm6 =	vgt.u32 v63, v5;
	v6 =	vadd.f32 v7, v6;
	v7 =	vld [tilespmem:$0x17400]  }
0x15b: {  	v20 =	vld [tilespmem:$0x11080];
	v8 =	vnsel vm6, $0x0, v16  }
0x15c: {  	v21 =	vld [tilespmem:$0x17480];
	vm7 =	vgt.u32 v17, v5;
	v6 =	vadd.f32 v8, v6  }
0x15d: {  	v22 =	vld [tilespmem:$0x11100];
	v10 =	vnsel vm7, $0x0, v18  }
0x15e: {  	v23 =	vld [tilespmem:$0x17500];
	vm8 =	vgt.u32 v19, v5;
	v6 =	vadd.f32 v10, v6  }
0x15f: {  	v24 =	vld [tilespmem:$0x11180];
	v7 =	vnsel vm8, $0x0, v7  }
0x160: {  	vm9 =	vgt.u32 v20, v5;
	v6 =	vadd.f32 v7, v6;
	v7 =	vld [tilespmem:$0x17580]  }
0x161: {  	v25 =	vld [tilespmem:$0x11200];
	v8 =	vnsel vm9, $0x0, v21  }
0x162: {  	v26 =	vld [tilespmem:$0x17600];
	vm10 =	vgt.u32 v22, v5;
	v6 =	vadd.f32 v8, v6  }
0x163: {  	v27 =	vld [tilespmem:$0x11280];
	v10 =	vnsel vm10, $0x0, v23  }
0x164: {  	v28 =	vld [tilespmem:$0x17680];
	vm11 =	vgt.u32 v24, v5;
	v6 =	vadd.f32 v10, v6  }
0x165: {  	v29 =	vld [tilespmem:$0x11300];
	v7 =	vnsel vm11, $0x0, v7  }
0x166: {  	vm12 =	vgt.u32 v25, v5;
	v6 =	vadd.f32 v7, v6;
	v7 =	vld [tilespmem:$0x17700]  }
0x167: {  	v30 =	vld [tilespmem:$0x11380];
	v8 =	vnsel vm12, $0x0, v26  }
0x168: {  	v31 =	vld [tilespmem:$0x17780];
	vm13 =	vgt.u32 v27, v5;
	v6 =	vadd.f32 v8, v6  }
0x169: {  	v32 =	vld [tilespmem:$0x11400];
	v10 =	vnsel vm13, $0x0, v28  }
0x16a: {  	v33 =	vld [tilespmem:$0x17800];
	vm14 =	vgt.u32 v29, v5;
	v6 =	vadd.f32 v10, v6  }
0x16b: {  	v34 =	vld [tilespmem:$0x11480];
	v7 =	vnsel vm14, $0x0, v7  }
0x16c: {  	vm15 =	vgt.u32 v30, v5;
	v6 =	vadd.f32 v7, v6;
	v7 =	vld [tilespmem:$0x17880]  }
0x16d: {  	v35 =	vld [tilespmem:$0x11500];
	v8 =	vnsel vm15, $0x0, v31  }
0x16e: {  	v36 =	vld [tilespmem:$0x17900];
	vm4 =	vgt.u32 v32, v5;
	v6 =	vadd.f32 v8, v6  }
0x16f: {  	v37 =	vld [tilespmem:$0x11580];
	v10 =	vnsel vm4, $0x0, v33  }
0x170: {  	v38 =	vld [tilespmem:$0x17980];
	vm5 =	vgt.u32 v34, v5;
	v6 =	vadd.f32 v10, v6  }
0x171: {  	v39 =	vld [tilespmem:$0x11600];
	v7 =	vnsel vm5, $0x0, v7  }
0x172: {  	vm6 =	vgt.u32 v35, v5;
	v6 =	vadd.f32 v7, v6;
	v7 =	vld [tilespmem:$0x17A00]  }
0x173: {  	v40 =	vld [tilespmem:$0x11680];
	v8 =	vnsel vm6, $0x0, v36  }
0x174: {  	v41 =	vld [tilespmem:$0x17A80];
	vm7 =	vgt.u32 v37, v5;
	v6 =	vadd.f32 v8, v6  }
0x175: {  	v42 =	vld [tilespmem:$0x11700];
	v10 =	vnsel vm7, $0x0, v38  }
0x176: {  	v43 =	vld [tilespmem:$0x17B00];
	vm8 =	vgt.u32 v39, v5;
	v6 =	vadd.f32 v10, v6  }
0x177: {  	v44 =	vld [tilespmem:$0x11780];
	v7 =	vnsel vm8, $0x0, v7  }
0x178: {  	vm9 =	vgt.u32 v40, v5;
	v6 =	vadd.f32 v7, v6;
	v7 =	vld [tilespmem:$0x17B80]  }
0x179: {  	v45 =	vld [tilespmem:$0x11800];
	v8 =	vnsel vm9, $0x0, v41  }
0x17a: {  	v46 =	vld [tilespmem:$0x17C00];
	vm10 =	vgt.u32 v42, v5;
	v6 =	vadd.f32 v8, v6  }
0x17b: {  	v47 =	vld [tilespmem:$0x11880];
	v10 =	vnsel vm10, $0x0, v43  }
0x17c: {  	v48 =	vld [tilespmem:$0x17C80];
	vm11 =	vgt.u32 v44, v5;
	v6 =	vadd.f32 v10, v6  }
0x17d: {  	v49 =	vld [tilespmem:$0x11900];
	v7 =	vnsel vm11, $0x0, v7  }
0x17e: {  	vm12 =	vgt.u32 v45, v5;
	v6 =	vadd.f32 v7, v6;
	v7 =	vld [tilespmem:$0x17D00]  }
0x17f: {  	v50 =	vld [tilespmem:$0x11980];
	v8 =	vnsel vm12, $0x0, v46  }
0x180: {  	v51 =	vld [tilespmem:$0x17D80];
	vm13 =	vgt.u32 v47, v5;
	v6 =	vadd.f32 v8, v6  }
0x181: {  	v52 =	vld [tilespmem:$0x11A00];
	v10 =	vnsel vm13, $0x0, v48  }
0x182: {  	v53 =	vld [tilespmem:$0x17E00];
	vm14 =	vgt.u32 v49, v5;
	v6 =	vadd.f32 v10, v6  }
0x183: {  	v54 =	vld [tilespmem:$0x11A80];
	v7 =	vnsel vm14, $0x0, v7  }
0x184: {  	vm15 =	vgt.u32 v50, v5;
	v6 =	vadd.f32 v7, v6;
	v7 =	vld [tilespmem:$0x17E80]  }
0x185: {  	v55 =	vld [tilespmem:$0x11B00];
	v8 =	vnsel vm15, $0x0, v51  }
0x186: {  	v56 =	vld [tilespmem:$0x17F00];
	vm4 =	vgt.u32 v52, v5;
	v6 =	vadd.f32 v8, v6  }
0x187: {  	v57 =	vld [tilespmem:$0x11B80];
	v10 =	vnsel vm4, $0x0, v53  }
0x188: {  	v58 =	vld [tilespmem:$0x17F80];
	vm5 =	vgt.u32 v54, v5;
	v6 =	vadd.f32 v10, v6  }
0x189: {  	v59 =	vld [tilespmem:$0x11C00];
	v7 =	vnsel vm5, $0x0, v7  }
0x18a: {  	vm6 =	vgt.u32 v55, v5;
	v6 =	vadd.f32 v7, v6;
	v7 =	vld [tilespmem:$0x18000]  }
0x18b: {  	v60 =	vld [tilespmem:$0x11C80];
	v8 =	vnsel vm6, $0x0, v56  }
0x18c: {  	v61 =	vld [tilespmem:$0x18080];
	vm7 =	vgt.u32 v57, v5;
	v6 =	vadd.f32 v8, v6  }
0x18d: {  	v62 =	vld [tilespmem:$0x11D00];
	v10 =	vnsel vm7, $0x0, v58  }
0x18e: {  	v63 =	vld [tilespmem:$0x18100];
	vm8 =	vgt.u32 v59, v5;
	v6 =	vadd.f32 v10, v6  }
0x18f: {  	v16 =	vld [tilespmem:$0x11D80];
	v7 =	vnsel vm8, $0x0, v7  }
0x190: {  	vm9 =	vgt.u32 v60, v5;
	v6 =	vadd.f32 v7, v6;
	v7 =	vld [tilespmem:$0x18180]  }
0x191: {  	v17 =	vld [tilespmem:$0x11E00];
	v8 =	vnsel vm9, $0x0, v61  }
0x192: {  	v18 =	vld [tilespmem:$0x18200];
	vm10 =	vgt.u32 v62, v5;
	v6 =	vadd.f32 v8, v6  }
0x193: {  	v19 =	vld [tilespmem:$0x11E80];
	v10 =	vnsel vm10, $0x0, v63  }
0x194: {  	v20 =	vld [tilespmem:$0x18280];
	vm11 =	vgt.u32 v16, v5;
	v6 =	vadd.f32 v10, v6  }
0x195: {  	v21 =	vld [tilespmem:$0x11F00];
	v7 =	vnsel vm11, $0x0, v7  }
0x196: {  	vm12 =	vgt.u32 v17, v5;
	v6 =	vadd.f32 v7, v6;
	v7 =	vld [tilespmem:$0x18300]  }
0x197: {  	v22 =	vld [tilespmem:$0x11F80];
	v8 =	vnsel vm12, $0x0, v18  }
0x198: {  	v23 =	vld [tilespmem:$0x18380];
	vm13 =	vgt.u32 v19, v5;
	v6 =	vadd.f32 v8, v6  }
0x199: {  	v24 =	vld [tilespmem:$0x12000];
	v10 =	vnsel vm13, $0x0, v20  }
0x19a: {  	v25 =	vld [tilespmem:$0x18400];
	vm14 =	vgt.u32 v21, v5;
	v6 =	vadd.f32 v10, v6  }
0x19b: {  	v26 =	vld [tilespmem:$0x12080];
	v7 =	vnsel vm14, $0x0, v7  }
0x19c: {  	vm15 =	vgt.u32 v22, v5;
	v6 =	vadd.f32 v7, v6;
	v7 =	vld [tilespmem:$0x18480]  }
0x19d: {  	v27 =	vld [tilespmem:$0x12100];
	v8 =	vnsel vm15, $0x0, v23  }
0x19e: {  	v28 =	vld [tilespmem:$0x18500];
	vm4 =	vgt.u32 v24, v5;
	v6 =	vadd.f32 v8, v6  }
0x19f: {  	v29 =	vld [tilespmem:$0x12180];
	v10 =	vnsel vm4, $0x0, v25  }
0x1a0: {  	v30 =	vld [tilespmem:$0x18580];
	vm5 =	vgt.u32 v26, v5;
	v6 =	vadd.f32 v10, v6  }
0x1a1: {  	v31 =	vld [tilespmem:$0x12200];
	v7 =	vnsel vm5, $0x0, v7  }
0x1a2: {  	vm6 =	vgt.u32 v27, v5;
	v6 =	vadd.f32 v7, v6;
	v7 =	vld [tilespmem:$0x18600]  }
0x1a3: {  	v32 =	vld [tilespmem:$0x12280];
	v8 =	vnsel vm6, $0x0, v28  }
0x1a4: {  	v33 =	vld [tilespmem:$0x18680];
	vm7 =	vgt.u32 v29, v5;
	v6 =	vadd.f32 v8, v6  }
0x1a5: {  	v34 =	vld [tilespmem:$0x12300];
	v10 =	vnsel vm7, $0x0, v30  }
0x1a6: {  	v35 =	vld [tilespmem:$0x18700];
	vm8 =	vgt.u32 v31, v5;
	v6 =	vadd.f32 v10, v6  }
0x1a7: {  	v36 =	vld [tilespmem:$0x12380];
	v7 =	vnsel vm8, $0x0, v7  }
0x1a8: {  	vm9 =	vgt.u32 v32, v5;
	v6 =	vadd.f32 v7, v6;
	v7 =	vld [tilespmem:$0x18780]  }
0x1a9: {  	v37 =	vld [tilespmem:$0x12400];
	v8 =	vnsel vm9, $0x0, v33  }
0x1aa: {  	v38 =	vld [tilespmem:$0x18800];
	vm10 =	vgt.u32 v34, v5;
	v6 =	vadd.f32 v8, v6  }
0x1ab: {  	v39 =	vld [tilespmem:$0x12480];
	v10 =	vnsel vm10, $0x0, v35  }
0x1ac: {  	v40 =	vld [tilespmem:$0x18880];
	vm11 =	vgt.u32 v36, v5;
	v6 =	vadd.f32 v10, v6  }
0x1ad: {  	v41 =	vld [tilespmem:$0x12500];
	v7 =	vnsel vm11, $0x0, v7  }
0x1ae: {  	vm12 =	vgt.u32 v37, v5;
	v6 =	vadd.f32 v7, v6;
	v7 =	vld [tilespmem:$0x18900]  }
0x1af: {  	v42 =	vld [tilespmem:$0x12580];
	v8 =	vnsel vm12, $0x0, v38  }
0x1b0: {  	v43 =	vld [tilespmem:$0x18980];
	vm13 =	vgt.u32 v39, v5;
	v6 =	vadd.f32 v8, v6  }
0x1b1: {  	v44 =	vld [tilespmem:$0x12600];
	v10 =	vnsel vm13, $0x0, v40  }
0x1b2: {  	v45 =	vld [tilespmem:$0x18A00];
	vm14 =	vgt.u32 v41, v5;
	v6 =	vadd.f32 v10, v6  }
0x1b3: {  	v46 =	vld [tilespmem:$0x12680];
	v7 =	vnsel vm14, $0x0, v7  }
0x1b4: {  	vm15 =	vgt.u32 v42, v5;
	v6 =	vadd.f32 v7, v6;
	v7 =	vld [tilespmem:$0x18A80]  }
0x1b5: {  	v47 =	vld [tilespmem:$0x12700];
	v8 =	vnsel vm15, $0x0, v43  }
0x1b6: {  	v48 =	vld [tilespmem:$0x18B00];
	vm4 =	vgt.u32 v44, v5;
	v6 =	vadd.f32 v8, v6  }
0x1b7: {  	v49 =	vld [tilespmem:$0x12780];
	v10 =	vnsel vm4, $0x0, v45  }
0x1b8: {  	v50 =	vld [tilespmem:$0x18B80];
	vm5 =	vgt.u32 v46, v5;
	v6 =	vadd.f32 v10, v6  }
0x1b9: {  	v51 =	vld [tilespmem:$0x12800];
	v7 =	vnsel vm5, $0x0, v7  }
0x1ba: {  	vm6 =	vgt.u32 v47, v5;
	v6 =	vadd.f32 v7, v6;
	v7 =	vld [tilespmem:$0x18C00]  }
0x1bb: {  	v52 =	vld [tilespmem:$0x12880];
	v8 =	vnsel vm6, $0x0, v48  }
0x1bc: {  	v53 =	vld [tilespmem:$0x18C80];
	vm7 =	vgt.u32 v49, v5;
	v6 =	vadd.f32 v8, v6  }
0x1bd: {  	v54 =	vld [tilespmem:$0x12900];
	v10 =	vnsel vm7, $0x0, v50  }
0x1be: {  	v55 =	vld [tilespmem:$0x18D00];
	vm8 =	vgt.u32 v51, v5;
	v6 =	vadd.f32 v10, v6  }
0x1bf: {  	v56 =	vld [tilespmem:$0x12980];
	v7 =	vnsel vm8, $0x0, v7  }
0x1c0: {  	vm9 =	vgt.u32 v52, v5;
	v6 =	vadd.f32 v7, v6;
	v7 =	vld [tilespmem:$0x18D80]  }
0x1c1: {  	v57 =	vld [tilespmem:$0x12A00];
	v8 =	vnsel vm9, $0x0, v53  }
0x1c2: {  	v58 =	vld [tilespmem:$0x18E00];
	vm10 =	vgt.u32 v54, v5;
	v6 =	vadd.f32 v8, v6  }
0x1c3: {  	v59 =	vld [tilespmem:$0x12A80];
	v10 =	vnsel vm10, $0x0, v55  }
0x1c4: {  	v60 =	vld [tilespmem:$0x18E80];
	vm11 =	vgt.u32 v56, v5;
	v6 =	vadd.f32 v10, v6  }
0x1c5: {  	v61 =	vld [tilespmem:$0x12B00];
	v7 =	vnsel vm11, $0x0, v7  }
0x1c6: {  	vm12 =	vgt.u32 v57, v5;
	v6 =	vadd.f32 v7, v6;
	v7 =	vld [tilespmem:$0x18F00]  }
0x1c7: {  	v62 =	vld [tilespmem:$0x12B80];
	v8 =	vnsel vm12, $0x0, v58  }
0x1c8: {  	v63 =	vld [tilespmem:$0x18F80];
	vm13 =	vgt.u32 v59, v5;
	v6 =	vadd.f32 v8, v6  }
0x1c9: {  	v10 =	vnsel vm13, $0x0, v60  }
0x1ca: {  	vm14 =	vgt.u32 v61, v5;
	v6 =	vadd.f32 v10, v6  }
0x1cb: {  	v7 =	vnsel vm14, $0x0, v7  }
0x1cc: {  	vm15 =	vgt.u32 v62, v5;
	v5 =	vadd.f32 v7, v6  }
0x1cd: {  	v6 =	vnsel vm15, $0x0, v63  }
0x1ce: {  	v5 =	vadd.f32 v6, v5;
	_ =	sdelay $0x1  }
0x1cf: {  	v6 =	vcvt.s32.f32 v5;
	_ =	sdelay $0x1  }
0x1d0: {  	v6 =	vadd.f32 $-1.064866820e+09, v6;
	_ =	sdelay $0x1  }
0x1d1: {  	v6 =	vmul.f32 $8.262958320e-08, v6;
	_ =	sdelay $0x1  }
0x1d2: {  	v7 =	vsub.f32 $0.0e+00, v6;
	_ =	sdelay $0x1  }
0x1d3: {  	v7 =	vmul.f32 $1.442695020e+00, v7;
	_ =	sdelay $0x1  }
0x1d4: {  	(erf) = vpow2.f32 v7;
	_ =	sdelay $0x8  }
0x1d5: {  	v7 =	vpop (erf)  }
0x1d6: {  	v7 =	vmul.f32 v7, v5;
	_ =	sdelay $0x1  }
0x1d7: {  	v6 =	vadd.f32 v7, v6;
	_ =	sdelay $0x1  }
0x1d8: {  	v6 =	vadd.f32 $-1.000000000e+00, v6;
	_ =	sdelay $0x1  }
0x1d9: {  	v7 =	vsub.f32 $0.0e+00, v6;
	_ =	sdelay $0x1  }
0x1da: {  	v7 =	vmul.f32 $1.442695020e+00, v7;
	_ =	sdelay $0x1  }
0x1db: {  	(erf) = vpow2.f32 v7;
	_ =	sdelay $0x8  }
0x1dc: {  	v7 =	vpop (erf)  }
0x1dd: {  	v7 =	vmul.f32 v7, v5;
	_ =	sdelay $0x1  }
0x1de: {  	v6 =	vadd.f32 v7, v6;
	_ =	sdelay $0x1  }
0x1df: {  	v6 =	vadd.f32 $-1.000000000e+00, v6;
	_ =	sdelay $0x1  }
0x1e0: {  	v7 =	vsub.f32 $0.0e+00, v6;
	_ =	sdelay $0x1  }
0x1e1: {  	v7 =	vmul.f32 $1.442695020e+00, v7;
	_ =	sdelay $0x1  }
0x1e2: {  	(erf) = vpow2.f32 v7;
	_ =	sdelay $0x8  }
0x1e3: {  	v7 =	vpop (erf)  }
0x1e4: {  	v5 =	vmul.f32 v7, v5  }
0x1e5: {  	p0 =	sne.s32 s11, $0x18E00  }
.Ltmp2:
0x1e6: {  	v5 =	vadd.f32 v5, v6;
	(pc) =	sbr.rel @p0 .LBB2_6-.Ltmp2, $3  }
0x1e7: {  	_ = 	snop  }
0x1e8: {  	v5 =	vadd.f32 $-1.000000000e+00, v5;
	_ =	sdelay $0x1  }
0x1e9: {  	s11 =	sadd.s32 $0x200, s11;
	v4 =	vadd.f32 v5, v4  }
0x1ea: {  	v3 =	vsub.f32 $0.0e+00, v3;
	_ =	sdelay $0x1  }
0x1eb: {  	v2 =	vmul.f32 $2.000000000e+02, v2;
	v3 =	vadd.f32 v4, v3;
	_ =	sdelay $0x1  }
0x1ec: {  	s10 =	sadd.s32 $0x1, s10;
	v2 =	vadd.f32 v3, v2  }
0x1ed: {  	p0 =	sne.s32 s10, s6  }
.Ltmp3:
0x1ee: {  	[tilespmem:$0x19000] =	vst v2;
	(pc) =	sbr.rel @p0 .LBB2_1-.Ltmp3, $4  }
0x1ef: {  	[hbm4b:s5+s2] =	stream.linear.scatter [tilespmem:s9], [sflag:$0x1], $0x80, $0x38;
	[tilespmem:$0x19080] =	vst v63  }
0x1f0: {  	_ =	swait.ge [sflag:s7], $0x80  }
0x1f1: {  	[sflag:s7] =	ssyncset.done $0x0  }
0x1f2: {  	[sflag:s7] =	ssyncadd.s32 $0xFFFFFF80  }
0x1f3: {  	_ =	sfence.sel $0x180000  }
0x1f4: {  	[bflag:$0x0] =	sbarrier.arrive $0xFFFF  }
0x1f5: {  	p0 =	sne.s32 s1, $0x0;
	_ =	strace $0x90000047  }
0x1f6: {  	s0 =	sadd.s32 @!p0 $0x100000, s0;
	[bflag:$0x2] =	sbarrier.arrive $0xFFFF  }
0x1f7: {  	[sflag:s0] =	ssyncadd.tile.s32 @!p0 $0x1;
	_ =	shalt  }
.Lfunc_end2:
_tile_overlayer_lowered:
.L_overlay_start_2:
0x1f8: {  	(tag) =	ssettag $0x2  }
0x1f9: {  	s0 =	rddreg [dreg:$0x0];
	s2 =	stileid.u32  }
0x1fa: {  	s1 =	rddreg [dreg:$0x1];
	p0 =	sne.s32 s2, $0x0  }
0x1fb: {  	s3 =	rddreg [dreg:$0x2];
	[bflag:$0x3] =	sbarrier.arrive $0xFFFF;
	s2 =	simm.s32 @!p0 $0x1C01  }
0x1fc: {  	[timem:s3], [sflag:s2] =	dma.local @!p0 [hbm:s0], s1  }
0x1fd: {  	s0 =	simm.s32 @!p0 $0x1  }
0x1fe: {  	_ =	swait.ge @!p0 [sflag:s0], s1  }
0x1ff: {  	s1 =	ssub.s32 @!p0 $0x0, s1;
	[sflag:s0] =	ssyncset.done @!p0 $0x0  }
0x200: {  	[sflag:s0] =	ssyncadd.s32 @!p0 s1  }
0x201: {  	[bflag:$0x3] =	sbarrier.arrive $0xFFFF  }
0x202: {  	_ =	shalt  }

</sc_bundles>
